<compile_context>
chip_gen: v7x
topology: tpu7x:2x2x1
jax: 0.10.2.dev20260603
libtpu: 0.0.44.dev20260713+nightly
codegen_flags: <defaults>
</compile_context>

<pallas_src>
import functools

import numpy as np
import jax
import jax.numpy as jnp
from jax import lax
from jax.experimental import pallas as pl
from jax.experimental.pallas import tpu as pltpu
from jax.experimental.pallas import tpu_sc as plsc

_N = 10000
_NPAD = 10240
_E = 320000
_NW = 32
_CH = 128
_NCHUNK = 80
_EP = _NW * _NCHUNK * _CH
_D = 64
_DW = 32
_RPT = _NPAD // 16
_BN = 512
_GRID = _NPAD // _BN
_HEADS, _NB, _HD = 8, 4, 16
_NBUF = 2



@functools.lru_cache(maxsize=None)
def _sc_deg():
    mesh = plsc.VectorSubcoreMesh(core_axis_name="c", subcore_axis_name="s")

    @functools.partial(
        pl.kernel, mesh=mesh,
        compiler_params=pltpu.CompilerParams(use_tc_tiling_on_sc=False),
        out_type=jax.ShapeDtypeStruct((2 * _NPAD, 16), jnp.float32),
        scratch_types=[
            pltpu.VMEM((_NCHUNK, _CH), jnp.int32),
            pltpu.VMEM((_NCHUNK, _CH), jnp.int32),
            pltpu.VMEM((_CH, 16), jnp.float32),
            pltpu.VMEM_SHARED((_NPAD, 16), jnp.float32),
        ],
    )
    def deg_kernel(pk, ones, z16, out, pv, colv, onesv, acc):
        c = lax.axis_index("c")
        s = lax.axis_index("s")
        wid = s * 2 + c
        pltpu.sync_copy(pk.at[wid], pv)
        pltpu.sync_copy(ones, onesv)
        pltpu.sync_copy(z16, acc.at[pl.ds(s * _RPT, _RPT)])

        def unp(j, carry):
            for k in range(_CH // 16):
                v = pv[j, pl.ds(k * 16, 16)]
                colv[j, pl.ds(k * 16, 16)] = lax.shift_right_logical(v, 14)
            return carry

        lax.fori_loop(0, _NCHUNK, unp, 0)
        plsc.subcore_barrier()

        def body(j, carry):
            pltpu.sync_copy(onesv, acc.at[colv.at[j]], add=True)
            return carry

        lax.fori_loop(0, _NCHUNK, body, 0)
        plsc.subcore_barrier()
        pltpu.sync_copy(acc.at[pl.ds(s * _RPT, _RPT)],
                        out.at[pl.ds(c * _NPAD + s * _RPT, _RPT)])

    return deg_kernel


@functools.lru_cache(maxsize=None)
def _sc_gather_scatter():
    mesh = plsc.VectorSubcoreMesh(core_axis_name="c", subcore_axis_name="s")

    @functools.partial(
        pl.kernel, mesh=mesh,
        compiler_params=pltpu.CompilerParams(use_tc_tiling_on_sc=False),
        out_type=jax.ShapeDtypeStruct((2 * _NPAD, _D), jnp.float32),
        scratch_types=[
            pltpu.VMEM((_NCHUNK, _CH), jnp.int32),
            pltpu.VMEM((_NCHUNK, _CH), jnp.int32),
            [pltpu.VMEM((_CH, _D), jnp.float32) for _ in range(_NBUF)],
            pltpu.VMEM_SHARED((_NPAD, _D), jnp.float32),
            pltpu.VMEM_SHARED((_NPAD, _D), jnp.float32),
            [pltpu.SemaphoreType.DMA for _ in range(_NBUF)],
            [pltpu.SemaphoreType.DMA for _ in range(_NBUF)],
        ],
    )
    def gs_kernel(table, pk, z64, out,
                  rowv, colv, bufs, acc, tsp, gsems, ssems):
        c = lax.axis_index("c")
        s = lax.axis_index("s")
        wid = s * 2 + c
        pltpu.sync_copy(pk.at[wid], rowv)
        @pl.when(c == 0)
        def _():
            pltpu.sync_copy(table.at[pl.ds(s * _RPT, _RPT)],
                            acc.at[pl.ds(s * _RPT, _RPT)])

        @pl.when(c != 0)
        def _():
            pltpu.sync_copy(z64, acc.at[pl.ds(s * _RPT, _RPT)])
        pltpu.sync_copy(table.at[pl.ds(s * _RPT, _RPT)],
                        tsp.at[pl.ds(s * _RPT, _RPT)])

        def unp(j, carry):
            for k in range(_CH // 16):
                v = rowv[j, pl.ds(k * 16, 16)]
                colv[j, pl.ds(k * 16, 16)] = lax.shift_right_logical(v, 14)
                rowv[j, pl.ds(k * 16, 16)] = v & 16383
            return carry

        lax.fori_loop(0, _NCHUNK, unp, 0)
        plsc.subcore_barrier()

        for b in range(_NBUF):
            pltpu.async_copy(tsp.at[rowv.at[b]], bufs[b], gsems[b])

        def body(jj, carry):
            j = _NBUF * jj
            for b in range(_NBUF):
                pltpu.make_async_copy(
                    tsp.at[rowv.at[j + b]], bufs[b], gsems[b]).wait()
                pltpu.async_copy(bufs[b], acc.at[colv.at[j + b]], ssems[b],
                                 add=True)
            @pl.when(jj < _NCHUNK // _NBUF - 1)
            def _():
                for b in range(_NBUF):
                    pltpu.make_async_copy(
                        bufs[b], acc.at[colv.at[j + b]], ssems[b]).wait()
                    pltpu.async_copy(
                        tsp.at[rowv.at[j + _NBUF + b]], bufs[b], gsems[b])
            return carry

        lax.fori_loop(0, _NCHUNK // _NBUF, body, 0)
        j_last = _NCHUNK - _NBUF
        for b in range(_NBUF):
            pltpu.make_async_copy(
                bufs[b], acc.at[colv.at[j_last + b]], ssems[b]).wait()
        plsc.subcore_barrier()
        pltpu.sync_copy(acc.at[pl.ds(s * _RPT, _RPT)],
                        out.at[pl.ds(c * _NPAD + s * _RPT, _RPT)])

    return gs_kernel



def _expm1(v):
    u = jnp.exp(v)
    return jnp.where(u == 1.0, v,
                     jnp.where(u > 0.0, (u - 1.0) * v / jnp.log(u), -1.0))


def _elu1(v):
    return jnp.where(v > 0, v, _expm1(v))


def _combine(w, agg, bias):
    r8 = lax.broadcasted_iota(jnp.int32, (_HEADS, 128), 0)
    c8 = lax.broadcasted_iota(jnp.int32, (_HEADS, 128), 1)
    e8 = (c8 // _HD == r8).astype(jnp.float32)
    r16 = lax.broadcasted_iota(jnp.int32, (_HD, 128), 0)
    c16 = lax.broadcasted_iota(jnp.int32, (_HD, 128), 1)
    e16 = (c16 % _HD == r16).astype(jnp.float32)
    out = bias
    for b in range(_NB):
        rep = jnp.dot(w[:, b * _HEADS:(b + 1) * _HEADS], e8,
                      preferred_element_type=jnp.float32)
        til = jnp.dot(agg[:, b * _HD:(b + 1) * _HD], e16,
                      preferred_element_type=jnp.float32)
        out = out + rep * til
    return out


def _dinv_of(d0, d1):
    return lax.rsqrt(1.0 + d0[...][:, :1] + d1[...][:, :1])


def _tc_first_body(d0, d1, x, wb, wc, bc, ob, ow):
    dinv = _dinv_of(d0, d1)
    xb = x[...]
    ob[...] = dinv * jnp.dot(xb, wb[...], preferred_element_type=jnp.float32)
    ow[...] = jnp.dot(xb, wc[...], preferred_element_type=jnp.float32) + bc[...]


def _tc_mid_body(s0, s1, w, d0, d1, bias, wb_n, wc_n, bc_n, ob, ow):
    dinv = _dinv_of(d0, d1)
    agg = dinv * (s0[...] + s1[...])
    h = _elu1(_combine(w[...], agg, bias[...]))
    ob[...] = dinv * jnp.dot(h, wb_n[...], preferred_element_type=jnp.float32)
    ow[...] = jnp.dot(h, wc_n[...], preferred_element_type=jnp.float32) + bc_n[...]


def _tc_last_body(s0, s1, w, d0, d1, bias, o):
    dinv = _dinv_of(d0, d1)
    agg = dinv * (s0[...] + s1[...])
    v = _combine(w[...], agg, bias[...])
    o[...] = jnp.where(v > 0, v, 128.0 * _expm1(v))


def _bn(width):
    return pl.BlockSpec((_BN, width), lambda i: (i, 0))


def _bn_hi(width):
    return pl.BlockSpec((_BN, width), lambda i: (i + _GRID, 0))


def _full(rows, cols):
    return pl.BlockSpec((rows, cols), lambda i: (0, 0))


def _tc_first(degp, xp, wb, wc, bc):
    return pl.pallas_call(
        _tc_first_body,
        grid=(_GRID,),
        in_specs=[_bn(16), _bn_hi(16), _bn(128),
                  _full(128, _D), _full(128, _DW), _full(1, _DW)],
        out_specs=[_bn(_D), _bn(_DW)],
        out_shape=[jax.ShapeDtypeStruct((_NPAD, _D), jnp.float32),
                   jax.ShapeDtypeStruct((_NPAD, _DW), jnp.float32)],
    )(degp, degp, xp, wb, wc, bc)


def _tc_mid(s, w, degp, bias, wb_n, wc_n, bc_n):
    return pl.pallas_call(
        _tc_mid_body,
        grid=(_GRID,),
        in_specs=[_bn(_D), _bn_hi(_D), _bn(_DW), _bn(16), _bn_hi(16),
                  _full(1, 128), _full(128, _D), _full(128, _DW), _full(1, _DW)],
        out_specs=[_bn(_D), _bn(_DW)],
        out_shape=[jax.ShapeDtypeStruct((_NPAD, _D), jnp.float32),
                   jax.ShapeDtypeStruct((_NPAD, _DW), jnp.float32)],
    )(s, s, w, degp, degp, bias, wb_n, wc_n, bc_n)


def _tc_last(s, w, degp, bias):
    return pl.pallas_call(
        _tc_last_body,
        grid=(_GRID,),
        in_specs=[_bn(_D), _bn_hi(_D), _bn(_DW), _bn(16), _bn_hi(16),
                  _full(1, 128)],
        out_specs=_bn(128),
        out_shape=jax.ShapeDtypeStruct((_NPAD, 128), jnp.float32),
    )(s, s, w, degp, degp, bias)



_PERM = np.array([(j % _HEADS) * _NB + j // _HEADS for j in range(_DW)])


def kernel(x, edge_index, edge_attr,
           Wb1, Wc1, bc1, b1, Wb2, Wc2, bc2, b2,
           Wb3, Wc3, bc3, b3, Wb4, Wc4, bc4, b4):
    f32 = jnp.float32
    xp = jnp.pad(x, ((0, _NPAD - _N), (0, 0)))
    pad = _EP - _E
    pk = jnp.concatenate(
        [edge_index[0] | (edge_index[1] << 14),
         jnp.full((pad,), _N << 14, jnp.int32)]).reshape(_NW, _NCHUNK, _CH)
    ones16 = jnp.ones((_CH, 16), f32)
    z16 = jnp.zeros((_RPT, 16), f32)
    z64 = jnp.zeros((_RPT, _D), f32)

    wbs = [Wb1, Wb2, Wb3, Wb4]
    wcs = [Wc1[:, _PERM], Wc2[:, _PERM], Wc3[:, _PERM], Wc4[:, _PERM]]
    bcs = [bc1[_PERM].reshape(1, _DW), bc2[_PERM].reshape(1, _DW),
           bc3[_PERM].reshape(1, _DW), bc4[_PERM].reshape(1, _DW)]
    bs = [b1.reshape(1, 128), b2.reshape(1, 128),
          b3.reshape(1, 128), b4.reshape(1, 128)]

    degp = _sc_deg()(pk, ones16, z16)

    gs = _sc_gather_scatter()
    bd, w = _tc_first(degp, xp, wbs[0], wcs[0], bcs[0])
    for l in range(3):
        s = gs(bd, pk, z64)
        bd, w = _tc_mid(s, w, degp,
                        bs[l], wbs[l + 1], wcs[l + 1], bcs[l + 1])
    s = gs(bd, pk, z64)
    out = _tc_last(s, w, degp, bs[3])
    return out[:_N]

# --- scband reference (transcript-rebuilt; emitter-appended) ---
"""Pipeline reference for scband-egmodel-22548578304043 (READ-ONLY COPY).

The authoritative reference and input builder live on the scoring server;
editing this copy changes nothing except your own understanding.
"""

import jax, jax.numpy as jnp
import numpy as np

N = 10000
E = 320000
IN_CH, HID, OUT = 128, 128, 128
HEADS, NBASES = 8, 4


def _layer_params(key, fin, fout):
    k1, k2 = jax.random.split(key, 2)
    d = fout // HEADS
    Wb = jax.random.normal(k1, (fin, NBASES * d), dtype=jnp.float32) / np.sqrt(fin)
    Wc = jax.random.normal(k2, (fin, HEADS * NBASES), dtype=jnp.float32) / np.sqrt(fin)
    bc = jnp.zeros((HEADS * NBASES,), dtype=jnp.float32)
    b = jnp.zeros((fout,), dtype=jnp.float32)
    return Wb, Wc, bc, b


def setup_inputs(seed: int = 0):
    key = jax.random.key(seed)
    ks = jax.random.split(key, 7)
    x = jax.random.normal(ks[0], (N, IN_CH), dtype=jnp.float32)
    edge_index = jax.random.randint(ks[1], (2, E), 0, N, dtype=jnp.int32)
    edge_attr = jax.random.normal(ks[2], (E, 4), dtype=jnp.float32)
    inp = {"x": x, "edge_index": edge_index, "edge_attr": edge_attr}
    dims = [(IN_CH, HID), (HID, HID), (HID, HID), (HID, OUT)]
    for i, (fin, fout) in enumerate(dims):
        Wb, Wc, bc, b = _layer_params(ks[3 + i], fin, fout)
        inp["Wb%d" % (i + 1)] = Wb
        inp["Wc%d" % (i + 1)] = Wc
        inp["bc%d" % (i + 1)] = bc
        inp["b%d" % (i + 1)] = b
    return inp


def _gcn_norm(edge_index, num_nodes):
    # symnorm aggregator of EGConv uses gcn_norm with self-loops added
    loop = jnp.arange(num_nodes, dtype=edge_index.dtype)
    row = jnp.concatenate([edge_index[0], loop])
    col = jnp.concatenate([edge_index[1], loop])
    ew = jnp.ones(row.shape[0], dtype=jnp.float32)
    deg = jnp.zeros((num_nodes,), dtype=jnp.float32).at[col].add(ew)
    dinv = jnp.where(deg > 0, 1.0 / jnp.sqrt(deg), 0.0)
    norm = dinv[row] * ew * dinv[col]
    return row, col, norm


def _egconv(x, row, col, norm, Wb, Wc, bc, bias, fout):
    n = x.shape[0]
    bases = x @ Wb                      # [N, NBASES * fout//HEADS]
    weightings = x @ Wc + bc            # [N, HEADS * NBASES]
    msg = norm[:, None] * jnp.take(bases, row, axis=0)   # gather over edges
    agg = jnp.zeros((n, bases.shape[1]), dtype=x.dtype).at[col].add(msg)  # scatter-add
    weightings = weightings.reshape(n, HEADS, NBASES)
    agg = agg.reshape(n, NBASES, fout // HEADS)
    out = jnp.einsum('nhb,nbd->nhd', weightings, agg).reshape(n, fout)
    return out + bias


def _elu(x, alpha=1.0):
    return jnp.where(x > 0, x, alpha * jnp.expm1(x))


def reference(x, edge_index, edge_attr, Wb1, Wc1, bc1, b1, Wb2, Wc2, bc2, b2, Wb3, Wc3, bc3, b3, Wb4, Wc4, bc4, b4):
    # edge_attr is unpacked by the original forward but never used
    row, col, norm = _gcn_norm(edge_index, x.shape[0])
    h = _elu(_egconv(x, row, col, norm, Wb1, Wc1, bc1, b1, HID))
    h = _elu(_egconv(h, row, col, norm, Wb2, Wc2, bc2, b2, HID))
    h = _elu(_egconv(h, row, col, norm, Wb3, Wc3, bc3, b3, HID))
    h = _egconv(h, row, col, norm, Wb4, Wc4, bc4, b4, OUT)
    # nn.ELU(out_channels) sets alpha = out_channels = 128 (faithful to source)
    return _elu(h, alpha=float(OUT))

if __name__ == "__main__":
    import jax
    _d = setup_inputs()
    print(jax.jit(kernel)(*tuple(_d.values())))

</pallas_src>

<mosaic_0001>
#map = affine_map<(d0, d1) -> (0, 0)>
#map1 = affine_map<(d0, d1) -> (0, 0, 0)>
module attributes {stable_mosaic.version = 14 : i64} {
  func.func @gs_kernel(%arg0: i32, %arg1: i32, %arg2: memref<10240x64xf32, #tpu.memory_space<hbm>>, %arg3: memref<32x80x128xi32, #tpu.memory_space<hbm>>, %arg4: memref<640x64xf32, #tpu.memory_space<hbm>>, %arg5: memref<20480x64xf32, #tpu.memory_space<hbm>>, %arg6: memref<80x128xi32, #tpu.memory_space<vmem>>, %arg7: memref<80x128xi32, #tpu.memory_space<vmem>>, %arg8: memref<128x64xf32, #tpu.memory_space<vmem>>, %arg9: memref<128x64xf32, #tpu.memory_space<vmem>>, %arg10: memref<10240x64xf32, #tpu.memory_space<vmem_shared>>, %arg11: memref<10240x64xf32, #tpu.memory_space<vmem_shared>>, %arg12: memref<!tpu.dma_semaphore, #tpu.memory_space<semaphore_mem>>, %arg13: memref<!tpu.dma_semaphore, #tpu.memory_space<semaphore_mem>>, %arg14: memref<!tpu.dma_semaphore, #tpu.memory_space<semaphore_mem>>, %arg15: memref<!tpu.dma_semaphore, #tpu.memory_space<semaphore_mem>>) attributes {dimension_semantics = [#tpu.dimension_semantics<core_parallel>, #tpu.dimension_semantics<subcore_parallel>], iteration_bounds = array<i64: 2, 16>, scalar_prefetch = 0 : i64, scratch_operands = 10 : i64, tpu.core_type = #tpu.core_type<sc_vector_subcore>, window_params = [{transform_indices = #map}, {transform_indices = #map1}, {transform_indices = #map}, {transform_indices = #map}]} {
    %mul3A = arith.constant 2 : i32
    %mul3A_0 = arith.muli %arg1, %mul3A : i32
    %add3A = arith.addi %mul3A_0, %arg0 : i32
    "tpu.region"() ({
      %run_scoped3A = tpu.sem_alloc : memref<!tpu.dma_semaphore, #tpu.memory_space<semaphore_mem>>
      %dma_start3A_56 = arith.constant 0 : i32
      %dma_start3A_57 = arith.constant 0 : i32
      %dma_start3A_58 = tpu.memref_slice %arg3[%add3A, %dma_start3A_56, %dma_start3A_57] : memref<32x80x128xi32, #tpu.memory_space<hbm>> -> memref<1x80x128xi32, #tpu.memory_space<hbm>>
      %dma_start3A_59 = tpu.memref_squeeze %dma_start3A_58 : memref<1x80x128xi32, #tpu.memory_space<hbm>> -> memref<80x128xi32, #tpu.memory_space<hbm>>
      %dma_start3A_60 = arith.constant 0 : i32
      %dma_start3A_61 = arith.constant 0 : i32
      %dma_start3A_62 = tpu.memref_slice %arg3[%add3A, %dma_start3A_60, %dma_start3A_61] : memref<32x80x128xi32, #tpu.memory_space<hbm>> -> memref<1x80x128xi32, #tpu.memory_space<hbm>>
      %dma_start3A_63 = tpu.memref_squeeze %dma_start3A_62 : memref<1x80x128xi32, #tpu.memory_space<hbm>> -> memref<80x128xi32, #tpu.memory_space<hbm>>
      tpu.enqueue_dma source(%dma_start3A_63 : memref<80x128xi32, #tpu.memory_space<hbm>>) target(%arg6 : memref<80x128xi32, #tpu.memory_space<vmem>>) target_semaphore(%run_scoped3A : memref<!tpu.dma_semaphore, #tpu.memory_space<semaphore_mem>>)
      %dma_wait3A_64 = arith.constant 0 : i32
      %dma_wait3A_65 = arith.constant 0 : i32
      %dma_wait3A_66 = tpu.memref_slice %arg3[%add3A, %dma_wait3A_64, %dma_wait3A_65] : memref<32x80x128xi32, #tpu.memory_space<hbm>> -> memref<1x80x128xi32, #tpu.memory_space<hbm>>
      %dma_wait3A_67 = tpu.memref_squeeze %dma_wait3A_66 : memref<1x80x128xi32, #tpu.memory_space<hbm>> -> memref<80x128xi32, #tpu.memory_space<hbm>>
      %dma_wait3A_68 = arith.constant 0 : i32
      %dma_wait3A_69 = arith.constant 0 : i32
      %dma_wait3A_70 = tpu.memref_slice %arg3[%add3A, %dma_wait3A_68, %dma_wait3A_69] : memref<32x80x128xi32, #tpu.memory_space<hbm>> -> memref<1x80x128xi32, #tpu.memory_space<hbm>>
      %dma_wait3A_71 = tpu.memref_squeeze %dma_wait3A_70 : memref<1x80x128xi32, #tpu.memory_space<hbm>> -> memref<80x128xi32, #tpu.memory_space<hbm>>
      tpu.wait_dma2 semaphore(%run_scoped3A : memref<!tpu.dma_semaphore, #tpu.memory_space<semaphore_mem>>) src(%dma_wait3A_71 : memref<80x128xi32, #tpu.memory_space<hbm>>) dst(%arg6 : memref<80x128xi32, #tpu.memory_space<vmem>>)
      tpu.yield
    }) : () -> ()
    %eq3A = arith.constant 0 : i32
    %eq3A_1 = arith.cmpi eq, %arg0, %eq3A : i32
    %convert_element_type3A = arith.extui %eq3A_1 : i1 to i32
    %cond3A = arith.constant 0 : i32
    %cond3A_2 = arith.cmpi ne, %convert_element_type3A, %cond3A : i32
    scf.if %cond3A_2 {
      %mul3A_56 = arith.constant 640 : i32
      %mul3A_57 = arith.muli %arg1, %mul3A_56 : i32
      %mul3A_58 = arith.constant 640 : i32
      %mul3A_59 = arith.muli %arg1, %mul3A_58 : i32
      "tpu.region"() ({
        %run_scoped3A = tpu.sem_alloc : memref<!tpu.dma_semaphore, #tpu.memory_space<semaphore_mem>>
        %dma_start3A_60 = arith.constant 0 : i32
        %dma_start3A_61 = tpu.memref_slice %arg10[%mul3A_59, %dma_start3A_60] : memref<10240x64xf32, #tpu.memory_space<vmem_shared>> -> memref<640x64xf32, #tpu.memory_space<vmem_shared>>
        %dma_start3A_62 = arith.constant 0 : i32
        %dma_start3A_63 = tpu.memref_slice %arg2[%mul3A_57, %dma_start3A_62] : memref<10240x64xf32, #tpu.memory_space<hbm>> -> memref<640x64xf32, #tpu.memory_space<hbm>>
        tpu.enqueue_dma source(%dma_start3A_63 : memref<640x64xf32, #tpu.memory_space<hbm>>) target(%dma_start3A_61 : memref<640x64xf32, #tpu.memory_space<vmem_shared>>) target_semaphore(%run_scoped3A : memref<!tpu.dma_semaphore, #tpu.memory_space<semaphore_mem>>)
        %dma_wait3A_64 = arith.constant 0 : i32
        %dma_wait3A_65 = tpu.memref_slice %arg10[%mul3A_59, %dma_wait3A_64] : memref<10240x64xf32, #tpu.memory_space<vmem_shared>> -> memref<640x64xf32, #tpu.memory_space<vmem_shared>>
        %dma_wait3A_66 = arith.constant 0 : i32
        %dma_wait3A_67 = tpu.memref_slice %arg2[%mul3A_57, %dma_wait3A_66] : memref<10240x64xf32, #tpu.memory_space<hbm>> -> memref<640x64xf32, #tpu.memory_space<hbm>>
        tpu.wait_dma2 semaphore(%run_scoped3A : memref<!tpu.dma_semaphore, #tpu.memory_space<semaphore_mem>>) src(%dma_wait3A_67 : memref<640x64xf32, #tpu.memory_space<hbm>>) dst(%dma_wait3A_65 : memref<640x64xf32, #tpu.memory_space<vmem_shared>>)
        tpu.yield
      }) : () -> ()
    } else {
    }
    %ne3A = arith.constant 0 : i32
    %ne3A_3 = arith.cmpi ne, %arg0, %ne3A : i32
    %convert_element_type3A_4 = arith.extui %ne3A_3 : i1 to i32
    %cond3A_5 = arith.constant 0 : i32
    %cond3A_6 = arith.cmpi ne, %convert_element_type3A_4, %cond3A_5 : i32
    scf.if %cond3A_6 {
      %mul3A_56 = arith.constant 640 : i32
      %mul3A_57 = arith.muli %arg1, %mul3A_56 : i32
      "tpu.region"() ({
        %run_scoped3A = tpu.sem_alloc : memref<!tpu.dma_semaphore, #tpu.memory_space<semaphore_mem>>
        %dma_start3A_58 = arith.constant 0 : i32
        %dma_start3A_59 = tpu.memref_slice %arg10[%mul3A_57, %dma_start3A_58] : memref<10240x64xf32, #tpu.memory_space<vmem_shared>> -> memref<640x64xf32, #tpu.memory_space<vmem_shared>>
        tpu.enqueue_dma source(%arg4 : memref<640x64xf32, #tpu.memory_space<hbm>>) target(%dma_start3A_59 : memref<640x64xf32, #tpu.memory_space<vmem_shared>>) target_semaphore(%run_scoped3A : memref<!tpu.dma_semaphore, #tpu.memory_space<semaphore_mem>>)
        %dma_wait3A_60 = arith.constant 0 : i32
        %dma_wait3A_61 = tpu.memref_slice %arg10[%mul3A_57, %dma_wait3A_60] : memref<10240x64xf32, #tpu.memory_space<vmem_shared>> -> memref<640x64xf32, #tpu.memory_space<vmem_shared>>
        tpu.wait_dma2 semaphore(%run_scoped3A : memref<!tpu.dma_semaphore, #tpu.memory_space<semaphore_mem>>) src(%arg4 : memref<640x64xf32, #tpu.memory_space<hbm>>) dst(%dma_wait3A_61 : memref<640x64xf32, #tpu.memory_space<vmem_shared>>)
        tpu.yield
      }) : () -> ()
    } else {
    }
    %mul3A_7 = arith.constant 640 : i32
    %mul3A_8 = arith.muli %arg1, %mul3A_7 : i32
    %mul3A_9 = arith.constant 640 : i32
    %mul3A_10 = arith.muli %arg1, %mul3A_9 : i32
    "tpu.region"() ({
      %run_scoped3A = tpu.sem_alloc : memref<!tpu.dma_semaphore, #tpu.memory_space<semaphore_mem>>
      %dma_start3A_56 = arith.constant 0 : i32
      %dma_start3A_57 = tpu.memref_slice %arg11[%mul3A_10, %dma_start3A_56] : memref<10240x64xf32, #tpu.memory_space<vmem_shared>> -> memref<640x64xf32, #tpu.memory_space<vmem_shared>>
      %dma_start3A_58 = arith.constant 0 : i32
      %dma_start3A_59 = tpu.memref_slice %arg2[%mul3A_8, %dma_start3A_58] : memref<10240x64xf32, #tpu.memory_space<hbm>> -> memref<640x64xf32, #tpu.memory_space<hbm>>
      tpu.enqueue_dma source(%dma_start3A_59 : memref<640x64xf32, #tpu.memory_space<hbm>>) target(%dma_start3A_57 : memref<640x64xf32, #tpu.memory_space<vmem_shared>>) target_semaphore(%run_scoped3A : memref<!tpu.dma_semaphore, #tpu.memory_space<semaphore_mem>>)
      %dma_wait3A_60 = arith.constant 0 : i32
      %dma_wait3A_61 = tpu.memref_slice %arg11[%mul3A_10, %dma_wait3A_60] : memref<10240x64xf32, #tpu.memory_space<vmem_shared>> -> memref<640x64xf32, #tpu.memory_space<vmem_shared>>
      %dma_wait3A_62 = arith.constant 0 : i32
      %dma_wait3A_63 = tpu.memref_slice %arg2[%mul3A_8, %dma_wait3A_62] : memref<10240x64xf32, #tpu.memory_space<hbm>> -> memref<640x64xf32, #tpu.memory_space<hbm>>
      tpu.wait_dma2 semaphore(%run_scoped3A : memref<!tpu.dma_semaphore, #tpu.memory_space<semaphore_mem>>) src(%dma_wait3A_63 : memref<640x64xf32, #tpu.memory_space<hbm>>) dst(%dma_wait3A_61 : memref<640x64xf32, #tpu.memory_space<vmem_shared>>)
      tpu.yield
    }) : () -> ()
    %scan3A = arith.constant 0 : i32
    %scan3A_11 = arith.constant 0 : i32
    %scan3A_12 = arith.constant 80 : i32
    %scan3A_13 = arith.addi %scan3A_11, %scan3A_12 : i32
    %scan3A_14 = arith.constant 1 : i32
    scf.for %scan3A_56 = %scan3A_11 to %scan3A_13 step %scan3A_14  : i32 {
      %get3A = arith.index_cast %scan3A_56 : i32 to index
      %get3A_57 = arith.constant 0 : index
      %get3A_58 = tpu.vector_load %arg6[%get3A, %get3A_57] {strides = array<i32>} : memref<80x128xi32, #tpu.memory_space<vmem>>, vector<1x16xi32>,
      %get3A_59 = vector.shape_cast %get3A_58 : vector<1x16xi32> to vector<16xi32>
      %shift_right_logical3A = arith.constant 14 : i32
      %shift_right_logical3A_60 = vector.broadcast %shift_right_logical3A : i32 to vector<16xi32>
      %shift_right_logical3A_61 = arith.shrui %get3A_59, %shift_right_logical3A_60 : vector<16xi32>
      %swap3A = arith.index_cast %scan3A_56 : i32 to index
      %swap3A_62 = arith.constant 0 : index
      %swap3A_63 = tpu.vector_load %arg7[%swap3A, %swap3A_62] {strides = array<i32>} : memref<80x128xi32, #tpu.memory_space<vmem>>, vector<1x16xi32>,
      %swap3A_64 = vector.shape_cast %swap3A_63 : vector<1x16xi32> to vector<16xi32>
      %swap3A_65 = vector.shape_cast %shift_right_logical3A_61 : vector<16xi32> to vector<1x16xi32>
      tpu.vector_store %arg7[%swap3A, %swap3A_62], %swap3A_65 {strides = array<i32>} : memref<80x128xi32, #tpu.memory_space<vmem>>, vector<1x16xi32>,
      %and3A = arith.constant 16383 : i32
      %and3A_66 = vector.broadcast %and3A : i32 to vector<16xi32>
      %and3A_67 = arith.andi %get3A_59, %and3A_66 : vector<16xi32>
      %swap3A_68 = arith.index_cast %scan3A_56 : i32 to index
      %swap3A_69 = arith.constant 0 : index
      %swap3A_70 = tpu.vector_load %arg6[%swap3A_68, %swap3A_69] {strides = array<i32>} : memref<80x128xi32, #tpu.memory_space<vmem>>, vector<1x16xi32>,
      %swap3A_71 = vector.shape_cast %swap3A_70 : vector<1x16xi32> to vector<16xi32>
      %swap3A_72 = vector.shape_cast %and3A_67 : vector<16xi32> to vector<1x16xi32>
      tpu.vector_store %arg6[%swap3A_68, %swap3A_69], %swap3A_72 {strides = array<i32>} : memref<80x128xi32, #tpu.memory_space<vmem>>, vector<1x16xi32>,
      %get3A_73 = arith.index_cast %scan3A_56 : i32 to index
      %get3A_74 = arith.constant 16 : index
      %get3A_75 = tpu.vector_load %arg6[%get3A_73, %get3A_74] {strides = array<i32>} : memref<80x128xi32, #tpu.memory_space<vmem>>, vector<1x16xi32>,
      %get3A_76 = vector.shape_cast %get3A_75 : vector<1x16xi32> to vector<16xi32>
      %shift_right_logical3A_77 = arith.constant 14 : i32
      %shift_right_logical3A_78 = vector.broadcast %shift_right_logical3A_77 : i32 to vector<16xi32>
      %shift_right_logical3A_79 = arith.shrui %get3A_76, %shift_right_logical3A_78 : vector<16xi32>
      %swap3A_80 = arith.index_cast %scan3A_56 : i32 to index
      %swap3A_81 = arith.constant 16 : index
      %swap3A_82 = tpu.vector_load %arg7[%swap3A_80, %swap3A_81] {strides = array<i32>} : memref<80x128xi32, #tpu.memory_space<vmem>>, vector<1x16xi32>,
      %swap3A_83 = vector.shape_cast %swap3A_82 : vector<1x16xi32> to vector<16xi32>
      %swap3A_84 = vector.shape_cast %shift_right_logical3A_79 : vector<16xi32> to vector<1x16xi32>
      tpu.vector_store %arg7[%swap3A_80, %swap3A_81], %swap3A_84 {strides = array<i32>} : memref<80x128xi32, #tpu.memory_space<vmem>>, vector<1x16xi32>,
      %and3A_85 = arith.constant 16383 : i32
      %and3A_86 = vector.broadcast %and3A_85 : i32 to vector<16xi32>
      %and3A_87 = arith.andi %get3A_76, %and3A_86 : vector<16xi32>
      %swap3A_88 = arith.index_cast %scan3A_56 : i32 to index
      %swap3A_89 = arith.constant 16 : index
      %swap3A_90 = tpu.vector_load %arg6[%swap3A_88, %swap3A_89] {strides = array<i32>} : memref<80x128xi32, #tpu.memory_space<vmem>>, vector<1x16xi32>,
      %swap3A_91 = vector.shape_cast %swap3A_90 : vector<1x16xi32> to vector<16xi32>
      %swap3A_92 = vector.shape_cast %and3A_87 : vector<16xi32> to vector<1x16xi32>
      tpu.vector_store %arg6[%swap3A_88, %swap3A_89], %swap3A_92 {strides = array<i32>} : memref<80x128xi32, #tpu.memory_space<vmem>>, vector<1x16xi32>,
      %get3A_93 = arith.index_cast %scan3A_56 : i32 to index
      %get3A_94 = arith.constant 32 : index
      %get3A_95 = tpu.vector_load %arg6[%get3A_93, %get3A_94] {strides = array<i32>} : memref<80x128xi32, #tpu.memory_space<vmem>>, vector<1x16xi32>,
      %get3A_96 = vector.shape_cast %get3A_95 : vector<1x16xi32> to vector<16xi32>
      %shift_right_logical3A_97 = arith.constant 14 : i32
      %shift_right_logical3A_98 = vector.broadcast %shift_right_logical3A_97 : i32 to vector<16xi32>
      %shift_right_logical3A_99 = arith.shrui %get3A_96, %shift_right_logical3A_98 : vector<16xi32>
      %swap3A_100 = arith.index_cast %scan3A_56 : i32 to index
      %swap3A_101 = arith.constant 32 : index
      %swap3A_102 = tpu.vector_load %arg7[%swap3A_100, %swap3A_101] {strides = array<i32>} : memref<80x128xi32, #tpu.memory_space<vmem>>, vector<1x16xi32>,
      %swap3A_103 = vector.shape_cast %swap3A_102 : vector<1x16xi32> to vector<16xi32>
      %swap3A_104 = vector.shape_cast %shift_right_logical3A_99 : vector<16xi32> to vector<1x16xi32>
      tpu.vector_store %arg7[%swap3A_100, %swap3A_101], %swap3A_104 {strides = array<i32>} : memref<80x128xi32, #tpu.memory_space<vmem>>, vector<1x16xi32>,
      %and3A_105 = arith.constant 16383 : i32
      %and3A_106 = vector.broadcast %and3A_105 : i32 to vector<16xi32>
      %and3A_107 = arith.andi %get3A_96, %and3A_106 : vector<16xi32>
      %swap3A_108 = arith.index_cast %scan3A_56 : i32 to index
      %swap3A_109 = arith.constant 32 : index
      %swap3A_110 = tpu.vector_load %arg6[%swap3A_108, %swap3A_109] {strides = array<i32>} : memref<80x128xi32, #tpu.memory_space<vmem>>, vector<1x16xi32>,
      %swap3A_111 = vector.shape_cast %swap3A_110 : vector<1x16xi32> to vector<16xi32>
      %swap3A_112 = vector.shape_cast %and3A_107 : vector<16xi32> to vector<1x16xi32>
      tpu.vector_store %arg6[%swap3A_108, %swap3A_109], %swap3A_112 {strides = array<i32>} : memref<80x128xi32, #tpu.memory_space<vmem>>, vector<1x16xi32>,
      %get3A_113 = arith.index_cast %scan3A_56 : i32 to index
      %get3A_114 = arith.constant 48 : index
      %get3A_115 = tpu.vector_load %arg6[%get3A_113, %get3A_114] {strides = array<i32>} : memref<80x128xi32, #tpu.memory_space<vmem>>, vector<1x16xi32>,
      %get3A_116 = vector.shape_cast %get3A_115 : vector<1x16xi32> to vector<16xi32>
      %shift_right_logical3A_117 = arith.constant 14 : i32
      %shift_right_logical3A_118 = vector.broadcast %shift_right_logical3A_117 : i32 to vector<16xi32>
      %shift_right_logical3A_119 = arith.shrui %get3A_116, %shift_right_logical3A_118 : vector<16xi32>
      %swap3A_120 = arith.index_cast %scan3A_56 : i32 to index
      %swap3A_121 = arith.constant 48 : index
      %swap3A_122 = tpu.vector_load %arg7[%swap3A_120, %swap3A_121] {strides = array<i32>} : memref<80x128xi32, #tpu.memory_space<vmem>>, vector<1x16xi32>,
      %swap3A_123 = vector.shape_cast %swap3A_122 : vector<1x16xi32> to vector<16xi32>
      %swap3A_124 = vector.shape_cast %shift_right_logical3A_119 : vector<16xi32> to vector<1x16xi32>
      tpu.vector_store %arg7[%swap3A_120, %swap3A_121], %swap3A_124 {strides = array<i32>} : memref<80x128xi32, #tpu.memory_space<vmem>>, vector<1x16xi32>,
      %and3A_125 = arith.constant 16383 : i32
      %and3A_126 = vector.broadcast %and3A_125 : i32 to vector<16xi32>
      %and3A_127 = arith.andi %get3A_116, %and3A_126 : vector<16xi32>
      %swap3A_128 = arith.index_cast %scan3A_56 : i32 to index
      %swap3A_129 = arith.constant 48 : index
      %swap3A_130 = tpu.vector_load %arg6[%swap3A_128, %swap3A_129] {strides = array<i32>} : memref<80x128xi32, #tpu.memory_space<vmem>>, vector<1x16xi32>,
      %swap3A_131 = vector.shape_cast %swap3A_130 : vector<1x16xi32> to vector<16xi32>
      %swap3A_132 = vector.shape_cast %and3A_127 : vector<16xi32> to vector<1x16xi32>
      tpu.vector_store %arg6[%swap3A_128, %swap3A_129], %swap3A_132 {strides = array<i32>} : memref<80x128xi32, #tpu.memory_space<vmem>>, vector<1x16xi32>,
      %get3A_133 = arith.index_cast %scan3A_56 : i32 to index
      %get3A_134 = arith.constant 64 : index
      %get3A_135 = tpu.vector_load %arg6[%get3A_133, %get3A_134] {strides = array<i32>} : memref<80x128xi32, #tpu.memory_space<vmem>>, vector<1x16xi32>,
      %get3A_136 = vector.shape_cast %get3A_135 : vector<1x16xi32> to vector<16xi32>
      %shift_right_logical3A_137 = arith.constant 14 : i32
      %shift_right_logical3A_138 = vector.broadcast %shift_right_logical3A_137 : i32 to vector<16xi32>
      %shift_right_logical3A_139 = arith.shrui %get3A_136, %shift_right_logical3A_138 : vector<16xi32>
      %swap3A_140 = arith.index_cast %scan3A_56 : i32 to index
      %swap3A_141 = arith.constant 64 : index
      %swap3A_142 = tpu.vector_load %arg7[%swap3A_140, %swap3A_141] {strides = array<i32>} : memref<80x128xi32, #tpu.memory_space<vmem>>, vector<1x16xi32>,
      %swap3A_143 = vector.shape_cast %swap3A_142 : vector<1x16xi32> to vector<16xi32>
      %swap3A_144 = vector.shape_cast %shift_right_logical3A_139 : vector<16xi32> to vector<1x16xi32>
      tpu.vector_store %arg7[%swap3A_140, %swap3A_141], %swap3A_144 {strides = array<i32>} : memref<80x128xi32, #tpu.memory_space<vmem>>, vector<1x16xi32>,
      %and3A_145 = arith.constant 16383 : i32
      %and3A_146 = vector.broadcast %and3A_145 : i32 to vector<16xi32>
      %and3A_147 = arith.andi %get3A_136, %and3A_146 : vector<16xi32>
      %swap3A_148 = arith.index_cast %scan3A_56 : i32 to index
      %swap3A_149 = arith.constant 64 : index
      %swap3A_150 = tpu.vector_load %arg6[%swap3A_148, %swap3A_149] {strides = array<i32>} : memref<80x128xi32, #tpu.memory_space<vmem>>, vector<1x16xi32>,
      %swap3A_151 = vector.shape_cast %swap3A_150 : vector<1x16xi32> to vector<16xi32>
      %swap3A_152 = vector.shape_cast %and3A_147 : vector<16xi32> to vector<1x16xi32>
      tpu.vector_store %arg6[%swap3A_148, %swap3A_149], %swap3A_152 {strides = array<i32>} : memref<80x128xi32, #tpu.memory_space<vmem>>, vector<1x16xi32>,
      %get3A_153 = arith.index_cast %scan3A_56 : i32 to index
      %get3A_154 = arith.constant 80 : index
      %get3A_155 = tpu.vector_load %arg6[%get3A_153, %get3A_154] {strides = array<i32>} : memref<80x128xi32, #tpu.memory_space<vmem>>, vector<1x16xi32>,
      %get3A_156 = vector.shape_cast %get3A_155 : vector<1x16xi32> to vector<16xi32>
      %shift_right_logical3A_157 = arith.constant 14 : i32
      %shift_right_logical3A_158 = vector.broadcast %shift_right_logical3A_157 : i32 to vector<16xi32>
      %shift_right_logical3A_159 = arith.shrui %get3A_156, %shift_right_logical3A_158 : vector<16xi32>
      %swap3A_160 = arith.index_cast %scan3A_56 : i32 to index
      %swap3A_161 = arith.constant 80 : index
      %swap3A_162 = tpu.vector_load %arg7[%swap3A_160, %swap3A_161] {strides = array<i32>} : memref<80x128xi32, #tpu.memory_space<vmem>>, vector<1x16xi32>,
      %swap3A_163 = vector.shape_cast %swap3A_162 : vector<1x16xi32> to vector<16xi32>
      %swap3A_164 = vector.shape_cast %shift_right_logical3A_159 : vector<16xi32> to vector<1x16xi32>
      tpu.vector_store %arg7[%swap3A_160, %swap3A_161], %swap3A_164 {strides = array<i32>} : memref<80x128xi32, #tpu.memory_space<vmem>>, vector<1x16xi32>,
      %and3A_165 = arith.constant 16383 : i32
      %and3A_166 = vector.broadcast %and3A_165 : i32 to vector<16xi32>
      %and3A_167 = arith.andi %get3A_156, %and3A_166 : vector<16xi32>
      %swap3A_168 = arith.index_cast %scan3A_56 : i32 to index
      %swap3A_169 = arith.constant 80 : index
      %swap3A_170 = tpu.vector_load %arg6[%swap3A_168, %swap3A_169] {strides = array<i32>} : memref<80x128xi32, #tpu.memory_space<vmem>>, vector<1x16xi32>,
      %swap3A_171 = vector.shape_cast %swap3A_170 : vector<1x16xi32> to vector<16xi32>
      %swap3A_172 = vector.shape_cast %and3A_167 : vector<16xi32> to vector<1x16xi32>
      tpu.vector_store %arg6[%swap3A_168, %swap3A_169], %swap3A_172 {strides = array<i32>} : memref<80x128xi32, #tpu.memory_space<vmem>>, vector<1x16xi32>,
      %get3A_173 = arith.index_cast %scan3A_56 : i32 to index
      %get3A_174 = arith.constant 96 : index
      %get3A_175 = tpu.vector_load %arg6[%get3A_173, %get3A_174] {strides = array<i32>} : memref<80x128xi32, #tpu.memory_space<vmem>>, vector<1x16xi32>,
      %get3A_176 = vector.shape_cast %get3A_175 : vector<1x16xi32> to vector<16xi32>
      %shift_right_logical3A_177 = arith.constant 14 : i32
      %shift_right_logical3A_178 = vector.broadcast %shift_right_logical3A_177 : i32 to vector<16xi32>
      %shift_right_logical3A_179 = arith.shrui %get3A_176, %shift_right_logical3A_178 : vector<16xi32>
      %swap3A_180 = arith.index_cast %scan3A_56 : i32 to index
      %swap3A_181 = arith.constant 96 : index
      %swap3A_182 = tpu.vector_load %arg7[%swap3A_180, %swap3A_181] {strides = array<i32>} : memref<80x128xi32, #tpu.memory_space<vmem>>, vector<1x16xi32>,
      %swap3A_183 = vector.shape_cast %swap3A_182 : vector<1x16xi32> to vector<16xi32>
      %swap3A_184 = vector.shape_cast %shift_right_logical3A_179 : vector<16xi32> to vector<1x16xi32>
      tpu.vector_store %arg7[%swap3A_180, %swap3A_181], %swap3A_184 {strides = array<i32>} : memref<80x128xi32, #tpu.memory_space<vmem>>, vector<1x16xi32>,
      %and3A_185 = arith.constant 16383 : i32
      %and3A_186 = vector.broadcast %and3A_185 : i32 to vector<16xi32>
      %and3A_187 = arith.andi %get3A_176, %and3A_186 : vector<16xi32>
      %swap3A_188 = arith.index_cast %scan3A_56 : i32 to index
      %swap3A_189 = arith.constant 96 : index
      %swap3A_190 = tpu.vector_load %arg6[%swap3A_188, %swap3A_189] {strides = array<i32>} : memref<80x128xi32, #tpu.memory_space<vmem>>, vector<1x16xi32>,
      %swap3A_191 = vector.shape_cast %swap3A_190 : vector<1x16xi32> to vector<16xi32>
      %swap3A_192 = vector.shape_cast %and3A_187 : vector<16xi32> to vector<1x16xi32>
      tpu.vector_store %arg6[%swap3A_188, %swap3A_189], %swap3A_192 {strides = array<i32>} : memref<80x128xi32, #tpu.memory_space<vmem>>, vector<1x16xi32>,
      %get3A_193 = arith.index_cast %scan3A_56 : i32 to index
      %get3A_194 = arith.constant 112 : index
      %get3A_195 = tpu.vector_load %arg6[%get3A_193, %get3A_194] {strides = array<i32>} : memref<80x128xi32, #tpu.memory_space<vmem>>, vector<1x16xi32>,
      %get3A_196 = vector.shape_cast %get3A_195 : vector<1x16xi32> to vector<16xi32>
      %shift_right_logical3A_197 = arith.constant 14 : i32
      %shift_right_logical3A_198 = vector.broadcast %shift_right_logical3A_197 : i32 to vector<16xi32>
      %shift_right_logical3A_199 = arith.shrui %get3A_196, %shift_right_logical3A_198 : vector<16xi32>
      %swap3A_200 = arith.index_cast %scan3A_56 : i32 to index
      %swap3A_201 = arith.constant 112 : index
      %swap3A_202 = tpu.vector_load %arg7[%swap3A_200, %swap3A_201] {strides = array<i32>} : memref<80x128xi32, #tpu.memory_space<vmem>>, vector<1x16xi32>,
      %swap3A_203 = vector.shape_cast %swap3A_202 : vector<1x16xi32> to vector<16xi32>
      %swap3A_204 = vector.shape_cast %shift_right_logical3A_199 : vector<16xi32> to vector<1x16xi32>
      tpu.vector_store %arg7[%swap3A_200, %swap3A_201], %swap3A_204 {strides = array<i32>} : memref<80x128xi32, #tpu.memory_space<vmem>>, vector<1x16xi32>,
      %and3A_205 = arith.constant 16383 : i32
      %and3A_206 = vector.broadcast %and3A_205 : i32 to vector<16xi32>
      %and3A_207 = arith.andi %get3A_196, %and3A_206 : vector<16xi32>
      %swap3A_208 = arith.index_cast %scan3A_56 : i32 to index
      %swap3A_209 = arith.constant 112 : index
      %swap3A_210 = tpu.vector_load %arg6[%swap3A_208, %swap3A_209] {strides = array<i32>} : memref<80x128xi32, #tpu.memory_space<vmem>>, vector<1x16xi32>,
      %swap3A_211 = vector.shape_cast %swap3A_210 : vector<1x16xi32> to vector<16xi32>
      %swap3A_212 = vector.shape_cast %and3A_207 : vector<16xi32> to vector<1x16xi32>
      tpu.vector_store %arg6[%swap3A_208, %swap3A_209], %swap3A_212 {strides = array<i32>} : memref<80x128xi32, #tpu.memory_space<vmem>>, vector<1x16xi32>,
    }
    %scan3A_15 = arith.constant 80 : i32
    %barrier3A = arith.constant 0 : index
    tpu.barrier barrier_id(%barrier3A)
    %dma_start3A = arith.constant 0 : i32
    %dma_start3A_16 = arith.constant 0 : i32
    %dma_start3A_17 = tpu.memref_slice %arg6[%dma_start3A, %dma_start3A_16] : memref<80x128xi32, #tpu.memory_space<vmem>> -> memref<1x128xi32, #tpu.memory_space<vmem>>
    %dma_start3A_18 = tpu.memref_squeeze %dma_start3A_17 : memref<1x128xi32, #tpu.memory_space<vmem>> -> memref<128xi32, #tpu.memory_space<vmem>>
    %dma_start3A_19 = arith.constant 0 : i32
    %dma_start3A_20 = arith.constant 0 : i32
    %dma_start3A_21 = tpu.memref_slice %arg11[%dma_start3A_19, %dma_start3A_20] : memref<10240x64xf32, #tpu.memory_space<vmem_shared>> -> memref<10240x64xf32, #tpu.memory_space<vmem_shared>>
    tpu.enqueue_indirect_dma source(%dma_start3A_21 : memref<10240x64xf32, #tpu.memory_space<vmem_shared>>) target(%arg8 : memref<128x64xf32, #tpu.memory_space<vmem>>) offsets(%dma_start3A_18 : memref<128xi32, #tpu.memory_space<vmem>>) semaphore(%arg12 : memref<!tpu.dma_semaphore, #tpu.memory_space<semaphore_mem>>)
    %dma_start3A_22 = arith.constant 1 : i32
    %dma_start3A_23 = arith.constant 0 : i32
    %dma_start3A_24 = tpu.memref_slice %arg6[%dma_start3A_22, %dma_start3A_23] : memref<80x128xi32, #tpu.memory_space<vmem>> -> memref<1x128xi32, #tpu.memory_space<vmem>>
    %dma_start3A_25 = tpu.memref_squeeze %dma_start3A_24 : memref<1x128xi32, #tpu.memory_space<vmem>> -> memref<128xi32, #tpu.memory_space<vmem>>
    %dma_start3A_26 = arith.constant 0 : i32
    %dma_start3A_27 = arith.constant 0 : i32
    %dma_start3A_28 = tpu.memref_slice %arg11[%dma_start3A_26, %dma_start3A_27] : memref<10240x64xf32, #tpu.memory_space<vmem_shared>> -> memref<10240x64xf32, #tpu.memory_space<vmem_shared>>
    tpu.enqueue_indirect_dma source(%dma_start3A_28 : memref<10240x64xf32, #tpu.memory_space<vmem_shared>>) target(%arg9 : memref<128x64xf32, #tpu.memory_space<vmem>>) offsets(%dma_start3A_25 : memref<128xi32, #tpu.memory_space<vmem>>) semaphore(%arg13 : memref<!tpu.dma_semaphore, #tpu.memory_space<semaphore_mem>>)
    %scan3A_29 = arith.constant 0 : i32
    %scan3A_30 = arith.constant 0 : i32
    %scan3A_31 = arith.constant 40 : i32
    %scan3A_32 = arith.addi %scan3A_30, %scan3A_31 : i32
    %scan3A_33 = arith.constant 1 : i32
    scf.for %scan3A_56 = %scan3A_30 to %scan3A_32 step %scan3A_33  : i32 {
      %mul3A_57 = arith.constant 2 : i32
      %mul3A_58 = arith.muli %mul3A_57, %scan3A_56 : i32
      %add3A_59 = arith.constant 0 : i32
      %add3A_60 = arith.addi %mul3A_58, %add3A_59 : i32
      %dma_wait3A_61 = arith.constant 0 : i32
      %dma_wait3A_62 = tpu.memref_slice %arg6[%add3A_60, %dma_wait3A_61] : memref<80x128xi32, #tpu.memory_space<vmem>> -> memref<1x128xi32, #tpu.memory_space<vmem>>
      %dma_wait3A_63 = tpu.memref_squeeze %dma_wait3A_62 : memref<1x128xi32, #tpu.memory_space<vmem>> -> memref<128xi32, #tpu.memory_space<vmem>>
      %dma_wait3A_64 = arith.constant 0 : i32
      %dma_wait3A_65 = arith.constant 0 : i32
      %dma_wait3A_66 = tpu.memref_slice %arg11[%dma_wait3A_64, %dma_wait3A_65] : memref<10240x64xf32, #tpu.memory_space<vmem_shared>> -> memref<10240x64xf32, #tpu.memory_space<vmem_shared>>
      tpu.wait_indirect_dma semaphore(%arg12 : memref<!tpu.dma_semaphore, #tpu.memory_space<semaphore_mem>>) src(%dma_wait3A_66 : memref<10240x64xf32, #tpu.memory_space<vmem_shared>>) dst(%arg8 : memref<128x64xf32, #tpu.memory_space<vmem>>)
      %add3A_67 = arith.constant 0 : i32
      %add3A_68 = arith.addi %mul3A_58, %add3A_67 : i32
      %dma_start3A_69 = arith.constant 0 : i32
      %dma_start3A_70 = tpu.memref_slice %arg7[%add3A_68, %dma_start3A_69] : memref<80x128xi32, #tpu.memory_space<vmem>> -> memref<1x128xi32, #tpu.memory_space<vmem>>
      %dma_start3A_71 = tpu.memref_squeeze %dma_start3A_70 : memref<1x128xi32, #tpu.memory_space<vmem>> -> memref<128xi32, #tpu.memory_space<vmem>>
      %dma_start3A_72 = arith.constant 0 : i32
      %dma_start3A_73 = arith.constant 0 : i32
      %dma_start3A_74 = tpu.memref_slice %arg10[%dma_start3A_72, %dma_start3A_73] : memref<10240x64xf32, #tpu.memory_space<vmem_shared>> -> memref<10240x64xf32, #tpu.memory_space<vmem_shared>>
      tpu.enqueue_indirect_dma source(%arg8 : memref<128x64xf32, #tpu.memory_space<vmem>>) target(%dma_start3A_74 : memref<10240x64xf32, #tpu.memory_space<vmem_shared>>) offsets(%dma_start3A_71 : memref<128xi32, #tpu.memory_space<vmem>>) semaphore(%arg14 : memref<!tpu.dma_semaphore, #tpu.memory_space<semaphore_mem>>) {add = true}
      %add3A_75 = arith.constant 1 : i32
      %add3A_76 = arith.addi %mul3A_58, %add3A_75 : i32
      %dma_wait3A_77 = arith.constant 0 : i32
      %dma_wait3A_78 = tpu.memref_slice %arg6[%add3A_76, %dma_wait3A_77] : memref<80x128xi32, #tpu.memory_space<vmem>> -> memref<1x128xi32, #tpu.memory_space<vmem>>
      %dma_wait3A_79 = tpu.memref_squeeze %dma_wait3A_78 : memref<1x128xi32, #tpu.memory_space<vmem>> -> memref<128xi32, #tpu.memory_space<vmem>>
      %dma_wait3A_80 = arith.constant 0 : i32
      %dma_wait3A_81 = arith.constant 0 : i32
      %dma_wait3A_82 = tpu.memref_slice %arg11[%dma_wait3A_80, %dma_wait3A_81] : memref<10240x64xf32, #tpu.memory_space<vmem_shared>> -> memref<10240x64xf32, #tpu.memory_space<vmem_shared>>
      tpu.wait_indirect_dma semaphore(%arg13 : memref<!tpu.dma_semaphore, #tpu.memory_space<semaphore_mem>>) src(%dma_wait3A_82 : memref<10240x64xf32, #tpu.memory_space<vmem_shared>>) dst(%arg9 : memref<128x64xf32, #tpu.memory_space<vmem>>)
      %add3A_83 = arith.constant 1 : i32
      %add3A_84 = arith.addi %mul3A_58, %add3A_83 : i32
      %dma_start3A_85 = arith.constant 0 : i32
      %dma_start3A_86 = tpu.memref_slice %arg7[%add3A_84, %dma_start3A_85] : memref<80x128xi32, #tpu.memory_space<vmem>> -> memref<1x128xi32, #tpu.memory_space<vmem>>
      %dma_start3A_87 = tpu.memref_squeeze %dma_start3A_86 : memref<1x128xi32, #tpu.memory_space<vmem>> -> memref<128xi32, #tpu.memory_space<vmem>>
      %dma_start3A_88 = arith.constant 0 : i32
      %dma_start3A_89 = arith.constant 0 : i32
      %dma_start3A_90 = tpu.memref_slice %arg10[%dma_start3A_88, %dma_start3A_89] : memref<10240x64xf32, #tpu.memory_space<vmem_shared>> -> memref<10240x64xf32, #tpu.memory_space<vmem_shared>>
      tpu.enqueue_indirect_dma source(%arg9 : memref<128x64xf32, #tpu.memory_space<vmem>>) target(%dma_start3A_90 : memref<10240x64xf32, #tpu.memory_space<vmem_shared>>) offsets(%dma_start3A_87 : memref<128xi32, #tpu.memory_space<vmem>>) semaphore(%arg15 : memref<!tpu.dma_semaphore, #tpu.memory_space<semaphore_mem>>) {add = true}
      %lt3A = arith.constant 39 : i32
      %lt3A_91 = arith.cmpi slt, %scan3A_56, %lt3A : i32
      %convert_element_type3A_92 = arith.extui %lt3A_91 : i1 to i32
      %cond3A_93 = arith.constant 0 : i32
      %cond3A_94 = arith.cmpi ne, %convert_element_type3A_92, %cond3A_93 : i32
      scf.if %cond3A_94 {
        %add3A_95 = arith.constant 0 : i32
        %add3A_96 = arith.addi %mul3A_58, %add3A_95 : i32
        %dma_wait3A_97 = arith.constant 0 : i32
        %dma_wait3A_98 = tpu.memref_slice %arg7[%add3A_96, %dma_wait3A_97] : memref<80x128xi32, #tpu.memory_space<vmem>> -> memref<1x128xi32, #tpu.memory_space<vmem>>
        %dma_wait3A_99 = tpu.memref_squeeze %dma_wait3A_98 : memref<1x128xi32, #tpu.memory_space<vmem>> -> memref<128xi32, #tpu.memory_space<vmem>>
        %dma_wait3A_100 = arith.constant 0 : i32
        %dma_wait3A_101 = arith.constant 0 : i32
        %dma_wait3A_102 = tpu.memref_slice %arg10[%dma_wait3A_100, %dma_wait3A_101] : memref<10240x64xf32, #tpu.memory_space<vmem_shared>> -> memref<10240x64xf32, #tpu.memory_space<vmem_shared>>
        tpu.wait_indirect_dma semaphore(%arg14 : memref<!tpu.dma_semaphore, #tpu.memory_space<semaphore_mem>>) src(%arg8 : memref<128x64xf32, #tpu.memory_space<vmem>>) dst(%dma_wait3A_102 : memref<10240x64xf32, #tpu.memory_space<vmem_shared>>)
        %add3A_103 = arith.constant 2 : i32
        %add3A_104 = arith.addi %mul3A_58, %add3A_103 : i32
        %add3A_105 = arith.constant 0 : i32
        %add3A_106 = arith.addi %add3A_104, %add3A_105 : i32
        %dma_start3A_107 = arith.constant 0 : i32
        %dma_start3A_108 = tpu.memref_slice %arg6[%add3A_106, %dma_start3A_107] : memref<80x128xi32, #tpu.memory_space<vmem>> -> memref<1x128xi32, #tpu.memory_space<vmem>>
        %dma_start3A_109 = tpu.memref_squeeze %dma_start3A_108 : memref<1x128xi32, #tpu.memory_space<vmem>> -> memref<128xi32, #tpu.memory_space<vmem>>
        %dma_start3A_110 = arith.constant 0 : i32
        %dma_start3A_111 = arith.constant 0 : i32
        %dma_start3A_112 = tpu.memref_slice %arg11[%dma_start3A_110, %dma_start3A_111] : memref<10240x64xf32, #tpu.memory_space<vmem_shared>> -> memref<10240x64xf32, #tpu.memory_space<vmem_shared>>
        tpu.enqueue_indirect_dma source(%dma_start3A_112 : memref<10240x64xf32, #tpu.memory_space<vmem_shared>>) target(%arg8 : memref<128x64xf32, #tpu.memory_space<vmem>>) offsets(%dma_start3A_109 : memref<128xi32, #tpu.memory_space<vmem>>) semaphore(%arg12 : memref<!tpu.dma_semaphore, #tpu.memory_space<semaphore_mem>>)
        %add3A_113 = arith.constant 1 : i32
        %add3A_114 = arith.addi %mul3A_58, %add3A_113 : i32
        %dma_wait3A_115 = arith.constant 0 : i32
        %dma_wait3A_116 = tpu.memref_slice %arg7[%add3A_114, %dma_wait3A_115] : memref<80x128xi32, #tpu.memory_space<vmem>> -> memref<1x128xi32, #tpu.memory_space<vmem>>
        %dma_wait3A_117 = tpu.memref_squeeze %dma_wait3A_116 : memref<1x128xi32, #tpu.memory_space<vmem>> -> memref<128xi32, #tpu.memory_space<vmem>>
        %dma_wait3A_118 = arith.constant 0 : i32
        %dma_wait3A_119 = arith.constant 0 : i32
        %dma_wait3A_120 = tpu.memref_slice %arg10[%dma_wait3A_118, %dma_wait3A_119] : memref<10240x64xf32, #tpu.memory_space<vmem_shared>> -> memref<10240x64xf32, #tpu.memory_space<vmem_shared>>
        tpu.wait_indirect_dma semaphore(%arg15 : memref<!tpu.dma_semaphore, #tpu.memory_space<semaphore_mem>>) src(%arg9 : memref<128x64xf32, #tpu.memory_space<vmem>>) dst(%dma_wait3A_120 : memref<10240x64xf32, #tpu.memory_space<vmem_shared>>)
        %add3A_121 = arith.constant 2 : i32
        %add3A_122 = arith.addi %mul3A_58, %add3A_121 : i32
        %add3A_123 = arith.constant 1 : i32
        %add3A_124 = arith.addi %add3A_122, %add3A_123 : i32
        %dma_start3A_125 = arith.constant 0 : i32
        %dma_start3A_126 = tpu.memref_slice %arg6[%add3A_124, %dma_start3A_125] : memref<80x128xi32, #tpu.memory_space<vmem>> -> memref<1x128xi32, #tpu.memory_space<vmem>>
        %dma_start3A_127 = tpu.memref_squeeze %dma_start3A_126 : memref<1x128xi32, #tpu.memory_space<vmem>> -> memref<128xi32, #tpu.memory_space<vmem>>
        %dma_start3A_128 = arith.constant 0 : i32
        %dma_start3A_129 = arith.constant 0 : i32
        %dma_start3A_130 = tpu.memref_slice %arg11[%dma_start3A_128, %dma_start3A_129] : memref<10240x64xf32, #tpu.memory_space<vmem_shared>> -> memref<10240x64xf32, #tpu.memory_space<vmem_shared>>
        tpu.enqueue_indirect_dma source(%dma_start3A_130 : memref<10240x64xf32, #tpu.memory_space<vmem_shared>>) target(%arg9 : memref<128x64xf32, #tpu.memory_space<vmem>>) offsets(%dma_start3A_127 : memref<128xi32, #tpu.memory_space<vmem>>) semaphore(%arg13 : memref<!tpu.dma_semaphore, #tpu.memory_space<semaphore_mem>>)
      } else {
      }
    }
    %scan3A_34 = arith.constant 40 : i32
    %dma_wait3A = arith.constant 78 : i32
    %dma_wait3A_35 = arith.constant 0 : i32
    %dma_wait3A_36 = tpu.memref_slice %arg7[%dma_wait3A, %dma_wait3A_35] : memref<80x128xi32, #tpu.memory_space<vmem>> -> memref<1x128xi32, #tpu.memory_space<vmem>>
    %dma_wait3A_37 = tpu.memref_squeeze %dma_wait3A_36 : memref<1x128xi32, #tpu.memory_space<vmem>> -> memref<128xi32, #tpu.memory_space<vmem>>
    %dma_wait3A_38 = arith.constant 0 : i32
    %dma_wait3A_39 = arith.constant 0 : i32
    %dma_wait3A_40 = tpu.memref_slice %arg10[%dma_wait3A_38, %dma_wait3A_39] : memref<10240x64xf32, #tpu.memory_space<vmem_shared>> -> memref<10240x64xf32, #tpu.memory_space<vmem_shared>>
    tpu.wait_indirect_dma semaphore(%arg14 : memref<!tpu.dma_semaphore, #tpu.memory_space<semaphore_mem>>) src(%arg8 : memref<128x64xf32, #tpu.memory_space<vmem>>) dst(%dma_wait3A_40 : memref<10240x64xf32, #tpu.memory_space<vmem_shared>>)
    %dma_wait3A_41 = arith.constant 79 : i32
    %dma_wait3A_42 = arith.constant 0 : i32
    %dma_wait3A_43 = tpu.memref_slice %arg7[%dma_wait3A_41, %dma_wait3A_42] : memref<80x128xi32, #tpu.memory_space<vmem>> -> memref<1x128xi32, #tpu.memory_space<vmem>>
    %dma_wait3A_44 = tpu.memref_squeeze %dma_wait3A_43 : memref<1x128xi32, #tpu.memory_space<vmem>> -> memref<128xi32, #tpu.memory_space<vmem>>
    %dma_wait3A_45 = arith.constant 0 : i32
    %dma_wait3A_46 = arith.constant 0 : i32
    %dma_wait3A_47 = tpu.memref_slice %arg10[%dma_wait3A_45, %dma_wait3A_46] : memref<10240x64xf32, #tpu.memory_space<vmem_shared>> -> memref<10240x64xf32, #tpu.memory_space<vmem_shared>>
    tpu.wait_indirect_dma semaphore(%arg15 : memref<!tpu.dma_semaphore, #tpu.memory_space<semaphore_mem>>) src(%arg9 : memref<128x64xf32, #tpu.memory_space<vmem>>) dst(%dma_wait3A_47 : memref<10240x64xf32, #tpu.memory_space<vmem_shared>>)
    %barrier3A_48 = arith.constant 0 : index
    tpu.barrier barrier_id(%barrier3A_48)
    %mul3A_49 = arith.constant 640 : i32
    %mul3A_50 = arith.muli %arg1, %mul3A_49 : i32
    %mul3A_51 = arith.constant 10240 : i32
    %mul3A_52 = arith.muli %arg0, %mul3A_51 : i32
    %mul3A_53 = arith.constant 640 : i32
    %mul3A_54 = arith.muli %arg1, %mul3A_53 : i32
    %add3A_55 = arith.addi %mul3A_52, %mul3A_54 : i32
    "tpu.region"() ({
      %run_scoped3A = tpu.sem_alloc : memref<!tpu.dma_semaphore, #tpu.memory_space<semaphore_mem>>
      %dma_start3A_56 = arith.constant 0 : i32
      %dma_start3A_57 = tpu.memref_slice %arg5[%add3A_55, %dma_start3A_56] : memref<20480x64xf32, #tpu.memory_space<hbm>> -> memref<640x64xf32, #tpu.memory_space<hbm>>
      %dma_start3A_58 = arith.constant 0 : i32
      %dma_start3A_59 = tpu.memref_slice %arg10[%mul3A_50, %dma_start3A_58] : memref<10240x64xf32, #tpu.memory_space<vmem_shared>> -> memref<640x64xf32, #tpu.memory_space<vmem_shared>>
      tpu.enqueue_dma source(%dma_start3A_59 : memref<640x64xf32, #tpu.memory_space<vmem_shared>>) target(%dma_start3A_57 : memref<640x64xf32, #tpu.memory_space<hbm>>) target_semaphore(%run_scoped3A : memref<!tpu.dma_semaphore, #tpu.memory_space<semaphore_mem>>)
      %dma_wait3A_60 = arith.constant 0 : i32
      %dma_wait3A_61 = tpu.memref_slice %arg5[%add3A_55, %dma_wait3A_60] : memref<20480x64xf32, #tpu.memory_space<hbm>> -> memref<640x64xf32, #tpu.memory_space<hbm>>
      %dma_wait3A_62 = arith.constant 0 : i32
      %dma_wait3A_63 = tpu.memref_slice %arg10[%mul3A_50, %dma_wait3A_62] : memref<10240x64xf32, #tpu.memory_space<vmem_shared>> -> memref<640x64xf32, #tpu.memory_space<vmem_shared>>
      tpu.wait_dma2 semaphore(%run_scoped3A : memref<!tpu.dma_semaphore, #tpu.memory_space<semaphore_mem>>) src(%dma_wait3A_63 : memref<640x64xf32, #tpu.memory_space<vmem_shared>>) dst(%dma_wait3A_61 : memref<640x64xf32, #tpu.memory_space<hbm>>)
      tpu.yield
    }) : () -> ()
    return
  }
}

#map = affine_map<(d0, d1) -> (0, 0, 0)>
#map1 = affine_map<(d0, d1) -> (0, 0)>
module attributes {stable_mosaic.version = 14 : i64} {
  func.func @deg_kernel(%arg0: i32, %arg1: i32, %arg2: memref<32x80x128xi32, #tpu.memory_space<hbm>>, %arg3: memref<128x16xf32, #tpu.memory_space<hbm>>, %arg4: memref<640x16xf32, #tpu.memory_space<hbm>>, %arg5: memref<20480x16xf32, #tpu.memory_space<hbm>>, %arg6: memref<80x128xi32, #tpu.memory_space<vmem>>, %arg7: memref<80x128xi32, #tpu.memory_space<vmem>>, %arg8: memref<128x16xf32, #tpu.memory_space<vmem>>, %arg9: memref<10240x16xf32, #tpu.memory_space<vmem_shared>>) attributes {dimension_semantics = [#tpu.dimension_semantics<core_parallel>, #tpu.dimension_semantics<subcore_parallel>], iteration_bounds = array<i64: 2, 16>, scalar_prefetch = 0 : i64, scratch_operands = 4 : i64, tpu.core_type = #tpu.core_type<sc_vector_subcore>, window_params = [{transform_indices = #map}, {transform_indices = #map1}, {transform_indices = #map1}, {transform_indices = #map1}]} {
    %mul3A = arith.constant 2 : i32
    %mul3A_0 = arith.muli %arg1, %mul3A : i32
    %add3A = arith.addi %mul3A_0, %arg0 : i32
    "tpu.region"() ({
      %run_scoped3A = tpu.sem_alloc : memref<!tpu.dma_semaphore, #tpu.memory_space<semaphore_mem>>
      %dma_start3A = arith.constant 0 : i32
      %dma_start3A_22 = arith.constant 0 : i32
      %dma_start3A_23 = tpu.memref_slice %arg2[%add3A, %dma_start3A, %dma_start3A_22] : memref<32x80x128xi32, #tpu.memory_space<hbm>> -> memref<1x80x128xi32, #tpu.memory_space<hbm>>
      %dma_start3A_24 = tpu.memref_squeeze %dma_start3A_23 : memref<1x80x128xi32, #tpu.memory_space<hbm>> -> memref<80x128xi32, #tpu.memory_space<hbm>>
      %dma_start3A_25 = arith.constant 0 : i32
      %dma_start3A_26 = arith.constant 0 : i32
      %dma_start3A_27 = tpu.memref_slice %arg2[%add3A, %dma_start3A_25, %dma_start3A_26] : memref<32x80x128xi32, #tpu.memory_space<hbm>> -> memref<1x80x128xi32, #tpu.memory_space<hbm>>
      %dma_start3A_28 = tpu.memref_squeeze %dma_start3A_27 : memref<1x80x128xi32, #tpu.memory_space<hbm>> -> memref<80x128xi32, #tpu.memory_space<hbm>>
      tpu.enqueue_dma source(%dma_start3A_28 : memref<80x128xi32, #tpu.memory_space<hbm>>) target(%arg6 : memref<80x128xi32, #tpu.memory_space<vmem>>) target_semaphore(%run_scoped3A : memref<!tpu.dma_semaphore, #tpu.memory_space<semaphore_mem>>)
      %dma_wait3A = arith.constant 0 : i32
      %dma_wait3A_29 = arith.constant 0 : i32
      %dma_wait3A_30 = tpu.memref_slice %arg2[%add3A, %dma_wait3A, %dma_wait3A_29] : memref<32x80x128xi32, #tpu.memory_space<hbm>> -> memref<1x80x128xi32, #tpu.memory_space<hbm>>
      %dma_wait3A_31 = tpu.memref_squeeze %dma_wait3A_30 : memref<1x80x128xi32, #tpu.memory_space<hbm>> -> memref<80x128xi32, #tpu.memory_space<hbm>>
      %dma_wait3A_32 = arith.constant 0 : i32
      %dma_wait3A_33 = arith.constant 0 : i32
      %dma_wait3A_34 = tpu.memref_slice %arg2[%add3A, %dma_wait3A_32, %dma_wait3A_33] : memref<32x80x128xi32, #tpu.memory_space<hbm>> -> memref<1x80x128xi32, #tpu.memory_space<hbm>>
      %dma_wait3A_35 = tpu.memref_squeeze %dma_wait3A_34 : memref<1x80x128xi32, #tpu.memory_space<hbm>> -> memref<80x128xi32, #tpu.memory_space<hbm>>
      tpu.wait_dma2 semaphore(%run_scoped3A : memref<!tpu.dma_semaphore, #tpu.memory_space<semaphore_mem>>) src(%dma_wait3A_35 : memref<80x128xi32, #tpu.memory_space<hbm>>) dst(%arg6 : memref<80x128xi32, #tpu.memory_space<vmem>>)
      tpu.yield
    }) : () -> ()
    "tpu.region"() ({
      %run_scoped3A = tpu.sem_alloc : memref<!tpu.dma_semaphore, #tpu.memory_space<semaphore_mem>>
      tpu.enqueue_dma source(%arg3 : memref<128x16xf32, #tpu.memory_space<hbm>>) target(%arg8 : memref<128x16xf32, #tpu.memory_space<vmem>>) target_semaphore(%run_scoped3A : memref<!tpu.dma_semaphore, #tpu.memory_space<semaphore_mem>>)
      tpu.wait_dma2 semaphore(%run_scoped3A : memref<!tpu.dma_semaphore, #tpu.memory_space<semaphore_mem>>) src(%arg3 : memref<128x16xf32, #tpu.memory_space<hbm>>) dst(%arg8 : memref<128x16xf32, #tpu.memory_space<vmem>>)
      tpu.yield
    }) : () -> ()
    %mul3A_1 = arith.constant 640 : i32
    %mul3A_2 = arith.muli %arg1, %mul3A_1 : i32
    "tpu.region"() ({
      %run_scoped3A = tpu.sem_alloc : memref<!tpu.dma_semaphore, #tpu.memory_space<semaphore_mem>>
      %dma_start3A = arith.constant 0 : i32
      %dma_start3A_22 = tpu.memref_slice %arg9[%mul3A_2, %dma_start3A] : memref<10240x16xf32, #tpu.memory_space<vmem_shared>> -> memref<640x16xf32, #tpu.memory_space<vmem_shared>>
      tpu.enqueue_dma source(%arg4 : memref<640x16xf32, #tpu.memory_space<hbm>>) target(%dma_start3A_22 : memref<640x16xf32, #tpu.memory_space<vmem_shared>>) target_semaphore(%run_scoped3A : memref<!tpu.dma_semaphore, #tpu.memory_space<semaphore_mem>>)
      %dma_wait3A = arith.constant 0 : i32
      %dma_wait3A_23 = tpu.memref_slice %arg9[%mul3A_2, %dma_wait3A] : memref<10240x16xf32, #tpu.memory_space<vmem_shared>> -> memref<640x16xf32, #tpu.memory_space<vmem_shared>>
      tpu.wait_dma2 semaphore(%run_scoped3A : memref<!tpu.dma_semaphore, #tpu.memory_space<semaphore_mem>>) src(%arg4 : memref<640x16xf32, #tpu.memory_space<hbm>>) dst(%dma_wait3A_23 : memref<640x16xf32, #tpu.memory_space<vmem_shared>>)
      tpu.yield
    }) : () -> ()
    %scan3A = arith.constant 0 : i32
    %scan3A_3 = arith.constant 0 : i32
    %scan3A_4 = arith.constant 80 : i32
    %scan3A_5 = arith.addi %scan3A_3, %scan3A_4 : i32
    %scan3A_6 = arith.constant 1 : i32
    scf.for %scan3A_22 = %scan3A_3 to %scan3A_5 step %scan3A_6  : i32 {
      %get3A = arith.index_cast %scan3A_22 : i32 to index
      %get3A_23 = arith.constant 0 : index
      %get3A_24 = tpu.vector_load %arg6[%get3A, %get3A_23] {strides = array<i32>} : memref<80x128xi32, #tpu.memory_space<vmem>>, vector<1x16xi32>,
      %get3A_25 = vector.shape_cast %get3A_24 : vector<1x16xi32> to vector<16xi32>
      %shift_right_logical3A = arith.constant 14 : i32
      %shift_right_logical3A_26 = vector.broadcast %shift_right_logical3A : i32 to vector<16xi32>
      %shift_right_logical3A_27 = arith.shrui %get3A_25, %shift_right_logical3A_26 : vector<16xi32>
      %swap3A = arith.index_cast %scan3A_22 : i32 to index
      %swap3A_28 = arith.constant 0 : index
      %swap3A_29 = tpu.vector_load %arg7[%swap3A, %swap3A_28] {strides = array<i32>} : memref<80x128xi32, #tpu.memory_space<vmem>>, vector<1x16xi32>,
      %swap3A_30 = vector.shape_cast %swap3A_29 : vector<1x16xi32> to vector<16xi32>
      %swap3A_31 = vector.shape_cast %shift_right_logical3A_27 : vector<16xi32> to vector<1x16xi32>
      tpu.vector_store %arg7[%swap3A, %swap3A_28], %swap3A_31 {strides = array<i32>} : memref<80x128xi32, #tpu.memory_space<vmem>>, vector<1x16xi32>,
      %get3A_32 = arith.index_cast %scan3A_22 : i32 to index
      %get3A_33 = arith.constant 16 : index
      %get3A_34 = tpu.vector_load %arg6[%get3A_32, %get3A_33] {strides = array<i32>} : memref<80x128xi32, #tpu.memory_space<vmem>>, vector<1x16xi32>,
      %get3A_35 = vector.shape_cast %get3A_34 : vector<1x16xi32> to vector<16xi32>
      %shift_right_logical3A_36 = arith.constant 14 : i32
      %shift_right_logical3A_37 = vector.broadcast %shift_right_logical3A_36 : i32 to vector<16xi32>
      %shift_right_logical3A_38 = arith.shrui %get3A_35, %shift_right_logical3A_37 : vector<16xi32>
      %swap3A_39 = arith.index_cast %scan3A_22 : i32 to index
      %swap3A_40 = arith.constant 16 : index
      %swap3A_41 = tpu.vector_load %arg7[%swap3A_39, %swap3A_40] {strides = array<i32>} : memref<80x128xi32, #tpu.memory_space<vmem>>, vector<1x16xi32>,
      %swap3A_42 = vector.shape_cast %swap3A_41 : vector<1x16xi32> to vector<16xi32>
      %swap3A_43 = vector.shape_cast %shift_right_logical3A_38 : vector<16xi32> to vector<1x16xi32>
      tpu.vector_store %arg7[%swap3A_39, %swap3A_40], %swap3A_43 {strides = array<i32>} : memref<80x128xi32, #tpu.memory_space<vmem>>, vector<1x16xi32>,
      %get3A_44 = arith.index_cast %scan3A_22 : i32 to index
      %get3A_45 = arith.constant 32 : index
      %get3A_46 = tpu.vector_load %arg6[%get3A_44, %get3A_45] {strides = array<i32>} : memref<80x128xi32, #tpu.memory_space<vmem>>, vector<1x16xi32>,
      %get3A_47 = vector.shape_cast %get3A_46 : vector<1x16xi32> to vector<16xi32>
      %shift_right_logical3A_48 = arith.constant 14 : i32
      %shift_right_logical3A_49 = vector.broadcast %shift_right_logical3A_48 : i32 to vector<16xi32>
      %shift_right_logical3A_50 = arith.shrui %get3A_47, %shift_right_logical3A_49 : vector<16xi32>
      %swap3A_51 = arith.index_cast %scan3A_22 : i32 to index
      %swap3A_52 = arith.constant 32 : index
      %swap3A_53 = tpu.vector_load %arg7[%swap3A_51, %swap3A_52] {strides = array<i32>} : memref<80x128xi32, #tpu.memory_space<vmem>>, vector<1x16xi32>,
      %swap3A_54 = vector.shape_cast %swap3A_53 : vector<1x16xi32> to vector<16xi32>
      %swap3A_55 = vector.shape_cast %shift_right_logical3A_50 : vector<16xi32> to vector<1x16xi32>
      tpu.vector_store %arg7[%swap3A_51, %swap3A_52], %swap3A_55 {strides = array<i32>} : memref<80x128xi32, #tpu.memory_space<vmem>>, vector<1x16xi32>,
      %get3A_56 = arith.index_cast %scan3A_22 : i32 to index
      %get3A_57 = arith.constant 48 : index
      %get3A_58 = tpu.vector_load %arg6[%get3A_56, %get3A_57] {strides = array<i32>} : memref<80x128xi32, #tpu.memory_space<vmem>>, vector<1x16xi32>,
      %get3A_59 = vector.shape_cast %get3A_58 : vector<1x16xi32> to vector<16xi32>
      %shift_right_logical3A_60 = arith.constant 14 : i32
      %shift_right_logical3A_61 = vector.broadcast %shift_right_logical3A_60 : i32 to vector<16xi32>
      %shift_right_logical3A_62 = arith.shrui %get3A_59, %shift_right_logical3A_61 : vector<16xi32>
      %swap3A_63 = arith.index_cast %scan3A_22 : i32 to index
      %swap3A_64 = arith.constant 48 : index
      %swap3A_65 = tpu.vector_load %arg7[%swap3A_63, %swap3A_64] {strides = array<i32>} : memref<80x128xi32, #tpu.memory_space<vmem>>, vector<1x16xi32>,
      %swap3A_66 = vector.shape_cast %swap3A_65 : vector<1x16xi32> to vector<16xi32>
      %swap3A_67 = vector.shape_cast %shift_right_logical3A_62 : vector<16xi32> to vector<1x16xi32>
      tpu.vector_store %arg7[%swap3A_63, %swap3A_64], %swap3A_67 {strides = array<i32>} : memref<80x128xi32, #tpu.memory_space<vmem>>, vector<1x16xi32>,
      %get3A_68 = arith.index_cast %scan3A_22 : i32 to index
      %get3A_69 = arith.constant 64 : index
      %get3A_70 = tpu.vector_load %arg6[%get3A_68, %get3A_69] {strides = array<i32>} : memref<80x128xi32, #tpu.memory_space<vmem>>, vector<1x16xi32>,
      %get3A_71 = vector.shape_cast %get3A_70 : vector<1x16xi32> to vector<16xi32>
      %shift_right_logical3A_72 = arith.constant 14 : i32
      %shift_right_logical3A_73 = vector.broadcast %shift_right_logical3A_72 : i32 to vector<16xi32>
      %shift_right_logical3A_74 = arith.shrui %get3A_71, %shift_right_logical3A_73 : vector<16xi32>
      %swap3A_75 = arith.index_cast %scan3A_22 : i32 to index
      %swap3A_76 = arith.constant 64 : index
      %swap3A_77 = tpu.vector_load %arg7[%swap3A_75, %swap3A_76] {strides = array<i32>} : memref<80x128xi32, #tpu.memory_space<vmem>>, vector<1x16xi32>,
      %swap3A_78 = vector.shape_cast %swap3A_77 : vector<1x16xi32> to vector<16xi32>
      %swap3A_79 = vector.shape_cast %shift_right_logical3A_74 : vector<16xi32> to vector<1x16xi32>
      tpu.vector_store %arg7[%swap3A_75, %swap3A_76], %swap3A_79 {strides = array<i32>} : memref<80x128xi32, #tpu.memory_space<vmem>>, vector<1x16xi32>,
      %get3A_80 = arith.index_cast %scan3A_22 : i32 to index
      %get3A_81 = arith.constant 80 : index
      %get3A_82 = tpu.vector_load %arg6[%get3A_80, %get3A_81] {strides = array<i32>} : memref<80x128xi32, #tpu.memory_space<vmem>>, vector<1x16xi32>,
      %get3A_83 = vector.shape_cast %get3A_82 : vector<1x16xi32> to vector<16xi32>
      %shift_right_logical3A_84 = arith.constant 14 : i32
      %shift_right_logical3A_85 = vector.broadcast %shift_right_logical3A_84 : i32 to vector<16xi32>
      %shift_right_logical3A_86 = arith.shrui %get3A_83, %shift_right_logical3A_85 : vector<16xi32>
      %swap3A_87 = arith.index_cast %scan3A_22 : i32 to index
      %swap3A_88 = arith.constant 80 : index
      %swap3A_89 = tpu.vector_load %arg7[%swap3A_87, %swap3A_88] {strides = array<i32>} : memref<80x128xi32, #tpu.memory_space<vmem>>, vector<1x16xi32>,
      %swap3A_90 = vector.shape_cast %swap3A_89 : vector<1x16xi32> to vector<16xi32>
      %swap3A_91 = vector.shape_cast %shift_right_logical3A_86 : vector<16xi32> to vector<1x16xi32>
      tpu.vector_store %arg7[%swap3A_87, %swap3A_88], %swap3A_91 {strides = array<i32>} : memref<80x128xi32, #tpu.memory_space<vmem>>, vector<1x16xi32>,
      %get3A_92 = arith.index_cast %scan3A_22 : i32 to index
      %get3A_93 = arith.constant 96 : index
      %get3A_94 = tpu.vector_load %arg6[%get3A_92, %get3A_93] {strides = array<i32>} : memref<80x128xi32, #tpu.memory_space<vmem>>, vector<1x16xi32>,
      %get3A_95 = vector.shape_cast %get3A_94 : vector<1x16xi32> to vector<16xi32>
      %shift_right_logical3A_96 = arith.constant 14 : i32
      %shift_right_logical3A_97 = vector.broadcast %shift_right_logical3A_96 : i32 to vector<16xi32>
      %shift_right_logical3A_98 = arith.shrui %get3A_95, %shift_right_logical3A_97 : vector<16xi32>
      %swap3A_99 = arith.index_cast %scan3A_22 : i32 to index
      %swap3A_100 = arith.constant 96 : index
      %swap3A_101 = tpu.vector_load %arg7[%swap3A_99, %swap3A_100] {strides = array<i32>} : memref<80x128xi32, #tpu.memory_space<vmem>>, vector<1x16xi32>,
      %swap3A_102 = vector.shape_cast %swap3A_101 : vector<1x16xi32> to vector<16xi32>
      %swap3A_103 = vector.shape_cast %shift_right_logical3A_98 : vector<16xi32> to vector<1x16xi32>
      tpu.vector_store %arg7[%swap3A_99, %swap3A_100], %swap3A_103 {strides = array<i32>} : memref<80x128xi32, #tpu.memory_space<vmem>>, vector<1x16xi32>,
      %get3A_104 = arith.index_cast %scan3A_22 : i32 to index
      %get3A_105 = arith.constant 112 : index
      %get3A_106 = tpu.vector_load %arg6[%get3A_104, %get3A_105] {strides = array<i32>} : memref<80x128xi32, #tpu.memory_space<vmem>>, vector<1x16xi32>,
      %get3A_107 = vector.shape_cast %get3A_106 : vector<1x16xi32> to vector<16xi32>
      %shift_right_logical3A_108 = arith.constant 14 : i32
      %shift_right_logical3A_109 = vector.broadcast %shift_right_logical3A_108 : i32 to vector<16xi32>
      %shift_right_logical3A_110 = arith.shrui %get3A_107, %shift_right_logical3A_109 : vector<16xi32>
      %swap3A_111 = arith.index_cast %scan3A_22 : i32 to index
      %swap3A_112 = arith.constant 112 : index
      %swap3A_113 = tpu.vector_load %arg7[%swap3A_111, %swap3A_112] {strides = array<i32>} : memref<80x128xi32, #tpu.memory_space<vmem>>, vector<1x16xi32>,
      %swap3A_114 = vector.shape_cast %swap3A_113 : vector<1x16xi32> to vector<16xi32>
      %swap3A_115 = vector.shape_cast %shift_right_logical3A_110 : vector<16xi32> to vector<1x16xi32>
      tpu.vector_store %arg7[%swap3A_111, %swap3A_112], %swap3A_115 {strides = array<i32>} : memref<80x128xi32, #tpu.memory_space<vmem>>, vector<1x16xi32>,
    }
    %scan3A_7 = arith.constant 80 : i32
    %barrier3A = arith.constant 0 : index
    tpu.barrier barrier_id(%barrier3A)
    %scan3A_8 = arith.constant 0 : i32
    %scan3A_9 = arith.constant 0 : i32
    %scan3A_10 = arith.constant 80 : i32
    %scan3A_11 = arith.addi %scan3A_9, %scan3A_10 : i32
    %scan3A_12 = arith.constant 1 : i32
    scf.for %scan3A_22 = %scan3A_9 to %scan3A_11 step %scan3A_12  : i32 {
      "tpu.region"() ({
        %run_scoped3A = tpu.sem_alloc : memref<!tpu.dma_semaphore, #tpu.memory_space<semaphore_mem>>
        %dma_start3A = arith.constant 0 : i32
        %dma_start3A_23 = tpu.memref_slice %arg7[%scan3A_22, %dma_start3A] : memref<80x128xi32, #tpu.memory_space<vmem>> -> memref<1x128xi32, #tpu.memory_space<vmem>>
        %dma_start3A_24 = tpu.memref_squeeze %dma_start3A_23 : memref<1x128xi32, #tpu.memory_space<vmem>> -> memref<128xi32, #tpu.memory_space<vmem>>
        %dma_start3A_25 = arith.constant 0 : i32
        %dma_start3A_26 = arith.constant 0 : i32
        %dma_start3A_27 = tpu.memref_slice %arg9[%dma_start3A_25, %dma_start3A_26] : memref<10240x16xf32, #tpu.memory_space<vmem_shared>> -> memref<10240x16xf32, #tpu.memory_space<vmem_shared>>
        tpu.enqueue_indirect_dma source(%arg8 : memref<128x16xf32, #tpu.memory_space<vmem>>) target(%dma_start3A_27 : memref<10240x16xf32, #tpu.memory_space<vmem_shared>>) offsets(%dma_start3A_24 : memref<128xi32, #tpu.memory_space<vmem>>) semaphore(%run_scoped3A : memref<!tpu.dma_semaphore, #tpu.memory_space<semaphore_mem>>) {add = true}
        %dma_wait3A = arith.constant 0 : i32
        %dma_wait3A_28 = tpu.memref_slice %arg7[%scan3A_22, %dma_wait3A] : memref<80x128xi32, #tpu.memory_space<vmem>> -> memref<1x128xi32, #tpu.memory_space<vmem>>
        %dma_wait3A_29 = tpu.memref_squeeze %dma_wait3A_28 : memref<1x128xi32, #tpu.memory_space<vmem>> -> memref<128xi32, #tpu.memory_space<vmem>>
        %dma_wait3A_30 = arith.constant 0 : i32
        %dma_wait3A_31 = arith.constant 0 : i32
        %dma_wait3A_32 = tpu.memref_slice %arg9[%dma_wait3A_30, %dma_wait3A_31] : memref<10240x16xf32, #tpu.memory_space<vmem_shared>> -> memref<10240x16xf32, #tpu.memory_space<vmem_shared>>
        tpu.wait_indirect_dma semaphore(%run_scoped3A : memref<!tpu.dma_semaphore, #tpu.memory_space<semaphore_mem>>) src(%arg8 : memref<128x16xf32, #tpu.memory_space<vmem>>) dst(%dma_wait3A_32 : memref<10240x16xf32, #tpu.memory_space<vmem_shared>>)
        tpu.yield
      }) : () -> ()
    }
    %scan3A_13 = arith.constant 80 : i32
    %barrier3A_14 = arith.constant 0 : index
    tpu.barrier barrier_id(%barrier3A_14)
    %mul3A_15 = arith.constant 640 : i32
    %mul3A_16 = arith.muli %arg1, %mul3A_15 : i32
    %mul3A_17 = arith.constant 10240 : i32
    %mul3A_18 = arith.muli %arg0, %mul3A_17 : i32
    %mul3A_19 = arith.constant 640 : i32
    %mul3A_20 = arith.muli %arg1, %mul3A_19 : i32
    %add3A_21 = arith.addi %mul3A_18, %mul3A_20 : i32
    "tpu.region"() ({
      %run_scoped3A = tpu.sem_alloc : memref<!tpu.dma_semaphore, #tpu.memory_space<semaphore_mem>>
      %dma_start3A = arith.constant 0 : i32
      %dma_start3A_22 = tpu.memref_slice %arg5[%add3A_21, %dma_start3A] : memref<20480x16xf32, #tpu.memory_space<hbm>> -> memref<640x16xf32, #tpu.memory_space<hbm>>
      %dma_start3A_23 = arith.constant 0 : i32
      %dma_start3A_24 = tpu.memref_slice %arg9[%mul3A_16, %dma_start3A_23] : memref<10240x16xf32, #tpu.memory_space<vmem_shared>> -> memref<640x16xf32, #tpu.memory_space<vmem_shared>>
      tpu.enqueue_dma source(%dma_start3A_24 : memref<640x16xf32, #tpu.memory_space<vmem_shared>>) target(%dma_start3A_22 : memref<640x16xf32, #tpu.memory_space<hbm>>) target_semaphore(%run_scoped3A : memref<!tpu.dma_semaphore, #tpu.memory_space<semaphore_mem>>)
      %dma_wait3A = arith.constant 0 : i32
      %dma_wait3A_25 = tpu.memref_slice %arg5[%add3A_21, %dma_wait3A] : memref<20480x16xf32, #tpu.memory_space<hbm>> -> memref<640x16xf32, #tpu.memory_space<hbm>>
      %dma_wait3A_26 = arith.constant 0 : i32
      %dma_wait3A_27 = tpu.memref_slice %arg9[%mul3A_16, %dma_wait3A_26] : memref<10240x16xf32, #tpu.memory_space<vmem_shared>> -> memref<640x16xf32, #tpu.memory_space<vmem_shared>>
      tpu.wait_dma2 semaphore(%run_scoped3A : memref<!tpu.dma_semaphore, #tpu.memory_space<semaphore_mem>>) src(%dma_wait3A_27 : memref<640x16xf32, #tpu.memory_space<vmem_shared>>) dst(%dma_wait3A_25 : memref<640x16xf32, #tpu.memory_space<hbm>>)
      tpu.yield
    }) : () -> ()
    return
  }
}

#map = affine_map<(d0, d1) -> (0, 0)>
#map1 = affine_map<(d0, d1) -> (0, 0, 0)>
module attributes {stable_mosaic.version = 14 : i64} {
  func.func @gs_kernel(%arg0: i32, %arg1: i32, %arg2: memref<10240x64xf32, #tpu.memory_space<hbm>>, %arg3: memref<32x80x128xi32, #tpu.memory_space<hbm>>, %arg4: memref<640x64xf32, #tpu.memory_space<hbm>>, %arg5: memref<20480x64xf32, #tpu.memory_space<hbm>>, %arg6: memref<80x128xi32, #tpu.memory_space<vmem>>, %arg7: memref<80x128xi32, #tpu.memory_space<vmem>>, %arg8: memref<128x64xf32, #tpu.memory_space<vmem>>, %arg9: memref<128x64xf32, #tpu.memory_space<vmem>>, %arg10: memref<10240x64xf32, #tpu.memory_space<vmem_shared>>, %arg11: memref<10240x64xf32, #tpu.memory_space<vmem_shared>>, %arg12: memref<!tpu.dma_semaphore, #tpu.memory_space<semaphore_mem>>, %arg13: memref<!tpu.dma_semaphore, #tpu.memory_space<semaphore_mem>>, %arg14: memref<!tpu.dma_semaphore, #tpu.memory_space<semaphore_mem>>, %arg15: memref<!tpu.dma_semaphore, #tpu.memory_space<semaphore_mem>>) attributes {dimension_semantics = [#tpu.dimension_semantics<core_parallel>, #tpu.dimension_semantics<subcore_parallel>], iteration_bounds = array<i64: 2, 16>, scalar_prefetch = 0 : i64, scratch_operands = 10 : i64, tpu.core_type = #tpu.core_type<sc_vector_subcore>, window_params = [{transform_indices = #map}, {transform_indices = #map1}, {transform_indices = #map}, {transform_indices = #map}]} {
    %mul3A = arith.constant 2 : i32
    %mul3A_0 = arith.muli %arg1, %mul3A : i32
    %add3A = arith.addi %mul3A_0, %arg0 : i32
    "tpu.region"() ({
      %run_scoped3A = tpu.sem_alloc : memref<!tpu.dma_semaphore, #tpu.memory_space<semaphore_mem>>
      %dma_start3A_56 = arith.constant 0 : i32
      %dma_start3A_57 = arith.constant 0 : i32
      %dma_start3A_58 = tpu.memref_slice %arg3[%add3A, %dma_start3A_56, %dma_start3A_57] : memref<32x80x128xi32, #tpu.memory_space<hbm>> -> memref<1x80x128xi32, #tpu.memory_space<hbm>>
      %dma_start3A_59 = tpu.memref_squeeze %dma_start3A_58 : memref<1x80x128xi32, #tpu.memory_space<hbm>> -> memref<80x128xi32, #tpu.memory_space<hbm>>
      %dma_start3A_60 = arith.constant 0 : i32
      %dma_start3A_61 = arith.constant 0 : i32
      %dma_start3A_62 = tpu.memref_slice %arg3[%add3A, %dma_start3A_60, %dma_start3A_61] : memref<32x80x128xi32, #tpu.memory_space<hbm>> -> memref<1x80x128xi32, #tpu.memory_space<hbm>>
      %dma_start3A_63 = tpu.memref_squeeze %dma_start3A_62 : memref<1x80x128xi32, #tpu.memory_space<hbm>> -> memref<80x128xi32, #tpu.memory_space<hbm>>
      tpu.enqueue_dma source(%dma_start3A_63 : memref<80x128xi32, #tpu.memory_space<hbm>>) target(%arg6 : memref<80x128xi32, #tpu.memory_space<vmem>>) target_semaphore(%run_scoped3A : memref<!tpu.dma_semaphore, #tpu.memory_space<semaphore_mem>>)
      %dma_wait3A_64 = arith.constant 0 : i32
      %dma_wait3A_65 = arith.constant 0 : i32
      %dma_wait3A_66 = tpu.memref_slice %arg3[%add3A, %dma_wait3A_64, %dma_wait3A_65] : memref<32x80x128xi32, #tpu.memory_space<hbm>> -> memref<1x80x128xi32, #tpu.memory_space<hbm>>
      %dma_wait3A_67 = tpu.memref_squeeze %dma_wait3A_66 : memref<1x80x128xi32, #tpu.memory_space<hbm>> -> memref<80x128xi32, #tpu.memory_space<hbm>>
      %dma_wait3A_68 = arith.constant 0 : i32
      %dma_wait3A_69 = arith.constant 0 : i32
      %dma_wait3A_70 = tpu.memref_slice %arg3[%add3A, %dma_wait3A_68, %dma_wait3A_69] : memref<32x80x128xi32, #tpu.memory_space<hbm>> -> memref<1x80x128xi32, #tpu.memory_space<hbm>>
      %dma_wait3A_71 = tpu.memref_squeeze %dma_wait3A_70 : memref<1x80x128xi32, #tpu.memory_space<hbm>> -> memref<80x128xi32, #tpu.memory_space<hbm>>
      tpu.wait_dma2 semaphore(%run_scoped3A : memref<!tpu.dma_semaphore, #tpu.memory_space<semaphore_mem>>) src(%dma_wait3A_71 : memref<80x128xi32, #tpu.memory_space<hbm>>) dst(%arg6 : memref<80x128xi32, #tpu.memory_space<vmem>>)
      tpu.yield
    }) : () -> ()
    %eq3A = arith.constant 0 : i32
    %eq3A_1 = arith.cmpi eq, %arg0, %eq3A : i32
    %convert_element_type3A = arith.extui %eq3A_1 : i1 to i32
    %cond3A = arith.constant 0 : i32
    %cond3A_2 = arith.cmpi ne, %convert_element_type3A, %cond3A : i32
    scf.if %cond3A_2 {
      %mul3A_56 = arith.constant 640 : i32
      %mul3A_57 = arith.muli %arg1, %mul3A_56 : i32
      %mul3A_58 = arith.constant 640 : i32
      %mul3A_59 = arith.muli %arg1, %mul3A_58 : i32
      "tpu.region"() ({
        %run_scoped3A = tpu.sem_alloc : memref<!tpu.dma_semaphore, #tpu.memory_space<semaphore_mem>>
        %dma_start3A_60 = arith.constant 0 : i32
        %dma_start3A_61 = tpu.memref_slice %arg10[%mul3A_59, %dma_start3A_60] : memref<10240x64xf32, #tpu.memory_space<vmem_shared>> -> memref<640x64xf32, #tpu.memory_space<vmem_shared>>
        %dma_start3A_62 = arith.constant 0 : i32
        %dma_start3A_63 = tpu.memref_slice %arg2[%mul3A_57, %dma_start3A_62] : memref<10240x64xf32, #tpu.memory_space<hbm>> -> memref<640x64xf32, #tpu.memory_space<hbm>>
        tpu.enqueue_dma source(%dma_start3A_63 : memref<640x64xf32, #tpu.memory_space<hbm>>) target(%dma_start3A_61 : memref<640x64xf32, #tpu.memory_space<vmem_shared>>) target_semaphore(%run_scoped3A : memref<!tpu.dma_semaphore, #tpu.memory_space<semaphore_mem>>)
        %dma_wait3A_64 = arith.constant 0 : i32
        %dma_wait3A_65 = tpu.memref_slice %arg10[%mul3A_59, %dma_wait3A_64] : memref<10240x64xf32, #tpu.memory_space<vmem_shared>> -> memref<640x64xf32, #tpu.memory_space<vmem_shared>>
        %dma_wait3A_66 = arith.constant 0 : i32
        %dma_wait3A_67 = tpu.memref_slice %arg2[%mul3A_57, %dma_wait3A_66] : memref<10240x64xf32, #tpu.memory_space<hbm>> -> memref<640x64xf32, #tpu.memory_space<hbm>>
        tpu.wait_dma2 semaphore(%run_scoped3A : memref<!tpu.dma_semaphore, #tpu.memory_space<semaphore_mem>>) src(%dma_wait3A_67 : memref<640x64xf32, #tpu.memory_space<hbm>>) dst(%dma_wait3A_65 : memref<640x64xf32, #tpu.memory_space<vmem_shared>>)
        tpu.yield
      }) : () -> ()
    } else {
    }
    %ne3A = arith.constant 0 : i32
    %ne3A_3 = arith.cmpi ne, %arg0, %ne3A : i32
    %convert_element_type3A_4 = arith.extui %ne3A_3 : i1 to i32
    %cond3A_5 = arith.constant 0 : i32
    %cond3A_6 = arith.cmpi ne, %convert_element_type3A_4, %cond3A_5 : i32
    scf.if %cond3A_6 {
      %mul3A_56 = arith.constant 640 : i32
      %mul3A_57 = arith.muli %arg1, %mul3A_56 : i32
      "tpu.region"() ({
        %run_scoped3A = tpu.sem_alloc : memref<!tpu.dma_semaphore, #tpu.memory_space<semaphore_mem>>
        %dma_start3A_58 = arith.constant 0 : i32
        %dma_start3A_59 = tpu.memref_slice %arg10[%mul3A_57, %dma_start3A_58] : memref<10240x64xf32, #tpu.memory_space<vmem_shared>> -> memref<640x64xf32, #tpu.memory_space<vmem_shared>>
        tpu.enqueue_dma source(%arg4 : memref<640x64xf32, #tpu.memory_space<hbm>>) target(%dma_start3A_59 : memref<640x64xf32, #tpu.memory_space<vmem_shared>>) target_semaphore(%run_scoped3A : memref<!tpu.dma_semaphore, #tpu.memory_space<semaphore_mem>>)
        %dma_wait3A_60 = arith.constant 0 : i32
        %dma_wait3A_61 = tpu.memref_slice %arg10[%mul3A_57, %dma_wait3A_60] : memref<10240x64xf32, #tpu.memory_space<vmem_shared>> -> memref<640x64xf32, #tpu.memory_space<vmem_shared>>
        tpu.wait_dma2 semaphore(%run_scoped3A : memref<!tpu.dma_semaphore, #tpu.memory_space<semaphore_mem>>) src(%arg4 : memref<640x64xf32, #tpu.memory_space<hbm>>) dst(%dma_wait3A_61 : memref<640x64xf32, #tpu.memory_space<vmem_shared>>)
        tpu.yield
      }) : () -> ()
    } else {
    }
    %mul3A_7 = arith.constant 640 : i32
    %mul3A_8 = arith.muli %arg1, %mul3A_7 : i32
    %mul3A_9 = arith.constant 640 : i32
    %mul3A_10 = arith.muli %arg1, %mul3A_9 : i32
    "tpu.region"() ({
      %run_scoped3A = tpu.sem_alloc : memref<!tpu.dma_semaphore, #tpu.memory_space<semaphore_mem>>
      %dma_start3A_56 = arith.constant 0 : i32
      %dma_start3A_57 = tpu.memref_slice %arg11[%mul3A_10, %dma_start3A_56] : memref<10240x64xf32, #tpu.memory_space<vmem_shared>> -> memref<640x64xf32, #tpu.memory_space<vmem_shared>>
      %dma_start3A_58 = arith.constant 0 : i32
      %dma_start3A_59 = tpu.memref_slice %arg2[%mul3A_8, %dma_start3A_58] : memref<10240x64xf32, #tpu.memory_space<hbm>> -> memref<640x64xf32, #tpu.memory_space<hbm>>
      tpu.enqueue_dma source(%dma_start3A_59 : memref<640x64xf32, #tpu.memory_space<hbm>>) target(%dma_start3A_57 : memref<640x64xf32, #tpu.memory_space<vmem_shared>>) target_semaphore(%run_scoped3A : memref<!tpu.dma_semaphore, #tpu.memory_space<semaphore_mem>>)
      %dma_wait3A_60 = arith.constant 0 : i32
      %dma_wait3A_61 = tpu.memref_slice %arg11[%mul3A_10, %dma_wait3A_60] : memref<10240x64xf32, #tpu.memory_space<vmem_shared>> -> memref<640x64xf32, #tpu.memory_space<vmem_shared>>
      %dma_wait3A_62 = arith.constant 0 : i32
      %dma_wait3A_63 = tpu.memref_slice %arg2[%mul3A_8, %dma_wait3A_62] : memref<10240x64xf32, #tpu.memory_space<hbm>> -> memref<640x64xf32, #tpu.memory_space<hbm>>
      tpu.wait_dma2 semaphore(%run_scoped3A : memref<!tpu.dma_semaphore, #tpu.memory_space<semaphore_mem>>) src(%dma_wait3A_63 : memref<640x64xf32, #tpu.memory_space<hbm>>) dst(%dma_wait3A_61 : memref<640x64xf32, #tpu.memory_space<vmem_shared>>)
      tpu.yield
    }) : () -> ()
    %scan3A = arith.constant 0 : i32
    %scan3A_11 = arith.constant 0 : i32
    %scan3A_12 = arith.constant 80 : i32
    %scan3A_13 = arith.addi %scan3A_11, %scan3A_12 : i32
    %scan3A_14 = arith.constant 1 : i32
    scf.for %scan3A_56 = %scan3A_11 to %scan3A_13 step %scan3A_14  : i32 {
      %get3A = arith.index_cast %scan3A_56 : i32 to index
      %get3A_57 = arith.constant 0 : index
      %get3A_58 = tpu.vector_load %arg6[%get3A, %get3A_57] {strides = array<i32>} : memref<80x128xi32, #tpu.memory_space<vmem>>, vector<1x16xi32>,
      %get3A_59 = vector.shape_cast %get3A_58 : vector<1x16xi32> to vector<16xi32>
      %shift_right_logical3A = arith.constant 14 : i32
      %shift_right_logical3A_60 = vector.broadcast %shift_right_logical3A : i32 to vector<16xi32>
      %shift_right_logical3A_61 = arith.shrui %get3A_59, %shift_right_logical3A_60 : vector<16xi32>
      %swap3A = arith.index_cast %scan3A_56 : i32 to index
      %swap3A_62 = arith.constant 0 : index
      %swap3A_63 = tpu.vector_load %arg7[%swap3A, %swap3A_62] {strides = array<i32>} : memref<80x128xi32, #tpu.memory_space<vmem>>, vector<1x16xi32>,
      %swap3A_64 = vector.shape_cast %swap3A_63 : vector<1x16xi32> to vector<16xi32>
      %swap3A_65 = vector.shape_cast %shift_right_logical3A_61 : vector<16xi32> to vector<1x16xi32>
      tpu.vector_store %arg7[%swap3A, %swap3A_62], %swap3A_65 {strides = array<i32>} : memref<80x128xi32, #tpu.memory_space<vmem>>, vector<1x16xi32>,
      %and3A = arith.constant 16383 : i32
      %and3A_66 = vector.broadcast %and3A : i32 to vector<16xi32>
      %and3A_67 = arith.andi %get3A_59, %and3A_66 : vector<16xi32>
      %swap3A_68 = arith.index_cast %scan3A_56 : i32 to index
      %swap3A_69 = arith.constant 0 : index
      %swap3A_70 = tpu.vector_load %arg6[%swap3A_68, %swap3A_69] {strides = array<i32>} : memref<80x128xi32, #tpu.memory_space<vmem>>, vector<1x16xi32>,
      %swap3A_71 = vector.shape_cast %swap3A_70 : vector<1x16xi32> to vector<16xi32>
      %swap3A_72 = vector.shape_cast %and3A_67 : vector<16xi32> to vector<1x16xi32>
      tpu.vector_store %arg6[%swap3A_68, %swap3A_69], %swap3A_72 {strides = array<i32>} : memref<80x128xi32, #tpu.memory_space<vmem>>, vector<1x16xi32>,
      %get3A_73 = arith.index_cast %scan3A_56 : i32 to index
      %get3A_74 = arith.constant 16 : index
      %get3A_75 = tpu.vector_load %arg6[%get3A_73, %get3A_74] {strides = array<i32>} : memref<80x128xi32, #tpu.memory_space<vmem>>, vector<1x16xi32>,
      %get3A_76 = vector.shape_cast %get3A_75 : vector<1x16xi32> to vector<16xi32>
      %shift_right_logical3A_77 = arith.constant 14 : i32
      %shift_right_logical3A_78 = vector.broadcast %shift_right_logical3A_77 : i32 to vector<16xi32>
      %shift_right_logical3A_79 = arith.shrui %get3A_76, %shift_right_logical3A_78 : vector<16xi32>
      %swap3A_80 = arith.index_cast %scan3A_56 : i32 to index
      %swap3A_81 = arith.constant 16 : index
      %swap3A_82 = tpu.vector_load %arg7[%swap3A_80, %swap3A_81] {strides = array<i32>} : memref<80x128xi32, #tpu.memory_space<vmem>>, vector<1x16xi32>,
      %swap3A_83 = vector.shape_cast %swap3A_82 : vector<1x16xi32> to vector<16xi32>
      %swap3A_84 = vector.shape_cast %shift_right_logical3A_79 : vector<16xi32> to vector<1x16xi32>
      tpu.vector_store %arg7[%swap3A_80, %swap3A_81], %swap3A_84 {strides = array<i32>} : memref<80x128xi32, #tpu.memory_space<vmem>>, vector<1x16xi32>,
      %and3A_85 = arith.constant 16383 : i32
      %and3A_86 = vector.broadcast %and3A_85 : i32 to vector<16xi32>
      %and3A_87 = arith.andi %get3A_76, %and3A_86 : vector<16xi32>
      %swap3A_88 = arith.index_cast %scan3A_56 : i32 to index
      %swap3A_89 = arith.constant 16 : index
      %swap3A_90 = tpu.vector_load %arg6[%swap3A_88, %swap3A_89] {strides = array<i32>} : memref<80x128xi32, #tpu.memory_space<vmem>>, vector<1x16xi32>,
      %swap3A_91 = vector.shape_cast %swap3A_90 : vector<1x16xi32> to vector<16xi32>
      %swap3A_92 = vector.shape_cast %and3A_87 : vector<16xi32> to vector<1x16xi32>
      tpu.vector_store %arg6[%swap3A_88, %swap3A_89], %swap3A_92 {strides = array<i32>} : memref<80x128xi32, #tpu.memory_space<vmem>>, vector<1x16xi32>,
      %get3A_93 = arith.index_cast %scan3A_56 : i32 to index
      %get3A_94 = arith.constant 32 : index
      %get3A_95 = tpu.vector_load %arg6[%get3A_93, %get3A_94] {strides = array<i32>} : memref<80x128xi32, #tpu.memory_space<vmem>>, vector<1x16xi32>,
      %get3A_96 = vector.shape_cast %get3A_95 : vector<1x16xi32> to vector<16xi32>
      %shift_right_logical3A_97 = arith.constant 14 : i32
      %shift_right_logical3A_98 = vector.broadcast %shift_right_logical3A_97 : i32 to vector<16xi32>
      %shift_right_logical3A_99 = arith.shrui %get3A_96, %shift_right_logical3A_98 : vector<16xi32>
      %swap3A_100 = arith.index_cast %scan3A_56 : i32 to index
      %swap3A_101 = arith.constant 32 : index
      %swap3A_102 = tpu.vector_load %arg7[%swap3A_100, %swap3A_101] {strides = array<i32>} : memref<80x128xi32, #tpu.memory_space<vmem>>, vector<1x16xi32>,
      %swap3A_103 = vector.shape_cast %swap3A_102 : vector<1x16xi32> to vector<16xi32>
      %swap3A_104 = vector.shape_cast %shift_right_logical3A_99 : vector<16xi32> to vector<1x16xi32>
      tpu.vector_store %arg7[%swap3A_100, %swap3A_101], %swap3A_104 {strides = array<i32>} : memref<80x128xi32, #tpu.memory_space<vmem>>, vector<1x16xi32>,
      %and3A_105 = arith.constant 16383 : i32
      %and3A_106 = vector.broadcast %and3A_105 : i32 to vector<16xi32>
      %and3A_107 = arith.andi %get3A_96, %and3A_106 : vector<16xi32>
      %swap3A_108 = arith.index_cast %scan3A_56 : i32 to index
      %swap3A_109 = arith.constant 32 : index
      %swap3A_110 = tpu.vector_load %arg6[%swap3A_108, %swap3A_109] {strides = array<i32>} : memref<80x128xi32, #tpu.memory_space<vmem>>, vector<1x16xi32>,
      %swap3A_111 = vector.shape_cast %swap3A_110 : vector<1x16xi32> to vector<16xi32>
      %swap3A_112 = vector.shape_cast %and3A_107 : vector<16xi32> to vector<1x16xi32>
      tpu.vector_store %arg6[%swap3A_108, %swap3A_109], %swap3A_112 {strides = array<i32>} : memref<80x128xi32, #tpu.memory_space<vmem>>, vector<1x16xi32>,
      %get3A_113 = arith.index_cast %scan3A_56 : i32 to index
      %get3A_114 = arith.constant 48 : index
      %get3A_115 = tpu.vector_load %arg6[%get3A_113, %get3A_114] {strides = array<i32>} : memref<80x128xi32, #tpu.memory_space<vmem>>, vector<1x16xi32>,
      %get3A_116 = vector.shape_cast %get3A_115 : vector<1x16xi32> to vector<16xi32>
      %shift_right_logical3A_117 = arith.constant 14 : i32
      %shift_right_logical3A_118 = vector.broadcast %shift_right_logical3A_117 : i32 to vector<16xi32>
      %shift_right_logical3A_119 = arith.shrui %get3A_116, %shift_right_logical3A_118 : vector<16xi32>
      %swap3A_120 = arith.index_cast %scan3A_56 : i32 to index
      %swap3A_121 = arith.constant 48 : index
      %swap3A_122 = tpu.vector_load %arg7[%swap3A_120, %swap3A_121] {strides = array<i32>} : memref<80x128xi32, #tpu.memory_space<vmem>>, vector<1x16xi32>,
      %swap3A_123 = vector.shape_cast %swap3A_122 : vector<1x16xi32> to vector<16xi32>
      %swap3A_124 = vector.shape_cast %shift_right_logical3A_119 : vector<16xi32> to vector<1x16xi32>
      tpu.vector_store %arg7[%swap3A_120, %swap3A_121], %swap3A_124 {strides = array<i32>} : memref<80x128xi32, #tpu.memory_space<vmem>>, vector<1x16xi32>,
      %and3A_125 = arith.constant 16383 : i32
      %and3A_126 = vector.broadcast %and3A_125 : i32 to vector<16xi32>
      %and3A_127 = arith.andi %get3A_116, %and3A_126 : vector<16xi32>
      %swap3A_128 = arith.index_cast %scan3A_56 : i32 to index
      %swap3A_129 = arith.constant 48 : index
      %swap3A_130 = tpu.vector_load %arg6[%swap3A_128, %swap3A_129] {strides = array<i32>} : memref<80x128xi32, #tpu.memory_space<vmem>>, vector<1x16xi32>,
      %swap3A_131 = vector.shape_cast %swap3A_130 : vector<1x16xi32> to vector<16xi32>
      %swap3A_132 = vector.shape_cast %and3A_127 : vector<16xi32> to vector<1x16xi32>
      tpu.vector_store %arg6[%swap3A_128, %swap3A_129], %swap3A_132 {strides = array<i32>} : memref<80x128xi32, #tpu.memory_space<vmem>>, vector<1x16xi32>,
      %get3A_133 = arith.index_cast %scan3A_56 : i32 to index
      %get3A_134 = arith.constant 64 : index
      %get3A_135 = tpu.vector_load %arg6[%get3A_133, %get3A_134] {strides = array<i32>} : memref<80x128xi32, #tpu.memory_space<vmem>>, vector<1x16xi32>,
      %get3A_136 = vector.shape_cast %get3A_135 : vector<1x16xi32> to vector<16xi32>
      %shift_right_logical3A_137 = arith.constant 14 : i32
      %shift_right_logical3A_138 = vector.broadcast %shift_right_logical3A_137 : i32 to vector<16xi32>
      %shift_right_logical3A_139 = arith.shrui %get3A_136, %shift_right_logical3A_138 : vector<16xi32>
      %swap3A_140 = arith.index_cast %scan3A_56 : i32 to index
      %swap3A_141 = arith.constant 64 : index
      %swap3A_142 = tpu.vector_load %arg7[%swap3A_140, %swap3A_141] {strides = array<i32>} : memref<80x128xi32, #tpu.memory_space<vmem>>, vector<1x16xi32>,
      %swap3A_143 = vector.shape_cast %swap3A_142 : vector<1x16xi32> to vector<16xi32>
      %swap3A_144 = vector.shape_cast %shift_right_logical3A_139 : vector<16xi32> to vector<1x16xi32>
      tpu.vector_store %arg7[%swap3A_140, %swap3A_141], %swap3A_144 {strides = array<i32>} : memref<80x128xi32, #tpu.memory_space<vmem>>, vector<1x16xi32>,
      %and3A_145 = arith.constant 16383 : i32
      %and3A_146 = vector.broadcast %and3A_145 : i32 to vector<16xi32>
      %and3A_147 = arith.andi %get3A_136, %and3A_146 : vector<16xi32>
      %swap3A_148 = arith.index_cast %scan3A_56 : i32 to index
      %swap3A_149 = arith.constant 64 : index
      %swap3A_150 = tpu.vector_load %arg6[%swap3A_148, %swap3A_149] {strides = array<i32>} : memref<80x128xi32, #tpu.memory_space<vmem>>, vector<1x16xi32>,
      %swap3A_151 = vector.shape_cast %swap3A_150 : vector<1x16xi32> to vector<16xi32>
      %swap3A_152 = vector.shape_cast %and3A_147 : vector<16xi32> to vector<1x16xi32>
      tpu.vector_store %arg6[%swap3A_148, %swap3A_149], %swap3A_152 {strides = array<i32>} : memref<80x128xi32, #tpu.memory_space<vmem>>, vector<1x16xi32>,
      %get3A_153 = arith.index_cast %scan3A_56 : i32 to index
      %get3A_154 = arith.constant 80 : index
      %get3A_155 = tpu.vector_load %arg6[%get3A_153, %get3A_154] {strides = array<i32>} : memref<80x128xi32, #tpu.memory_space<vmem>>, vector<1x16xi32>,
      %get3A_156 = vector.shape_cast %get3A_155 : vector<1x16xi32> to vector<16xi32>
      %shift_right_logical3A_157 = arith.constant 14 : i32
      %shift_right_logical3A_158 = vector.broadcast %shift_right_logical3A_157 : i32 to vector<16xi32>
      %shift_right_logical3A_159 = arith.shrui %get3A_156, %shift_right_logical3A_158 : vector<16xi32>
      %swap3A_160 = arith.index_cast %scan3A_56 : i32 to index
      %swap3A_161 = arith.constant 80 : index
      %swap3A_162 = tpu.vector_load %arg7[%swap3A_160, %swap3A_161] {strides = array<i32>} : memref<80x128xi32, #tpu.memory_space<vmem>>, vector<1x16xi32>,
      %swap3A_163 = vector.shape_cast %swap3A_162 : vector<1x16xi32> to vector<16xi32>
      %swap3A_164 = vector.shape_cast %shift_right_logical3A_159 : vector<16xi32> to vector<1x16xi32>
      tpu.vector_store %arg7[%swap3A_160, %swap3A_161], %swap3A_164 {strides = array<i32>} : memref<80x128xi32, #tpu.memory_space<vmem>>, vector<1x16xi32>,
      %and3A_165 = arith.constant 16383 : i32
      %and3A_166 = vector.broadcast %and3A_165 : i32 to vector<16xi32>
      %and3A_167 = arith.andi %get3A_156, %and3A_166 : vector<16xi32>
      %swap3A_168 = arith.index_cast %scan3A_56 : i32 to index
      %swap3A_169 = arith.constant 80 : index
      %swap3A_170 = tpu.vector_load %arg6[%swap3A_168, %swap3A_169] {strides = array<i32>} : memref<80x128xi32, #tpu.memory_space<vmem>>, vector<1x16xi32>,
      %swap3A_171 = vector.shape_cast %swap3A_170 : vector<1x16xi32> to vector<16xi32>
      %swap3A_172 = vector.shape_cast %and3A_167 : vector<16xi32> to vector<1x16xi32>
      tpu.vector_store %arg6[%swap3A_168, %swap3A_169], %swap3A_172 {strides = array<i32>} : memref<80x128xi32, #tpu.memory_space<vmem>>, vector<1x16xi32>,
      %get3A_173 = arith.index_cast %scan3A_56 : i32 to index
      %get3A_174 = arith.constant 96 : index
      %get3A_175 = tpu.vector_load %arg6[%get3A_173, %get3A_174] {strides = array<i32>} : memref<80x128xi32, #tpu.memory_space<vmem>>, vector<1x16xi32>,
      %get3A_176 = vector.shape_cast %get3A_175 : vector<1x16xi32> to vector<16xi32>
      %shift_right_logical3A_177 = arith.constant 14 : i32
      %shift_right_logical3A_178 = vector.broadcast %shift_right_logical3A_177 : i32 to vector<16xi32>
      %shift_right_logical3A_179 = arith.shrui %get3A_176, %shift_right_logical3A_178 : vector<16xi32>
      %swap3A_180 = arith.index_cast %scan3A_56 : i32 to index
      %swap3A_181 = arith.constant 96 : index
      %swap3A_182 = tpu.vector_load %arg7[%swap3A_180, %swap3A_181] {strides = array<i32>} : memref<80x128xi32, #tpu.memory_space<vmem>>, vector<1x16xi32>,
      %swap3A_183 = vector.shape_cast %swap3A_182 : vector<1x16xi32> to vector<16xi32>
      %swap3A_184 = vector.shape_cast %shift_right_logical3A_179 : vector<16xi32> to vector<1x16xi32>
      tpu.vector_store %arg7[%swap3A_180, %swap3A_181], %swap3A_184 {strides = array<i32>} : memref<80x128xi32, #tpu.memory_space<vmem>>, vector<1x16xi32>,
      %and3A_185 = arith.constant 16383 : i32
      %and3A_186 = vector.broadcast %and3A_185 : i32 to vector<16xi32>
      %and3A_187 = arith.andi %get3A_176, %and3A_186 : vector<16xi32>
      %swap3A_188 = arith.index_cast %scan3A_56 : i32 to index
      %swap3A_189 = arith.constant 96 : index
      %swap3A_190 = tpu.vector_load %arg6[%swap3A_188, %swap3A_189] {strides = array<i32>} : memref<80x128xi32, #tpu.memory_space<vmem>>, vector<1x16xi32>,
      %swap3A_191 = vector.shape_cast %swap3A_190 : vector<1x16xi32> to vector<16xi32>
      %swap3A_192 = vector.shape_cast %and3A_187 : vector<16xi32> to vector<1x16xi32>
      tpu.vector_store %arg6[%swap3A_188, %swap3A_189], %swap3A_192 {strides = array<i32>} : memref<80x128xi32, #tpu.memory_space<vmem>>, vector<1x16xi32>,
      %get3A_193 = arith.index_cast %scan3A_56 : i32 to index
      %get3A_194 = arith.constant 112 : index
      %get3A_195 = tpu.vector_load %arg6[%get3A_193, %get3A_194] {strides = array<i32>} : memref<80x128xi32, #tpu.memory_space<vmem>>, vector<1x16xi32>,
      %get3A_196 = vector.shape_cast %get3A_195 : vector<1x16xi32> to vector<16xi32>
      %shift_right_logical3A_197 = arith.constant 14 : i32
      %shift_right_logical3A_198 = vector.broadcast %shift_right_logical3A_197 : i32 to vector<16xi32>
      %shift_right_logical3A_199 = arith.shrui %get3A_196, %shift_right_logical3A_198 : vector<16xi32>
      %swap3A_200 = arith.index_cast %scan3A_56 : i32 to index
      %swap3A_201 = arith.constant 112 : index
      %swap3A_202 = tpu.vector_load %arg7[%swap3A_200, %swap3A_201] {strides = array<i32>} : memref<80x128xi32, #tpu.memory_space<vmem>>, vector<1x16xi32>,
      %swap3A_203 = vector.shape_cast %swap3A_202 : vector<1x16xi32> to vector<16xi32>
      %swap3A_204 = vector.shape_cast %shift_right_logical3A_199 : vector<16xi32> to vector<1x16xi32>
      tpu.vector_store %arg7[%swap3A_200, %swap3A_201], %swap3A_204 {strides = array<i32>} : memref<80x128xi32, #tpu.memory_space<vmem>>, vector<1x16xi32>,
      %and3A_205 = arith.constant 16383 : i32
      %and3A_206 = vector.broadcast %and3A_205 : i32 to vector<16xi32>
      %and3A_207 = arith.andi %get3A_196, %and3A_206 : vector<16xi32>
      %swap3A_208 = arith.index_cast %scan3A_56 : i32 to index
      %swap3A_209 = arith.constant 112 : index
      %swap3A_210 = tpu.vector_load %arg6[%swap3A_208, %swap3A_209] {strides = array<i32>} : memref<80x128xi32, #tpu.memory_space<vmem>>, vector<1x16xi32>,
      %swap3A_211 = vector.shape_cast %swap3A_210 : vector<1x16xi32> to vector<16xi32>
      %swap3A_212 = vector.shape_cast %and3A_207 : vector<16xi32> to vector<1x16xi32>
      tpu.vector_store %arg6[%swap3A_208, %swap3A_209], %swap3A_212 {strides = array<i32>} : memref<80x128xi32, #tpu.memory_space<vmem>>, vector<1x16xi32>,
    }
    %scan3A_15 = arith.constant 80 : i32
    %barrier3A = arith.constant 0 : index
    tpu.barrier barrier_id(%barrier3A)
    %dma_start3A = arith.constant 0 : i32
    %dma_start3A_16 = arith.constant 0 : i32
    %dma_start3A_17 = tpu.memref_slice %arg6[%dma_start3A, %dma_start3A_16] : memref<80x128xi32, #tpu.memory_space<vmem>> -> memref<1x128xi32, #tpu.memory_space<vmem>>
    %dma_start3A_18 = tpu.memref_squeeze %dma_start3A_17 : memref<1x128xi32, #tpu.memory_space<vmem>> -> memref<128xi32, #tpu.memory_space<vmem>>
    %dma_start3A_19 = arith.constant 0 : i32
    %dma_start3A_20 = arith.constant 0 : i32
    %dma_start3A_21 = tpu.memref_slice %arg11[%dma_start3A_19, %dma_start3A_20] : memref<10240x64xf32, #tpu.memory_space<vmem_shared>> -> memref<10240x64xf32, #tpu.memory_space<vmem_shared>>
    tpu.enqueue_indirect_dma source(%dma_start3A_21 : memref<10240x64xf32, #tpu.memory_space<vmem_shared>>) target(%arg8 : memref<128x64xf32, #tpu.memory_space<vmem>>) offsets(%dma_start3A_18 : memref<128xi32, #tpu.memory_space<vmem>>) semaphore(%arg12 : memref<!tpu.dma_semaphore, #tpu.memory_space<semaphore_mem>>)
    %dma_start3A_22 = arith.constant 1 : i32
    %dma_start3A_23 = arith.constant 0 : i32
    %dma_start3A_24 = tpu.memref_slice %arg6[%dma_start3A_22, %dma_start3A_23] : memref<80x128xi32, #tpu.memory_space<vmem>> -> memref<1x128xi32, #tpu.memory_space<vmem>>
    %dma_start3A_25 = tpu.memref_squeeze %dma_start3A_24 : memref<1x128xi32, #tpu.memory_space<vmem>> -> memref<128xi32, #tpu.memory_space<vmem>>
    %dma_start3A_26 = arith.constant 0 : i32
    %dma_start3A_27 = arith.constant 0 : i32
    %dma_start3A_28 = tpu.memref_slice %arg11[%dma_start3A_26, %dma_start3A_27] : memref<10240x64xf32, #tpu.memory_space<vmem_shared>> -> memref<10240x64xf32, #tpu.memory_space<vmem_shared>>
    tpu.enqueue_indirect_dma source(%dma_start3A_28 : memref<10240x64xf32, #tpu.memory_space<vmem_shared>>) target(%arg9 : memref<128x64xf32, #tpu.memory_space<vmem>>) offsets(%dma_start3A_25 : memref<128xi32, #tpu.memory_space<vmem>>) semaphore(%arg13 : memref<!tpu.dma_semaphore, #tpu.memory_space<semaphore_mem>>)
    %scan3A_29 = arith.constant 0 : i32
    %scan3A_30 = arith.constant 0 : i32
    %scan3A_31 = arith.constant 40 : i32
    %scan3A_32 = arith.addi %scan3A_30, %scan3A_31 : i32
    %scan3A_33 = arith.constant 1 : i32
    scf.for %scan3A_56 = %scan3A_30 to %scan3A_32 step %scan3A_33  : i32 {
      %mul3A_57 = arith.constant 2 : i32
      %mul3A_58 = arith.muli %mul3A_57, %scan3A_56 : i32
      %add3A_59 = arith.constant 0 : i32
      %add3A_60 = arith.addi %mul3A_58, %add3A_59 : i32
      %dma_wait3A_61 = arith.constant 0 : i32
      %dma_wait3A_62 = tpu.memref_slice %arg6[%add3A_60, %dma_wait3A_61] : memref<80x128xi32, #tpu.memory_space<vmem>> -> memref<1x128xi32, #tpu.memory_space<vmem>>
      %dma_wait3A_63 = tpu.memref_squeeze %dma_wait3A_62 : memref<1x128xi32, #tpu.memory_space<vmem>> -> memref<128xi32, #tpu.memory_space<vmem>>
      %dma_wait3A_64 = arith.constant 0 : i32
      %dma_wait3A_65 = arith.constant 0 : i32
      %dma_wait3A_66 = tpu.memref_slice %arg11[%dma_wait3A_64, %dma_wait3A_65] : memref<10240x64xf32, #tpu.memory_space<vmem_shared>> -> memref<10240x64xf32, #tpu.memory_space<vmem_shared>>
      tpu.wait_indirect_dma semaphore(%arg12 : memref<!tpu.dma_semaphore, #tpu.memory_space<semaphore_mem>>) src(%dma_wait3A_66 : memref<10240x64xf32, #tpu.memory_space<vmem_shared>>) dst(%arg8 : memref<128x64xf32, #tpu.memory_space<vmem>>)
      %add3A_67 = arith.constant 0 : i32
      %add3A_68 = arith.addi %mul3A_58, %add3A_67 : i32
      %dma_start3A_69 = arith.constant 0 : i32
      %dma_start3A_70 = tpu.memref_slice %arg7[%add3A_68, %dma_start3A_69] : memref<80x128xi32, #tpu.memory_space<vmem>> -> memref<1x128xi32, #tpu.memory_space<vmem>>
      %dma_start3A_71 = tpu.memref_squeeze %dma_start3A_70 : memref<1x128xi32, #tpu.memory_space<vmem>> -> memref<128xi32, #tpu.memory_space<vmem>>
      %dma_start3A_72 = arith.constant 0 : i32
      %dma_start3A_73 = arith.constant 0 : i32
      %dma_start3A_74 = tpu.memref_slice %arg10[%dma_start3A_72, %dma_start3A_73] : memref<10240x64xf32, #tpu.memory_space<vmem_shared>> -> memref<10240x64xf32, #tpu.memory_space<vmem_shared>>
      tpu.enqueue_indirect_dma source(%arg8 : memref<128x64xf32, #tpu.memory_space<vmem>>) target(%dma_start3A_74 : memref<10240x64xf32, #tpu.memory_space<vmem_shared>>) offsets(%dma_start3A_71 : memref<128xi32, #tpu.memory_space<vmem>>) semaphore(%arg14 : memref<!tpu.dma_semaphore, #tpu.memory_space<semaphore_mem>>) {add = true}
      %add3A_75 = arith.constant 1 : i32
      %add3A_76 = arith.addi %mul3A_58, %add3A_75 : i32
      %dma_wait3A_77 = arith.constant 0 : i32
      %dma_wait3A_78 = tpu.memref_slice %arg6[%add3A_76, %dma_wait3A_77] : memref<80x128xi32, #tpu.memory_space<vmem>> -> memref<1x128xi32, #tpu.memory_space<vmem>>
      %dma_wait3A_79 = tpu.memref_squeeze %dma_wait3A_78 : memref<1x128xi32, #tpu.memory_space<vmem>> -> memref<128xi32, #tpu.memory_space<vmem>>
      %dma_wait3A_80 = arith.constant 0 : i32
      %dma_wait3A_81 = arith.constant 0 : i32
      %dma_wait3A_82 = tpu.memref_slice %arg11[%dma_wait3A_80, %dma_wait3A_81] : memref<10240x64xf32, #tpu.memory_space<vmem_shared>> -> memref<10240x64xf32, #tpu.memory_space<vmem_shared>>
      tpu.wait_indirect_dma semaphore(%arg13 : memref<!tpu.dma_semaphore, #tpu.memory_space<semaphore_mem>>) src(%dma_wait3A_82 : memref<10240x64xf32, #tpu.memory_space<vmem_shared>>) dst(%arg9 : memref<128x64xf32, #tpu.memory_space<vmem>>)
      %add3A_83 = arith.constant 1 : i32
      %add3A_84 = arith.addi %mul3A_58, %add3A_83 : i32
      %dma_start3A_85 = arith.constant 0 : i32
      %dma_start3A_86 = tpu.memref_slice %arg7[%add3A_84, %dma_start3A_85] : memref<80x128xi32, #tpu.memory_space<vmem>> -> memref<1x128xi32, #tpu.memory_space<vmem>>
      %dma_start3A_87 = tpu.memref_squeeze %dma_start3A_86 : memref<1x128xi32, #tpu.memory_space<vmem>> -> memref<128xi32, #tpu.memory_space<vmem>>
      %dma_start3A_88 = arith.constant 0 : i32
      %dma_start3A_89 = arith.constant 0 : i32
      %dma_start3A_90 = tpu.memref_slice %arg10[%dma_start3A_88, %dma_start3A_89] : memref<10240x64xf32, #tpu.memory_space<vmem_shared>> -> memref<10240x64xf32, #tpu.memory_space<vmem_shared>>
      tpu.enqueue_indirect_dma source(%arg9 : memref<128x64xf32, #tpu.memory_space<vmem>>) target(%dma_start3A_90 : memref<10240x64xf32, #tpu.memory_space<vmem_shared>>) offsets(%dma_start3A_87 : memref<128xi32, #tpu.memory_space<vmem>>) semaphore(%arg15 : memref<!tpu.dma_semaphore, #tpu.memory_space<semaphore_mem>>) {add = true}
      %lt3A = arith.constant 39 : i32
      %lt3A_91 = arith.cmpi slt, %scan3A_56, %lt3A : i32
      %convert_element_type3A_92 = arith.extui %lt3A_91 : i1 to i32
      %cond3A_93 = arith.constant 0 : i32
      %cond3A_94 = arith.cmpi ne, %convert_element_type3A_92, %cond3A_93 : i32
      scf.if %cond3A_94 {
        %add3A_95 = arith.constant 0 : i32
        %add3A_96 = arith.addi %mul3A_58, %add3A_95 : i32
        %dma_wait3A_97 = arith.constant 0 : i32
        %dma_wait3A_98 = tpu.memref_slice %arg7[%add3A_96, %dma_wait3A_97] : memref<80x128xi32, #tpu.memory_space<vmem>> -> memref<1x128xi32, #tpu.memory_space<vmem>>
        %dma_wait3A_99 = tpu.memref_squeeze %dma_wait3A_98 : memref<1x128xi32, #tpu.memory_space<vmem>> -> memref<128xi32, #tpu.memory_space<vmem>>
        %dma_wait3A_100 = arith.constant 0 : i32
        %dma_wait3A_101 = arith.constant 0 : i32
        %dma_wait3A_102 = tpu.memref_slice %arg10[%dma_wait3A_100, %dma_wait3A_101] : memref<10240x64xf32, #tpu.memory_space<vmem_shared>> -> memref<10240x64xf32, #tpu.memory_space<vmem_shared>>
        tpu.wait_indirect_dma semaphore(%arg14 : memref<!tpu.dma_semaphore, #tpu.memory_space<semaphore_mem>>) src(%arg8 : memref<128x64xf32, #tpu.memory_space<vmem>>) dst(%dma_wait3A_102 : memref<10240x64xf32, #tpu.memory_space<vmem_shared>>)
        %add3A_103 = arith.constant 2 : i32
        %add3A_104 = arith.addi %mul3A_58, %add3A_103 : i32
        %add3A_105 = arith.constant 0 : i32
        %add3A_106 = arith.addi %add3A_104, %add3A_105 : i32
        %dma_start3A_107 = arith.constant 0 : i32
        %dma_start3A_108 = tpu.memref_slice %arg6[%add3A_106, %dma_start3A_107] : memref<80x128xi32, #tpu.memory_space<vmem>> -> memref<1x128xi32, #tpu.memory_space<vmem>>
        %dma_start3A_109 = tpu.memref_squeeze %dma_start3A_108 : memref<1x128xi32, #tpu.memory_space<vmem>> -> memref<128xi32, #tpu.memory_space<vmem>>
        %dma_start3A_110 = arith.constant 0 : i32
        %dma_start3A_111 = arith.constant 0 : i32
        %dma_start3A_112 = tpu.memref_slice %arg11[%dma_start3A_110, %dma_start3A_111] : memref<10240x64xf32, #tpu.memory_space<vmem_shared>> -> memref<10240x64xf32, #tpu.memory_space<vmem_shared>>
        tpu.enqueue_indirect_dma source(%dma_start3A_112 : memref<10240x64xf32, #tpu.memory_space<vmem_shared>>) target(%arg8 : memref<128x64xf32, #tpu.memory_space<vmem>>) offsets(%dma_start3A_109 : memref<128xi32, #tpu.memory_space<vmem>>) semaphore(%arg12 : memref<!tpu.dma_semaphore, #tpu.memory_space<semaphore_mem>>)
        %add3A_113 = arith.constant 1 : i32
        %add3A_114 = arith.addi %mul3A_58, %add3A_113 : i32
        %dma_wait3A_115 = arith.constant 0 : i32
        %dma_wait3A_116 = tpu.memref_slice %arg7[%add3A_114, %dma_wait3A_115] : memref<80x128xi32, #tpu.memory_space<vmem>> -> memref<1x128xi32, #tpu.memory_space<vmem>>
        %dma_wait3A_117 = tpu.memref_squeeze %dma_wait3A_116 : memref<1x128xi32, #tpu.memory_space<vmem>> -> memref<128xi32, #tpu.memory_space<vmem>>
        %dma_wait3A_118 = arith.constant 0 : i32
        %dma_wait3A_119 = arith.constant 0 : i32
        %dma_wait3A_120 = tpu.memref_slice %arg10[%dma_wait3A_118, %dma_wait3A_119] : memref<10240x64xf32, #tpu.memory_space<vmem_shared>> -> memref<10240x64xf32, #tpu.memory_space<vmem_shared>>
        tpu.wait_indirect_dma semaphore(%arg15 : memref<!tpu.dma_semaphore, #tpu.memory_space<semaphore_mem>>) src(%arg9 : memref<128x64xf32, #tpu.memory_space<vmem>>) dst(%dma_wait3A_120 : memref<10240x64xf32, #tpu.memory_space<vmem_shared>>)
        %add3A_121 = arith.constant 2 : i32
        %add3A_122 = arith.addi %mul3A_58, %add3A_121 : i32
        %add3A_123 = arith.constant 1 : i32
        %add3A_124 = arith.addi %add3A_122, %add3A_123 : i32
        %dma_start3A_125 = arith.constant 0 : i32
        %dma_start3A_126 = tpu.memref_slice %arg6[%add3A_124, %dma_start3A_125] : memref<80x128xi32, #tpu.memory_space<vmem>> -> memref<1x128xi32, #tpu.memory_space<vmem>>
        %dma_start3A_127 = tpu.memref_squeeze %dma_start3A_126 : memref<1x128xi32, #tpu.memory_space<vmem>> -> memref<128xi32, #tpu.memory_space<vmem>>
        %dma_start3A_128 = arith.constant 0 : i32
        %dma_start3A_129 = arith.constant 0 : i32
        %dma_start3A_130 = tpu.memref_slice %arg11[%dma_start3A_128, %dma_start3A_129] : memref<10240x64xf32, #tpu.memory_space<vmem_shared>> -> memref<10240x64xf32, #tpu.memory_space<vmem_shared>>
        tpu.enqueue_indirect_dma source(%dma_start3A_130 : memref<10240x64xf32, #tpu.memory_space<vmem_shared>>) target(%arg9 : memref<128x64xf32, #tpu.memory_space<vmem>>) offsets(%dma_start3A_127 : memref<128xi32, #tpu.memory_space<vmem>>) semaphore(%arg13 : memref<!tpu.dma_semaphore, #tpu.memory_space<semaphore_mem>>)
      } else {
      }
    }
    %scan3A_34 = arith.constant 40 : i32
    %dma_wait3A = arith.constant 78 : i32
    %dma_wait3A_35 = arith.constant 0 : i32
    %dma_wait3A_36 = tpu.memref_slice %arg7[%dma_wait3A, %dma_wait3A_35] : memref<80x128xi32, #tpu.memory_space<vmem>> -> memref<1x128xi32, #tpu.memory_space<vmem>>
    %dma_wait3A_37 = tpu.memref_squeeze %dma_wait3A_36 : memref<1x128xi32, #tpu.memory_space<vmem>> -> memref<128xi32, #tpu.memory_space<vmem>>
    %dma_wait3A_38 = arith.constant 0 : i32
    %dma_wait3A_39 = arith.constant 0 : i32
    %dma_wait3A_40 = tpu.memref_slice %arg10[%dma_wait3A_38, %dma_wait3A_39] : memref<10240x64xf32, #tpu.memory_space<vmem_shared>> -> memref<10240x64xf32, #tpu.memory_space<vmem_shared>>
    tpu.wait_indirect_dma semaphore(%arg14 : memref<!tpu.dma_semaphore, #tpu.memory_space<semaphore_mem>>) src(%arg8 : memref<128x64xf32, #tpu.memory_space<vmem>>) dst(%dma_wait3A_40 : memref<10240x64xf32, #tpu.memory_space<vmem_shared>>)
    %dma_wait3A_41 = arith.constant 79 : i32
    %dma_wait3A_42 = arith.constant 0 : i32
    %dma_wait3A_43 = tpu.memref_slice %arg7[%dma_wait3A_41, %dma_wait3A_42] : memref<80x128xi32, #tpu.memory_space<vmem>> -> memref<1x128xi32, #tpu.memory_space<vmem>>
    %dma_wait3A_44 = tpu.memref_squeeze %dma_wait3A_43 : memref<1x128xi32, #tpu.memory_space<vmem>> -> memref<128xi32, #tpu.memory_space<vmem>>
    %dma_wait3A_45 = arith.constant 0 : i32
    %dma_wait3A_46 = arith.constant 0 : i32
    %dma_wait3A_47 = tpu.memref_slice %arg10[%dma_wait3A_45, %dma_wait3A_46] : memref<10240x64xf32, #tpu.memory_space<vmem_shared>> -> memref<10240x64xf32, #tpu.memory_space<vmem_shared>>
    tpu.wait_indirect_dma semaphore(%arg15 : memref<!tpu.dma_semaphore, #tpu.memory_space<semaphore_mem>>) src(%arg9 : memref<128x64xf32, #tpu.memory_space<vmem>>) dst(%dma_wait3A_47 : memref<10240x64xf32, #tpu.memory_space<vmem_shared>>)
    %barrier3A_48 = arith.constant 0 : index
    tpu.barrier barrier_id(%barrier3A_48)
    %mul3A_49 = arith.constant 640 : i32
    %mul3A_50 = arith.muli %arg1, %mul3A_49 : i32
    %mul3A_51 = arith.constant 10240 : i32
    %mul3A_52 = arith.muli %arg0, %mul3A_51 : i32
    %mul3A_53 = arith.constant 640 : i32
    %mul3A_54 = arith.muli %arg1, %mul3A_53 : i32
    %add3A_55 = arith.addi %mul3A_52, %mul3A_54 : i32
    "tpu.region"() ({
      %run_scoped3A = tpu.sem_alloc : memref<!tpu.dma_semaphore, #tpu.memory_space<semaphore_mem>>
      %dma_start3A_56 = arith.constant 0 : i32
      %dma_start3A_57 = tpu.memref_slice %arg5[%add3A_55, %dma_start3A_56] : memref<20480x64xf32, #tpu.memory_space<hbm>> -> memref<640x64xf32, #tpu.memory_space<hbm>>
      %dma_start3A_58 = arith.constant 0 : i32
      %dma_start3A_59 = tpu.memref_slice %arg10[%mul3A_50, %dma_start3A_58] : memref<10240x64xf32, #tpu.memory_space<vmem_shared>> -> memref<640x64xf32, #tpu.memory_space<vmem_shared>>
      tpu.enqueue_dma source(%dma_start3A_59 : memref<640x64xf32, #tpu.memory_space<vmem_shared>>) target(%dma_start3A_57 : memref<640x64xf32, #tpu.memory_space<hbm>>) target_semaphore(%run_scoped3A : memref<!tpu.dma_semaphore, #tpu.memory_space<semaphore_mem>>)
      %dma_wait3A_60 = arith.constant 0 : i32
      %dma_wait3A_61 = tpu.memref_slice %arg5[%add3A_55, %dma_wait3A_60] : memref<20480x64xf32, #tpu.memory_space<hbm>> -> memref<640x64xf32, #tpu.memory_space<hbm>>
      %dma_wait3A_62 = arith.constant 0 : i32
      %dma_wait3A_63 = tpu.memref_slice %arg10[%mul3A_50, %dma_wait3A_62] : memref<10240x64xf32, #tpu.memory_space<vmem_shared>> -> memref<640x64xf32, #tpu.memory_space<vmem_shared>>
      tpu.wait_dma2 semaphore(%run_scoped3A : memref<!tpu.dma_semaphore, #tpu.memory_space<semaphore_mem>>) src(%dma_wait3A_63 : memref<640x64xf32, #tpu.memory_space<vmem_shared>>) dst(%dma_wait3A_61 : memref<640x64xf32, #tpu.memory_space<hbm>>)
      tpu.yield
    }) : () -> ()
    return
  }
}

#map = affine_map<(d0, d1) -> (0, 0)>
#map1 = affine_map<(d0, d1) -> (0, 0, 0)>
module attributes {stable_mosaic.version = 14 : i64} {
  func.func @gs_kernel(%arg0: i32, %arg1: i32, %arg2: memref<10240x64xf32, #tpu.memory_space<hbm>>, %arg3: memref<32x80x128xi32, #tpu.memory_space<hbm>>, %arg4: memref<640x64xf32, #tpu.memory_space<hbm>>, %arg5: memref<20480x64xf32, #tpu.memory_space<hbm>>, %arg6: memref<80x128xi32, #tpu.memory_space<vmem>>, %arg7: memref<80x128xi32, #tpu.memory_space<vmem>>, %arg8: memref<128x64xf32, #tpu.memory_space<vmem>>, %arg9: memref<128x64xf32, #tpu.memory_space<vmem>>, %arg10: memref<10240x64xf32, #tpu.memory_space<vmem_shared>>, %arg11: memref<10240x64xf32, #tpu.memory_space<vmem_shared>>, %arg12: memref<!tpu.dma_semaphore, #tpu.memory_space<semaphore_mem>>, %arg13: memref<!tpu.dma_semaphore, #tpu.memory_space<semaphore_mem>>, %arg14: memref<!tpu.dma_semaphore, #tpu.memory_space<semaphore_mem>>, %arg15: memref<!tpu.dma_semaphore, #tpu.memory_space<semaphore_mem>>) attributes {dimension_semantics = [#tpu.dimension_semantics<core_parallel>, #tpu.dimension_semantics<subcore_parallel>], iteration_bounds = array<i64: 2, 16>, scalar_prefetch = 0 : i64, scratch_operands = 10 : i64, tpu.core_type = #tpu.core_type<sc_vector_subcore>, window_params = [{transform_indices = #map}, {transform_indices = #map1}, {transform_indices = #map}, {transform_indices = #map}]} {
    %mul3A = arith.constant 2 : i32
    %mul3A_0 = arith.muli %arg1, %mul3A : i32
    %add3A = arith.addi %mul3A_0, %arg0 : i32
    "tpu.region"() ({
      %run_scoped3A = tpu.sem_alloc : memref<!tpu.dma_semaphore, #tpu.memory_space<semaphore_mem>>
      %dma_start3A_56 = arith.constant 0 : i32
      %dma_start3A_57 = arith.constant 0 : i32
      %dma_start3A_58 = tpu.memref_slice %arg3[%add3A, %dma_start3A_56, %dma_start3A_57] : memref<32x80x128xi32, #tpu.memory_space<hbm>> -> memref<1x80x128xi32, #tpu.memory_space<hbm>>
      %dma_start3A_59 = tpu.memref_squeeze %dma_start3A_58 : memref<1x80x128xi32, #tpu.memory_space<hbm>> -> memref<80x128xi32, #tpu.memory_space<hbm>>
      %dma_start3A_60 = arith.constant 0 : i32
      %dma_start3A_61 = arith.constant 0 : i32
      %dma_start3A_62 = tpu.memref_slice %arg3[%add3A, %dma_start3A_60, %dma_start3A_61] : memref<32x80x128xi32, #tpu.memory_space<hbm>> -> memref<1x80x128xi32, #tpu.memory_space<hbm>>
      %dma_start3A_63 = tpu.memref_squeeze %dma_start3A_62 : memref<1x80x128xi32, #tpu.memory_space<hbm>> -> memref<80x128xi32, #tpu.memory_space<hbm>>
      tpu.enqueue_dma source(%dma_start3A_63 : memref<80x128xi32, #tpu.memory_space<hbm>>) target(%arg6 : memref<80x128xi32, #tpu.memory_space<vmem>>) target_semaphore(%run_scoped3A : memref<!tpu.dma_semaphore, #tpu.memory_space<semaphore_mem>>)
      %dma_wait3A_64 = arith.constant 0 : i32
      %dma_wait3A_65 = arith.constant 0 : i32
      %dma_wait3A_66 = tpu.memref_slice %arg3[%add3A, %dma_wait3A_64, %dma_wait3A_65] : memref<32x80x128xi32, #tpu.memory_space<hbm>> -> memref<1x80x128xi32, #tpu.memory_space<hbm>>
      %dma_wait3A_67 = tpu.memref_squeeze %dma_wait3A_66 : memref<1x80x128xi32, #tpu.memory_space<hbm>> -> memref<80x128xi32, #tpu.memory_space<hbm>>
      %dma_wait3A_68 = arith.constant 0 : i32
      %dma_wait3A_69 = arith.constant 0 : i32
      %dma_wait3A_70 = tpu.memref_slice %arg3[%add3A, %dma_wait3A_68, %dma_wait3A_69] : memref<32x80x128xi32, #tpu.memory_space<hbm>> -> memref<1x80x128xi32, #tpu.memory_space<hbm>>
      %dma_wait3A_71 = tpu.memref_squeeze %dma_wait3A_70 : memref<1x80x128xi32, #tpu.memory_space<hbm>> -> memref<80x128xi32, #tpu.memory_space<hbm>>
      tpu.wait_dma2 semaphore(%run_scoped3A : memref<!tpu.dma_semaphore, #tpu.memory_space<semaphore_mem>>) src(%dma_wait3A_71 : memref<80x128xi32, #tpu.memory_space<hbm>>) dst(%arg6 : memref<80x128xi32, #tpu.memory_space<vmem>>)
      tpu.yield
    }) : () -> ()
    %eq3A = arith.constant 0 : i32
    %eq3A_1 = arith.cmpi eq, %arg0, %eq3A : i32
    %convert_element_type3A = arith.extui %eq3A_1 : i1 to i32
    %cond3A = arith.constant 0 : i32
    %cond3A_2 = arith.cmpi ne, %convert_element_type3A, %cond3A : i32
    scf.if %cond3A_2 {
      %mul3A_56 = arith.constant 640 : i32
      %mul3A_57 = arith.muli %arg1, %mul3A_56 : i32
      %mul3A_58 = arith.constant 640 : i32
      %mul3A_59 = arith.muli %arg1, %mul3A_58 : i32
      "tpu.region"() ({
        %run_scoped3A = tpu.sem_alloc : memref<!tpu.dma_semaphore, #tpu.memory_space<semaphore_mem>>
        %dma_start3A_60 = arith.constant 0 : i32
        %dma_start3A_61 = tpu.memref_slice %arg10[%mul3A_59, %dma_start3A_60] : memref<10240x64xf32, #tpu.memory_space<vmem_shared>> -> memref<640x64xf32, #tpu.memory_space<vmem_shared>>
        %dma_start3A_62 = arith.constant 0 : i32
        %dma_start3A_63 = tpu.memref_slice %arg2[%mul3A_57, %dma_start3A_62] : memref<10240x64xf32, #tpu.memory_space<hbm>> -> memref<640x64xf32, #tpu.memory_space<hbm>>
        tpu.enqueue_dma source(%dma_start3A_63 : memref<640x64xf32, #tpu.memory_space<hbm>>) target(%dma_start3A_61 : memref<640x64xf32, #tpu.memory_space<vmem_shared>>) target_semaphore(%run_scoped3A : memref<!tpu.dma_semaphore, #tpu.memory_space<semaphore_mem>>)
        %dma_wait3A_64 = arith.constant 0 : i32
        %dma_wait3A_65 = tpu.memref_slice %arg10[%mul3A_59, %dma_wait3A_64] : memref<10240x64xf32, #tpu.memory_space<vmem_shared>> -> memref<640x64xf32, #tpu.memory_space<vmem_shared>>
        %dma_wait3A_66 = arith.constant 0 : i32
        %dma_wait3A_67 = tpu.memref_slice %arg2[%mul3A_57, %dma_wait3A_66] : memref<10240x64xf32, #tpu.memory_space<hbm>> -> memref<640x64xf32, #tpu.memory_space<hbm>>
        tpu.wait_dma2 semaphore(%run_scoped3A : memref<!tpu.dma_semaphore, #tpu.memory_space<semaphore_mem>>) src(%dma_wait3A_67 : memref<640x64xf32, #tpu.memory_space<hbm>>) dst(%dma_wait3A_65 : memref<640x64xf32, #tpu.memory_space<vmem_shared>>)
        tpu.yield
      }) : () -> ()
    } else {
    }
    %ne3A = arith.constant 0 : i32
    %ne3A_3 = arith.cmpi ne, %arg0, %ne3A : i32
    %convert_element_type3A_4 = arith.extui %ne3A_3 : i1 to i32
    %cond3A_5 = arith.constant 0 : i32
    %cond3A_6 = arith.cmpi ne, %convert_element_type3A_4, %cond3A_5 : i32
    scf.if %cond3A_6 {
      %mul3A_56 = arith.constant 640 : i32
      %mul3A_57 = arith.muli %arg1, %mul3A_56 : i32
      "tpu.region"() ({
        %run_scoped3A = tpu.sem_alloc : memref<!tpu.dma_semaphore, #tpu.memory_space<semaphore_mem>>
        %dma_start3A_58 = arith.constant 0 : i32
        %dma_start3A_59 = tpu.memref_slice %arg10[%mul3A_57, %dma_start3A_58] : memref<10240x64xf32, #tpu.memory_space<vmem_shared>> -> memref<640x64xf32, #tpu.memory_space<vmem_shared>>
        tpu.enqueue_dma source(%arg4 : memref<640x64xf32, #tpu.memory_space<hbm>>) target(%dma_start3A_59 : memref<640x64xf32, #tpu.memory_space<vmem_shared>>) target_semaphore(%run_scoped3A : memref<!tpu.dma_semaphore, #tpu.memory_space<semaphore_mem>>)
        %dma_wait3A_60 = arith.constant 0 : i32
        %dma_wait3A_61 = tpu.memref_slice %arg10[%mul3A_57, %dma_wait3A_60] : memref<10240x64xf32, #tpu.memory_space<vmem_shared>> -> memref<640x64xf32, #tpu.memory_space<vmem_shared>>
        tpu.wait_dma2 semaphore(%run_scoped3A : memref<!tpu.dma_semaphore, #tpu.memory_space<semaphore_mem>>) src(%arg4 : memref<640x64xf32, #tpu.memory_space<hbm>>) dst(%dma_wait3A_61 : memref<640x64xf32, #tpu.memory_space<vmem_shared>>)
        tpu.yield
      }) : () -> ()
    } else {
    }
    %mul3A_7 = arith.constant 640 : i32
    %mul3A_8 = arith.muli %arg1, %mul3A_7 : i32
    %mul3A_9 = arith.constant 640 : i32
    %mul3A_10 = arith.muli %arg1, %mul3A_9 : i32
    "tpu.region"() ({
      %run_scoped3A = tpu.sem_alloc : memref<!tpu.dma_semaphore, #tpu.memory_space<semaphore_mem>>
      %dma_start3A_56 = arith.constant 0 : i32
      %dma_start3A_57 = tpu.memref_slice %arg11[%mul3A_10, %dma_start3A_56] : memref<10240x64xf32, #tpu.memory_space<vmem_shared>> -> memref<640x64xf32, #tpu.memory_space<vmem_shared>>
      %dma_start3A_58 = arith.constant 0 : i32
      %dma_start3A_59 = tpu.memref_slice %arg2[%mul3A_8, %dma_start3A_58] : memref<10240x64xf32, #tpu.memory_space<hbm>> -> memref<640x64xf32, #tpu.memory_space<hbm>>
      tpu.enqueue_dma source(%dma_start3A_59 : memref<640x64xf32, #tpu.memory_space<hbm>>) target(%dma_start3A_57 : memref<640x64xf32, #tpu.memory_space<vmem_shared>>) target_semaphore(%run_scoped3A : memref<!tpu.dma_semaphore, #tpu.memory_space<semaphore_mem>>)
      %dma_wait3A_60 = arith.constant 0 : i32
      %dma_wait3A_61 = tpu.memref_slice %arg11[%mul3A_10, %dma_wait3A_60] : memref<10240x64xf32, #tpu.memory_space<vmem_shared>> -> memref<640x64xf32, #tpu.memory_space<vmem_shared>>
      %dma_wait3A_62 = arith.constant 0 : i32
      %dma_wait3A_63 = tpu.memref_slice %arg2[%mul3A_8, %dma_wait3A_62] : memref<10240x64xf32, #tpu.memory_space<hbm>> -> memref<640x64xf32, #tpu.memory_space<hbm>>
      tpu.wait_dma2 semaphore(%run_scoped3A : memref<!tpu.dma_semaphore, #tpu.memory_space<semaphore_mem>>) src(%dma_wait3A_63 : memref<640x64xf32, #tpu.memory_space<hbm>>) dst(%dma_wait3A_61 : memref<640x64xf32, #tpu.memory_space<vmem_shared>>)
      tpu.yield
    }) : () -> ()
    %scan3A = arith.constant 0 : i32
    %scan3A_11 = arith.constant 0 : i32
    %scan3A_12 = arith.constant 80 : i32
    %scan3A_13 = arith.addi %scan3A_11, %scan3A_12 : i32
    %scan3A_14 = arith.constant 1 : i32
    scf.for %scan3A_56 = %scan3A_11 to %scan3A_13 step %scan3A_14  : i32 {
      %get3A = arith.index_cast %scan3A_56 : i32 to index
      %get3A_57 = arith.constant 0 : index
      %get3A_58 = tpu.vector_load %arg6[%get3A, %get3A_57] {strides = array<i32>} : memref<80x128xi32, #tpu.memory_space<vmem>>, vector<1x16xi32>,
      %get3A_59 = vector.shape_cast %get3A_58 : vector<1x16xi32> to vector<16xi32>
      %shift_right_logical3A = arith.constant 14 : i32
      %shift_right_logical3A_60 = vector.broadcast %shift_right_logical3A : i32 to vector<16xi32>
      %shift_right_logical3A_61 = arith.shrui %get3A_59, %shift_right_logical3A_60 : vector<16xi32>
      %swap3A = arith.index_cast %scan3A_56 : i32 to index
      %swap3A_62 = arith.constant 0 : index
      %swap3A_63 = tpu.vector_load %arg7[%swap3A, %swap3A_62] {strides = array<i32>} : memref<80x128xi32, #tpu.memory_space<vmem>>, vector<1x16xi32>,
      %swap3A_64 = vector.shape_cast %swap3A_63 : vector<1x16xi32> to vector<16xi32>
      %swap3A_65 = vector.shape_cast %shift_right_logical3A_61 : vector<16xi32> to vector<1x16xi32>
      tpu.vector_store %arg7[%swap3A, %swap3A_62], %swap3A_65 {strides = array<i32>} : memref<80x128xi32, #tpu.memory_space<vmem>>, vector<1x16xi32>,
      %and3A = arith.constant 16383 : i32
      %and3A_66 = vector.broadcast %and3A : i32 to vector<16xi32>
      %and3A_67 = arith.andi %get3A_59, %and3A_66 : vector<16xi32>
      %swap3A_68 = arith.index_cast %scan3A_56 : i32 to index
      %swap3A_69 = arith.constant 0 : index
      %swap3A_70 = tpu.vector_load %arg6[%swap3A_68, %swap3A_69] {strides = array<i32>} : memref<80x128xi32, #tpu.memory_space<vmem>>, vector<1x16xi32>,
      %swap3A_71 = vector.shape_cast %swap3A_70 : vector<1x16xi32> to vector<16xi32>
      %swap3A_72 = vector.shape_cast %and3A_67 : vector<16xi32> to vector<1x16xi32>
      tpu.vector_store %arg6[%swap3A_68, %swap3A_69], %swap3A_72 {strides = array<i32>} : memref<80x128xi32, #tpu.memory_space<vmem>>, vector<1x16xi32>,
      %get3A_73 = arith.index_cast %scan3A_56 : i32 to index
      %get3A_74 = arith.constant 16 : index
      %get3A_75 = tpu.vector_load %arg6[%get3A_73, %get3A_74] {strides = array<i32>} : memref<80x128xi32, #tpu.memory_space<vmem>>, vector<1x16xi32>,
      %get3A_76 = vector.shape_cast %get3A_75 : vector<1x16xi32> to vector<16xi32>
      %shift_right_logical3A_77 = arith.constant 14 : i32
      %shift_right_logical3A_78 = vector.broadcast %shift_right_logical3A_77 : i32 to vector<16xi32>
      %shift_right_logical3A_79 = arith.shrui %get3A_76, %shift_right_logical3A_78 : vector<16xi32>
      %swap3A_80 = arith.index_cast %scan3A_56 : i32 to index
      %swap3A_81 = arith.constant 16 : index
      %swap3A_82 = tpu.vector_load %arg7[%swap3A_80, %swap3A_81] {strides = array<i32>} : memref<80x128xi32, #tpu.memory_space<vmem>>, vector<1x16xi32>,
      %swap3A_83 = vector.shape_cast %swap3A_82 : vector<1x16xi32> to vector<16xi32>
      %swap3A_84 = vector.shape_cast %shift_right_logical3A_79 : vector<16xi32> to vector<1x16xi32>
      tpu.vector_store %arg7[%swap3A_80, %swap3A_81], %swap3A_84 {strides = array<i32>} : memref<80x128xi32, #tpu.memory_space<vmem>>, vector<1x16xi32>,
      %and3A_85 = arith.constant 16383 : i32
      %and3A_86 = vector.broadcast %and3A_85 : i32 to vector<16xi32>
      %and3A_87 = arith.andi %get3A_76, %and3A_86 : vector<16xi32>
      %swap3A_88 = arith.index_cast %scan3A_56 : i32 to index
      %swap3A_89 = arith.constant 16 : index
      %swap3A_90 = tpu.vector_load %arg6[%swap3A_88, %swap3A_89] {strides = array<i32>} : memref<80x128xi32, #tpu.memory_space<vmem>>, vector<1x16xi32>,
      %swap3A_91 = vector.shape_cast %swap3A_90 : vector<1x16xi32> to vector<16xi32>
      %swap3A_92 = vector.shape_cast %and3A_87 : vector<16xi32> to vector<1x16xi32>
      tpu.vector_store %arg6[%swap3A_88, %swap3A_89], %swap3A_92 {strides = array<i32>} : memref<80x128xi32, #tpu.memory_space<vmem>>, vector<1x16xi32>,
      %get3A_93 = arith.index_cast %scan3A_56 : i32 to index
      %get3A_94 = arith.constant 32 : index
      %get3A_95 = tpu.vector_load %arg6[%get3A_93, %get3A_94] {strides = array<i32>} : memref<80x128xi32, #tpu.memory_space<vmem>>, vector<1x16xi32>,
      %get3A_96 = vector.shape_cast %get3A_95 : vector<1x16xi32> to vector<16xi32>
      %shift_right_logical3A_97 = arith.constant 14 : i32
      %shift_right_logical3A_98 = vector.broadcast %shift_right_logical3A_97 : i32 to vector<16xi32>
      %shift_right_logical3A_99 = arith.shrui %get3A_96, %shift_right_logical3A_98 : vector<16xi32>
      %swap3A_100 = arith.index_cast %scan3A_56 : i32 to index
      %swap3A_101 = arith.constant 32 : index
      %swap3A_102 = tpu.vector_load %arg7[%swap3A_100, %swap3A_101] {strides = array<i32>} : memref<80x128xi32, #tpu.memory_space<vmem>>, vector<1x16xi32>,
      %swap3A_103 = vector.shape_cast %swap3A_102 : vector<1x16xi32> to vector<16xi32>
      %swap3A_104 = vector.shape_cast %shift_right_logical3A_99 : vector<16xi32> to vector<1x16xi32>
      tpu.vector_store %arg7[%swap3A_100, %swap3A_101], %swap3A_104 {strides = array<i32>} : memref<80x128xi32, #tpu.memory_space<vmem>>, vector<1x16xi32>,
      %and3A_105 = arith.constant 16383 : i32
      %and3A_106 = vector.broadcast %and3A_105 : i32 to vector<16xi32>
      %and3A_107 = arith.andi %get3A_96, %and3A_106 : vector<16xi32>
      %swap3A_108 = arith.index_cast %scan3A_56 : i32 to index
      %swap3A_109 = arith.constant 32 : index
      %swap3A_110 = tpu.vector_load %arg6[%swap3A_108, %swap3A_109] {strides = array<i32>} : memref<80x128xi32, #tpu.memory_space<vmem>>, vector<1x16xi32>,
      %swap3A_111 = vector.shape_cast %swap3A_110 : vector<1x16xi32> to vector<16xi32>
      %swap3A_112 = vector.shape_cast %and3A_107 : vector<16xi32> to vector<1x16xi32>
      tpu.vector_store %arg6[%swap3A_108, %swap3A_109], %swap3A_112 {strides = array<i32>} : memref<80x128xi32, #tpu.memory_space<vmem>>, vector<1x16xi32>,
      %get3A_113 = arith.index_cast %scan3A_56 : i32 to index
      %get3A_114 = arith.constant 48 : index
      %get3A_115 = tpu.vector_load %arg6[%get3A_113, %get3A_114] {strides = array<i32>} : memref<80x128xi32, #tpu.memory_space<vmem>>, vector<1x16xi32>,
      %get3A_116 = vector.shape_cast %get3A_115 : vector<1x16xi32> to vector<16xi32>
      %shift_right_logical3A_117 = arith.constant 14 : i32
      %shift_right_logical3A_118 = vector.broadcast %shift_right_logical3A_117 : i32 to vector<16xi32>
      %shift_right_logical3A_119 = arith.shrui %get3A_116, %shift_right_logical3A_118 : vector<16xi32>
      %swap3A_120 = arith.index_cast %scan3A_56 : i32 to index
      %swap3A_121 = arith.constant 48 : index
      %swap3A_122 = tpu.vector_load %arg7[%swap3A_120, %swap3A_121] {strides = array<i32>} : memref<80x128xi32, #tpu.memory_space<vmem>>, vector<1x16xi32>,
      %swap3A_123 = vector.shape_cast %swap3A_122 : vector<1x16xi32> to vector<16xi32>
      %swap3A_124 = vector.shape_cast %shift_right_logical3A_119 : vector<16xi32> to vector<1x16xi32>
      tpu.vector_store %arg7[%swap3A_120, %swap3A_121], %swap3A_124 {strides = array<i32>} : memref<80x128xi32, #tpu.memory_space<vmem>>, vector<1x16xi32>,
      %and3A_125 = arith.constant 16383 : i32
      %and3A_126 = vector.broadcast %and3A_125 : i32 to vector<16xi32>
      %and3A_127 = arith.andi %get3A_116, %and3A_126 : vector<16xi32>
      %swap3A_128 = arith.index_cast %scan3A_56 : i32 to index
      %swap3A_129 = arith.constant 48 : index
      %swap3A_130 = tpu.vector_load %arg6[%swap3A_128, %swap3A_129] {strides = array<i32>} : memref<80x128xi32, #tpu.memory_space<vmem>>, vector<1x16xi32>,
      %swap3A_131 = vector.shape_cast %swap3A_130 : vector<1x16xi32> to vector<16xi32>
      %swap3A_132 = vector.shape_cast %and3A_127 : vector<16xi32> to vector<1x16xi32>
      tpu.vector_store %arg6[%swap3A_128, %swap3A_129], %swap3A_132 {strides = array<i32>} : memref<80x128xi32, #tpu.memory_space<vmem>>, vector<1x16xi32>,
      %get3A_133 = arith.index_cast %scan3A_56 : i32 to index
      %get3A_134 = arith.constant 64 : index
      %get3A_135 = tpu.vector_load %arg6[%get3A_133, %get3A_134] {strides = array<i32>} : memref<80x128xi32, #tpu.memory_space<vmem>>, vector<1x16xi32>,
      %get3A_136 = vector.shape_cast %get3A_135 : vector<1x16xi32> to vector<16xi32>
      %shift_right_logical3A_137 = arith.constant 14 : i32
      %shift_right_logical3A_138 = vector.broadcast %shift_right_logical3A_137 : i32 to vector<16xi32>
      %shift_right_logical3A_139 = arith.shrui %get3A_136, %shift_right_logical3A_138 : vector<16xi32>
      %swap3A_140 = arith.index_cast %scan3A_56 : i32 to index
      %swap3A_141 = arith.constant 64 : index
      %swap3A_142 = tpu.vector_load %arg7[%swap3A_140, %swap3A_141] {strides = array<i32>} : memref<80x128xi32, #tpu.memory_space<vmem>>, vector<1x16xi32>,
      %swap3A_143 = vector.shape_cast %swap3A_142 : vector<1x16xi32> to vector<16xi32>
      %swap3A_144 = vector.shape_cast %shift_right_logical3A_139 : vector<16xi32> to vector<1x16xi32>
      tpu.vector_store %arg7[%swap3A_140, %swap3A_141], %swap3A_144 {strides = array<i32>} : memref<80x128xi32, #tpu.memory_space<vmem>>, vector<1x16xi32>,
      %and3A_145 = arith.constant 16383 : i32
      %and3A_146 = vector.broadcast %and3A_145 : i32 to vector<16xi32>
      %and3A_147 = arith.andi %get3A_136, %and3A_146 : vector<16xi32>
      %swap3A_148 = arith.index_cast %scan3A_56 : i32 to index
      %swap3A_149 = arith.constant 64 : index
      %swap3A_150 = tpu.vector_load %arg6[%swap3A_148, %swap3A_149] {strides = array<i32>} : memref<80x128xi32, #tpu.memory_space<vmem>>, vector<1x16xi32>,
      %swap3A_151 = vector.shape_cast %swap3A_150 : vector<1x16xi32> to vector<16xi32>
      %swap3A_152 = vector.shape_cast %and3A_147 : vector<16xi32> to vector<1x16xi32>
      tpu.vector_store %arg6[%swap3A_148, %swap3A_149], %swap3A_152 {strides = array<i32>} : memref<80x128xi32, #tpu.memory_space<vmem>>, vector<1x16xi32>,
      %get3A_153 = arith.index_cast %scan3A_56 : i32 to index
      %get3A_154 = arith.constant 80 : index
      %get3A_155 = tpu.vector_load %arg6[%get3A_153, %get3A_154] {strides = array<i32>} : memref<80x128xi32, #tpu.memory_space<vmem>>, vector<1x16xi32>,
      %get3A_156 = vector.shape_cast %get3A_155 : vector<1x16xi32> to vector<16xi32>
      %shift_right_logical3A_157 = arith.constant 14 : i32
      %shift_right_logical3A_158 = vector.broadcast %shift_right_logical3A_157 : i32 to vector<16xi32>
      %shift_right_logical3A_159 = arith.shrui %get3A_156, %shift_right_logical3A_158 : vector<16xi32>
      %swap3A_160 = arith.index_cast %scan3A_56 : i32 to index
      %swap3A_161 = arith.constant 80 : index
      %swap3A_162 = tpu.vector_load %arg7[%swap3A_160, %swap3A_161] {strides = array<i32>} : memref<80x128xi32, #tpu.memory_space<vmem>>, vector<1x16xi32>,
      %swap3A_163 = vector.shape_cast %swap3A_162 : vector<1x16xi32> to vector<16xi32>
      %swap3A_164 = vector.shape_cast %shift_right_logical3A_159 : vector<16xi32> to vector<1x16xi32>
      tpu.vector_store %arg7[%swap3A_160, %swap3A_161], %swap3A_164 {strides = array<i32>} : memref<80x128xi32, #tpu.memory_space<vmem>>, vector<1x16xi32>,
      %and3A_165 = arith.constant 16383 : i32
      %and3A_166 = vector.broadcast %and3A_165 : i32 to vector<16xi32>
      %and3A_167 = arith.andi %get3A_156, %and3A_166 : vector<16xi32>
      %swap3A_168 = arith.index_cast %scan3A_56 : i32 to index
      %swap3A_169 = arith.constant 80 : index
      %swap3A_170 = tpu.vector_load %arg6[%swap3A_168, %swap3A_169] {strides = array<i32>} : memref<80x128xi32, #tpu.memory_space<vmem>>, vector<1x16xi32>,
      %swap3A_171 = vector.shape_cast %swap3A_170 : vector<1x16xi32> to vector<16xi32>
      %swap3A_172 = vector.shape_cast %and3A_167 : vector<16xi32> to vector<1x16xi32>
      tpu.vector_store %arg6[%swap3A_168, %swap3A_169], %swap3A_172 {strides = array<i32>} : memref<80x128xi32, #tpu.memory_space<vmem>>, vector<1x16xi32>,
      %get3A_173 = arith.index_cast %scan3A_56 : i32 to index
      %get3A_174 = arith.constant 96 : index
      %get3A_175 = tpu.vector_load %arg6[%get3A_173, %get3A_174] {strides = array<i32>} : memref<80x128xi32, #tpu.memory_space<vmem>>, vector<1x16xi32>,
      %get3A_176 = vector.shape_cast %get3A_175 : vector<1x16xi32> to vector<16xi32>
      %shift_right_logical3A_177 = arith.constant 14 : i32
      %shift_right_logical3A_178 = vector.broadcast %shift_right_logical3A_177 : i32 to vector<16xi32>
      %shift_right_logical3A_179 = arith.shrui %get3A_176, %shift_right_logical3A_178 : vector<16xi32>
      %swap3A_180 = arith.index_cast %scan3A_56 : i32 to index
      %swap3A_181 = arith.constant 96 : index
      %swap3A_182 = tpu.vector_load %arg7[%swap3A_180, %swap3A_181] {strides = array<i32>} : memref<80x128xi32, #tpu.memory_space<vmem>>, vector<1x16xi32>,
      %swap3A_183 = vector.shape_cast %swap3A_182 : vector<1x16xi32> to vector<16xi32>
      %swap3A_184 = vector.shape_cast %shift_right_logical3A_179 : vector<16xi32> to vector<1x16xi32>
      tpu.vector_store %arg7[%swap3A_180, %swap3A_181], %swap3A_184 {strides = array<i32>} : memref<80x128xi32, #tpu.memory_space<vmem>>, vector<1x16xi32>,
      %and3A_185 = arith.constant 16383 : i32
      %and3A_186 = vector.broadcast %and3A_185 : i32 to vector<16xi32>
      %and3A_187 = arith.andi %get3A_176, %and3A_186 : vector<16xi32>
      %swap3A_188 = arith.index_cast %scan3A_56 : i32 to index
      %swap3A_189 = arith.constant 96 : index
      %swap3A_190 = tpu.vector_load %arg6[%swap3A_188, %swap3A_189] {strides = array<i32>} : memref<80x128xi32, #tpu.memory_space<vmem>>, vector<1x16xi32>,
      %swap3A_191 = vector.shape_cast %swap3A_190 : vector<1x16xi32> to vector<16xi32>
      %swap3A_192 = vector.shape_cast %and3A_187 : vector<16xi32> to vector<1x16xi32>
      tpu.vector_store %arg6[%swap3A_188, %swap3A_189], %swap3A_192 {strides = array<i32>} : memref<80x128xi32, #tpu.memory_space<vmem>>, vector<1x16xi32>,
      %get3A_193 = arith.index_cast %scan3A_56 : i32 to index
      %get3A_194 = arith.constant 112 : index
      %get3A_195 = tpu.vector_load %arg6[%get3A_193, %get3A_194] {strides = array<i32>} : memref<80x128xi32, #tpu.memory_space<vmem>>, vector<1x16xi32>,
      %get3A_196 = vector.shape_cast %get3A_195 : vector<1x16xi32> to vector<16xi32>
      %shift_right_logical3A_197 = arith.constant 14 : i32
      %shift_right_logical3A_198 = vector.broadcast %shift_right_logical3A_197 : i32 to vector<16xi32>
      %shift_right_logical3A_199 = arith.shrui %get3A_196, %shift_right_logical3A_198 : vector<16xi32>
      %swap3A_200 = arith.index_cast %scan3A_56 : i32 to index
      %swap3A_201 = arith.constant 112 : index
      %swap3A_202 = tpu.vector_load %arg7[%swap3A_200, %swap3A_201] {strides = array<i32>} : memref<80x128xi32, #tpu.memory_space<vmem>>, vector<1x16xi32>,
      %swap3A_203 = vector.shape_cast %swap3A_202 : vector<1x16xi32> to vector<16xi32>
      %swap3A_204 = vector.shape_cast %shift_right_logical3A_199 : vector<16xi32> to vector<1x16xi32>
      tpu.vector_store %arg7[%swap3A_200, %swap3A_201], %swap3A_204 {strides = array<i32>} : memref<80x128xi32, #tpu.memory_space<vmem>>, vector<1x16xi32>,
      %and3A_205 = arith.constant 16383 : i32
      %and3A_206 = vector.broadcast %and3A_205 : i32 to vector<16xi32>
      %and3A_207 = arith.andi %get3A_196, %and3A_206 : vector<16xi32>
      %swap3A_208 = arith.index_cast %scan3A_56 : i32 to index
      %swap3A_209 = arith.constant 112 : index
      %swap3A_210 = tpu.vector_load %arg6[%swap3A_208, %swap3A_209] {strides = array<i32>} : memref<80x128xi32, #tpu.memory_space<vmem>>, vector<1x16xi32>,
      %swap3A_211 = vector.shape_cast %swap3A_210 : vector<1x16xi32> to vector<16xi32>
      %swap3A_212 = vector.shape_cast %and3A_207 : vector<16xi32> to vector<1x16xi32>
      tpu.vector_store %arg6[%swap3A_208, %swap3A_209], %swap3A_212 {strides = array<i32>} : memref<80x128xi32, #tpu.memory_space<vmem>>, vector<1x16xi32>,
    }
    %scan3A_15 = arith.constant 80 : i32
    %barrier3A = arith.constant 0 : index
    tpu.barrier barrier_id(%barrier3A)
    %dma_start3A = arith.constant 0 : i32
    %dma_start3A_16 = arith.constant 0 : i32
    %dma_start3A_17 = tpu.memref_slice %arg6[%dma_start3A, %dma_start3A_16] : memref<80x128xi32, #tpu.memory_space<vmem>> -> memref<1x128xi32, #tpu.memory_space<vmem>>
    %dma_start3A_18 = tpu.memref_squeeze %dma_start3A_17 : memref<1x128xi32, #tpu.memory_space<vmem>> -> memref<128xi32, #tpu.memory_space<vmem>>
    %dma_start3A_19 = arith.constant 0 : i32
    %dma_start3A_20 = arith.constant 0 : i32
    %dma_start3A_21 = tpu.memref_slice %arg11[%dma_start3A_19, %dma_start3A_20] : memref<10240x64xf32, #tpu.memory_space<vmem_shared>> -> memref<10240x64xf32, #tpu.memory_space<vmem_shared>>
    tpu.enqueue_indirect_dma source(%dma_start3A_21 : memref<10240x64xf32, #tpu.memory_space<vmem_shared>>) target(%arg8 : memref<128x64xf32, #tpu.memory_space<vmem>>) offsets(%dma_start3A_18 : memref<128xi32, #tpu.memory_space<vmem>>) semaphore(%arg12 : memref<!tpu.dma_semaphore, #tpu.memory_space<semaphore_mem>>)
    %dma_start3A_22 = arith.constant 1 : i32
    %dma_start3A_23 = arith.constant 0 : i32
    %dma_start3A_24 = tpu.memref_slice %arg6[%dma_start3A_22, %dma_start3A_23] : memref<80x128xi32, #tpu.memory_space<vmem>> -> memref<1x128xi32, #tpu.memory_space<vmem>>
    %dma_start3A_25 = tpu.memref_squeeze %dma_start3A_24 : memref<1x128xi32, #tpu.memory_space<vmem>> -> memref<128xi32, #tpu.memory_space<vmem>>
    %dma_start3A_26 = arith.constant 0 : i32
    %dma_start3A_27 = arith.constant 0 : i32
    %dma_start3A_28 = tpu.memref_slice %arg11[%dma_start3A_26, %dma_start3A_27] : memref<10240x64xf32, #tpu.memory_space<vmem_shared>> -> memref<10240x64xf32, #tpu.memory_space<vmem_shared>>
    tpu.enqueue_indirect_dma source(%dma_start3A_28 : memref<10240x64xf32, #tpu.memory_space<vmem_shared>>) target(%arg9 : memref<128x64xf32, #tpu.memory_space<vmem>>) offsets(%dma_start3A_25 : memref<128xi32, #tpu.memory_space<vmem>>) semaphore(%arg13 : memref<!tpu.dma_semaphore, #tpu.memory_space<semaphore_mem>>)
    %scan3A_29 = arith.constant 0 : i32
    %scan3A_30 = arith.constant 0 : i32
    %scan3A_31 = arith.constant 40 : i32
    %scan3A_32 = arith.addi %scan3A_30, %scan3A_31 : i32
    %scan3A_33 = arith.constant 1 : i32
    scf.for %scan3A_56 = %scan3A_30 to %scan3A_32 step %scan3A_33  : i32 {
      %mul3A_57 = arith.constant 2 : i32
      %mul3A_58 = arith.muli %mul3A_57, %scan3A_56 : i32
      %add3A_59 = arith.constant 0 : i32
      %add3A_60 = arith.addi %mul3A_58, %add3A_59 : i32
      %dma_wait3A_61 = arith.constant 0 : i32
      %dma_wait3A_62 = tpu.memref_slice %arg6[%add3A_60, %dma_wait3A_61] : memref<80x128xi32, #tpu.memory_space<vmem>> -> memref<1x128xi32, #tpu.memory_space<vmem>>
      %dma_wait3A_63 = tpu.memref_squeeze %dma_wait3A_62 : memref<1x128xi32, #tpu.memory_space<vmem>> -> memref<128xi32, #tpu.memory_space<vmem>>
      %dma_wait3A_64 = arith.constant 0 : i32
      %dma_wait3A_65 = arith.constant 0 : i32
      %dma_wait3A_66 = tpu.memref_slice %arg11[%dma_wait3A_64, %dma_wait3A_65] : memref<10240x64xf32, #tpu.memory_space<vmem_shared>> -> memref<10240x64xf32, #tpu.memory_space<vmem_shared>>
      tpu.wait_indirect_dma semaphore(%arg12 : memref<!tpu.dma_semaphore, #tpu.memory_space<semaphore_mem>>) src(%dma_wait3A_66 : memref<10240x64xf32, #tpu.memory_space<vmem_shared>>) dst(%arg8 : memref<128x64xf32, #tpu.memory_space<vmem>>)
      %add3A_67 = arith.constant 0 : i32
      %add3A_68 = arith.addi %mul3A_58, %add3A_67 : i32
      %dma_start3A_69 = arith.constant 0 : i32
      %dma_start3A_70 = tpu.memref_slice %arg7[%add3A_68, %dma_start3A_69] : memref<80x128xi32, #tpu.memory_space<vmem>> -> memref<1x128xi32, #tpu.memory_space<vmem>>
      %dma_start3A_71 = tpu.memref_squeeze %dma_start3A_70 : memref<1x128xi32, #tpu.memory_space<vmem>> -> memref<128xi32, #tpu.memory_space<vmem>>
      %dma_start3A_72 = arith.constant 0 : i32
      %dma_start3A_73 = arith.constant 0 : i32
      %dma_start3A_74 = tpu.memref_slice %arg10[%dma_start3A_72, %dma_start3A_73] : memref<10240x64xf32, #tpu.memory_space<vmem_shared>> -> memref<10240x64xf32, #tpu.memory_space<vmem_shared>>
      tpu.enqueue_indirect_dma source(%arg8 : memref<128x64xf32, #tpu.memory_space<vmem>>) target(%dma_start3A_74 : memref<10240x64xf32, #tpu.memory_space<vmem_shared>>) offsets(%dma_start3A_71 : memref<128xi32, #tpu.memory_space<vmem>>) semaphore(%arg14 : memref<!tpu.dma_semaphore, #tpu.memory_space<semaphore_mem>>) {add = true}
      %add3A_75 = arith.constant 1 : i32
      %add3A_76 = arith.addi %mul3A_58, %add3A_75 : i32
      %dma_wait3A_77 = arith.constant 0 : i32
      %dma_wait3A_78 = tpu.memref_slice %arg6[%add3A_76, %dma_wait3A_77] : memref<80x128xi32, #tpu.memory_space<vmem>> -> memref<1x128xi32, #tpu.memory_space<vmem>>
      %dma_wait3A_79 = tpu.memref_squeeze %dma_wait3A_78 : memref<1x128xi32, #tpu.memory_space<vmem>> -> memref<128xi32, #tpu.memory_space<vmem>>
      %dma_wait3A_80 = arith.constant 0 : i32
      %dma_wait3A_81 = arith.constant 0 : i32
      %dma_wait3A_82 = tpu.memref_slice %arg11[%dma_wait3A_80, %dma_wait3A_81] : memref<10240x64xf32, #tpu.memory_space<vmem_shared>> -> memref<10240x64xf32, #tpu.memory_space<vmem_shared>>
      tpu.wait_indirect_dma semaphore(%arg13 : memref<!tpu.dma_semaphore, #tpu.memory_space<semaphore_mem>>) src(%dma_wait3A_82 : memref<10240x64xf32, #tpu.memory_space<vmem_shared>>) dst(%arg9 : memref<128x64xf32, #tpu.memory_space<vmem>>)
      %add3A_83 = arith.constant 1 : i32
      %add3A_84 = arith.addi %mul3A_58, %add3A_83 : i32
      %dma_start3A_85 = arith.constant 0 : i32
      %dma_start3A_86 = tpu.memref_slice %arg7[%add3A_84, %dma_start3A_85] : memref<80x128xi32, #tpu.memory_space<vmem>> -> memref<1x128xi32, #tpu.memory_space<vmem>>
      %dma_start3A_87 = tpu.memref_squeeze %dma_start3A_86 : memref<1x128xi32, #tpu.memory_space<vmem>> -> memref<128xi32, #tpu.memory_space<vmem>>
      %dma_start3A_88 = arith.constant 0 : i32
      %dma_start3A_89 = arith.constant 0 : i32
      %dma_start3A_90 = tpu.memref_slice %arg10[%dma_start3A_88, %dma_start3A_89] : memref<10240x64xf32, #tpu.memory_space<vmem_shared>> -> memref<10240x64xf32, #tpu.memory_space<vmem_shared>>
      tpu.enqueue_indirect_dma source(%arg9 : memref<128x64xf32, #tpu.memory_space<vmem>>) target(%dma_start3A_90 : memref<10240x64xf32, #tpu.memory_space<vmem_shared>>) offsets(%dma_start3A_87 : memref<128xi32, #tpu.memory_space<vmem>>) semaphore(%arg15 : memref<!tpu.dma_semaphore, #tpu.memory_space<semaphore_mem>>) {add = true}
      %lt3A = arith.constant 39 : i32
      %lt3A_91 = arith.cmpi slt, %scan3A_56, %lt3A : i32
      %convert_element_type3A_92 = arith.extui %lt3A_91 : i1 to i32
      %cond3A_93 = arith.constant 0 : i32
      %cond3A_94 = arith.cmpi ne, %convert_element_type3A_92, %cond3A_93 : i32
      scf.if %cond3A_94 {
        %add3A_95 = arith.constant 0 : i32
        %add3A_96 = arith.addi %mul3A_58, %add3A_95 : i32
        %dma_wait3A_97 = arith.constant 0 : i32
        %dma_wait3A_98 = tpu.memref_slice %arg7[%add3A_96, %dma_wait3A_97] : memref<80x128xi32, #tpu.memory_space<vmem>> -> memref<1x128xi32, #tpu.memory_space<vmem>>
        %dma_wait3A_99 = tpu.memref_squeeze %dma_wait3A_98 : memref<1x128xi32, #tpu.memory_space<vmem>> -> memref<128xi32, #tpu.memory_space<vmem>>
        %dma_wait3A_100 = arith.constant 0 : i32
        %dma_wait3A_101 = arith.constant 0 : i32
        %dma_wait3A_102 = tpu.memref_slice %arg10[%dma_wait3A_100, %dma_wait3A_101] : memref<10240x64xf32, #tpu.memory_space<vmem_shared>> -> memref<10240x64xf32, #tpu.memory_space<vmem_shared>>
        tpu.wait_indirect_dma semaphore(%arg14 : memref<!tpu.dma_semaphore, #tpu.memory_space<semaphore_mem>>) src(%arg8 : memref<128x64xf32, #tpu.memory_space<vmem>>) dst(%dma_wait3A_102 : memref<10240x64xf32, #tpu.memory_space<vmem_shared>>)
        %add3A_103 = arith.constant 2 : i32
        %add3A_104 = arith.addi %mul3A_58, %add3A_103 : i32
        %add3A_105 = arith.constant 0 : i32
        %add3A_106 = arith.addi %add3A_104, %add3A_105 : i32
        %dma_start3A_107 = arith.constant 0 : i32
        %dma_start3A_108 = tpu.memref_slice %arg6[%add3A_106, %dma_start3A_107] : memref<80x128xi32, #tpu.memory_space<vmem>> -> memref<1x128xi32, #tpu.memory_space<vmem>>
        %dma_start3A_109 = tpu.memref_squeeze %dma_start3A_108 : memref<1x128xi32, #tpu.memory_space<vmem>> -> memref<128xi32, #tpu.memory_space<vmem>>
        %dma_start3A_110 = arith.constant 0 : i32
        %dma_start3A_111 = arith.constant 0 : i32
        %dma_start3A_112 = tpu.memref_slice %arg11[%dma_start3A_110, %dma_start3A_111] : memref<10240x64xf32, #tpu.memory_space<vmem_shared>> -> memref<10240x64xf32, #tpu.memory_space<vmem_shared>>
        tpu.enqueue_indirect_dma source(%dma_start3A_112 : memref<10240x64xf32, #tpu.memory_space<vmem_shared>>) target(%arg8 : memref<128x64xf32, #tpu.memory_space<vmem>>) offsets(%dma_start3A_109 : memref<128xi32, #tpu.memory_space<vmem>>) semaphore(%arg12 : memref<!tpu.dma_semaphore, #tpu.memory_space<semaphore_mem>>)
        %add3A_113 = arith.constant 1 : i32
        %add3A_114 = arith.addi %mul3A_58, %add3A_113 : i32
        %dma_wait3A_115 = arith.constant 0 : i32
        %dma_wait3A_116 = tpu.memref_slice %arg7[%add3A_114, %dma_wait3A_115] : memref<80x128xi32, #tpu.memory_space<vmem>> -> memref<1x128xi32, #tpu.memory_space<vmem>>
        %dma_wait3A_117 = tpu.memref_squeeze %dma_wait3A_116 : memref<1x128xi32, #tpu.memory_space<vmem>> -> memref<128xi32, #tpu.memory_space<vmem>>
        %dma_wait3A_118 = arith.constant 0 : i32
        %dma_wait3A_119 = arith.constant 0 : i32
        %dma_wait3A_120 = tpu.memref_slice %arg10[%dma_wait3A_118, %dma_wait3A_119] : memref<10240x64xf32, #tpu.memory_space<vmem_shared>> -> memref<10240x64xf32, #tpu.memory_space<vmem_shared>>
        tpu.wait_indirect_dma semaphore(%arg15 : memref<!tpu.dma_semaphore, #tpu.memory_space<semaphore_mem>>) src(%arg9 : memref<128x64xf32, #tpu.memory_space<vmem>>) dst(%dma_wait3A_120 : memref<10240x64xf32, #tpu.memory_space<vmem_shared>>)
        %add3A_121 = arith.constant 2 : i32
        %add3A_122 = arith.addi %mul3A_58, %add3A_121 : i32
        %add3A_123 = arith.constant 1 : i32
        %add3A_124 = arith.addi %add3A_122, %add3A_123 : i32
        %dma_start3A_125 = arith.constant 0 : i32
        %dma_start3A_126 = tpu.memref_slice %arg6[%add3A_124, %dma_start3A_125] : memref<80x128xi32, #tpu.memory_space<vmem>> -> memref<1x128xi32, #tpu.memory_space<vmem>>
        %dma_start3A_127 = tpu.memref_squeeze %dma_start3A_126 : memref<1x128xi32, #tpu.memory_space<vmem>> -> memref<128xi32, #tpu.memory_space<vmem>>
        %dma_start3A_128 = arith.constant 0 : i32
        %dma_start3A_129 = arith.constant 0 : i32
        %dma_start3A_130 = tpu.memref_slice %arg11[%dma_start3A_128, %dma_start3A_129] : memref<10240x64xf32, #tpu.memory_space<vmem_shared>> -> memref<10240x64xf32, #tpu.memory_space<vmem_shared>>
        tpu.enqueue_indirect_dma source(%dma_start3A_130 : memref<10240x64xf32, #tpu.memory_space<vmem_shared>>) target(%arg9 : memref<128x64xf32, #tpu.memory_space<vmem>>) offsets(%dma_start3A_127 : memref<128xi32, #tpu.memory_space<vmem>>) semaphore(%arg13 : memref<!tpu.dma_semaphore, #tpu.memory_space<semaphore_mem>>)
      } else {
      }
    }
    %scan3A_34 = arith.constant 40 : i32
    %dma_wait3A = arith.constant 78 : i32
    %dma_wait3A_35 = arith.constant 0 : i32
    %dma_wait3A_36 = tpu.memref_slice %arg7[%dma_wait3A, %dma_wait3A_35] : memref<80x128xi32, #tpu.memory_space<vmem>> -> memref<1x128xi32, #tpu.memory_space<vmem>>
    %dma_wait3A_37 = tpu.memref_squeeze %dma_wait3A_36 : memref<1x128xi32, #tpu.memory_space<vmem>> -> memref<128xi32, #tpu.memory_space<vmem>>
    %dma_wait3A_38 = arith.constant 0 : i32
    %dma_wait3A_39 = arith.constant 0 : i32
    %dma_wait3A_40 = tpu.memref_slice %arg10[%dma_wait3A_38, %dma_wait3A_39] : memref<10240x64xf32, #tpu.memory_space<vmem_shared>> -> memref<10240x64xf32, #tpu.memory_space<vmem_shared>>
    tpu.wait_indirect_dma semaphore(%arg14 : memref<!tpu.dma_semaphore, #tpu.memory_space<semaphore_mem>>) src(%arg8 : memref<128x64xf32, #tpu.memory_space<vmem>>) dst(%dma_wait3A_40 : memref<10240x64xf32, #tpu.memory_space<vmem_shared>>)
    %dma_wait3A_41 = arith.constant 79 : i32
    %dma_wait3A_42 = arith.constant 0 : i32
    %dma_wait3A_43 = tpu.memref_slice %arg7[%dma_wait3A_41, %dma_wait3A_42] : memref<80x128xi32, #tpu.memory_space<vmem>> -> memref<1x128xi32, #tpu.memory_space<vmem>>
    %dma_wait3A_44 = tpu.memref_squeeze %dma_wait3A_43 : memref<1x128xi32, #tpu.memory_space<vmem>> -> memref<128xi32, #tpu.memory_space<vmem>>
    %dma_wait3A_45 = arith.constant 0 : i32
    %dma_wait3A_46 = arith.constant 0 : i32
    %dma_wait3A_47 = tpu.memref_slice %arg10[%dma_wait3A_45, %dma_wait3A_46] : memref<10240x64xf32, #tpu.memory_space<vmem_shared>> -> memref<10240x64xf32, #tpu.memory_space<vmem_shared>>
    tpu.wait_indirect_dma semaphore(%arg15 : memref<!tpu.dma_semaphore, #tpu.memory_space<semaphore_mem>>) src(%arg9 : memref<128x64xf32, #tpu.memory_space<vmem>>) dst(%dma_wait3A_47 : memref<10240x64xf32, #tpu.memory_space<vmem_shared>>)
    %barrier3A_48 = arith.constant 0 : index
    tpu.barrier barrier_id(%barrier3A_48)
    %mul3A_49 = arith.constant 640 : i32
    %mul3A_50 = arith.muli %arg1, %mul3A_49 : i32
    %mul3A_51 = arith.constant 10240 : i32
    %mul3A_52 = arith.muli %arg0, %mul3A_51 : i32
    %mul3A_53 = arith.constant 640 : i32
    %mul3A_54 = arith.muli %arg1, %mul3A_53 : i32
    %add3A_55 = arith.addi %mul3A_52, %mul3A_54 : i32
    "tpu.region"() ({
      %run_scoped3A = tpu.sem_alloc : memref<!tpu.dma_semaphore, #tpu.memory_space<semaphore_mem>>
      %dma_start3A_56 = arith.constant 0 : i32
      %dma_start3A_57 = tpu.memref_slice %arg5[%add3A_55, %dma_start3A_56] : memref<20480x64xf32, #tpu.memory_space<hbm>> -> memref<640x64xf32, #tpu.memory_space<hbm>>
      %dma_start3A_58 = arith.constant 0 : i32
      %dma_start3A_59 = tpu.memref_slice %arg10[%mul3A_50, %dma_start3A_58] : memref<10240x64xf32, #tpu.memory_space<vmem_shared>> -> memref<640x64xf32, #tpu.memory_space<vmem_shared>>
      tpu.enqueue_dma source(%dma_start3A_59 : memref<640x64xf32, #tpu.memory_space<vmem_shared>>) target(%dma_start3A_57 : memref<640x64xf32, #tpu.memory_space<hbm>>) target_semaphore(%run_scoped3A : memref<!tpu.dma_semaphore, #tpu.memory_space<semaphore_mem>>)
      %dma_wait3A_60 = arith.constant 0 : i32
      %dma_wait3A_61 = tpu.memref_slice %arg5[%add3A_55, %dma_wait3A_60] : memref<20480x64xf32, #tpu.memory_space<hbm>> -> memref<640x64xf32, #tpu.memory_space<hbm>>
      %dma_wait3A_62 = arith.constant 0 : i32
      %dma_wait3A_63 = tpu.memref_slice %arg10[%mul3A_50, %dma_wait3A_62] : memref<10240x64xf32, #tpu.memory_space<vmem_shared>> -> memref<640x64xf32, #tpu.memory_space<vmem_shared>>
      tpu.wait_dma2 semaphore(%run_scoped3A : memref<!tpu.dma_semaphore, #tpu.memory_space<semaphore_mem>>) src(%dma_wait3A_63 : memref<640x64xf32, #tpu.memory_space<vmem_shared>>) dst(%dma_wait3A_61 : memref<640x64xf32, #tpu.memory_space<hbm>>)
      tpu.yield
    }) : () -> ()
    return
  }
}

#map = affine_map<(d0, d1) -> (0, 0)>
#map1 = affine_map<(d0, d1) -> (0, 0, 0)>
module attributes {stable_mosaic.version = 14 : i64} {
  func.func @gs_kernel(%arg0: i32, %arg1: i32, %arg2: memref<10240x64xf32, #tpu.memory_space<hbm>>, %arg3: memref<32x80x128xi32, #tpu.memory_space<hbm>>, %arg4: memref<640x64xf32, #tpu.memory_space<hbm>>, %arg5: memref<20480x64xf32, #tpu.memory_space<hbm>>, %arg6: memref<80x128xi32, #tpu.memory_space<vmem>>, %arg7: memref<80x128xi32, #tpu.memory_space<vmem>>, %arg8: memref<128x64xf32, #tpu.memory_space<vmem>>, %arg9: memref<128x64xf32, #tpu.memory_space<vmem>>, %arg10: memref<10240x64xf32, #tpu.memory_space<vmem_shared>>, %arg11: memref<10240x64xf32, #tpu.memory_space<vmem_shared>>, %arg12: memref<!tpu.dma_semaphore, #tpu.memory_space<semaphore_mem>>, %arg13: memref<!tpu.dma_semaphore, #tpu.memory_space<semaphore_mem>>, %arg14: memref<!tpu.dma_semaphore, #tpu.memory_space<semaphore_mem>>, %arg15: memref<!tpu.dma_semaphore, #tpu.memory_space<semaphore_mem>>) attributes {dimension_semantics = [#tpu.dimension_semantics<core_parallel>, #tpu.dimension_semantics<subcore_parallel>], iteration_bounds = array<i64: 2, 16>, scalar_prefetch = 0 : i64, scratch_operands = 10 : i64, tpu.core_type = #tpu.core_type<sc_vector_subcore>, window_params = [{transform_indices = #map}, {transform_indices = #map1}, {transform_indices = #map}, {transform_indices = #map}]} {
    %mul3A = arith.constant 2 : i32
    %mul3A_0 = arith.muli %arg1, %mul3A : i32
    %add3A = arith.addi %mul3A_0, %arg0 : i32
    "tpu.region"() ({
      %run_scoped3A = tpu.sem_alloc : memref<!tpu.dma_semaphore, #tpu.memory_space<semaphore_mem>>
      %dma_start3A_56 = arith.constant 0 : i32
      %dma_start3A_57 = arith.constant 0 : i32
      %dma_start3A_58 = tpu.memref_slice %arg3[%add3A, %dma_start3A_56, %dma_start3A_57] : memref<32x80x128xi32, #tpu.memory_space<hbm>> -> memref<1x80x128xi32, #tpu.memory_space<hbm>>
      %dma_start3A_59 = tpu.memref_squeeze %dma_start3A_58 : memref<1x80x128xi32, #tpu.memory_space<hbm>> -> memref<80x128xi32, #tpu.memory_space<hbm>>
      %dma_start3A_60 = arith.constant 0 : i32
      %dma_start3A_61 = arith.constant 0 : i32
      %dma_start3A_62 = tpu.memref_slice %arg3[%add3A, %dma_start3A_60, %dma_start3A_61] : memref<32x80x128xi32, #tpu.memory_space<hbm>> -> memref<1x80x128xi32, #tpu.memory_space<hbm>>
      %dma_start3A_63 = tpu.memref_squeeze %dma_start3A_62 : memref<1x80x128xi32, #tpu.memory_space<hbm>> -> memref<80x128xi32, #tpu.memory_space<hbm>>
      tpu.enqueue_dma source(%dma_start3A_63 : memref<80x128xi32, #tpu.memory_space<hbm>>) target(%arg6 : memref<80x128xi32, #tpu.memory_space<vmem>>) target_semaphore(%run_scoped3A : memref<!tpu.dma_semaphore, #tpu.memory_space<semaphore_mem>>)
      %dma_wait3A_64 = arith.constant 0 : i32
      %dma_wait3A_65 = arith.constant 0 : i32
      %dma_wait3A_66 = tpu.memref_slice %arg3[%add3A, %dma_wait3A_64, %dma_wait3A_65] : memref<32x80x128xi32, #tpu.memory_space<hbm>> -> memref<1x80x128xi32, #tpu.memory_space<hbm>>
      %dma_wait3A_67 = tpu.memref_squeeze %dma_wait3A_66 : memref<1x80x128xi32, #tpu.memory_space<hbm>> -> memref<80x128xi32, #tpu.memory_space<hbm>>
      %dma_wait3A_68 = arith.constant 0 : i32
      %dma_wait3A_69 = arith.constant 0 : i32
      %dma_wait3A_70 = tpu.memref_slice %arg3[%add3A, %dma_wait3A_68, %dma_wait3A_69] : memref<32x80x128xi32, #tpu.memory_space<hbm>> -> memref<1x80x128xi32, #tpu.memory_space<hbm>>
      %dma_wait3A_71 = tpu.memref_squeeze %dma_wait3A_70 : memref<1x80x128xi32, #tpu.memory_space<hbm>> -> memref<80x128xi32, #tpu.memory_space<hbm>>
      tpu.wait_dma2 semaphore(%run_scoped3A : memref<!tpu.dma_semaphore, #tpu.memory_space<semaphore_mem>>) src(%dma_wait3A_71 : memref<80x128xi32, #tpu.memory_space<hbm>>) dst(%arg6 : memref<80x128xi32, #tpu.memory_space<vmem>>)
      tpu.yield
    }) : () -> ()
    %eq3A = arith.constant 0 : i32
    %eq3A_1 = arith.cmpi eq, %arg0, %eq3A : i32
    %convert_element_type3A = arith.extui %eq3A_1 : i1 to i32
    %cond3A = arith.constant 0 : i32
    %cond3A_2 = arith.cmpi ne, %convert_element_type3A, %cond3A : i32
    scf.if %cond3A_2 {
      %mul3A_56 = arith.constant 640 : i32
      %mul3A_57 = arith.muli %arg1, %mul3A_56 : i32
      %mul3A_58 = arith.constant 640 : i32
      %mul3A_59 = arith.muli %arg1, %mul3A_58 : i32
      "tpu.region"() ({
        %run_scoped3A = tpu.sem_alloc : memref<!tpu.dma_semaphore, #tpu.memory_space<semaphore_mem>>
        %dma_start3A_60 = arith.constant 0 : i32
        %dma_start3A_61 = tpu.memref_slice %arg10[%mul3A_59, %dma_start3A_60] : memref<10240x64xf32, #tpu.memory_space<vmem_shared>> -> memref<640x64xf32, #tpu.memory_space<vmem_shared>>
        %dma_start3A_62 = arith.constant 0 : i32
        %dma_start3A_63 = tpu.memref_slice %arg2[%mul3A_57, %dma_start3A_62] : memref<10240x64xf32, #tpu.memory_space<hbm>> -> memref<640x64xf32, #tpu.memory_space<hbm>>
        tpu.enqueue_dma source(%dma_start3A_63 : memref<640x64xf32, #tpu.memory_space<hbm>>) target(%dma_start3A_61 : memref<640x64xf32, #tpu.memory_space<vmem_shared>>) target_semaphore(%run_scoped3A : memref<!tpu.dma_semaphore, #tpu.memory_space<semaphore_mem>>)
        %dma_wait3A_64 = arith.constant 0 : i32
        %dma_wait3A_65 = tpu.memref_slice %arg10[%mul3A_59, %dma_wait3A_64] : memref<10240x64xf32, #tpu.memory_space<vmem_shared>> -> memref<640x64xf32, #tpu.memory_space<vmem_shared>>
        %dma_wait3A_66 = arith.constant 0 : i32
        %dma_wait3A_67 = tpu.memref_slice %arg2[%mul3A_57, %dma_wait3A_66] : memref<10240x64xf32, #tpu.memory_space<hbm>> -> memref<640x64xf32, #tpu.memory_space<hbm>>
        tpu.wait_dma2 semaphore(%run_scoped3A : memref<!tpu.dma_semaphore, #tpu.memory_space<semaphore_mem>>) src(%dma_wait3A_67 : memref<640x64xf32, #tpu.memory_space<hbm>>) dst(%dma_wait3A_65 : memref<640x64xf32, #tpu.memory_space<vmem_shared>>)
        tpu.yield
      }) : () -> ()
    } else {
    }
    %ne3A = arith.constant 0 : i32
    %ne3A_3 = arith.cmpi ne, %arg0, %ne3A : i32
    %convert_element_type3A_4 = arith.extui %ne3A_3 : i1 to i32
    %cond3A_5 = arith.constant 0 : i32
    %cond3A_6 = arith.cmpi ne, %convert_element_type3A_4, %cond3A_5 : i32
    scf.if %cond3A_6 {
      %mul3A_56 = arith.constant 640 : i32
      %mul3A_57 = arith.muli %arg1, %mul3A_56 : i32
      "tpu.region"() ({
        %run_scoped3A = tpu.sem_alloc : memref<!tpu.dma_semaphore, #tpu.memory_space<semaphore_mem>>
        %dma_start3A_58 = arith.constant 0 : i32
        %dma_start3A_59 = tpu.memref_slice %arg10[%mul3A_57, %dma_start3A_58] : memref<10240x64xf32, #tpu.memory_space<vmem_shared>> -> memref<640x64xf32, #tpu.memory_space<vmem_shared>>
        tpu.enqueue_dma source(%arg4 : memref<640x64xf32, #tpu.memory_space<hbm>>) target(%dma_start3A_59 : memref<640x64xf32, #tpu.memory_space<vmem_shared>>) target_semaphore(%run_scoped3A : memref<!tpu.dma_semaphore, #tpu.memory_space<semaphore_mem>>)
        %dma_wait3A_60 = arith.constant 0 : i32
        %dma_wait3A_61 = tpu.memref_slice %arg10[%mul3A_57, %dma_wait3A_60] : memref<10240x64xf32, #tpu.memory_space<vmem_shared>> -> memref<640x64xf32, #tpu.memory_space<vmem_shared>>
        tpu.wait_dma2 semaphore(%run_scoped3A : memref<!tpu.dma_semaphore, #tpu.memory_space<semaphore_mem>>) src(%arg4 : memref<640x64xf32, #tpu.memory_space<hbm>>) dst(%dma_wait3A_61 : memref<640x64xf32, #tpu.memory_space<vmem_shared>>)
        tpu.yield
      }) : () -> ()
    } else {
    }
    %mul3A_7 = arith.constant 640 : i32
    %mul3A_8 = arith.muli %arg1, %mul3A_7 : i32
    %mul3A_9 = arith.constant 640 : i32
    %mul3A_10 = arith.muli %arg1, %mul3A_9 : i32
    "tpu.region"() ({
      %run_scoped3A = tpu.sem_alloc : memref<!tpu.dma_semaphore, #tpu.memory_space<semaphore_mem>>
      %dma_start3A_56 = arith.constant 0 : i32
      %dma_start3A_57 = tpu.memref_slice %arg11[%mul3A_10, %dma_start3A_56] : memref<10240x64xf32, #tpu.memory_space<vmem_shared>> -> memref<640x64xf32, #tpu.memory_space<vmem_shared>>
      %dma_start3A_58 = arith.constant 0 : i32
      %dma_start3A_59 = tpu.memref_slice %arg2[%mul3A_8, %dma_start3A_58] : memref<10240x64xf32, #tpu.memory_space<hbm>> -> memref<640x64xf32, #tpu.memory_space<hbm>>
      tpu.enqueue_dma source(%dma_start3A_59 : memref<640x64xf32, #tpu.memory_space<hbm>>) target(%dma_start3A_57 : memref<640x64xf32, #tpu.memory_space<vmem_shared>>) target_semaphore(%run_scoped3A : memref<!tpu.dma_semaphore, #tpu.memory_space<semaphore_mem>>)
      %dma_wait3A_60 = arith.constant 0 : i32
      %dma_wait3A_61 = tpu.memref_slice %arg11[%mul3A_10, %dma_wait3A_60] : memref<10240x64xf32, #tpu.memory_space<vmem_shared>> -> memref<640x64xf32, #tpu.memory_space<vmem_shared>>
      %dma_wait3A_62 = arith.constant 0 : i32
      %dma_wait3A_63 = tpu.memref_slice %arg2[%mul3A_8, %dma_wait3A_62] : memref<10240x64xf32, #tpu.memory_space<hbm>> -> memref<640x64xf32, #tpu.memory_space<hbm>>
      tpu.wait_dma2 semaphore(%run_scoped3A : memref<!tpu.dma_semaphore, #tpu.memory_space<semaphore_mem>>) src(%dma_wait3A_63 : memref<640x64xf32, #tpu.memory_space<hbm>>) dst(%dma_wait3A_61 : memref<640x64xf32, #tpu.memory_space<vmem_shared>>)
      tpu.yield
    }) : () -> ()
    %scan3A = arith.constant 0 : i32
    %scan3A_11 = arith.constant 0 : i32
    %scan3A_12 = arith.constant 80 : i32
    %scan3A_13 = arith.addi %scan3A_11, %scan3A_12 : i32
    %scan3A_14 = arith.constant 1 : i32
    scf.for %scan3A_56 = %scan3A_11 to %scan3A_13 step %scan3A_14  : i32 {
      %get3A = arith.index_cast %scan3A_56 : i32 to index
      %get3A_57 = arith.constant 0 : index
      %get3A_58 = tpu.vector_load %arg6[%get3A, %get3A_57] {strides = array<i32>} : memref<80x128xi32, #tpu.memory_space<vmem>>, vector<1x16xi32>,
      %get3A_59 = vector.shape_cast %get3A_58 : vector<1x16xi32> to vector<16xi32>
      %shift_right_logical3A = arith.constant 14 : i32
      %shift_right_logical3A_60 = vector.broadcast %shift_right_logical3A : i32 to vector<16xi32>
      %shift_right_logical3A_61 = arith.shrui %get3A_59, %shift_right_logical3A_60 : vector<16xi32>
      %swap3A = arith.index_cast %scan3A_56 : i32 to index
      %swap3A_62 = arith.constant 0 : index
      %swap3A_63 = tpu.vector_load %arg7[%swap3A, %swap3A_62] {strides = array<i32>} : memref<80x128xi32, #tpu.memory_space<vmem>>, vector<1x16xi32>,
      %swap3A_64 = vector.shape_cast %swap3A_63 : vector<1x16xi32> to vector<16xi32>
      %swap3A_65 = vector.shape_cast %shift_right_logical3A_61 : vector<16xi32> to vector<1x16xi32>
      tpu.vector_store %arg7[%swap3A, %swap3A_62], %swap3A_65 {strides = array<i32>} : memref<80x128xi32, #tpu.memory_space<vmem>>, vector<1x16xi32>,
      %and3A = arith.constant 16383 : i32
      %and3A_66 = vector.broadcast %and3A : i32 to vector<16xi32>
      %and3A_67 = arith.andi %get3A_59, %and3A_66 : vector<16xi32>
      %swap3A_68 = arith.index_cast %scan3A_56 : i32 to index
      %swap3A_69 = arith.constant 0 : index
      %swap3A_70 = tpu.vector_load %arg6[%swap3A_68, %swap3A_69] {strides = array<i32>} : memref<80x128xi32, #tpu.memory_space<vmem>>, vector<1x16xi32>,
      %swap3A_71 = vector.shape_cast %swap3A_70 : vector<1x16xi32> to vector<16xi32>
      %swap3A_72 = vector.shape_cast %and3A_67 : vector<16xi32> to vector<1x16xi32>
      tpu.vector_store %arg6[%swap3A_68, %swap3A_69], %swap3A_72 {strides = array<i32>} : memref<80x128xi32, #tpu.memory_space<vmem>>, vector<1x16xi32>,
      %get3A_73 = arith.index_cast %scan3A_56 : i32 to index
      %get3A_74 = arith.constant 16 : index
      %get3A_75 = tpu.vector_load %arg6[%get3A_73, %get3A_74] {strides = array<i32>} : memref<80x128xi32, #tpu.memory_space<vmem>>, vector<1x16xi32>,
      %get3A_76 = vector.shape_cast %get3A_75 : vector<1x16xi32> to vector<16xi32>
      %shift_right_logical3A_77 = arith.constant 14 : i32
      %shift_right_logical3A_78 = vector.broadcast %shift_right_logical3A_77 : i32 to vector<16xi32>
      %shift_right_logical3A_79 = arith.shrui %get3A_76, %shift_right_logical3A_78 : vector<16xi32>
      %swap3A_80 = arith.index_cast %scan3A_56 : i32 to index
      %swap3A_81 = arith.constant 16 : index
      %swap3A_82 = tpu.vector_load %arg7[%swap3A_80, %swap3A_81] {strides = array<i32>} : memref<80x128xi32, #tpu.memory_space<vmem>>, vector<1x16xi32>,
      %swap3A_83 = vector.shape_cast %swap3A_82 : vector<1x16xi32> to vector<16xi32>
      %swap3A_84 = vector.shape_cast %shift_right_logical3A_79 : vector<16xi32> to vector<1x16xi32>
      tpu.vector_store %arg7[%swap3A_80, %swap3A_81], %swap3A_84 {strides = array<i32>} : memref<80x128xi32, #tpu.memory_space<vmem>>, vector<1x16xi32>,
      %and3A_85 = arith.constant 16383 : i32
      %and3A_86 = vector.broadcast %and3A_85 : i32 to vector<16xi32>
      %and3A_87 = arith.andi %get3A_76, %and3A_86 : vector<16xi32>
      %swap3A_88 = arith.index_cast %scan3A_56 : i32 to index
      %swap3A_89 = arith.constant 16 : index
      %swap3A_90 = tpu.vector_load %arg6[%swap3A_88, %swap3A_89] {strides = array<i32>} : memref<80x128xi32, #tpu.memory_space<vmem>>, vector<1x16xi32>,
      %swap3A_91 = vector.shape_cast %swap3A_90 : vector<1x16xi32> to vector<16xi32>
      %swap3A_92 = vector.shape_cast %and3A_87 : vector<16xi32> to vector<1x16xi32>
      tpu.vector_store %arg6[%swap3A_88, %swap3A_89], %swap3A_92 {strides = array<i32>} : memref<80x128xi32, #tpu.memory_space<vmem>>, vector<1x16xi32>,
      %get3A_93 = arith.index_cast %scan3A_56 : i32 to index
      %get3A_94 = arith.constant 32 : index
      %get3A_95 = tpu.vector_load %arg6[%get3A_93, %get3A_94] {strides = array<i32>} : memref<80x128xi32, #tpu.memory_space<vmem>>, vector<1x16xi32>,
      %get3A_96 = vector.shape_cast %get3A_95 : vector<1x16xi32> to vector<16xi32>
      %shift_right_logical3A_97 = arith.constant 14 : i32
      %shift_right_logical3A_98 = vector.broadcast %shift_right_logical3A_97 : i32 to vector<16xi32>
      %shift_right_logical3A_99 = arith.shrui %get3A_96, %shift_right_logical3A_98 : vector<16xi32>
      %swap3A_100 = arith.index_cast %scan3A_56 : i32 to index
      %swap3A_101 = arith.constant 32 : index
      %swap3A_102 = tpu.vector_load %arg7[%swap3A_100, %swap3A_101] {strides = array<i32>} : memref<80x128xi32, #tpu.memory_space<vmem>>, vector<1x16xi32>,
      %swap3A_103 = vector.shape_cast %swap3A_102 : vector<1x16xi32> to vector<16xi32>
      %swap3A_104 = vector.shape_cast %shift_right_logical3A_99 : vector<16xi32> to vector<1x16xi32>
      tpu.vector_store %arg7[%swap3A_100, %swap3A_101], %swap3A_104 {strides = array<i32>} : memref<80x128xi32, #tpu.memory_space<vmem>>, vector<1x16xi32>,
      %and3A_105 = arith.constant 16383 : i32
      %and3A_106 = vector.broadcast %and3A_105 : i32 to vector<16xi32>
      %and3A_107 = arith.andi %get3A_96, %and3A_106 : vector<16xi32>
      %swap3A_108 = arith.index_cast %scan3A_56 : i32 to index
      %swap3A_109 = arith.constant 32 : index
      %swap3A_110 = tpu.vector_load %arg6[%swap3A_108, %swap3A_109] {strides = array<i32>} : memref<80x128xi32, #tpu.memory_space<vmem>>, vector<1x16xi32>,
      %swap3A_111 = vector.shape_cast %swap3A_110 : vector<1x16xi32> to vector<16xi32>
      %swap3A_112 = vector.shape_cast %and3A_107 : vector<16xi32> to vector<1x16xi32>
      tpu.vector_store %arg6[%swap3A_108, %swap3A_109], %swap3A_112 {strides = array<i32>} : memref<80x128xi32, #tpu.memory_space<vmem>>, vector<1x16xi32>,
      %get3A_113 = arith.index_cast %scan3A_56 : i32 to index
      %get3A_114 = arith.constant 48 : index
      %get3A_115 = tpu.vector_load %arg6[%get3A_113, %get3A_114] {strides = array<i32>} : memref<80x128xi32, #tpu.memory_space<vmem>>, vector<1x16xi32>,
      %get3A_116 = vector.shape_cast %get3A_115 : vector<1x16xi32> to vector<16xi32>
      %shift_right_logical3A_117 = arith.constant 14 : i32
      %shift_right_logical3A_118 = vector.broadcast %shift_right_logical3A_117 : i32 to vector<16xi32>
      %shift_right_logical3A_119 = arith.shrui %get3A_116, %shift_right_logical3A_118 : vector<16xi32>
      %swap3A_120 = arith.index_cast %scan3A_56 : i32 to index
      %swap3A_121 = arith.constant 48 : index
      %swap3A_122 = tpu.vector_load %arg7[%swap3A_120, %swap3A_121] {strides = array<i32>} : memref<80x128xi32, #tpu.memory_space<vmem>>, vector<1x16xi32>,
      %swap3A_123 = vector.shape_cast %swap3A_122 : vector<1x16xi32> to vector<16xi32>
      %swap3A_124 = vector.shape_cast %shift_right_logical3A_119 : vector<16xi32> to vector<1x16xi32>
      tpu.vector_store %arg7[%swap3A_120, %swap3A_121], %swap3A_124 {strides = array<i32>} : memref<80x128xi32, #tpu.memory_space<vmem>>, vector<1x16xi32>,
      %and3A_125 = arith.constant 16383 : i32
      %and3A_126 = vector.broadcast %and3A_125 : i32 to vector<16xi32>
      %and3A_127 = arith.andi %get3A_116, %and3A_126 : vector<16xi32>
      %swap3A_128 = arith.index_cast %scan3A_56 : i32 to index
      %swap3A_129 = arith.constant 48 : index
      %swap3A_130 = tpu.vector_load %arg6[%swap3A_128, %swap3A_129] {strides = array<i32>} : memref<80x128xi32, #tpu.memory_space<vmem>>, vector<1x16xi32>,
      %swap3A_131 = vector.shape_cast %swap3A_130 : vector<1x16xi32> to vector<16xi32>
      %swap3A_132 = vector.shape_cast %and3A_127 : vector<16xi32> to vector<1x16xi32>
      tpu.vector_store %arg6[%swap3A_128, %swap3A_129], %swap3A_132 {strides = array<i32>} : memref<80x128xi32, #tpu.memory_space<vmem>>, vector<1x16xi32>,
      %get3A_133 = arith.index_cast %scan3A_56 : i32 to index
      %get3A_134 = arith.constant 64 : index
      %get3A_135 = tpu.vector_load %arg6[%get3A_133, %get3A_134] {strides = array<i32>} : memref<80x128xi32, #tpu.memory_space<vmem>>, vector<1x16xi32>,
      %get3A_136 = vector.shape_cast %get3A_135 : vector<1x16xi32> to vector<16xi32>
      %shift_right_logical3A_137 = arith.constant 14 : i32
      %shift_right_logical3A_138 = vector.broadcast %shift_right_logical3A_137 : i32 to vector<16xi32>
      %shift_right_logical3A_139 = arith.shrui %get3A_136, %shift_right_logical3A_138 : vector<16xi32>
      %swap3A_140 = arith.index_cast %scan3A_56 : i32 to index
      %swap3A_141 = arith.constant 64 : index
      %swap3A_142 = tpu.vector_load %arg7[%swap3A_140, %swap3A_141] {strides = array<i32>} : memref<80x128xi32, #tpu.memory_space<vmem>>, vector<1x16xi32>,
      %swap3A_143 = vector.shape_cast %swap3A_142 : vector<1x16xi32> to vector<16xi32>
      %swap3A_144 = vector.shape_cast %shift_right_logical3A_139 : vector<16xi32> to vector<1x16xi32>
      tpu.vector_store %arg7[%swap3A_140, %swap3A_141], %swap3A_144 {strides = array<i32>} : memref<80x128xi32, #tpu.memory_space<vmem>>, vector<1x16xi32>,
      %and3A_145 = arith.constant 16383 : i32
      %and3A_146 = vector.broadcast %and3A_145 : i32 to vector<16xi32>
      %and3A_147 = arith.andi %get3A_136, %and3A_146 : vector<16xi32>
      %swap3A_148 = arith.index_cast %scan3A_56 : i32 to index
      %swap3A_149 = arith.constant 64 : index
      %swap3A_150 = tpu.vector_load %arg6[%swap3A_148, %swap3A_149] {strides = array<i32>} : memref<80x128xi32, #tpu.memory_space<vmem>>, vector<1x16xi32>,
      %swap3A_151 = vector.shape_cast %swap3A_150 : vector<1x16xi32> to vector<16xi32>
      %swap3A_152 = vector.shape_cast %and3A_147 : vector<16xi32> to vector<1x16xi32>
      tpu.vector_store %arg6[%swap3A_148, %swap3A_149], %swap3A_152 {strides = array<i32>} : memref<80x128xi32, #tpu.memory_space<vmem>>, vector<1x16xi32>,
      %get3A_153 = arith.index_cast %scan3A_56 : i32 to index
      %get3A_154 = arith.constant 80 : index
      %get3A_155 = tpu.vector_load %arg6[%get3A_153, %get3A_154] {strides = array<i32>} : memref<80x128xi32, #tpu.memory_space<vmem>>, vector<1x16xi32>,
      %get3A_156 = vector.shape_cast %get3A_155 : vector<1x16xi32> to vector<16xi32>
      %shift_right_logical3A_157 = arith.constant 14 : i32
      %shift_right_logical3A_158 = vector.broadcast %shift_right_logical3A_157 : i32 to vector<16xi32>
      %shift_right_logical3A_159 = arith.shrui %get3A_156, %shift_right_logical3A_158 : vector<16xi32>
      %swap3A_160 = arith.index_cast %scan3A_56 : i32 to index
      %swap3A_161 = arith.constant 80 : index
      %swap3A_162 = tpu.vector_load %arg7[%swap3A_160, %swap3A_161] {strides = array<i32>} : memref<80x128xi32, #tpu.memory_space<vmem>>, vector<1x16xi32>,
      %swap3A_163 = vector.shape_cast %swap3A_162 : vector<1x16xi32> to vector<16xi32>
      %swap3A_164 = vector.shape_cast %shift_right_logical3A_159 : vector<16xi32> to vector<1x16xi32>
      tpu.vector_store %arg7[%swap3A_160, %swap3A_161], %swap3A_164 {strides = array<i32>} : memref<80x128xi32, #tpu.memory_space<vmem>>, vector<1x16xi32>,
      %and3A_165 = arith.constant 16383 : i32
      %and3A_166 = vector.broadcast %and3A_165 : i32 to vector<16xi32>
      %and3A_167 = arith.andi %get3A_156, %and3A_166 : vector<16xi32>
      %swap3A_168 = arith.index_cast %scan3A_56 : i32 to index
      %swap3A_169 = arith.constant 80 : index
      %swap3A_170 = tpu.vector_load %arg6[%swap3A_168, %swap3A_169] {strides = array<i32>} : memref<80x128xi32, #tpu.memory_space<vmem>>, vector<1x16xi32>,
      %swap3A_171 = vector.shape_cast %swap3A_170 : vector<1x16xi32> to vector<16xi32>
      %swap3A_172 = vector.shape_cast %and3A_167 : vector<16xi32> to vector<1x16xi32>
      tpu.vector_store %arg6[%swap3A_168, %swap3A_169], %swap3A_172 {strides = array<i32>} : memref<80x128xi32, #tpu.memory_space<vmem>>, vector<1x16xi32>,
      %get3A_173 = arith.index_cast %scan3A_56 : i32 to index
      %get3A_174 = arith.constant 96 : index
      %get3A_175 = tpu.vector_load %arg6[%get3A_173, %get3A_174] {strides = array<i32>} : memref<80x128xi32, #tpu.memory_space<vmem>>, vector<1x16xi32>,
      %get3A_176 = vector.shape_cast %get3A_175 : vector<1x16xi32> to vector<16xi32>
      %shift_right_logical3A_177 = arith.constant 14 : i32
      %shift_right_logical3A_178 = vector.broadcast %shift_right_logical3A_177 : i32 to vector<16xi32>
      %shift_right_logical3A_179 = arith.shrui %get3A_176, %shift_right_logical3A_178 : vector<16xi32>
      %swap3A_180 = arith.index_cast %scan3A_56 : i32 to index
      %swap3A_181 = arith.constant 96 : index
      %swap3A_182 = tpu.vector_load %arg7[%swap3A_180, %swap3A_181] {strides = array<i32>} : memref<80x128xi32, #tpu.memory_space<vmem>>, vector<1x16xi32>,
      %swap3A_183 = vector.shape_cast %swap3A_182 : vector<1x16xi32> to vector<16xi32>
      %swap3A_184 = vector.shape_cast %shift_right_logical3A_179 : vector<16xi32> to vector<1x16xi32>
      tpu.vector_store %arg7[%swap3A_180, %swap3A_181], %swap3A_184 {strides = array<i32>} : memref<80x128xi32, #tpu.memory_space<vmem>>, vector<1x16xi32>,
      %and3A_185 = arith.constant 16383 : i32
      %and3A_186 = vector.broadcast %and3A_185 : i32 to vector<16xi32>
      %and3A_187 = arith.andi %get3A_176, %and3A_186 : vector<16xi32>
      %swap3A_188 = arith.index_cast %scan3A_56 : i32 to index
      %swap3A_189 = arith.constant 96 : index
      %swap3A_190 = tpu.vector_load %arg6[%swap3A_188, %swap3A_189] {strides = array<i32>} : memref<80x128xi32, #tpu.memory_space<vmem>>, vector<1x16xi32>,
      %swap3A_191 = vector.shape_cast %swap3A_190 : vector<1x16xi32> to vector<16xi32>
      %swap3A_192 = vector.shape_cast %and3A_187 : vector<16xi32> to vector<1x16xi32>
      tpu.vector_store %arg6[%swap3A_188, %swap3A_189], %swap3A_192 {strides = array<i32>} : memref<80x128xi32, #tpu.memory_space<vmem>>, vector<1x16xi32>,
      %get3A_193 = arith.index_cast %scan3A_56 : i32 to index
      %get3A_194 = arith.constant 112 : index
      %get3A_195 = tpu.vector_load %arg6[%get3A_193, %get3A_194] {strides = array<i32>} : memref<80x128xi32, #tpu.memory_space<vmem>>, vector<1x16xi32>,
      %get3A_196 = vector.shape_cast %get3A_195 : vector<1x16xi32> to vector<16xi32>
      %shift_right_logical3A_197 = arith.constant 14 : i32
      %shift_right_logical3A_198 = vector.broadcast %shift_right_logical3A_197 : i32 to vector<16xi32>
      %shift_right_logical3A_199 = arith.shrui %get3A_196, %shift_right_logical3A_198 : vector<16xi32>
      %swap3A_200 = arith.index_cast %scan3A_56 : i32 to index
      %swap3A_201 = arith.constant 112 : index
      %swap3A_202 = tpu.vector_load %arg7[%swap3A_200, %swap3A_201] {strides = array<i32>} : memref<80x128xi32, #tpu.memory_space<vmem>>, vector<1x16xi32>,
      %swap3A_203 = vector.shape_cast %swap3A_202 : vector<1x16xi32> to vector<16xi32>
      %swap3A_204 = vector.shape_cast %shift_right_logical3A_199 : vector<16xi32> to vector<1x16xi32>
      tpu.vector_store %arg7[%swap3A_200, %swap3A_201], %swap3A_204 {strides = array<i32>} : memref<80x128xi32, #tpu.memory_space<vmem>>, vector<1x16xi32>,
      %and3A_205 = arith.constant 16383 : i32
      %and3A_206 = vector.broadcast %and3A_205 : i32 to vector<16xi32>
      %and3A_207 = arith.andi %get3A_196, %and3A_206 : vector<16xi32>
      %swap3A_208 = arith.index_cast %scan3A_56 : i32 to index
      %swap3A_209 = arith.constant 112 : index
      %swap3A_210 = tpu.vector_load %arg6[%swap3A_208, %swap3A_209] {strides = array<i32>} : memref<80x128xi32, #tpu.memory_space<vmem>>, vector<1x16xi32>,
      %swap3A_211 = vector.shape_cast %swap3A_210 : vector<1x16xi32> to vector<16xi32>
      %swap3A_212 = vector.shape_cast %and3A_207 : vector<16xi32> to vector<1x16xi32>
      tpu.vector_store %arg6[%swap3A_208, %swap3A_209], %swap3A_212 {strides = array<i32>} : memref<80x128xi32, #tpu.memory_space<vmem>>, vector<1x16xi32>,
    }
    %scan3A_15 = arith.constant 80 : i32
    %barrier3A = arith.constant 0 : index
    tpu.barrier barrier_id(%barrier3A)
    %dma_start3A = arith.constant 0 : i32
    %dma_start3A_16 = arith.constant 0 : i32
    %dma_start3A_17 = tpu.memref_slice %arg6[%dma_start3A, %dma_start3A_16] : memref<80x128xi32, #tpu.memory_space<vmem>> -> memref<1x128xi32, #tpu.memory_space<vmem>>
    %dma_start3A_18 = tpu.memref_squeeze %dma_start3A_17 : memref<1x128xi32, #tpu.memory_space<vmem>> -> memref<128xi32, #tpu.memory_space<vmem>>
    %dma_start3A_19 = arith.constant 0 : i32
    %dma_start3A_20 = arith.constant 0 : i32
    %dma_start3A_21 = tpu.memref_slice %arg11[%dma_start3A_19, %dma_start3A_20] : memref<10240x64xf32, #tpu.memory_space<vmem_shared>> -> memref<10240x64xf32, #tpu.memory_space<vmem_shared>>
    tpu.enqueue_indirect_dma source(%dma_start3A_21 : memref<10240x64xf32, #tpu.memory_space<vmem_shared>>) target(%arg8 : memref<128x64xf32, #tpu.memory_space<vmem>>) offsets(%dma_start3A_18 : memref<128xi32, #tpu.memory_space<vmem>>) semaphore(%arg12 : memref<!tpu.dma_semaphore, #tpu.memory_space<semaphore_mem>>)
    %dma_start3A_22 = arith.constant 1 : i32
    %dma_start3A_23 = arith.constant 0 : i32
    %dma_start3A_24 = tpu.memref_slice %arg6[%dma_start3A_22, %dma_start3A_23] : memref<80x128xi32, #tpu.memory_space<vmem>> -> memref<1x128xi32, #tpu.memory_space<vmem>>
    %dma_start3A_25 = tpu.memref_squeeze %dma_start3A_24 : memref<1x128xi32, #tpu.memory_space<vmem>> -> memref<128xi32, #tpu.memory_space<vmem>>
    %dma_start3A_26 = arith.constant 0 : i32
    %dma_start3A_27 = arith.constant 0 : i32
    %dma_start3A_28 = tpu.memref_slice %arg11[%dma_start3A_26, %dma_start3A_27] : memref<10240x64xf32, #tpu.memory_space<vmem_shared>> -> memref<10240x64xf32, #tpu.memory_space<vmem_shared>>
    tpu.enqueue_indirect_dma source(%dma_start3A_28 : memref<10240x64xf32, #tpu.memory_space<vmem_shared>>) target(%arg9 : memref<128x64xf32, #tpu.memory_space<vmem>>) offsets(%dma_start3A_25 : memref<128xi32, #tpu.memory_space<vmem>>) semaphore(%arg13 : memref<!tpu.dma_semaphore, #tpu.memory_space<semaphore_mem>>)
    %scan3A_29 = arith.constant 0 : i32
    %scan3A_30 = arith.constant 0 : i32
    %scan3A_31 = arith.constant 40 : i32
    %scan3A_32 = arith.addi %scan3A_30, %scan3A_31 : i32
    %scan3A_33 = arith.constant 1 : i32
    scf.for %scan3A_56 = %scan3A_30 to %scan3A_32 step %scan3A_33  : i32 {
      %mul3A_57 = arith.constant 2 : i32
      %mul3A_58 = arith.muli %mul3A_57, %scan3A_56 : i32
      %add3A_59 = arith.constant 0 : i32
      %add3A_60 = arith.addi %mul3A_58, %add3A_59 : i32
      %dma_wait3A_61 = arith.constant 0 : i32
      %dma_wait3A_62 = tpu.memref_slice %arg6[%add3A_60, %dma_wait3A_61] : memref<80x128xi32, #tpu.memory_space<vmem>> -> memref<1x128xi32, #tpu.memory_space<vmem>>
      %dma_wait3A_63 = tpu.memref_squeeze %dma_wait3A_62 : memref<1x128xi32, #tpu.memory_space<vmem>> -> memref<128xi32, #tpu.memory_space<vmem>>
      %dma_wait3A_64 = arith.constant 0 : i32
      %dma_wait3A_65 = arith.constant 0 : i32
      %dma_wait3A_66 = tpu.memref_slice %arg11[%dma_wait3A_64, %dma_wait3A_65] : memref<10240x64xf32, #tpu.memory_space<vmem_shared>> -> memref<10240x64xf32, #tpu.memory_space<vmem_shared>>
      tpu.wait_indirect_dma semaphore(%arg12 : memref<!tpu.dma_semaphore, #tpu.memory_space<semaphore_mem>>) src(%dma_wait3A_66 : memref<10240x64xf32, #tpu.memory_space<vmem_shared>>) dst(%arg8 : memref<128x64xf32, #tpu.memory_space<vmem>>)
      %add3A_67 = arith.constant 0 : i32
      %add3A_68 = arith.addi %mul3A_58, %add3A_67 : i32
      %dma_start3A_69 = arith.constant 0 : i32
      %dma_start3A_70 = tpu.memref_slice %arg7[%add3A_68, %dma_start3A_69] : memref<80x128xi32, #tpu.memory_space<vmem>> -> memref<1x128xi32, #tpu.memory_space<vmem>>
      %dma_start3A_71 = tpu.memref_squeeze %dma_start3A_70 : memref<1x128xi32, #tpu.memory_space<vmem>> -> memref<128xi32, #tpu.memory_space<vmem>>
      %dma_start3A_72 = arith.constant 0 : i32
      %dma_start3A_73 = arith.constant 0 : i32
      %dma_start3A_74 = tpu.memref_slice %arg10[%dma_start3A_72, %dma_start3A_73] : memref<10240x64xf32, #tpu.memory_space<vmem_shared>> -> memref<10240x64xf32, #tpu.memory_space<vmem_shared>>
      tpu.enqueue_indirect_dma source(%arg8 : memref<128x64xf32, #tpu.memory_space<vmem>>) target(%dma_start3A_74 : memref<10240x64xf32, #tpu.memory_space<vmem_shared>>) offsets(%dma_start3A_71 : memref<128xi32, #tpu.memory_space<vmem>>) semaphore(%arg14 : memref<!tpu.dma_semaphore, #tpu.memory_space<semaphore_mem>>) {add = true}
      %add3A_75 = arith.constant 1 : i32
      %add3A_76 = arith.addi %mul3A_58, %add3A_75 : i32
      %dma_wait3A_77 = arith.constant 0 : i32
      %dma_wait3A_78 = tpu.memref_slice %arg6[%add3A_76, %dma_wait3A_77] : memref<80x128xi32, #tpu.memory_space<vmem>> -> memref<1x128xi32, #tpu.memory_space<vmem>>
      %dma_wait3A_79 = tpu.memref_squeeze %dma_wait3A_78 : memref<1x128xi32, #tpu.memory_space<vmem>> -> memref<128xi32, #tpu.memory_space<vmem>>
      %dma_wait3A_80 = arith.constant 0 : i32
      %dma_wait3A_81 = arith.constant 0 : i32
      %dma_wait3A_82 = tpu.memref_slice %arg11[%dma_wait3A_80, %dma_wait3A_81] : memref<10240x64xf32, #tpu.memory_space<vmem_shared>> -> memref<10240x64xf32, #tpu.memory_space<vmem_shared>>
      tpu.wait_indirect_dma semaphore(%arg13 : memref<!tpu.dma_semaphore, #tpu.memory_space<semaphore_mem>>) src(%dma_wait3A_82 : memref<10240x64xf32, #tpu.memory_space<vmem_shared>>) dst(%arg9 : memref<128x64xf32, #tpu.memory_space<vmem>>)
      %add3A_83 = arith.constant 1 : i32
      %add3A_84 = arith.addi %mul3A_58, %add3A_83 : i32
      %dma_start3A_85 = arith.constant 0 : i32
      %dma_start3A_86 = tpu.memref_slice %arg7[%add3A_84, %dma_start3A_85] : memref<80x128xi32, #tpu.memory_space<vmem>> -> memref<1x128xi32, #tpu.memory_space<vmem>>
      %dma_start3A_87 = tpu.memref_squeeze %dma_start3A_86 : memref<1x128xi32, #tpu.memory_space<vmem>> -> memref<128xi32, #tpu.memory_space<vmem>>
      %dma_start3A_88 = arith.constant 0 : i32
      %dma_start3A_89 = arith.constant 0 : i32
      %dma_start3A_90 = tpu.memref_slice %arg10[%dma_start3A_88, %dma_start3A_89] : memref<10240x64xf32, #tpu.memory_space<vmem_shared>> -> memref<10240x64xf32, #tpu.memory_space<vmem_shared>>
      tpu.enqueue_indirect_dma source(%arg9 : memref<128x64xf32, #tpu.memory_space<vmem>>) target(%dma_start3A_90 : memref<10240x64xf32, #tpu.memory_space<vmem_shared>>) offsets(%dma_start3A_87 : memref<128xi32, #tpu.memory_space<vmem>>) semaphore(%arg15 : memref<!tpu.dma_semaphore, #tpu.memory_space<semaphore_mem>>) {add = true}
      %lt3A = arith.constant 39 : i32
      %lt3A_91 = arith.cmpi slt, %scan3A_56, %lt3A : i32
      %convert_element_type3A_92 = arith.extui %lt3A_91 : i1 to i32
      %cond3A_93 = arith.constant 0 : i32
      %cond3A_94 = arith.cmpi ne, %convert_element_type3A_92, %cond3A_93 : i32
      scf.if %cond3A_94 {
        %add3A_95 = arith.constant 0 : i32
        %add3A_96 = arith.addi %mul3A_58, %add3A_95 : i32
        %dma_wait3A_97 = arith.constant 0 : i32
        %dma_wait3A_98 = tpu.memref_slice %arg7[%add3A_96, %dma_wait3A_97] : memref<80x128xi32, #tpu.memory_space<vmem>> -> memref<1x128xi32, #tpu.memory_space<vmem>>
        %dma_wait3A_99 = tpu.memref_squeeze %dma_wait3A_98 : memref<1x128xi32, #tpu.memory_space<vmem>> -> memref<128xi32, #tpu.memory_space<vmem>>
        %dma_wait3A_100 = arith.constant 0 : i32
        %dma_wait3A_101 = arith.constant 0 : i32
        %dma_wait3A_102 = tpu.memref_slice %arg10[%dma_wait3A_100, %dma_wait3A_101] : memref<10240x64xf32, #tpu.memory_space<vmem_shared>> -> memref<10240x64xf32, #tpu.memory_space<vmem_shared>>
        tpu.wait_indirect_dma semaphore(%arg14 : memref<!tpu.dma_semaphore, #tpu.memory_space<semaphore_mem>>) src(%arg8 : memref<128x64xf32, #tpu.memory_space<vmem>>) dst(%dma_wait3A_102 : memref<10240x64xf32, #tpu.memory_space<vmem_shared>>)
        %add3A_103 = arith.constant 2 : i32
        %add3A_104 = arith.addi %mul3A_58, %add3A_103 : i32
        %add3A_105 = arith.constant 0 : i32
        %add3A_106 = arith.addi %add3A_104, %add3A_105 : i32
        %dma_start3A_107 = arith.constant 0 : i32
        %dma_start3A_108 = tpu.memref_slice %arg6[%add3A_106, %dma_start3A_107] : memref<80x128xi32, #tpu.memory_space<vmem>> -> memref<1x128xi32, #tpu.memory_space<vmem>>
        %dma_start3A_109 = tpu.memref_squeeze %dma_start3A_108 : memref<1x128xi32, #tpu.memory_space<vmem>> -> memref<128xi32, #tpu.memory_space<vmem>>
        %dma_start3A_110 = arith.constant 0 : i32
        %dma_start3A_111 = arith.constant 0 : i32
        %dma_start3A_112 = tpu.memref_slice %arg11[%dma_start3A_110, %dma_start3A_111] : memref<10240x64xf32, #tpu.memory_space<vmem_shared>> -> memref<10240x64xf32, #tpu.memory_space<vmem_shared>>
        tpu.enqueue_indirect_dma source(%dma_start3A_112 : memref<10240x64xf32, #tpu.memory_space<vmem_shared>>) target(%arg8 : memref<128x64xf32, #tpu.memory_space<vmem>>) offsets(%dma_start3A_109 : memref<128xi32, #tpu.memory_space<vmem>>) semaphore(%arg12 : memref<!tpu.dma_semaphore, #tpu.memory_space<semaphore_mem>>)
        %add3A_113 = arith.constant 1 : i32
        %add3A_114 = arith.addi %mul3A_58, %add3A_113 : i32
        %dma_wait3A_115 = arith.constant 0 : i32
        %dma_wait3A_116 = tpu.memref_slice %arg7[%add3A_114, %dma_wait3A_115] : memref<80x128xi32, #tpu.memory_space<vmem>> -> memref<1x128xi32, #tpu.memory_space<vmem>>
        %dma_wait3A_117 = tpu.memref_squeeze %dma_wait3A_116 : memref<1x128xi32, #tpu.memory_space<vmem>> -> memref<128xi32, #tpu.memory_space<vmem>>
        %dma_wait3A_118 = arith.constant 0 : i32
        %dma_wait3A_119 = arith.constant 0 : i32
        %dma_wait3A_120 = tpu.memref_slice %arg10[%dma_wait3A_118, %dma_wait3A_119] : memref<10240x64xf32, #tpu.memory_space<vmem_shared>> -> memref<10240x64xf32, #tpu.memory_space<vmem_shared>>
        tpu.wait_indirect_dma semaphore(%arg15 : memref<!tpu.dma_semaphore, #tpu.memory_space<semaphore_mem>>) src(%arg9 : memref<128x64xf32, #tpu.memory_space<vmem>>) dst(%dma_wait3A_120 : memref<10240x64xf32, #tpu.memory_space<vmem_shared>>)
        %add3A_121 = arith.constant 2 : i32
        %add3A_122 = arith.addi %mul3A_58, %add3A_121 : i32
        %add3A_123 = arith.constant 1 : i32
        %add3A_124 = arith.addi %add3A_122, %add3A_123 : i32
        %dma_start3A_125 = arith.constant 0 : i32
        %dma_start3A_126 = tpu.memref_slice %arg6[%add3A_124, %dma_start3A_125] : memref<80x128xi32, #tpu.memory_space<vmem>> -> memref<1x128xi32, #tpu.memory_space<vmem>>
        %dma_start3A_127 = tpu.memref_squeeze %dma_start3A_126 : memref<1x128xi32, #tpu.memory_space<vmem>> -> memref<128xi32, #tpu.memory_space<vmem>>
        %dma_start3A_128 = arith.constant 0 : i32
        %dma_start3A_129 = arith.constant 0 : i32
        %dma_start3A_130 = tpu.memref_slice %arg11[%dma_start3A_128, %dma_start3A_129] : memref<10240x64xf32, #tpu.memory_space<vmem_shared>> -> memref<10240x64xf32, #tpu.memory_space<vmem_shared>>
        tpu.enqueue_indirect_dma source(%dma_start3A_130 : memref<10240x64xf32, #tpu.memory_space<vmem_shared>>) target(%arg9 : memref<128x64xf32, #tpu.memory_space<vmem>>) offsets(%dma_start3A_127 : memref<128xi32, #tpu.memory_space<vmem>>) semaphore(%arg13 : memref<!tpu.dma_semaphore, #tpu.memory_space<semaphore_mem>>)
      } else {
      }
    }
    %scan3A_34 = arith.constant 40 : i32
    %dma_wait3A = arith.constant 78 : i32
    %dma_wait3A_35 = arith.constant 0 : i32
    %dma_wait3A_36 = tpu.memref_slice %arg7[%dma_wait3A, %dma_wait3A_35] : memref<80x128xi32, #tpu.memory_space<vmem>> -> memref<1x128xi32, #tpu.memory_space<vmem>>
    %dma_wait3A_37 = tpu.memref_squeeze %dma_wait3A_36 : memref<1x128xi32, #tpu.memory_space<vmem>> -> memref<128xi32, #tpu.memory_space<vmem>>
    %dma_wait3A_38 = arith.constant 0 : i32
    %dma_wait3A_39 = arith.constant 0 : i32
    %dma_wait3A_40 = tpu.memref_slice %arg10[%dma_wait3A_38, %dma_wait3A_39] : memref<10240x64xf32, #tpu.memory_space<vmem_shared>> -> memref<10240x64xf32, #tpu.memory_space<vmem_shared>>
    tpu.wait_indirect_dma semaphore(%arg14 : memref<!tpu.dma_semaphore, #tpu.memory_space<semaphore_mem>>) src(%arg8 : memref<128x64xf32, #tpu.memory_space<vmem>>) dst(%dma_wait3A_40 : memref<10240x64xf32, #tpu.memory_space<vmem_shared>>)
    %dma_wait3A_41 = arith.constant 79 : i32
    %dma_wait3A_42 = arith.constant 0 : i32
    %dma_wait3A_43 = tpu.memref_slice %arg7[%dma_wait3A_41, %dma_wait3A_42] : memref<80x128xi32, #tpu.memory_space<vmem>> -> memref<1x128xi32, #tpu.memory_space<vmem>>
    %dma_wait3A_44 = tpu.memref_squeeze %dma_wait3A_43 : memref<1x128xi32, #tpu.memory_space<vmem>> -> memref<128xi32, #tpu.memory_space<vmem>>
    %dma_wait3A_45 = arith.constant 0 : i32
    %dma_wait3A_46 = arith.constant 0 : i32
    %dma_wait3A_47 = tpu.memref_slice %arg10[%dma_wait3A_45, %dma_wait3A_46] : memref<10240x64xf32, #tpu.memory_space<vmem_shared>> -> memref<10240x64xf32, #tpu.memory_space<vmem_shared>>
    tpu.wait_indirect_dma semaphore(%arg15 : memref<!tpu.dma_semaphore, #tpu.memory_space<semaphore_mem>>) src(%arg9 : memref<128x64xf32, #tpu.memory_space<vmem>>) dst(%dma_wait3A_47 : memref<10240x64xf32, #tpu.memory_space<vmem_shared>>)
    %barrier3A_48 = arith.constant 0 : index
    tpu.barrier barrier_id(%barrier3A_48)
    %mul3A_49 = arith.constant 640 : i32
    %mul3A_50 = arith.muli %arg1, %mul3A_49 : i32
    %mul3A_51 = arith.constant 10240 : i32
    %mul3A_52 = arith.muli %arg0, %mul3A_51 : i32
    %mul3A_53 = arith.constant 640 : i32
    %mul3A_54 = arith.muli %arg1, %mul3A_53 : i32
    %add3A_55 = arith.addi %mul3A_52, %mul3A_54 : i32
    "tpu.region"() ({
      %run_scoped3A = tpu.sem_alloc : memref<!tpu.dma_semaphore, #tpu.memory_space<semaphore_mem>>
      %dma_start3A_56 = arith.constant 0 : i32
      %dma_start3A_57 = tpu.memref_slice %arg5[%add3A_55, %dma_start3A_56] : memref<20480x64xf32, #tpu.memory_space<hbm>> -> memref<640x64xf32, #tpu.memory_space<hbm>>
      %dma_start3A_58 = arith.constant 0 : i32
      %dma_start3A_59 = tpu.memref_slice %arg10[%mul3A_50, %dma_start3A_58] : memref<10240x64xf32, #tpu.memory_space<vmem_shared>> -> memref<640x64xf32, #tpu.memory_space<vmem_shared>>
      tpu.enqueue_dma source(%dma_start3A_59 : memref<640x64xf32, #tpu.memory_space<vmem_shared>>) target(%dma_start3A_57 : memref<640x64xf32, #tpu.memory_space<hbm>>) target_semaphore(%run_scoped3A : memref<!tpu.dma_semaphore, #tpu.memory_space<semaphore_mem>>)
      %dma_wait3A_60 = arith.constant 0 : i32
      %dma_wait3A_61 = tpu.memref_slice %arg5[%add3A_55, %dma_wait3A_60] : memref<20480x64xf32, #tpu.memory_space<hbm>> -> memref<640x64xf32, #tpu.memory_space<hbm>>
      %dma_wait3A_62 = arith.constant 0 : i32
      %dma_wait3A_63 = tpu.memref_slice %arg10[%mul3A_50, %dma_wait3A_62] : memref<10240x64xf32, #tpu.memory_space<vmem_shared>> -> memref<640x64xf32, #tpu.memory_space<vmem_shared>>
      tpu.wait_dma2 semaphore(%run_scoped3A : memref<!tpu.dma_semaphore, #tpu.memory_space<semaphore_mem>>) src(%dma_wait3A_63 : memref<640x64xf32, #tpu.memory_space<vmem_shared>>) dst(%dma_wait3A_61 : memref<640x64xf32, #tpu.memory_space<hbm>>)
      tpu.yield
    }) : () -> ()
    return
  }
}

module attributes {stable_mosaic.version = 14 : i64} {
  func.func @_tc_first_body(%arg0: i32, %arg1: memref<512x16xf32, #tpu.memory_space<vmem>>, %arg2: memref<512x16xf32, #tpu.memory_space<vmem>>, %arg3: memref<512x128xf32, #tpu.memory_space<vmem>>, %arg4: memref<128x64xf32, #tpu.memory_space<vmem>>, %arg5: memref<128x32xf32, #tpu.memory_space<vmem>>, %arg6: memref<1x32xf32, #tpu.memory_space<vmem>>, %arg7: memref<512x64xf32, #tpu.memory_space<vmem>>, %arg8: memref<512x32xf32, #tpu.memory_space<vmem>>) attributes {dimension_semantics = [#tpu.dimension_semantics<arbitrary>], iteration_bounds = array<i64: 20>, scalar_prefetch = 0 : i64, scratch_operands = 0 : i64, tpu.core_type = #tpu.core_type<tc>, window_params = [{transform_indices = @transform_0, window_bounds = array<i64: 512, 16>}, {transform_indices = @transform_1, window_bounds = array<i64: 512, 16>}, {transform_indices = @transform_2, window_bounds = array<i64: 512, 128>}, {pipeline_mode = #tpu.pipeline_mode<synchronous>, transform_indices = @transform_3, window_bounds = array<i64: 128, 64>}, {pipeline_mode = #tpu.pipeline_mode<synchronous>, transform_indices = @transform_4, window_bounds = array<i64: 128, 32>}, {pipeline_mode = #tpu.pipeline_mode<synchronous>, transform_indices = @transform_5, window_bounds = array<i64: 1, 32>}, {transform_indices = @transform_6, window_bounds = array<i64: 512, 64>}, {transform_indices = @transform_7, window_bounds = array<i64: 512, 32>}]} {
    %get3A = arith.constant 0 : index
    %get3A_0 = arith.constant 0 : index
    %get3A_1 = vector.load %arg1[%get3A, %get3A_0] : memref<512x16xf32, #tpu.memory_space<vmem>>, vector<512x16xf32>
    %slice3A = vector.extract_strided_slice %get3A_1 {offsets = [0, 0], sizes = [512, 1], strides = [1, 1]} : vector<512x16xf32> to vector<512x1xf32>
    %add3A = arith.constant 1.000000e+00 : f32
    %add3A_2 = vector.broadcast %add3A : f32 to vector<512x1xf32>
    %add3A_3 = arith.addf %add3A_2, %slice3A : vector<512x1xf32>
    %get3A_4 = arith.constant 0 : index
    %get3A_5 = arith.constant 0 : index
    %get3A_6 = vector.load %arg2[%get3A_4, %get3A_5] : memref<512x16xf32, #tpu.memory_space<vmem>>, vector<512x16xf32>
    %slice3A_7 = vector.extract_strided_slice %get3A_6 {offsets = [0, 0], sizes = [512, 1], strides = [1, 1]} : vector<512x16xf32> to vector<512x1xf32>
    %add3A_8 = arith.addf %add3A_3, %slice3A_7 : vector<512x1xf32>
    %rsqrt3A = math.rsqrt %add3A_8 : vector<512x1xf32>
    %get3A_9 = arith.constant 0 : index
    %get3A_10 = arith.constant 0 : index
    %get3A_11 = vector.load %arg3[%get3A_9, %get3A_10] : memref<512x128xf32, #tpu.memory_space<vmem>>, vector<512x128xf32>
    %get3A_12 = arith.constant 0 : index
    %get3A_13 = arith.constant 0 : index
    %get3A_14 = vector.load %arg4[%get3A_12, %get3A_13] : memref<128x64xf32, #tpu.memory_space<vmem>>, vector<128x64xf32>
    %dot_general3A = arith.constant dense<0.000000e+00> : vector<512x64xf32>
    %dot_general3A_15 = tpu.matmul %get3A_11, %get3A_14, %dot_general3A {dimension_numbers = #tpu.dot_dimension_numbers<[1], [0], [0], [1], [0, 0, 1, 1], [], []>, transpose_lhs_hint = false} : vector<512x128xf32>, vector<128x64xf32>, vector<512x64xf32> -> vector<512x64xf32>
    %mul3A = vector.broadcast %rsqrt3A : vector<512x1xf32> to vector<512x64xf32>
    %mul3A_16 = arith.mulf %mul3A, %dot_general3A_15 : vector<512x64xf32>
    %swap3A = arith.constant 0 : index
    %swap3A_17 = arith.constant 0 : index
    %swap3A_18 = vector.load %arg7[%swap3A, %swap3A_17] : memref<512x64xf32, #tpu.memory_space<vmem>>, vector<512x64xf32>
    tpu.vector_store %arg7[%swap3A, %swap3A_17], %mul3A_16 {strides = array<i32>} : memref<512x64xf32, #tpu.memory_space<vmem>>, vector<512x64xf32>,
    %get3A_19 = arith.constant 0 : index
    %get3A_20 = arith.constant 0 : index
    %get3A_21 = vector.load %arg5[%get3A_19, %get3A_20] : memref<128x32xf32, #tpu.memory_space<vmem>>, vector<128x32xf32>
    %dot_general3A_22 = arith.constant dense<0.000000e+00> : vector<512x32xf32>
    %dot_general3A_23 = tpu.matmul %get3A_11, %get3A_21, %dot_general3A_22 {dimension_numbers = #tpu.dot_dimension_numbers<[1], [0], [0], [1], [0, 0, 1, 1], [], []>, transpose_lhs_hint = false} : vector<512x128xf32>, vector<128x32xf32>, vector<512x32xf32> -> vector<512x32xf32>
    %get3A_24 = arith.constant 0 : index
    %get3A_25 = arith.constant 0 : index
    %get3A_26 = vector.load %arg6[%get3A_24, %get3A_25] : memref<1x32xf32, #tpu.memory_space<vmem>>, vector<1x32xf32>
    %add3A_27 = vector.broadcast %get3A_26 : vector<1x32xf32> to vector<512x32xf32>
    %add3A_28 = arith.addf %dot_general3A_23, %add3A_27 : vector<512x32xf32>
    %swap3A_29 = arith.constant 0 : index
    %swap3A_30 = arith.constant 0 : index
    %swap3A_31 = vector.load %arg8[%swap3A_29, %swap3A_30] : memref<512x32xf32, #tpu.memory_space<vmem>>, vector<512x32xf32>
    tpu.vector_store %arg8[%swap3A_29, %swap3A_30], %add3A_28 {strides = array<i32>} : memref<512x32xf32, #tpu.memory_space<vmem>>, vector<512x32xf32>,
    return
  }
  func.func @transform_0(%arg0: i32) -> (i32, i32) {
    %c0_i32 = arith.constant 0 : i32
    %c0_i32_0 = arith.constant 0 : i32
    return %arg0, %c0_i32 : i32, i32
  }
  func.func @transform_1(%arg0: i32) -> (i32, i32) {
    %add3A = arith.constant 20 : i32
    %add3A_0 = arith.addi %arg0, %add3A : i32
    %c0_i32 = arith.constant 0 : i32
    %c0_i32_1 = arith.constant 0 : i32
    return %add3A_0, %c0_i32 : i32, i32
  }
  func.func @transform_2(%arg0: i32) -> (i32, i32) {
    %c0_i32 = arith.constant 0 : i32
    %c0_i32_0 = arith.constant 0 : i32
    return %arg0, %c0_i32 : i32, i32
  }
  func.func @transform_3(%arg0: i32) -> (i32, i32) {
    %c0_i32 = arith.constant 0 : i32
    %c0_i32_0 = arith.constant 0 : i32
    %c0_i32_1 = arith.constant 0 : i32
    return %c0_i32, %c0_i32_0 : i32, i32
  }
  func.func @transform_4(%arg0: i32) -> (i32, i32) {
    %c0_i32 = arith.constant 0 : i32
    %c0_i32_0 = arith.constant 0 : i32
    %c0_i32_1 = arith.constant 0 : i32
    return %c0_i32, %c0_i32_0 : i32, i32
  }
  func.func @transform_5(%arg0: i32) -> (i32, i32) {
    %c0_i32 = arith.constant 0 : i32
    %c0_i32_0 = arith.constant 0 : i32
    %c0_i32_1 = arith.constant 0 : i32
    return %c0_i32, %c0_i32_0 : i32, i32
  }
  func.func @transform_6(%arg0: i32) -> (i32, i32) {
    %c0_i32 = arith.constant 0 : i32
    %c0_i32_0 = arith.constant 0 : i32
    return %arg0, %c0_i32 : i32, i32
  }
  func.func @transform_7(%arg0: i32) -> (i32, i32) {
    %c0_i32 = arith.constant 0 : i32
    %c0_i32_0 = arith.constant 0 : i32
    return %arg0, %c0_i32 : i32, i32
  }
}

module attributes {stable_mosaic.version = 14 : i64} {
  func.func @_tc_mid_body(%arg0: i32, %arg1: memref<512x64xf32, #tpu.memory_space<vmem>>, %arg2: memref<512x64xf32, #tpu.memory_space<vmem>>, %arg3: memref<512x32xf32, #tpu.memory_space<vmem>>, %arg4: memref<512x16xf32, #tpu.memory_space<vmem>>, %arg5: memref<512x16xf32, #tpu.memory_space<vmem>>, %arg6: memref<1x128xf32, #tpu.memory_space<vmem>>, %arg7: memref<128x64xf32, #tpu.memory_space<vmem>>, %arg8: memref<128x32xf32, #tpu.memory_space<vmem>>, %arg9: memref<1x32xf32, #tpu.memory_space<vmem>>, %arg10: memref<512x64xf32, #tpu.memory_space<vmem>>, %arg11: memref<512x32xf32, #tpu.memory_space<vmem>>) attributes {dimension_semantics = [#tpu.dimension_semantics<arbitrary>], iteration_bounds = array<i64: 20>, scalar_prefetch = 0 : i64, scratch_operands = 0 : i64, tpu.core_type = #tpu.core_type<tc>, window_params = [{transform_indices = @transform_0, window_bounds = array<i64: 512, 64>}, {transform_indices = @transform_1, window_bounds = array<i64: 512, 64>}, {transform_indices = @transform_2, window_bounds = array<i64: 512, 32>}, {transform_indices = @transform_3, window_bounds = array<i64: 512, 16>}, {transform_indices = @transform_4, window_bounds = array<i64: 512, 16>}, {pipeline_mode = #tpu.pipeline_mode<synchronous>, transform_indices = @transform_5, window_bounds = array<i64: 1, 128>}, {pipeline_mode = #tpu.pipeline_mode<synchronous>, transform_indices = @transform_6, window_bounds = array<i64: 128, 64>}, {pipeline_mode = #tpu.pipeline_mode<synchronous>, transform_indices = @transform_7, window_bounds = array<i64: 128, 32>}, {pipeline_mode = #tpu.pipeline_mode<synchronous>, transform_indices = @transform_8, window_bounds = array<i64: 1, 32>}, {transform_indices = @transform_9, window_bounds = array<i64: 512, 64>}, {transform_indices = @transform_10, window_bounds = array<i64: 512, 32>}]} {
    %get3A = arith.constant 0 : index
    %get3A_0 = arith.constant 0 : index
    %get3A_1 = vector.load %arg4[%get3A, %get3A_0] : memref<512x16xf32, #tpu.memory_space<vmem>>, vector<512x16xf32>
    %slice3A = vector.extract_strided_slice %get3A_1 {offsets = [0, 0], sizes = [512, 1], strides = [1, 1]} : vector<512x16xf32> to vector<512x1xf32>
    %add3A = arith.constant 1.000000e+00 : f32
    %add3A_2 = vector.broadcast %add3A : f32 to vector<512x1xf32>
    %add3A_3 = arith.addf %add3A_2, %slice3A : vector<512x1xf32>
    %get3A_4 = arith.constant 0 : index
    %get3A_5 = arith.constant 0 : index
    %get3A_6 = vector.load %arg5[%get3A_4, %get3A_5] : memref<512x16xf32, #tpu.memory_space<vmem>>, vector<512x16xf32>
    %slice3A_7 = vector.extract_strided_slice %get3A_6 {offsets = [0, 0], sizes = [512, 1], strides = [1, 1]} : vector<512x16xf32> to vector<512x1xf32>
    %add3A_8 = arith.addf %add3A_3, %slice3A_7 : vector<512x1xf32>
    %rsqrt3A = math.rsqrt %add3A_8 : vector<512x1xf32>
    %get3A_9 = arith.constant 0 : index
    %get3A_10 = arith.constant 0 : index
    %get3A_11 = vector.load %arg1[%get3A_9, %get3A_10] : memref<512x64xf32, #tpu.memory_space<vmem>>, vector<512x64xf32>
    %get3A_12 = arith.constant 0 : index
    %get3A_13 = arith.constant 0 : index
    %get3A_14 = vector.load %arg2[%get3A_12, %get3A_13] : memref<512x64xf32, #tpu.memory_space<vmem>>, vector<512x64xf32>
    %add3A_15 = arith.addf %get3A_11, %get3A_14 : vector<512x64xf32>
    %mul3A = vector.broadcast %rsqrt3A : vector<512x1xf32> to vector<512x64xf32>
    %mul3A_16 = arith.mulf %mul3A, %add3A_15 : vector<512x64xf32>
    %get3A_17 = arith.constant 0 : index
    %get3A_18 = arith.constant 0 : index
    %get3A_19 = vector.load %arg3[%get3A_17, %get3A_18] : memref<512x32xf32, #tpu.memory_space<vmem>>, vector<512x32xf32>
    %get3A_20 = arith.constant 0 : index
    %get3A_21 = arith.constant 0 : index
    %get3A_22 = vector.load %arg6[%get3A_20, %get3A_21] : memref<1x128xf32, #tpu.memory_space<vmem>>, vector<1x128xf32>
    %iota3A = tpu.iota {dimensions = array<i32: 0>} : vector<8x128xi32>
    %iota3A_23 = tpu.iota {dimensions = array<i32: 1>} : vector<8x128xi32>
    %jit3A = arith.constant 16 : i32
    %div3A = vector.broadcast %jit3A : i32 to vector<8x128xi32>
    %div3A_24 = arith.divsi %iota3A_23, %div3A : vector<8x128xi32>
    %sign3A = arith.constant 0 : i32
    %sign3A_25 = vector.broadcast %sign3A : i32 to vector<8x128xi32>
    %sign3A_26 = arith.cmpi sgt, %iota3A_23, %sign3A_25 : vector<8x128xi32>
    %sign3A_27 = arith.extui %sign3A_26 : vector<8x128xi1> to vector<8x128xi32>
    %sign3A_28 = arith.constant 0 : i32
    %sign3A_29 = vector.broadcast %sign3A_28 : i32 to vector<8x128xi32>
    %sign3A_30 = arith.cmpi slt, %iota3A_23, %sign3A_29 : vector<8x128xi32>
    %sign3A_31 = arith.extui %sign3A_30 : vector<8x128xi1> to vector<8x128xi32>
    %sign3A_32 = arith.subi %sign3A_27, %sign3A_31 : vector<8x128xi32>
    %sign3A_33 = arith.constant 0 : i32
    %sign3A_34 = arith.cmpi sgt, %jit3A, %sign3A_33 : i32
    %sign3A_35 = arith.extui %sign3A_34 : i1 to i32
    %sign3A_36 = arith.constant 0 : i32
    %sign3A_37 = arith.cmpi slt, %jit3A, %sign3A_36 : i32
    %sign3A_38 = arith.extui %sign3A_37 : i1 to i32
    %sign3A_39 = arith.subi %sign3A_35, %sign3A_38 : i32
    %ne3A = vector.broadcast %sign3A_39 : i32 to vector<8x128xi32>
    %ne3A_40 = arith.cmpi ne, %sign3A_32, %ne3A : vector<8x128xi32>
    %rem3A = vector.broadcast %jit3A : i32 to vector<8x128xi32>
    %rem3A_41 = arith.remsi %iota3A_23, %rem3A : vector<8x128xi32>
    %ne3A_42 = arith.constant 0 : i32
    %ne3A_43 = vector.broadcast %ne3A_42 : i32 to vector<8x128xi32>
    %ne3A_44 = arith.cmpi ne, %rem3A_41, %ne3A_43 : vector<8x128xi32>
    %and3A = arith.andi %ne3A_40, %ne3A_44 : vector<8x128xi1>
    %sub3A = arith.constant 1 : i32
    %sub3A_45 = vector.broadcast %sub3A : i32 to vector<8x128xi32>
    %sub3A_46 = arith.subi %div3A_24, %sub3A_45 : vector<8x128xi32>
    %select_n3A = arith.select %and3A, %sub3A_46, %div3A_24 : vector<8x128xi1>, vector<8x128xi32>
    %eq3A = arith.cmpi eq, %select_n3A, %iota3A : vector<8x128xi32>
    %convert_element_type3A = arith.extui %eq3A : vector<8x128xi1> to vector<8x128xi32>
    %convert_element_type3A_47 = arith.sitofp %convert_element_type3A : vector<8x128xi32> to vector<8x128xf32>
    %iota3A_48 = tpu.iota {dimensions = array<i32: 0>} : vector<16x128xi32>
    %iota3A_49 = tpu.iota {dimensions = array<i32: 1>} : vector<16x128xi32>
    %jit3A_50 = arith.constant 16 : i32
    %eq3A_51 = arith.constant 0 : i32
    %eq3A_52 = arith.cmpi eq, %jit3A_50, %eq3A_51 : i32
    %jit3A_53 = arith.constant 1 : i32
    %select_n3A_54 = arith.select %eq3A_52, %jit3A_53, %jit3A_50 : i32
    %rem3A_55 = vector.broadcast %select_n3A_54 : i32 to vector<16x128xi32>
    %rem3A_56 = arith.remsi %iota3A_49, %rem3A_55 : vector<16x128xi32>
    %ne3A_57 = arith.constant 0 : i32
    %ne3A_58 = vector.broadcast %ne3A_57 : i32 to vector<16x128xi32>
    %ne3A_59 = arith.cmpi ne, %rem3A_56, %ne3A_58 : vector<16x128xi32>
    %lt3A = arith.constant 0 : i32
    %lt3A_60 = vector.broadcast %lt3A : i32 to vector<16x128xi32>
    %lt3A_61 = arith.cmpi slt, %rem3A_56, %lt3A_60 : vector<16x128xi32>
    %lt3A_62 = arith.constant 0 : i32
    %lt3A_63 = arith.cmpi slt, %select_n3A_54, %lt3A_62 : i32
    %ne3A_64 = vector.broadcast %lt3A_63 : i1 to vector<16x128xi1>
    %ne3A_65 = vector.broadcast %ne3A_64 : vector<16x128xi1> to vector<16x128xi1>
    %ne3A_66 = arith.xori %lt3A_61, %ne3A_65 : vector<16x128xi1>
    %and3A_67 = arith.andi %ne3A_66, %ne3A_59 : vector<16x128xi1>
    %add3A_68 = vector.broadcast %select_n3A_54 : i32 to vector<16x128xi32>
    %add3A_69 = arith.addi %rem3A_56, %add3A_68 : vector<16x128xi32>
    %select_n3A_70 = arith.select %and3A_67, %add3A_69, %rem3A_56 : vector<16x128xi1>, vector<16x128xi32>
    %eq3A_71 = arith.cmpi eq, %select_n3A_70, %iota3A_48 : vector<16x128xi32>
    %convert_element_type3A_72 = arith.extui %eq3A_71 : vector<16x128xi1> to vector<16x128xi32>
    %convert_element_type3A_73 = arith.sitofp %convert_element_type3A_72 : vector<16x128xi32> to vector<16x128xf32>
    %slice3A_74 = vector.extract_strided_slice %get3A_19 {offsets = [0, 0], sizes = [512, 8], strides = [1, 1]} : vector<512x32xf32> to vector<512x8xf32>
    %dot_general3A = arith.constant dense<0.000000e+00> : vector<512x128xf32>
    %dot_general3A_75 = tpu.matmul %slice3A_74, %convert_element_type3A_47, %dot_general3A {dimension_numbers = #tpu.dot_dimension_numbers<[1], [0], [0], [1], [0, 0, 1, 1], [], []>, transpose_lhs_hint = false} : vector<512x8xf32>, vector<8x128xf32>, vector<512x128xf32> -> vector<512x128xf32>
    %slice3A_76 = vector.extract_strided_slice %mul3A_16 {offsets = [0, 0], sizes = [512, 16], strides = [1, 1]} : vector<512x64xf32> to vector<512x16xf32>
    %dot_general3A_77 = arith.constant dense<0.000000e+00> : vector<512x128xf32>
    %dot_general3A_78 = tpu.matmul %slice3A_76, %convert_element_type3A_73, %dot_general3A_77 {dimension_numbers = #tpu.dot_dimension_numbers<[1], [0], [0], [1], [0, 0, 1, 1], [], []>, transpose_lhs_hint = false} : vector<512x16xf32>, vector<16x128xf32>, vector<512x128xf32> -> vector<512x128xf32>
    %mul3A_79 = arith.mulf %dot_general3A_75, %dot_general3A_78 : vector<512x128xf32>
    %add3A_80 = vector.broadcast %get3A_22 : vector<1x128xf32> to vector<512x128xf32>
    %add3A_81 = arith.addf %add3A_80, %mul3A_79 : vector<512x128xf32>
    %slice3A_82 = vector.extract_strided_slice %get3A_19 {offsets = [0, 8], sizes = [512, 8], strides = [1, 1]} : vector<512x32xf32> to vector<512x8xf32>
    %dot_general3A_83 = arith.constant dense<0.000000e+00> : vector<512x128xf32>
    %dot_general3A_84 = tpu.matmul %slice3A_82, %convert_element_type3A_47, %dot_general3A_83 {dimension_numbers = #tpu.dot_dimension_numbers<[1], [0], [0], [1], [0, 0, 1, 1], [], []>, transpose_lhs_hint = false} : vector<512x8xf32>, vector<8x128xf32>, vector<512x128xf32> -> vector<512x128xf32>
    %slice3A_85 = vector.extract_strided_slice %mul3A_16 {offsets = [0, 16], sizes = [512, 16], strides = [1, 1]} : vector<512x64xf32> to vector<512x16xf32>
    %dot_general3A_86 = arith.constant dense<0.000000e+00> : vector<512x128xf32>
    %dot_general3A_87 = tpu.matmul %slice3A_85, %convert_element_type3A_73, %dot_general3A_86 {dimension_numbers = #tpu.dot_dimension_numbers<[1], [0], [0], [1], [0, 0, 1, 1], [], []>, transpose_lhs_hint = false} : vector<512x16xf32>, vector<16x128xf32>, vector<512x128xf32> -> vector<512x128xf32>
    %mul3A_88 = arith.mulf %dot_general3A_84, %dot_general3A_87 : vector<512x128xf32>
    %add3A_89 = arith.addf %add3A_81, %mul3A_88 : vector<512x128xf32>
    %slice3A_90 = vector.extract_strided_slice %get3A_19 {offsets = [0, 16], sizes = [512, 8], strides = [1, 1]} : vector<512x32xf32> to vector<512x8xf32>
    %dot_general3A_91 = arith.constant dense<0.000000e+00> : vector<512x128xf32>
    %dot_general3A_92 = tpu.matmul %slice3A_90, %convert_element_type3A_47, %dot_general3A_91 {dimension_numbers = #tpu.dot_dimension_numbers<[1], [0], [0], [1], [0, 0, 1, 1], [], []>, transpose_lhs_hint = false} : vector<512x8xf32>, vector<8x128xf32>, vector<512x128xf32> -> vector<512x128xf32>
    %slice3A_93 = vector.extract_strided_slice %mul3A_16 {offsets = [0, 32], sizes = [512, 16], strides = [1, 1]} : vector<512x64xf32> to vector<512x16xf32>
    %dot_general3A_94 = arith.constant dense<0.000000e+00> : vector<512x128xf32>
    %dot_general3A_95 = tpu.matmul %slice3A_93, %convert_element_type3A_73, %dot_general3A_94 {dimension_numbers = #tpu.dot_dimension_numbers<[1], [0], [0], [1], [0, 0, 1, 1], [], []>, transpose_lhs_hint = false} : vector<512x16xf32>, vector<16x128xf32>, vector<512x128xf32> -> vector<512x128xf32>
    %mul3A_96 = arith.mulf %dot_general3A_92, %dot_general3A_95 : vector<512x128xf32>
    %add3A_97 = arith.addf %add3A_89, %mul3A_96 : vector<512x128xf32>
    %slice3A_98 = vector.extract_strided_slice %get3A_19 {offsets = [0, 24], sizes = [512, 8], strides = [1, 1]} : vector<512x32xf32> to vector<512x8xf32>
    %dot_general3A_99 = arith.constant dense<0.000000e+00> : vector<512x128xf32>
    %dot_general3A_100 = tpu.matmul %slice3A_98, %convert_element_type3A_47, %dot_general3A_99 {dimension_numbers = #tpu.dot_dimension_numbers<[1], [0], [0], [1], [0, 0, 1, 1], [], []>, transpose_lhs_hint = false} : vector<512x8xf32>, vector<8x128xf32>, vector<512x128xf32> -> vector<512x128xf32>
    %slice3A_101 = vector.extract_strided_slice %mul3A_16 {offsets = [0, 48], sizes = [512, 16], strides = [1, 1]} : vector<512x64xf32> to vector<512x16xf32>
    %dot_general3A_102 = arith.constant dense<0.000000e+00> : vector<512x128xf32>
    %dot_general3A_103 = tpu.matmul %slice3A_101, %convert_element_type3A_73, %dot_general3A_102 {dimension_numbers = #tpu.dot_dimension_numbers<[1], [0], [0], [1], [0, 0, 1, 1], [], []>, transpose_lhs_hint = false} : vector<512x16xf32>, vector<16x128xf32>, vector<512x128xf32> -> vector<512x128xf32>
    %mul3A_104 = arith.mulf %dot_general3A_100, %dot_general3A_103 : vector<512x128xf32>
    %add3A_105 = arith.addf %add3A_97, %mul3A_104 : vector<512x128xf32>
    %gt3A = arith.constant 0.000000e+00 : f32
    %gt3A_106 = vector.broadcast %gt3A : f32 to vector<512x128xf32>
    %gt3A_107 = arith.cmpf ogt, %add3A_105, %gt3A_106 : vector<512x128xf32>
    %exp3A = math.exp %add3A_105 : vector<512x128xf32>
    %eq3A_108 = arith.constant 1.000000e+00 : f32
    %eq3A_109 = vector.broadcast %eq3A_108 : f32 to vector<512x128xf32>
    %eq3A_110 = arith.cmpf oeq, %exp3A, %eq3A_109 : vector<512x128xf32>
    %gt3A_111 = arith.constant 0.000000e+00 : f32
    %gt3A_112 = vector.broadcast %gt3A_111 : f32 to vector<512x128xf32>
    %gt3A_113 = arith.cmpf ogt, %exp3A, %gt3A_112 : vector<512x128xf32>
    %sub3A_114 = arith.constant 1.000000e+00 : f32
    %sub3A_115 = vector.broadcast %sub3A_114 : f32 to vector<512x128xf32>
    %sub3A_116 = arith.subf %exp3A, %sub3A_115 : vector<512x128xf32>
    %mul3A_117 = arith.mulf %sub3A_116, %add3A_105 : vector<512x128xf32>
    %log3A = math.log %exp3A : vector<512x128xf32>
    %div3A_118 = arith.divf %mul3A_117, %log3A : vector<512x128xf32>
    %jit3A_119 = arith.constant -1.000000e+00 : f32
    %broadcast_in_dim3A = vector.broadcast %jit3A_119 : f32 to vector<512x128xf32>
    %select_n3A_120 = arith.select %gt3A_113, %div3A_118, %broadcast_in_dim3A : vector<512x128xi1>, vector<512x128xf32>
    %select_n3A_121 = arith.select %eq3A_110, %add3A_105, %select_n3A_120 : vector<512x128xi1>, vector<512x128xf32>
    %select_n3A_122 = arith.select %gt3A_107, %add3A_105, %select_n3A_121 : vector<512x128xi1>, vector<512x128xf32>
    %get3A_123 = arith.constant 0 : index
    %get3A_124 = arith.constant 0 : index
    %get3A_125 = vector.load %arg7[%get3A_123, %get3A_124] : memref<128x64xf32, #tpu.memory_space<vmem>>, vector<128x64xf32>
    %dot_general3A_126 = arith.constant dense<0.000000e+00> : vector<512x64xf32>
    %dot_general3A_127 = tpu.matmul %select_n3A_122, %get3A_125, %dot_general3A_126 {dimension_numbers = #tpu.dot_dimension_numbers<[1], [0], [0], [1], [0, 0, 1, 1], [], []>, transpose_lhs_hint = false} : vector<512x128xf32>, vector<128x64xf32>, vector<512x64xf32> -> vector<512x64xf32>
    %mul3A_128 = vector.broadcast %rsqrt3A : vector<512x1xf32> to vector<512x64xf32>
    %mul3A_129 = arith.mulf %mul3A_128, %dot_general3A_127 : vector<512x64xf32>
    %swap3A = arith.constant 0 : index
    %swap3A_130 = arith.constant 0 : index
    %swap3A_131 = vector.load %arg10[%swap3A, %swap3A_130] : memref<512x64xf32, #tpu.memory_space<vmem>>, vector<512x64xf32>
    tpu.vector_store %arg10[%swap3A, %swap3A_130], %mul3A_129 {strides = array<i32>} : memref<512x64xf32, #tpu.memory_space<vmem>>, vector<512x64xf32>,
    %get3A_132 = arith.constant 0 : index
    %get3A_133 = arith.constant 0 : index
    %get3A_134 = vector.load %arg8[%get3A_132, %get3A_133] : memref<128x32xf32, #tpu.memory_space<vmem>>, vector<128x32xf32>
    %dot_general3A_135 = arith.constant dense<0.000000e+00> : vector<512x32xf32>
    %dot_general3A_136 = tpu.matmul %select_n3A_122, %get3A_134, %dot_general3A_135 {dimension_numbers = #tpu.dot_dimension_numbers<[1], [0], [0], [1], [0, 0, 1, 1], [], []>, transpose_lhs_hint = false} : vector<512x128xf32>, vector<128x32xf32>, vector<512x32xf32> -> vector<512x32xf32>
    %get3A_137 = arith.constant 0 : index
    %get3A_138 = arith.constant 0 : index
    %get3A_139 = vector.load %arg9[%get3A_137, %get3A_138] : memref<1x32xf32, #tpu.memory_space<vmem>>, vector<1x32xf32>
    %add3A_140 = vector.broadcast %get3A_139 : vector<1x32xf32> to vector<512x32xf32>
    %add3A_141 = arith.addf %dot_general3A_136, %add3A_140 : vector<512x32xf32>
    %swap3A_142 = arith.constant 0 : index
    %swap3A_143 = arith.constant 0 : index
    %swap3A_144 = vector.load %arg11[%swap3A_142, %swap3A_143] : memref<512x32xf32, #tpu.memory_space<vmem>>, vector<512x32xf32>
    tpu.vector_store %arg11[%swap3A_142, %swap3A_143], %add3A_141 {strides = array<i32>} : memref<512x32xf32, #tpu.memory_space<vmem>>, vector<512x32xf32>,
    return
  }
  func.func @transform_0(%arg0: i32) -> (i32, i32) {
    %c0_i32 = arith.constant 0 : i32
    %c0_i32_0 = arith.constant 0 : i32
    return %arg0, %c0_i32 : i32, i32
  }
  func.func @transform_1(%arg0: i32) -> (i32, i32) {
    %add3A = arith.constant 20 : i32
    %add3A_0 = arith.addi %arg0, %add3A : i32
    %c0_i32 = arith.constant 0 : i32
    %c0_i32_1 = arith.constant 0 : i32
    return %add3A_0, %c0_i32 : i32, i32
  }
  func.func @transform_2(%arg0: i32) -> (i32, i32) {
    %c0_i32 = arith.constant 0 : i32
    %c0_i32_0 = arith.constant 0 : i32
    return %arg0, %c0_i32 : i32, i32
  }
  func.func @transform_3(%arg0: i32) -> (i32, i32) {
    %c0_i32 = arith.constant 0 : i32
    %c0_i32_0 = arith.constant 0 : i32
    return %arg0, %c0_i32 : i32, i32
  }
  func.func @transform_4(%arg0: i32) -> (i32, i32) {
    %add3A = arith.constant 20 : i32
    %add3A_0 = arith.addi %arg0, %add3A : i32
    %c0_i32 = arith.constant 0 : i32
    %c0_i32_1 = arith.constant 0 : i32
    return %add3A_0, %c0_i32 : i32, i32
  }
  func.func @transform_5(%arg0: i32) -> (i32, i32) {
    %c0_i32 = arith.constant 0 : i32
    %c0_i32_0 = arith.constant 0 : i32
    %c0_i32_1 = arith.constant 0 : i32
    return %c0_i32, %c0_i32_0 : i32, i32
  }
  func.func @transform_6(%arg0: i32) -> (i32, i32) {
    %c0_i32 = arith.constant 0 : i32
    %c0_i32_0 = arith.constant 0 : i32
    %c0_i32_1 = arith.constant 0 : i32
    return %c0_i32, %c0_i32_0 : i32, i32
  }
  func.func @transform_7(%arg0: i32) -> (i32, i32) {
    %c0_i32 = arith.constant 0 : i32
    %c0_i32_0 = arith.constant 0 : i32
    %c0_i32_1 = arith.constant 0 : i32
    return %c0_i32, %c0_i32_0 : i32, i32
  }
  func.func @transform_8(%arg0: i32) -> (i32, i32) {
    %c0_i32 = arith.constant 0 : i32
    %c0_i32_0 = arith.constant 0 : i32
    %c0_i32_1 = arith.constant 0 : i32
    return %c0_i32, %c0_i32_0 : i32, i32
  }
  func.func @transform_9(%arg0: i32) -> (i32, i32) {
    %c0_i32 = arith.constant 0 : i32
    %c0_i32_0 = arith.constant 0 : i32
    return %arg0, %c0_i32 : i32, i32
  }
  func.func @transform_10(%arg0: i32) -> (i32, i32) {
    %c0_i32 = arith.constant 0 : i32
    %c0_i32_0 = arith.constant 0 : i32
    return %arg0, %c0_i32 : i32, i32
  }
}

module attributes {stable_mosaic.version = 14 : i64} {
  func.func @_tc_last_body(%arg0: i32, %arg1: memref<512x64xf32, #tpu.memory_space<vmem>>, %arg2: memref<512x64xf32, #tpu.memory_space<vmem>>, %arg3: memref<512x32xf32, #tpu.memory_space<vmem>>, %arg4: memref<512x16xf32, #tpu.memory_space<vmem>>, %arg5: memref<512x16xf32, #tpu.memory_space<vmem>>, %arg6: memref<1x128xf32, #tpu.memory_space<vmem>>, %arg7: memref<512x128xf32, #tpu.memory_space<vmem>>) attributes {dimension_semantics = [#tpu.dimension_semantics<arbitrary>], iteration_bounds = array<i64: 20>, scalar_prefetch = 0 : i64, scratch_operands = 0 : i64, tpu.core_type = #tpu.core_type<tc>, window_params = [{transform_indices = @transform_0, window_bounds = array<i64: 512, 64>}, {transform_indices = @transform_1, window_bounds = array<i64: 512, 64>}, {transform_indices = @transform_2, window_bounds = array<i64: 512, 32>}, {transform_indices = @transform_3, window_bounds = array<i64: 512, 16>}, {transform_indices = @transform_4, window_bounds = array<i64: 512, 16>}, {pipeline_mode = #tpu.pipeline_mode<synchronous>, transform_indices = @transform_5, window_bounds = array<i64: 1, 128>}, {transform_indices = @transform_6, window_bounds = array<i64: 512, 128>}]} {
    %get3A = arith.constant 0 : index
    %get3A_0 = arith.constant 0 : index
    %get3A_1 = vector.load %arg4[%get3A, %get3A_0] : memref<512x16xf32, #tpu.memory_space<vmem>>, vector<512x16xf32>
    %slice3A = vector.extract_strided_slice %get3A_1 {offsets = [0, 0], sizes = [512, 1], strides = [1, 1]} : vector<512x16xf32> to vector<512x1xf32>
    %add3A = arith.constant 1.000000e+00 : f32
    %add3A_2 = vector.broadcast %add3A : f32 to vector<512x1xf32>
    %add3A_3 = arith.addf %add3A_2, %slice3A : vector<512x1xf32>
    %get3A_4 = arith.constant 0 : index
    %get3A_5 = arith.constant 0 : index
    %get3A_6 = vector.load %arg5[%get3A_4, %get3A_5] : memref<512x16xf32, #tpu.memory_space<vmem>>, vector<512x16xf32>
    %slice3A_7 = vector.extract_strided_slice %get3A_6 {offsets = [0, 0], sizes = [512, 1], strides = [1, 1]} : vector<512x16xf32> to vector<512x1xf32>
    %add3A_8 = arith.addf %add3A_3, %slice3A_7 : vector<512x1xf32>
    %rsqrt3A = math.rsqrt %add3A_8 : vector<512x1xf32>
    %get3A_9 = arith.constant 0 : index
    %get3A_10 = arith.constant 0 : index
    %get3A_11 = vector.load %arg1[%get3A_9, %get3A_10] : memref<512x64xf32, #tpu.memory_space<vmem>>, vector<512x64xf32>
    %get3A_12 = arith.constant 0 : index
    %get3A_13 = arith.constant 0 : index
    %get3A_14 = vector.load %arg2[%get3A_12, %get3A_13] : memref<512x64xf32, #tpu.memory_space<vmem>>, vector<512x64xf32>
    %add3A_15 = arith.addf %get3A_11, %get3A_14 : vector<512x64xf32>
    %mul3A = vector.broadcast %rsqrt3A : vector<512x1xf32> to vector<512x64xf32>
    %mul3A_16 = arith.mulf %mul3A, %add3A_15 : vector<512x64xf32>
    %get3A_17 = arith.constant 0 : index
    %get3A_18 = arith.constant 0 : index
    %get3A_19 = vector.load %arg3[%get3A_17, %get3A_18] : memref<512x32xf32, #tpu.memory_space<vmem>>, vector<512x32xf32>
    %get3A_20 = arith.constant 0 : index
    %get3A_21 = arith.constant 0 : index
    %get3A_22 = vector.load %arg6[%get3A_20, %get3A_21] : memref<1x128xf32, #tpu.memory_space<vmem>>, vector<1x128xf32>
    %iota3A = tpu.iota {dimensions = array<i32: 0>} : vector<8x128xi32>
    %iota3A_23 = tpu.iota {dimensions = array<i32: 1>} : vector<8x128xi32>
    %jit3A = arith.constant 16 : i32
    %div3A = vector.broadcast %jit3A : i32 to vector<8x128xi32>
    %div3A_24 = arith.divsi %iota3A_23, %div3A : vector<8x128xi32>
    %sign3A = arith.constant 0 : i32
    %sign3A_25 = vector.broadcast %sign3A : i32 to vector<8x128xi32>
    %sign3A_26 = arith.cmpi sgt, %iota3A_23, %sign3A_25 : vector<8x128xi32>
    %sign3A_27 = arith.extui %sign3A_26 : vector<8x128xi1> to vector<8x128xi32>
    %sign3A_28 = arith.constant 0 : i32
    %sign3A_29 = vector.broadcast %sign3A_28 : i32 to vector<8x128xi32>
    %sign3A_30 = arith.cmpi slt, %iota3A_23, %sign3A_29 : vector<8x128xi32>
    %sign3A_31 = arith.extui %sign3A_30 : vector<8x128xi1> to vector<8x128xi32>
    %sign3A_32 = arith.subi %sign3A_27, %sign3A_31 : vector<8x128xi32>
    %sign3A_33 = arith.constant 0 : i32
    %sign3A_34 = arith.cmpi sgt, %jit3A, %sign3A_33 : i32
    %sign3A_35 = arith.extui %sign3A_34 : i1 to i32
    %sign3A_36 = arith.constant 0 : i32
    %sign3A_37 = arith.cmpi slt, %jit3A, %sign3A_36 : i32
    %sign3A_38 = arith.extui %sign3A_37 : i1 to i32
    %sign3A_39 = arith.subi %sign3A_35, %sign3A_38 : i32
    %ne3A = vector.broadcast %sign3A_39 : i32 to vector<8x128xi32>
    %ne3A_40 = arith.cmpi ne, %sign3A_32, %ne3A : vector<8x128xi32>
    %rem3A = vector.broadcast %jit3A : i32 to vector<8x128xi32>
    %rem3A_41 = arith.remsi %iota3A_23, %rem3A : vector<8x128xi32>
    %ne3A_42 = arith.constant 0 : i32
    %ne3A_43 = vector.broadcast %ne3A_42 : i32 to vector<8x128xi32>
    %ne3A_44 = arith.cmpi ne, %rem3A_41, %ne3A_43 : vector<8x128xi32>
    %and3A = arith.andi %ne3A_40, %ne3A_44 : vector<8x128xi1>
    %sub3A = arith.constant 1 : i32
    %sub3A_45 = vector.broadcast %sub3A : i32 to vector<8x128xi32>
    %sub3A_46 = arith.subi %div3A_24, %sub3A_45 : vector<8x128xi32>
    %select_n3A = arith.select %and3A, %sub3A_46, %div3A_24 : vector<8x128xi1>, vector<8x128xi32>
    %eq3A = arith.cmpi eq, %select_n3A, %iota3A : vector<8x128xi32>
    %convert_element_type3A = arith.extui %eq3A : vector<8x128xi1> to vector<8x128xi32>
    %convert_element_type3A_47 = arith.sitofp %convert_element_type3A : vector<8x128xi32> to vector<8x128xf32>
    %iota3A_48 = tpu.iota {dimensions = array<i32: 0>} : vector<16x128xi32>
    %iota3A_49 = tpu.iota {dimensions = array<i32: 1>} : vector<16x128xi32>
    %jit3A_50 = arith.constant 16 : i32
    %eq3A_51 = arith.constant 0 : i32
    %eq3A_52 = arith.cmpi eq, %jit3A_50, %eq3A_51 : i32
    %jit3A_53 = arith.constant 1 : i32
    %select_n3A_54 = arith.select %eq3A_52, %jit3A_53, %jit3A_50 : i32
    %rem3A_55 = vector.broadcast %select_n3A_54 : i32 to vector<16x128xi32>
    %rem3A_56 = arith.remsi %iota3A_49, %rem3A_55 : vector<16x128xi32>
    %ne3A_57 = arith.constant 0 : i32
    %ne3A_58 = vector.broadcast %ne3A_57 : i32 to vector<16x128xi32>
    %ne3A_59 = arith.cmpi ne, %rem3A_56, %ne3A_58 : vector<16x128xi32>
    %lt3A = arith.constant 0 : i32
    %lt3A_60 = vector.broadcast %lt3A : i32 to vector<16x128xi32>
    %lt3A_61 = arith.cmpi slt, %rem3A_56, %lt3A_60 : vector<16x128xi32>
    %lt3A_62 = arith.constant 0 : i32
    %lt3A_63 = arith.cmpi slt, %select_n3A_54, %lt3A_62 : i32
    %ne3A_64 = vector.broadcast %lt3A_63 : i1 to vector<16x128xi1>
    %ne3A_65 = vector.broadcast %ne3A_64 : vector<16x128xi1> to vector<16x128xi1>
    %ne3A_66 = arith.xori %lt3A_61, %ne3A_65 : vector<16x128xi1>
    %and3A_67 = arith.andi %ne3A_66, %ne3A_59 : vector<16x128xi1>
    %add3A_68 = vector.broadcast %select_n3A_54 : i32 to vector<16x128xi32>
    %add3A_69 = arith.addi %rem3A_56, %add3A_68 : vector<16x128xi32>
    %select_n3A_70 = arith.select %and3A_67, %add3A_69, %rem3A_56 : vector<16x128xi1>, vector<16x128xi32>
    %eq3A_71 = arith.cmpi eq, %select_n3A_70, %iota3A_48 : vector<16x128xi32>
    %convert_element_type3A_72 = arith.extui %eq3A_71 : vector<16x128xi1> to vector<16x128xi32>
    %convert_element_type3A_73 = arith.sitofp %convert_element_type3A_72 : vector<16x128xi32> to vector<16x128xf32>
    %slice3A_74 = vector.extract_strided_slice %get3A_19 {offsets = [0, 0], sizes = [512, 8], strides = [1, 1]} : vector<512x32xf32> to vector<512x8xf32>
    %dot_general3A = arith.constant dense<0.000000e+00> : vector<512x128xf32>
    %dot_general3A_75 = tpu.matmul %slice3A_74, %convert_element_type3A_47, %dot_general3A {dimension_numbers = #tpu.dot_dimension_numbers<[1], [0], [0], [1], [0, 0, 1, 1], [], []>, transpose_lhs_hint = false} : vector<512x8xf32>, vector<8x128xf32>, vector<512x128xf32> -> vector<512x128xf32>
    %slice3A_76 = vector.extract_strided_slice %mul3A_16 {offsets = [0, 0], sizes = [512, 16], strides = [1, 1]} : vector<512x64xf32> to vector<512x16xf32>
    %dot_general3A_77 = arith.constant dense<0.000000e+00> : vector<512x128xf32>
    %dot_general3A_78 = tpu.matmul %slice3A_76, %convert_element_type3A_73, %dot_general3A_77 {dimension_numbers = #tpu.dot_dimension_numbers<[1], [0], [0], [1], [0, 0, 1, 1], [], []>, transpose_lhs_hint = false} : vector<512x16xf32>, vector<16x128xf32>, vector<512x128xf32> -> vector<512x128xf32>
    %mul3A_79 = arith.mulf %dot_general3A_75, %dot_general3A_78 : vector<512x128xf32>
    %add3A_80 = vector.broadcast %get3A_22 : vector<1x128xf32> to vector<512x128xf32>
    %add3A_81 = arith.addf %add3A_80, %mul3A_79 : vector<512x128xf32>
    %slice3A_82 = vector.extract_strided_slice %get3A_19 {offsets = [0, 8], sizes = [512, 8], strides = [1, 1]} : vector<512x32xf32> to vector<512x8xf32>
    %dot_general3A_83 = arith.constant dense<0.000000e+00> : vector<512x128xf32>
    %dot_general3A_84 = tpu.matmul %slice3A_82, %convert_element_type3A_47, %dot_general3A_83 {dimension_numbers = #tpu.dot_dimension_numbers<[1], [0], [0], [1], [0, 0, 1, 1], [], []>, transpose_lhs_hint = false} : vector<512x8xf32>, vector<8x128xf32>, vector<512x128xf32> -> vector<512x128xf32>
    %slice3A_85 = vector.extract_strided_slice %mul3A_16 {offsets = [0, 16], sizes = [512, 16], strides = [1, 1]} : vector<512x64xf32> to vector<512x16xf32>
    %dot_general3A_86 = arith.constant dense<0.000000e+00> : vector<512x128xf32>
    %dot_general3A_87 = tpu.matmul %slice3A_85, %convert_element_type3A_73, %dot_general3A_86 {dimension_numbers = #tpu.dot_dimension_numbers<[1], [0], [0], [1], [0, 0, 1, 1], [], []>, transpose_lhs_hint = false} : vector<512x16xf32>, vector<16x128xf32>, vector<512x128xf32> -> vector<512x128xf32>
    %mul3A_88 = arith.mulf %dot_general3A_84, %dot_general3A_87 : vector<512x128xf32>
    %add3A_89 = arith.addf %add3A_81, %mul3A_88 : vector<512x128xf32>
    %slice3A_90 = vector.extract_strided_slice %get3A_19 {offsets = [0, 16], sizes = [512, 8], strides = [1, 1]} : vector<512x32xf32> to vector<512x8xf32>
    %dot_general3A_91 = arith.constant dense<0.000000e+00> : vector<512x128xf32>
    %dot_general3A_92 = tpu.matmul %slice3A_90, %convert_element_type3A_47, %dot_general3A_91 {dimension_numbers = #tpu.dot_dimension_numbers<[1], [0], [0], [1], [0, 0, 1, 1], [], []>, transpose_lhs_hint = false} : vector<512x8xf32>, vector<8x128xf32>, vector<512x128xf32> -> vector<512x128xf32>
    %slice3A_93 = vector.extract_strided_slice %mul3A_16 {offsets = [0, 32], sizes = [512, 16], strides = [1, 1]} : vector<512x64xf32> to vector<512x16xf32>
    %dot_general3A_94 = arith.constant dense<0.000000e+00> : vector<512x128xf32>
    %dot_general3A_95 = tpu.matmul %slice3A_93, %convert_element_type3A_73, %dot_general3A_94 {dimension_numbers = #tpu.dot_dimension_numbers<[1], [0], [0], [1], [0, 0, 1, 1], [], []>, transpose_lhs_hint = false} : vector<512x16xf32>, vector<16x128xf32>, vector<512x128xf32> -> vector<512x128xf32>
    %mul3A_96 = arith.mulf %dot_general3A_92, %dot_general3A_95 : vector<512x128xf32>
    %add3A_97 = arith.addf %add3A_89, %mul3A_96 : vector<512x128xf32>
    %slice3A_98 = vector.extract_strided_slice %get3A_19 {offsets = [0, 24], sizes = [512, 8], strides = [1, 1]} : vector<512x32xf32> to vector<512x8xf32>
    %dot_general3A_99 = arith.constant dense<0.000000e+00> : vector<512x128xf32>
    %dot_general3A_100 = tpu.matmul %slice3A_98, %convert_element_type3A_47, %dot_general3A_99 {dimension_numbers = #tpu.dot_dimension_numbers<[1], [0], [0], [1], [0, 0, 1, 1], [], []>, transpose_lhs_hint = false} : vector<512x8xf32>, vector<8x128xf32>, vector<512x128xf32> -> vector<512x128xf32>
    %slice3A_101 = vector.extract_strided_slice %mul3A_16 {offsets = [0, 48], sizes = [512, 16], strides = [1, 1]} : vector<512x64xf32> to vector<512x16xf32>
    %dot_general3A_102 = arith.constant dense<0.000000e+00> : vector<512x128xf32>
    %dot_general3A_103 = tpu.matmul %slice3A_101, %convert_element_type3A_73, %dot_general3A_102 {dimension_numbers = #tpu.dot_dimension_numbers<[1], [0], [0], [1], [0, 0, 1, 1], [], []>, transpose_lhs_hint = false} : vector<512x16xf32>, vector<16x128xf32>, vector<512x128xf32> -> vector<512x128xf32>
    %mul3A_104 = arith.mulf %dot_general3A_100, %dot_general3A_103 : vector<512x128xf32>
    %add3A_105 = arith.addf %add3A_97, %mul3A_104 : vector<512x128xf32>
    %gt3A = arith.constant 0.000000e+00 : f32
    %gt3A_106 = vector.broadcast %gt3A : f32 to vector<512x128xf32>
    %gt3A_107 = arith.cmpf ogt, %add3A_105, %gt3A_106 : vector<512x128xf32>
    %exp3A = math.exp %add3A_105 : vector<512x128xf32>
    %eq3A_108 = arith.constant 1.000000e+00 : f32
    %eq3A_109 = vector.broadcast %eq3A_108 : f32 to vector<512x128xf32>
    %eq3A_110 = arith.cmpf oeq, %exp3A, %eq3A_109 : vector<512x128xf32>
    %gt3A_111 = arith.constant 0.000000e+00 : f32
    %gt3A_112 = vector.broadcast %gt3A_111 : f32 to vector<512x128xf32>
    %gt3A_113 = arith.cmpf ogt, %exp3A, %gt3A_112 : vector<512x128xf32>
    %sub3A_114 = arith.constant 1.000000e+00 : f32
    %sub3A_115 = vector.broadcast %sub3A_114 : f32 to vector<512x128xf32>
    %sub3A_116 = arith.subf %exp3A, %sub3A_115 : vector<512x128xf32>
    %mul3A_117 = arith.mulf %sub3A_116, %add3A_105 : vector<512x128xf32>
    %log3A = math.log %exp3A : vector<512x128xf32>
    %div3A_118 = arith.divf %mul3A_117, %log3A : vector<512x128xf32>
    %jit3A_119 = arith.constant -1.000000e+00 : f32
    %broadcast_in_dim3A = vector.broadcast %jit3A_119 : f32 to vector<512x128xf32>
    %select_n3A_120 = arith.select %gt3A_113, %div3A_118, %broadcast_in_dim3A : vector<512x128xi1>, vector<512x128xf32>
    %select_n3A_121 = arith.select %eq3A_110, %add3A_105, %select_n3A_120 : vector<512x128xi1>, vector<512x128xf32>
    %mul3A_122 = arith.constant 1.280000e+02 : f32
    %mul3A_123 = vector.broadcast %mul3A_122 : f32 to vector<512x128xf32>
    %mul3A_124 = arith.mulf %mul3A_123, %select_n3A_121 : vector<512x128xf32>
    %select_n3A_125 = arith.select %gt3A_107, %add3A_105, %mul3A_124 : vector<512x128xi1>, vector<512x128xf32>
    %swap3A = arith.constant 0 : index
    %swap3A_126 = arith.constant 0 : index
    %swap3A_127 = vector.load %arg7[%swap3A, %swap3A_126] : memref<512x128xf32, #tpu.memory_space<vmem>>, vector<512x128xf32>
    tpu.vector_store %arg7[%swap3A, %swap3A_126], %select_n3A_125 {strides = array<i32>} : memref<512x128xf32, #tpu.memory_space<vmem>>, vector<512x128xf32>,
    return
  }
  func.func @transform_0(%arg0: i32) -> (i32, i32) {
    %c0_i32 = arith.constant 0 : i32
    %c0_i32_0 = arith.constant 0 : i32
    return %arg0, %c0_i32 : i32, i32
  }
  func.func @transform_1(%arg0: i32) -> (i32, i32) {
    %add3A = arith.constant 20 : i32
    %add3A_0 = arith.addi %arg0, %add3A : i32
    %c0_i32 = arith.constant 0 : i32
    %c0_i32_1 = arith.constant 0 : i32
    return %add3A_0, %c0_i32 : i32, i32
  }
  func.func @transform_2(%arg0: i32) -> (i32, i32) {
    %c0_i32 = arith.constant 0 : i32
    %c0_i32_0 = arith.constant 0 : i32
    return %arg0, %c0_i32 : i32, i32
  }
  func.func @transform_3(%arg0: i32) -> (i32, i32) {
    %c0_i32 = arith.constant 0 : i32
    %c0_i32_0 = arith.constant 0 : i32
    return %arg0, %c0_i32 : i32, i32
  }
  func.func @transform_4(%arg0: i32) -> (i32, i32) {
    %add3A = arith.constant 20 : i32
    %add3A_0 = arith.addi %arg0, %add3A : i32
    %c0_i32 = arith.constant 0 : i32
    %c0_i32_1 = arith.constant 0 : i32
    return %add3A_0, %c0_i32 : i32, i32
  }
  func.func @transform_5(%arg0: i32) -> (i32, i32) {
    %c0_i32 = arith.constant 0 : i32
    %c0_i32_0 = arith.constant 0 : i32
    %c0_i32_1 = arith.constant 0 : i32
    return %c0_i32, %c0_i32_0 : i32, i32
  }
  func.func @transform_6(%arg0: i32) -> (i32, i32) {
    %c0_i32 = arith.constant 0 : i32
    %c0_i32_0 = arith.constant 0 : i32
    return %arg0, %c0_i32 : i32, i32
  }
}

</mosaic_0001>

<sc_bundles>
// kernel: kernel.12.cloned.1.call-start
scs
__scs_entry_jumppad:
0x0: {  	(pc) =	sbr.rel $0x88, $3  }
0x1: {  	(tag) =	ssettag $0x0;
	lr =	simm.s32 $0x1  }
0x2: {  	[smem:$0x3F8F] =	sst lr;
	_ =	strace $0xD0000000  }
0x3: {  	_ = 	snop  }
0x4: {  	_ = 	snop  }
0x5: {  	_ = 	snop  }
0x6: {  	_ = 	snop  }
0x7: {  	_ = 	snop  }
__scs_overlays_trampoline_lowered:
0x8: {  	[smem:$0x3F9E] =	sst s0  }
0x9: {  	[smem:$0x3F9F] =	sst s1  }
0xa: {  	[smem:$0x3FA0] =	sst s2  }
0xb: {  	[smem:$0x3FA1] =	sst s3  }
0xc: {  	[smem:$0x3FA2] =	sst s4  }
0xd: {  	[smem:$0x3FA3] =	sst s5  }
0xe: {  	[smem:$0x3FA4] =	sst s6  }
0xf: {  	[smem:$0x3FA5] =	sst s7  }
0x10: {  	[smem:$0x3FA6] =	sst s8  }
0x11: {  	[smem:$0x3FA7] =	sst s9;
	s0 =	simm.s32 @!p0 $0x0  }
0x12: {  	s1 =	sld [smem:$0x3F8D];
	s0 =	simm.s32 @p0 $0x1  }
0x13: {  	[smem:$0x3FA8] =	sst s0;
	s0 =	simm.s32 @!p1 $0x0  }
0x14: {  	s2 =	sld [smem:$0x3F8C];
	s0 =	simm.s32 @p1 $0x1  }
0x15: {  	[smem:$0x3FA9] =	sst s0;
	s0 =	simm.s32 @!p2 $0x0  }
0x16: {  	s3 =	sld [smem:$0x3FDB];
	s0 =	simm.s32 @p2 $0x1  }
0x17: {  	s4 =	simm.s32 $0x1BF5;
	[smem:$0x3FAB] =	sst s0  }
0x18: {  	s0 =	sld [smem:$0x3F8E];
	_ =	swait.ge [sflag:s4], $0x0  }
0x19: {  	s7 =	sld [smem:$0x3F8F]  }
0x1a: {  	s8 =	sadd.s32 $0xFFFFE003, lr  }
0x1b: {  	s9 =	sadd.s32 $0xFFFFFEF7, lr;
	s5 =	simm.s32 $0xFFFFFFFF;
	p2 =	slt.u32 s8, $0xFFFFF086  }
0x1c: {  	p1 =	slt.u32 s9, $0xF7A;
	s5 =	simm.s32 @!p2 $0x0  }
0x1d: {  	s5 =	simm.s32 @p1 $0x1;
	p0 =	seq.s32 s7, s2  }
0x1e: {  	s7 =	smul.u32 @!p0 $0xF7A, s2;
	p2 =	seq.s32 @!p0 s5, $0x0  }
0x1f: {  	s9 =	smul.u32 $0xF7A, s1;
	s8 =	simm.s32 @!p0 $0x1BF5;
	p2 =	por !p2, p0  }
0x20: {  	[sflag:s8] =	ssyncset.s32 @!p0 $0xFFFFF086;
	s6 =	sadd.s32 @!p0 s3, s7;
	s7 =	simm.s32 @!p0 $0x108  }
0x21: {  	s3 =	sadd.s32 s3, s9;
	s6 =	sadd.s32 @!p0 $0x88, s6;
	s7 =	simm.s32 @p2 $0x1082  }
0x22: {  	[simem:s7], [sflag:s8] =	dma.local @!p0 [hbm:s6], $0xF7A  }
0x23: {  	s9 =	sor.u32 $0xD0000000, s2;
	s6 =	simm.s32 $0x108;
	_ =	swait.ge @!p0 [sflag:s8], $0x0  }
0x24: {  	s3 =	sadd.s32 $0x88, s3;
	s6 =	simm.s32 @!p1 $0x1082;
	[sflag:s4] =	ssyncset.s32 $0xFFFFF086  }
0x25: {  	[simem:s6], [sflag:s4] =	dma.local [hbm:s3], $0xF7A  }
0x26: {  	[smem:$0x3F8F] =	sst s1;
	(tag) =	ssettag s2;
	_ =	strace s9  }
0x27: {  	s1 =	sld [smem:$0x3F9F]  }
0x28: {  	s2 =	sld [smem:$0x3FA0]  }
0x29: {  	s4 =	sld [smem:$0x3FA2]  }
0x2a: {  	p0 =	seq.s32 s5, $0x0;
	s5 =	sld [smem:$0x3FA3]  }
0x2b: {  	s6 =	sld [smem:$0x3FA4]  }
0x2c: {  	s7 =	sld [smem:$0x3FA5]  }
0x2d: {  	s3 =	simm.s32 $0x108;
	s8 =	sld [smem:$0x3FA6]  }
0x2e: {  	s3 =	simm.s32 @!p0 $0x1082;
	s9 =	sld [smem:$0x3FA7]  }
0x2f: {  	lr =	sadd.s32 s0, s3;
	s0 =	sld [smem:$0x3F9E]  }
0x30: {  	s3 =	sld [smem:$0x3FA1]  }
0x31: {  	[smem:$0x3FAA] =	sst s10  }
0x32: {  	s10 =	sld [smem:$0x3FA8];
	_ =	sdelay $0x3  }
0x33: {  	p0 =	seq.s32 s10, $0x1;
	s10 =	sld [smem:$0x3FAA];
	_ =	sdelay $0x3  }
0x34: {  	[smem:$0x3FAA] =	sst s10  }
0x35: {  	s10 =	sld [smem:$0x3FA9];
	_ =	sdelay $0x3  }
0x36: {  	p1 =	seq.s32 s10, $0x1;
	s10 =	sld [smem:$0x3FAA];
	_ =	sdelay $0x3  }
0x37: {  	[smem:$0x3FAA] =	sst s10  }
0x38: {  	s10 =	sld [smem:$0x3FAB]  }
0x39: {  	_ = 	snop;
	(pc) =	sbr.ind lr, $3  }
0x3a: {  	_ = 	snop  }
0x3b: {  	_ = 	snop  }
0x3c: {  	p2 =	seq.s32 s10, $0x1;
	s10 =	sld [smem:$0x3FAA]  }
0x3d: {  	_ =	shalt  }
0x3e: {  	_ =	shalt  }
0x3f: {  	_ =	shalt  }
0x40: {  	_ =	shalt  }
0x41: {  	_ =	shalt  }
0x42: {  	_ =	shalt  }
0x43: {  	_ =	shalt  }
0x44: {  	_ =	shalt  }
0x45: {  	_ =	shalt  }
0x46: {  	_ =	shalt  }
0x47: {  	_ =	shalt  }
0x48: {  	_ =	shalt  }
0x49: {  	_ =	shalt  }
0x4a: {  	_ =	shalt  }
0x4b: {  	_ =	shalt  }
0x4c: {  	_ =	shalt  }
0x4d: {  	_ =	shalt  }
0x4e: {  	_ =	shalt  }
0x4f: {  	_ =	shalt  }
0x50: {  	_ =	shalt  }
0x51: {  	_ =	shalt  }
0x52: {  	_ =	shalt  }
0x53: {  	_ =	shalt  }
0x54: {  	_ =	shalt  }
0x55: {  	_ =	shalt  }
0x56: {  	_ =	shalt  }
0x57: {  	_ =	shalt  }
0x58: {  	_ =	shalt  }
0x59: {  	_ =	shalt  }
0x5a: {  	_ =	shalt  }
0x5b: {  	_ =	shalt  }
0x5c: {  	_ =	shalt  }
0x5d: {  	_ =	shalt  }
0x5e: {  	_ =	shalt  }
0x5f: {  	_ =	shalt  }
0x60: {  	_ =	shalt  }
0x61: {  	_ =	shalt  }
0x62: {  	_ =	shalt  }
0x63: {  	_ =	shalt  }
0x64: {  	_ =	shalt  }
0x65: {  	_ =	shalt  }
0x66: {  	_ =	shalt  }
0x67: {  	_ =	shalt  }
0x68: {  	_ =	shalt  }
0x69: {  	_ =	shalt  }
0x6a: {  	_ =	shalt  }
0x6b: {  	_ =	shalt  }
0x6c: {  	_ =	shalt  }
0x6d: {  	_ =	shalt  }
0x6e: {  	_ =	shalt  }
0x6f: {  	_ =	shalt  }
0x70: {  	_ =	shalt  }
0x71: {  	_ =	shalt  }
0x72: {  	_ =	shalt  }
0x73: {  	_ =	shalt  }
0x74: {  	_ =	shalt  }
0x75: {  	_ =	shalt  }
0x76: {  	_ =	shalt  }
0x77: {  	_ =	shalt  }
0x78: {  	_ =	shalt  }
0x79: {  	_ =	shalt  }
0x7a: {  	_ =	shalt  }
0x7b: {  	_ =	shalt  }
0x7c: {  	_ =	shalt  }
0x7d: {  	_ =	shalt  }
0x7e: {  	_ =	shalt  }
0x7f: {  	_ =	shalt  }
0x80: {  	_ =	shalt  }
0x81: {  	_ =	shalt  }
0x82: {  	_ =	shalt  }
0x83: {  	_ =	shalt  }
0x84: {  	_ =	shalt  }
0x85: {  	_ =	shalt  }
0x86: {  	_ =	shalt  }
0x87: {  	_ =	shalt  }
.Lfunc_end0:
.L_simem_size_0:
called_computation_lowered:
.L_overlay_start_0:
0x88: {  	s2 =	sld [smem:$0x3FD9]  }
0x89: {  	s3 =	sld [smem:$0x3FFE];
	_ =	sdelay $0x1  }
0x8a: {  	s1 =	srdreg.scid  }
0x8b: {  	s0 =	sand.u32 $0x1, s1  }
0x8c: {  	s17 =	sshll.u32 s0, $0xA;
	s2 =	sadd.s32 s3, s2  }
0x8d: {  	s2 =	sadd.s32 s2, s17  }
0x8e: {  	[smem:$0x3FB6] =	sst s2  }
0x8f: {  	_ = 	snop  }
0x90: {  	s2 =	sld [smem:$0x3FD0];
	(tm) =	ssettm $0x1  }
0x91: {  	s18 =	sld [smem:$0x3FFB];
	_ =	sdelay $0x3  }
0x92: {  	_ =	strace s18  }
0x93: {  	s3 =	sld [smem:$0x3FFC];
	_ =	sdelay $0x3  }
0x94: {  	_ =	strace s3  }
0x95: {  	s3 =	sld [smem:$0x3FFD];
	_ =	sdelay $0x3  }
0x96: {  	_ =	strace s3  }
0x97: {  	_ =	strace $0x8FFFFFFF  }
0x98: {  	s19 =	sld [smem:$0x3FDB];
	_ =	sdelay $0x1  }
0x99: {  	s4 =	simm.s32 $_scs_section_size  }
0x9a: {  	s5 =	simm.s32 $_size__tile_overlayer_lowered;
	s6 =	simm.s32 $_tile_overlayer_lowered  }
0x9b: {  	s22 =	simm.s32 $0x1BFF;
	s21 =	sshll.u32 s6, $0x1;
	s3 =	sadd.s32 s4, s19  }
0x9c: {  	s7 =	simm.s32 $0x0;
	s20 =	sshll.u32 s5, $0x1;
	s5 =	sadd.s32 s21, s3  }
0x9d: {  	[timem:s7], [sflag:s22] =	dma.local [hbm:s5], s20  }
0x9e: {  	_ =	swait.ge [sflag:s22], s20  }
0x9f: {  	s4 =	ssub.s32 $0x0, s20;
	[sflag:s22] =	ssyncset.done $0x0  }
0xa0: {  	[sflag:s22] =	ssyncadd.s32 s4;
	_ =	sdelay $0x1  }
0xa1: {  	s23 =	simm.s32 $0x1B8B  }
0xa2: {  	_ =	swait.ge [sflag:s23], $0x1  }
0xa3: {  	[sflag:s23] =	ssyncset.done $0x0  }
0xa4: {  	s25 =	simm.s32 $0x1B8E;
	s24 =	sld [smem:$0x3FFE];
	[sflag:s23] =	ssyncadd.s32 $0xFFFFFFFF  }
0xa5: {  	s26 =	simm.s32 $execute0_lowered;
	[smem:$0x3FD2] =	sst s25  }
0xa6: {  	s5 =	sshll.u32 s26, $0x1;
	_ =	strace $0x80000046;
	[dreg:$0x1] =	wrdreg $0xFFFFFFFF  }
0xa7: {  	s28 =	simm.s32 $_size_execute0_lowered;
	s3 =	sadd.s32 s3, s5;
	[dreg:$0x0] =	wrdreg $0x0  }
0xa8: {  	s5 =	sshll.u32 s28, $0x1;
	[dreg:$0x2] =	wrdreg s3  }
0xa9: {  	[dreg:$0x3] =	wrdreg s5  }
0xaa: {  	[dreg:$0x4] =	wrdreg $0xC0  }
0xab: {  	_ =	task [dreg:s7], $0x5FFFF  }
0xac: {  	[dreg:$0x1] =	wrdreg $0xFFFFFFFF  }
0xad: {  	[dreg:$0x0] =	wrdreg $0x60  }
0xae: {  	[dreg:$0x2] =	wrdreg s24  }
0xaf: {  	[dreg:$0x3] =	wrdreg s2  }
0xb0: {  	[dreg:$0x4] =	wrdreg $0x58000  }
0xb1: {  	[dreg:$0x5] =	wrdreg $0x9  }
0xb2: {  	_ =	task.clear_ibuf [dreg:s7], $0x6FFFF;
	_ =	strace $0x90000046  }
0xb3: {  	s29 =	simm.s32 $0x9;
	_ =	strace $0x80000048  }
0xb4: {  	_ =	swait.ge [sflag:s29], $0x1  }
0xb5: {  	[sflag:s29] =	ssyncadd.s32 $0xFFFFFFFF  }
0xb6: {  	_ =	strace $0x90000048  }
0xb7: {  	_ =	sfence  }
0xb8: {  	s30 =	sld [smem:$0x0];
	_ =	sdelay $0x2  }
0xb9: {  	s31 =	sshll.u32 s1, $0xD;
	s1 =	sshrl.u32 s1, $0x2  }
0xba: {  	s3 =	sand.u32 $0x4000, s31;
	s1 =	sadd.s32 s1, s30  }
0xbb: {  	s0 =	sor.u32 s3, s0;
	s1 =	sshll.u32 s1, $0x11  }
0xbc: {  	s0 =	sor.u32 s1, s0  }
0xbd: {  	s0 =	sadd.s32 $0x8F2B, s0  }
0xbe: {  	[sflag:s0] =	ssyncadd.remote.s32 $0x1  }
0xbf: {  	_ =	sfence.sel $0xFFFF  }
0xc0: {  	[dreg:$0x0] =	wrdreg $0xFFFFFFFF;
	(pc) =	sbr.abs _section_cstart, $3  }
0xc1: {  	[dreg:$0x1] =	wrdreg $0xFFFFFFFF  }
0xc2: {  	_ =	task.clear_ibuf [dreg:s7], $0x2FFFF;
	_ =	strace $0x9FFFFFFF  }
0xc3: {  	(tm) =	ssettm $0x7FFFFFFF  }
tec
execute0_lowered:
.L_overlay_start_1:
0x0: {  	(tag) =	ssettag $0x1  }
0x1: {  	s5 =	rddreg [dreg:$0x0]  }
0x2: {  	s7 =	rddreg [dreg:$0x1];
	s1 =	srdreg.scid  }
0x3: {  	s0 =	stileid.u32;
	s2 =	rddreg [dreg:$0x2]  }
0x4: {  	s3 =	simm.s32 $0x0;
	s14 =	simm.s32 $0x0;
	s6 =	sand.u32 $0x1, s1  }
0x5: {  	s4 =	sshll.u32 s0, $0x1;
	s1 =	rddreg [dreg:$0x3];
	s8 =	smul.u32 $0x500, s0  }
0x6: {  	[smem:$0x7FF] =	sst s3;
	s11 =	smul.u32 $0xA000, s0;
	s31 =	sshll.u32 s0, $0x6  }
0x7: {  	s4 =	sor.u32 s6, s4;
	_ =	strace $0x80000047;
	s10 =	ssub.s32 $0x2, s6  }
0x8: {  	s13 =	smul.u32 $0x5000, s6;
	s12 =	sshrl.u32 s10, $0x1;
	s11 =	sshrl.u32 s11, $0x2  }
0x9: {  	s4 =	smul.u32 $0x500, s4;
	s10 =	ssub.s32 s10, s12;
	s30 =	sadd.s32 s11, s2  }
0xa: {  	s8 =	sadd.s32 s8, s13;
	s11 =	sor.u32 $0x1C01, s31;
	s13 =	simm.s32 $0x80  }
0xb: {  	s9 =	sadd.s32 s4, s5;
	s4 =	sadd.s32 $0xEA00, s5;
	s5 =	sadd.s32 $0xE400, s5  }
0xc: {  	s7 =	sadd.s32 s7, s8;
	s8 =	smax.u32 s10, $0x1;
	s10 =	simm.s32 $0x5000  }
0xd: {  	s12 =	sshrl.u32 s30, $0x3;
	s6 =	sadd.s32 $0x4400, s9;
	s9 =	simm.s32 $0x1  }
.LBB2_1:
0xe: {  	[tilespmem:s3], [sflag:$0x1] =	stream.linear.gather [hbm4b:s6+s3], $0x2800, $0x38;
	[tilespmem:$0x8000] =	vst v63  }
0xf: {  	_ =	swait.ge [sflag:s9], $0x2800  }
0x10: {  	[sflag:s9] =	ssyncset.done $0x0  }
0x11: {  	[sflag:s9] =	ssyncadd.s32 $0xFFFFD800  }
0x12: {  	[tilespmem:s10], [sflag:$0x1] =	stream.linear.gather [hbm4b:s4+s3], $0x800, $0x38;
	[tilespmem:$0x8000] =	vst v63  }
0x13: {  	_ =	swait.ge [sflag:s9], $0x800  }
0x14: {  	[sflag:s9] =	ssyncset.done $0x0  }
0x15: {  	[sflag:s9] =	ssyncadd.s32 $0xFFFFF800  }
0x16: {  	[spmem:s12], [sflag:s11] =	dma.local [hbm:s5], $0x500  }
0x17: {  	_ =	swait.ge [sflag:s9], $0x500  }
0x18: {  	[sflag:s9] =	ssyncset.done $0x0  }
0x19: {  	s16 =	simm.s32 $0x0;
	[sflag:s9] =	ssyncadd.s32 $0xFFFFFB00  }
0x1a: {  	v1 =	vld [tilespmem:s16+$0x70]  }
0x1b: {  	v4 =	vld [tilespmem:s16+$0x0]  }
0x1c: {  	v5 =	vld [tilespmem:s16+$0x10]  }
0x1d: {  	v3 =	vld [tilespmem:s16+$0x20]  }
0x1e: {  	v2 =	vld [tilespmem:s16+$0x30]  }
0x1f: {  	v0 =	vld [tilespmem:s16+$0x40];
	v6 =	vshrl.u32 v1, $0xE  }
0x20: {  	v1 =	vld [tilespmem:s16+$0x50];
	v4 =	vshrl.u32 v4, $0xE;
	[tilespmem:s16+$0x2870] =	vst v6  }
0x21: {  	s15 =	simm.s32 $0x80;
	s17 =	simm.s32 $0x400;
	v5 =	vshrl.u32 v5, $0xE;
	[tilespmem:s16+$0x2800] =	vst v4;
	v4 =	vld [tilespmem:s16+$0x60]  }
.LBB2_2:
0x22: {  	p0 =	sne.s32 s17, $0x9E00;
	v6 =	vld [tilespmem:s15+$0x70];
	[tilespmem:s16+$0x2810] =	vst v5;
	v3 =	vshrl.u32 v3, $0xE  }
0x23: {  	v5 =	vld [tilespmem:s15+$0x0];
	[tilespmem:s16+$0x2820] =	vst v3;
	v2 =	vshrl.u32 v2, $0xE  }
0x24: {  	v7 =	vld [tilespmem:s15+$0x10];
	[tilespmem:s16+$0x2830] =	vst v2;
	v0 =	vshrl.u32 v0, $0xE  }
.Ltmp0:
0x25: {  	v3 =	vld [tilespmem:s15+$0x20];
	[tilespmem:s16+$0x2840] =	vst v0;
	v0 =	vshrl.u32 v1, $0xE;
	(pc) =	sbr.rel @p0 .LBB2_2-.Ltmp0, $4  }
0x26: {  	v2 =	vld [tilespmem:s15+$0x30];
	[tilespmem:s16+$0x2850] =	vst v0;
	v1 =	vshrl.u32 v4, $0xE  }
0x27: {  	v0 =	vld [tilespmem:s15+$0x40];
	v4 =	vshrl.u32 v6, $0xE;
	[tilespmem:s16+$0x2860] =	vst v1;
	s16 =	smov.u32 s15  }
0x28: {  	v5 =	vshrl.u32 v5, $0xE;
	v1 =	vld [tilespmem:s16+$0x50];
	[tilespmem:s16+$0x2870] =	vst v4  }
0x29: {  	s15 =	sshra.s32 s17, $0x2;
	s17 =	sadd.s32 $0x200, s17;
	[tilespmem:s16+$0x2800] =	vst v5;
	v5 =	vshrl.u32 v7, $0xE;
	v4 =	vld [tilespmem:s16+$0x60]  }
0x2a: {  	v6 =	vld [tilespmem:s15+$0x70];
	[tilespmem:s16+$0x2810] =	vst v5;
	v3 =	vshrl.u32 v3, $0xE  }
0x2b: {  	v5 =	vld [tilespmem:s15+$0x0];
	[tilespmem:s16+$0x2820] =	vst v3;
	v2 =	vshrl.u32 v2, $0xE  }
0x2c: {  	v3 =	vld [tilespmem:s15+$0x10];
	[tilespmem:s16+$0x2830] =	vst v2;
	v0 =	vshrl.u32 v0, $0xE  }
0x2d: {  	v2 =	vld [tilespmem:s15+$0x20];
	[tilespmem:s16+$0x2840] =	vst v0;
	v51 =	vshrl.u32 v1, $0xE  }
0x2e: {  	v52 =	vld [tilespmem:s15+$0x30];
	[tilespmem:s16+$0x2850] =	vst v51;
	v53 =	vshrl.u32 v4, $0xE  }
0x2f: {  	v54 =	vld [tilespmem:s15+$0x40];
	[tilespmem:s16+$0x2860] =	vst v53;
	v55 =	vshrl.u32 v6, $0xE  }
0x30: {  	v56 =	vld [tilespmem:s15+$0x50];
	v5 =	vshrl.u32 v5, $0xE;
	[tilespmem:s15+$0x2870] =	vst v55  }
0x31: {  	v58 =	vld [tilespmem:s15+$0x60];
	[tilespmem:s15+$0x2800] =	vst v5;
	v57 =	vshrl.u32 v3, $0xE  }
0x32: {  	[tilespmem:s15+$0x2810] =	vst v57;
	v59 =	vshrl.u32 v2, $0xE  }
0x33: {  	[tilespmem:s15+$0x2820] =	vst v59;
	v60 =	vshrl.u32 v52, $0xE  }
0x34: {  	[tilespmem:s15+$0x2830] =	vst v60;
	v61 =	vshrl.u32 v54, $0xE  }
0x35: {  	[tilespmem:s15+$0x2840] =	vst v61;
	v62 =	vshrl.u32 v56, $0xE  }
0x36: {  	v63 =	vshrl.u32 v58, $0xE;
	[tilespmem:s15+$0x2850] =	vst v62  }
0x37: {  	[tilespmem:s15+$0x2860] =	vst v63  }
0x38: {  	s31 =	simm.s32 $0x2800;
	[bflag:$0x0] =	sbarrier.arrive $0xFFFF  }
0x39: {  	[spmem:s2] =	stream.indirect.scatter.add.f32 [tilespmem:s10], [sflag:$0x1], $0x10, s31, s13, $0xb8;
	[tilespmem:$0x8000] =	vst v63  }
0x3a: {  	s15 =	simm.s32 $0x200;
	_ =	swait.ge [sflag:s9], $0x800  }
.LBB2_4:
0x3b: {  	s16 =	sshra.s32 s15, $0x2;
	[sflag:s9] =	ssyncset.done $0x0;
	p0 =	sne.s32 s15, $0x9E00  }
.Ltmp1:
0x3c: {  	s16 =	sadd.s32 $0x2800, s16;
	[sflag:s9] =	ssyncadd.s32 $0xFFFFF800;
	(pc) =	sbr.rel @p0 .LBB2_4-.Ltmp1, $3  }
0x3d: {  	[spmem:s2] =	stream.indirect.scatter.add.f32 [tilespmem:s10], [sflag:$0x1], $0x10, s16, s13, $0xb8;
	[tilespmem:$0x8000] =	vst v63  }
0x3e: {  	s15 =	sadd.s32 $0x200, s15;
	_ =	sdelay $0x1  }
0x3f: {  	_ =	swait.ge [sflag:s9], $0x800  }
0x40: {  	[sflag:s9] =	ssyncset.done $0x0;
	s14 =	sadd.s32 $0x1, s14  }
0x41: {  	[sflag:s9] =	ssyncadd.s32 $0xFFFFF800;
	p0 =	sne.s32 s14, s8  }
.Ltmp2:
0x42: {  	[bflag:$0x0] =	sbarrier.arrive $0xFFFF;
	(pc) =	sbr.rel @p0 .LBB2_1-.Ltmp2, $4  }
0x43: {  	[hbm:s7], [sflag:s11] =	dma.local [spmem:s12], $0x500  }
0x44: {  	_ =	swait.ge [sflag:s9], $0x500  }
0x45: {  	[sflag:s9] =	ssyncset.done $0x0  }
0x46: {  	[sflag:s9] =	ssyncadd.s32 $0xFFFFFB00  }
0x47: {  	_ =	sfence.sel $0x180000  }
0x48: {  	[bflag:$0x0] =	sbarrier.arrive $0xFFFF  }
0x49: {  	p0 =	sne.s32 s0, $0x0;
	_ =	strace $0x90000047  }
0x4a: {  	s0 =	sadd.s32 @!p0 $0x100000, s1;
	[bflag:$0x2] =	sbarrier.arrive $0xFFFF  }
0x4b: {  	[sflag:s0] =	ssyncadd.tile.s32 @!p0 $0x1;
	_ =	shalt  }
.Lfunc_end2:
_tile_overlayer_lowered:
.L_overlay_start_2:
0x4c: {  	(tag) =	ssettag $0x2  }
0x4d: {  	s0 =	rddreg [dreg:$0x0];
	s2 =	stileid.u32  }
0x4e: {  	s1 =	rddreg [dreg:$0x1];
	p0 =	sne.s32 s2, $0x0  }
0x4f: {  	s3 =	rddreg [dreg:$0x2];
	[bflag:$0x3] =	sbarrier.arrive $0xFFFF;
	s2 =	simm.s32 @!p0 $0x1C01  }
0x50: {  	[timem:s3], [sflag:s2] =	dma.local @!p0 [hbm:s0], s1  }
0x51: {  	s0 =	simm.s32 @!p0 $0x1  }
0x52: {  	_ =	swait.ge @!p0 [sflag:s0], s1  }
0x53: {  	s1 =	ssub.s32 @!p0 $0x0, s1;
	[sflag:s0] =	ssyncset.done @!p0 $0x0  }
0x54: {  	[sflag:s0] =	ssyncadd.s32 @!p0 s1  }
0x55: {  	[bflag:$0x3] =	sbarrier.arrive $0xFFFF  }
0x56: {  	_ =	shalt  }

// kernel: kernel.15.cloned.1.call-start
scs
__scs_entry_jumppad:
0x0: {  	(pc) =	sbr.rel $0x88, $3  }
0x1: {  	(tag) =	ssettag $0x0;
	lr =	simm.s32 $0x1  }
0x2: {  	[smem:$0x3F8F] =	sst lr;
	_ =	strace $0xD0000000  }
0x3: {  	_ = 	snop  }
0x4: {  	_ = 	snop  }
0x5: {  	_ = 	snop  }
0x6: {  	_ = 	snop  }
0x7: {  	_ = 	snop  }
__scs_overlays_trampoline_lowered:
0x8: {  	[smem:$0x3F9E] =	sst s0  }
0x9: {  	[smem:$0x3F9F] =	sst s1  }
0xa: {  	[smem:$0x3FA0] =	sst s2  }
0xb: {  	[smem:$0x3FA1] =	sst s3  }
0xc: {  	[smem:$0x3FA2] =	sst s4  }
0xd: {  	[smem:$0x3FA3] =	sst s5  }
0xe: {  	[smem:$0x3FA4] =	sst s6  }
0xf: {  	[smem:$0x3FA5] =	sst s7  }
0x10: {  	[smem:$0x3FA6] =	sst s8  }
0x11: {  	[smem:$0x3FA7] =	sst s9;
	s0 =	simm.s32 @!p0 $0x0  }
0x12: {  	s1 =	sld [smem:$0x3F8D];
	s0 =	simm.s32 @p0 $0x1  }
0x13: {  	[smem:$0x3FA8] =	sst s0;
	s0 =	simm.s32 @!p1 $0x0  }
0x14: {  	s2 =	sld [smem:$0x3F8C];
	s0 =	simm.s32 @p1 $0x1  }
0x15: {  	[smem:$0x3FA9] =	sst s0;
	s0 =	simm.s32 @!p2 $0x0  }
0x16: {  	s3 =	sld [smem:$0x3FDB];
	s0 =	simm.s32 @p2 $0x1  }
0x17: {  	s4 =	simm.s32 $0x1BF5;
	[smem:$0x3FAB] =	sst s0  }
0x18: {  	s0 =	sld [smem:$0x3F8E];
	_ =	swait.ge [sflag:s4], $0x0  }
0x19: {  	s7 =	sld [smem:$0x3F8F]  }
0x1a: {  	s8 =	sadd.s32 $0xFFFFE003, lr  }
0x1b: {  	s9 =	sadd.s32 $0xFFFFFEF7, lr;
	s5 =	simm.s32 $0xFFFFFFFF;
	p2 =	slt.u32 s8, $0xFFFFF086  }
0x1c: {  	p1 =	slt.u32 s9, $0xF7A;
	s5 =	simm.s32 @!p2 $0x0  }
0x1d: {  	s5 =	simm.s32 @p1 $0x1;
	p0 =	seq.s32 s7, s2  }
0x1e: {  	s7 =	smul.u32 @!p0 $0xF7A, s2;
	p2 =	seq.s32 @!p0 s5, $0x0  }
0x1f: {  	s9 =	smul.u32 $0xF7A, s1;
	s8 =	simm.s32 @!p0 $0x1BF5;
	p2 =	por !p2, p0  }
0x20: {  	[sflag:s8] =	ssyncset.s32 @!p0 $0xFFFFF086;
	s6 =	sadd.s32 @!p0 s3, s7;
	s7 =	simm.s32 @!p0 $0x108  }
0x21: {  	s3 =	sadd.s32 s3, s9;
	s6 =	sadd.s32 @!p0 $0x88, s6;
	s7 =	simm.s32 @p2 $0x1082  }
0x22: {  	[simem:s7], [sflag:s8] =	dma.local @!p0 [hbm:s6], $0xF7A  }
0x23: {  	s9 =	sor.u32 $0xD0000000, s2;
	s6 =	simm.s32 $0x108;
	_ =	swait.ge @!p0 [sflag:s8], $0x0  }
0x24: {  	s3 =	sadd.s32 $0x88, s3;
	s6 =	simm.s32 @!p1 $0x1082;
	[sflag:s4] =	ssyncset.s32 $0xFFFFF086  }
0x25: {  	[simem:s6], [sflag:s4] =	dma.local [hbm:s3], $0xF7A  }
0x26: {  	[smem:$0x3F8F] =	sst s1;
	(tag) =	ssettag s2;
	_ =	strace s9  }
0x27: {  	s1 =	sld [smem:$0x3F9F]  }
0x28: {  	s2 =	sld [smem:$0x3FA0]  }
0x29: {  	s4 =	sld [smem:$0x3FA2]  }
0x2a: {  	p0 =	seq.s32 s5, $0x0;
	s5 =	sld [smem:$0x3FA3]  }
0x2b: {  	s6 =	sld [smem:$0x3FA4]  }
0x2c: {  	s7 =	sld [smem:$0x3FA5]  }
0x2d: {  	s3 =	simm.s32 $0x108;
	s8 =	sld [smem:$0x3FA6]  }
0x2e: {  	s3 =	simm.s32 @!p0 $0x1082;
	s9 =	sld [smem:$0x3FA7]  }
0x2f: {  	lr =	sadd.s32 s0, s3;
	s0 =	sld [smem:$0x3F9E]  }
0x30: {  	s3 =	sld [smem:$0x3FA1]  }
0x31: {  	[smem:$0x3FAA] =	sst s10  }
0x32: {  	s10 =	sld [smem:$0x3FA8];
	_ =	sdelay $0x3  }
0x33: {  	p0 =	seq.s32 s10, $0x1;
	s10 =	sld [smem:$0x3FAA];
	_ =	sdelay $0x3  }
0x34: {  	[smem:$0x3FAA] =	sst s10  }
0x35: {  	s10 =	sld [smem:$0x3FA9];
	_ =	sdelay $0x3  }
0x36: {  	p1 =	seq.s32 s10, $0x1;
	s10 =	sld [smem:$0x3FAA];
	_ =	sdelay $0x3  }
0x37: {  	[smem:$0x3FAA] =	sst s10  }
0x38: {  	s10 =	sld [smem:$0x3FAB]  }
0x39: {  	_ = 	snop;
	(pc) =	sbr.ind lr, $3  }
0x3a: {  	_ = 	snop  }
0x3b: {  	_ = 	snop  }
0x3c: {  	p2 =	seq.s32 s10, $0x1;
	s10 =	sld [smem:$0x3FAA]  }
0x3d: {  	_ =	shalt  }
0x3e: {  	_ =	shalt  }
0x3f: {  	_ =	shalt  }
0x40: {  	_ =	shalt  }
0x41: {  	_ =	shalt  }
0x42: {  	_ =	shalt  }
0x43: {  	_ =	shalt  }
0x44: {  	_ =	shalt  }
0x45: {  	_ =	shalt  }
0x46: {  	_ =	shalt  }
0x47: {  	_ =	shalt  }
0x48: {  	_ =	shalt  }
0x49: {  	_ =	shalt  }
0x4a: {  	_ =	shalt  }
0x4b: {  	_ =	shalt  }
0x4c: {  	_ =	shalt  }
0x4d: {  	_ =	shalt  }
0x4e: {  	_ =	shalt  }
0x4f: {  	_ =	shalt  }
0x50: {  	_ =	shalt  }
0x51: {  	_ =	shalt  }
0x52: {  	_ =	shalt  }
0x53: {  	_ =	shalt  }
0x54: {  	_ =	shalt  }
0x55: {  	_ =	shalt  }
0x56: {  	_ =	shalt  }
0x57: {  	_ =	shalt  }
0x58: {  	_ =	shalt  }
0x59: {  	_ =	shalt  }
0x5a: {  	_ =	shalt  }
0x5b: {  	_ =	shalt  }
0x5c: {  	_ =	shalt  }
0x5d: {  	_ =	shalt  }
0x5e: {  	_ =	shalt  }
0x5f: {  	_ =	shalt  }
0x60: {  	_ =	shalt  }
0x61: {  	_ =	shalt  }
0x62: {  	_ =	shalt  }
0x63: {  	_ =	shalt  }
0x64: {  	_ =	shalt  }
0x65: {  	_ =	shalt  }
0x66: {  	_ =	shalt  }
0x67: {  	_ =	shalt  }
0x68: {  	_ =	shalt  }
0x69: {  	_ =	shalt  }
0x6a: {  	_ =	shalt  }
0x6b: {  	_ =	shalt  }
0x6c: {  	_ =	shalt  }
0x6d: {  	_ =	shalt  }
0x6e: {  	_ =	shalt  }
0x6f: {  	_ =	shalt  }
0x70: {  	_ =	shalt  }
0x71: {  	_ =	shalt  }
0x72: {  	_ =	shalt  }
0x73: {  	_ =	shalt  }
0x74: {  	_ =	shalt  }
0x75: {  	_ =	shalt  }
0x76: {  	_ =	shalt  }
0x77: {  	_ =	shalt  }
0x78: {  	_ =	shalt  }
0x79: {  	_ =	shalt  }
0x7a: {  	_ =	shalt  }
0x7b: {  	_ =	shalt  }
0x7c: {  	_ =	shalt  }
0x7d: {  	_ =	shalt  }
0x7e: {  	_ =	shalt  }
0x7f: {  	_ =	shalt  }
0x80: {  	_ =	shalt  }
0x81: {  	_ =	shalt  }
0x82: {  	_ =	shalt  }
0x83: {  	_ =	shalt  }
0x84: {  	_ =	shalt  }
0x85: {  	_ =	shalt  }
0x86: {  	_ =	shalt  }
0x87: {  	_ =	shalt  }
.Lfunc_end0:
.L_simem_size_0:
called_computation.1_lowered:
.L_overlay_start_0:
0x88: {  	s2 =	sld [smem:$0x3FD9]  }
0x89: {  	s3 =	sld [smem:$0x3FFE];
	_ =	sdelay $0x1  }
0x8a: {  	s1 =	srdreg.scid  }
0x8b: {  	s0 =	sand.u32 $0x1, s1  }
0x8c: {  	s17 =	sshll.u32 s0, $0xA;
	s2 =	sadd.s32 s3, s2  }
0x8d: {  	s2 =	sadd.s32 s2, s17  }
0x8e: {  	[smem:$0x3FB6] =	sst s2  }
0x8f: {  	_ = 	snop  }
0x90: {  	s2 =	sld [smem:$0x3FD0];
	(tm) =	ssettm $0x1  }
0x91: {  	s18 =	sld [smem:$0x3FFB];
	_ =	sdelay $0x3  }
0x92: {  	_ =	strace s18  }
0x93: {  	s3 =	sld [smem:$0x3FFC];
	_ =	sdelay $0x3  }
0x94: {  	_ =	strace s3  }
0x95: {  	s3 =	sld [smem:$0x3FFD];
	_ =	sdelay $0x3  }
0x96: {  	_ =	strace s3  }
0x97: {  	_ =	strace $0x8FFFFFFF  }
0x98: {  	s19 =	sld [smem:$0x3FDB];
	_ =	sdelay $0x1  }
0x99: {  	s4 =	simm.s32 $_scs_section_size  }
0x9a: {  	s5 =	simm.s32 $_size__tile_overlayer_lowered;
	s6 =	simm.s32 $_tile_overlayer_lowered  }
0x9b: {  	s22 =	simm.s32 $0x1BFF;
	s21 =	sshll.u32 s6, $0x1;
	s3 =	sadd.s32 s4, s19  }
0x9c: {  	s7 =	simm.s32 $0x0;
	s20 =	sshll.u32 s5, $0x1;
	s5 =	sadd.s32 s21, s3  }
0x9d: {  	[timem:s7], [sflag:s22] =	dma.local [hbm:s5], s20  }
0x9e: {  	_ =	swait.ge [sflag:s22], s20  }
0x9f: {  	s4 =	ssub.s32 $0x0, s20;
	[sflag:s22] =	ssyncset.done $0x0  }
0xa0: {  	[sflag:s22] =	ssyncadd.s32 s4;
	_ =	sdelay $0x1  }
0xa1: {  	s23 =	simm.s32 $0x1B8B  }
0xa2: {  	_ =	swait.ge [sflag:s23], $0x1  }
0xa3: {  	[sflag:s23] =	ssyncset.done $0x0  }
0xa4: {  	s25 =	simm.s32 $0x1B8E;
	s24 =	sld [smem:$0x3FFE];
	[sflag:s23] =	ssyncadd.s32 $0xFFFFFFFF  }
0xa5: {  	s26 =	simm.s32 $execute0_lowered;
	[smem:$0x3FD2] =	sst s25  }
0xa6: {  	s5 =	sshll.u32 s26, $0x1;
	_ =	strace $0x80000049;
	[dreg:$0x1] =	wrdreg $0xFFFFFFFF  }
0xa7: {  	s28 =	simm.s32 $_size_execute0_lowered;
	s3 =	sadd.s32 s3, s5;
	[dreg:$0x0] =	wrdreg $0x0  }
0xa8: {  	s5 =	sshll.u32 s28, $0x1;
	[dreg:$0x2] =	wrdreg s3  }
0xa9: {  	[dreg:$0x3] =	wrdreg s5  }
0xaa: {  	[dreg:$0x4] =	wrdreg $0xC0  }
0xab: {  	_ =	task [dreg:s7], $0x5FFFF  }
0xac: {  	[dreg:$0x1] =	wrdreg $0xFFFFFFFF  }
0xad: {  	[dreg:$0x0] =	wrdreg $0x60  }
0xae: {  	[dreg:$0x2] =	wrdreg s2  }
0xaf: {  	[dreg:$0x3] =	wrdreg s24  }
0xb0: {  	[dreg:$0x4] =	wrdreg $0x90000  }
0xb1: {  	[dreg:$0x5] =	wrdreg $0x130000  }
0xb2: {  	[dreg:$0x6] =	wrdreg $0x9  }
0xb3: {  	_ =	task.clear_ibuf [dreg:s7], $0x7FFFF;
	_ =	strace $0x90000049  }
0xb4: {  	s29 =	simm.s32 $0x9;
	_ =	strace $0x8000004B  }
0xb5: {  	_ =	swait.ge [sflag:s29], $0x1  }
0xb6: {  	[sflag:s29] =	ssyncadd.s32 $0xFFFFFFFF  }
0xb7: {  	_ =	strace $0x9000004B  }
0xb8: {  	_ =	sfence  }
0xb9: {  	s30 =	sld [smem:$0x0];
	_ =	sdelay $0x2  }
0xba: {  	s31 =	sshll.u32 s1, $0xD;
	s1 =	sshrl.u32 s1, $0x2  }
0xbb: {  	s3 =	sand.u32 $0x4000, s31;
	s1 =	sadd.s32 s1, s30  }
0xbc: {  	s0 =	sor.u32 s3, s0;
	s1 =	sshll.u32 s1, $0x11  }
0xbd: {  	s0 =	sor.u32 s1, s0  }
0xbe: {  	s0 =	sadd.s32 $0x8F2B, s0  }
0xbf: {  	[sflag:s0] =	ssyncadd.remote.s32 $0x1  }
0xc0: {  	_ =	sfence.sel $0xFFFF  }
0xc1: {  	[dreg:$0x0] =	wrdreg $0xFFFFFFFF;
	(pc) =	sbr.abs _section_cstart, $3  }
0xc2: {  	[dreg:$0x1] =	wrdreg $0xFFFFFFFF  }
0xc3: {  	_ =	task.clear_ibuf [dreg:s7], $0x2FFFF;
	_ =	strace $0x9FFFFFFF  }
0xc4: {  	(tm) =	ssettm $0x7FFFFFFF  }
0xc5: {  	_ =	shalt  }
tec
execute0_lowered:
.L_overlay_start_1:
0x0: {  	(tag) =	ssettag $0x1  }
0x1: {  	s8 =	rddreg [dreg:$0x0]  }
0x2: {  	s6 =	rddreg [dreg:$0x1]  }
0x3: {  	s1 =	srdreg.scid;
	s2 =	rddreg [dreg:$0x2]  }
0x4: {  	s0 =	stileid.u32;
	s3 =	rddreg [dreg:$0x3];
	s4 =	simm.s32 $0x0  }
0x5: {  	s18 =	simm.s32 $0x80;
	s19 =	simm.s32 $0x5000;
	s20 =	simm.s32 $0x7000  }
0x6: {  	s21 =	simm.s32 $0x1;
	s22 =	simm.s32 $0x2;
	s23 =	simm.s32 $0x3  }
0x7: {  	s24 =	simm.s32 $0x4;
	s25 =	simm.s32 $0x4F00;
	s28 =	simm.s32 $0x0  }
0x8: {  	s10 =	sand.u32 $0x1, s1;
	s1 =	rddreg [dreg:$0x4];
	s7 =	smul.u32 $0x1400, s0  }
0x9: {  	s26 =	sshll.u32 s0, $0x1;
	[smem:$0x7FF] =	sst s4;
	s13 =	smul.u32 $0x28000, s0  }
0xa: {  	s14 =	smul.u32 $0xA000, s0;
	s16 =	sshll.u32 s0, $0x6;
	s5 =	sor.u32 s10, s26  }
0xb: {  	_ =	strace $0x8000004A;
	s9 =	smul.u32 $0x14000, s10;
	s12 =	ssub.s32 $0x2, s10  }
0xc: {  	p0 =	sne.s32 s10, $0x0;
	s16 =	sor.u32 $0x1C05, s16;
	s26 =	simm.s32 $0x4F80  }
0xd: {  	s5 =	smul.u32 $0x500, s5;
	s29 =	sshrl.u32 s12, $0x1;
	s30 =	sshrl.u32 s13, $0x2  }
0xe: {  	s31 =	sshrl.u32 s14, $0x3;
	s17 =	sadd.s32 s14, s3;
	s7 =	sadd.s32 s7, s9  }
0xf: {  	s12 =	ssub.s32 s12, s29;
	s13 =	sadd.s32 s30, s2;
	s8 =	sadd.s32 s8, s31  }
0x10: {  	s17 =	sshrl.u32 s17, $0x3;
	s11 =	sadd.s32 s5, s6;
	s5 =	sadd.s32 $0x5E400, s6  }
0x11: {  	s15 =	sadd.s32 s7, s6;
	s7 =	sadd.s32 s14, s2;
	s10 =	smax.u32 s12, $0x1  }
0x12: {  	s12 =	sshll.u32 @p0 s0, $0x6;
	s13 =	sshrl.u32 @p0 s13, $0x3;
	s14 =	sshll.u32 @!p0 s0, $0x6  }
0x13: {  	s6 =	sadd.s32 $0x4400, s11;
	s9 =	sadd.s32 $0x5F800, s15;
	s11 =	simm.s32 $0x5  }
0x14: {  	s12 =	sor.u32 @p0 $0x1C05, s12;
	s14 =	sor.u32 @!p0 $0x1C05, s14;
	s15 =	sshrl.u32 @!p0 s7, $0x3  }
.LBB2_1:
0x15: {  	[tilespmem:s4], [sflag:$0x5] =	stream.linear.gather [hbm4b:s6+s4], $0x2800, $0x38;
	[tilespmem:$0x1D000] =	vst v63  }
0x16: {  	_ =	swait.ge [sflag:s11], $0x2800  }
0x17: {  	[sflag:s11] =	ssyncset.done $0x0  }
0x18: {  	[sflag:s11] =	ssyncadd.s32 $0xFFFFD800  }
0x19: {  	[spmem:s13], [sflag:s12] =	dma.local @p0 [hbm:s5], $0x1400  }
0x1a: {  	[spmem:s15], [sflag:s14] =	dma.local @!p0 [hbm:s8], $0x1400  }
0x1b: {  	_ =	swait.ge [sflag:s11], $0x1400  }
0x1c: {  	[sflag:s11] =	ssyncset.done $0x0  }
0x1d: {  	[sflag:s11] =	ssyncadd.s32 $0xFFFFEC00  }
0x1e: {  	[spmem:s17], [sflag:s16] =	dma.local [hbm:s8], $0x1400  }
0x1f: {  	_ =	swait.ge [sflag:s11], $0x1400  }
0x20: {  	[sflag:s11] =	ssyncset.done $0x0  }
0x21: {  	s29 =	simm.s32 $0x0;
	[sflag:s11] =	ssyncadd.s32 $0xFFFFEC00  }
0x22: {  	v0 =	vld [tilespmem:s29+$0x0]  }
0x23: {  	v6 =	vld [tilespmem:s29+$0x10]  }
0x24: {  	v5 =	vld [tilespmem:s29+$0x20]  }
0x25: {  	v4 =	vld [tilespmem:s29+$0x30]  }
0x26: {  	v2 =	vld [tilespmem:s29+$0x40]  }
0x27: {  	v3 =	vld [tilespmem:s29+$0x50];
	v1 =	vand.u32 $0x3FFF, v0  }
0x28: {  	s30 =	simm.s32 $0x200;
	v0 =	vshrl.u32 v0, $0xE;
	v7 =	vand.u32 $0x3FFF, v6;
	[tilespmem:s29+$0x0] =	vst v1;
	v1 =	vshrl.u32 v6, $0xE;
	v6 =	vld [tilespmem:s29+$0x60]  }
.LBB2_2:
0x29: {  	p1 =	sne.s32 s30, $0x9E00;
	[tilespmem:s29+$0x10] =	vst v7;
	v7 =	vshrl.u32 v5, $0xE;
	v5 =	vand.u32 $0x3FFF, v5;
	v8 =	vld [tilespmem:s29+$0x70]  }
0x2a: {  	[tilespmem:s29+$0x20] =	vst v5;
	v5 =	vshrl.u32 v4, $0xE;
	v4 =	vand.u32 $0x3FFF, v4  }
0x2b: {  	[tilespmem:s29+$0x30] =	vst v4;
	v4 =	vshrl.u32 v2, $0xE;
	v2 =	vand.u32 $0x3FFF, v2  }
0x2c: {  	[tilespmem:s29+$0x40] =	vst v2;
	v2 =	vshrl.u32 v3, $0xE;
	v3 =	vand.u32 $0x3FFF, v3  }
0x2d: {  	[tilespmem:s29+$0x50] =	vst v3;
	v3 =	vshrl.u32 v6, $0xE;
	v6 =	vand.u32 $0x3FFF, v6  }
0x2e: {  	[tilespmem:s29+$0x60] =	vst v6;
	v6 =	vshrl.u32 v8, $0xE;
	v8 =	vand.u32 $0x3FFF, v8  }
0x2f: {  	[tilespmem:s29+$0x70] =	vst v8  }
0x30: {  	[tilespmem:s29+$0x2800] =	vst v0  }
0x31: {  	s31 =	sshra.s32 s30, $0x2;
	[tilespmem:s29+$0x2810] =	vst v1  }
0x32: {  	v1 =	vld [tilespmem:s31+$0x0];
	[tilespmem:s29+$0x2820] =	vst v7  }
0x33: {  	v7 =	vld [tilespmem:s31+$0x10];
	[tilespmem:s29+$0x2830] =	vst v5  }
.Ltmp0:
0x34: {  	v5 =	vld [tilespmem:s31+$0x20];
	[tilespmem:s29+$0x2840] =	vst v4;
	(pc) =	sbr.rel @p1 .LBB2_2-.Ltmp0, $4  }
0x35: {  	v4 =	vld [tilespmem:s31+$0x30];
	[tilespmem:s29+$0x2850] =	vst v2  }
0x36: {  	v2 =	vld [tilespmem:s31+$0x40];
	[tilespmem:s29+$0x2860] =	vst v3  }
0x37: {  	v0 =	vshrl.u32 v1, $0xE;
	v1 =	vand.u32 $0x3FFF, v1;
	v3 =	vld [tilespmem:s31+$0x50];
	[tilespmem:s29+$0x2870] =	vst v6;
	s29 =	smov.u32 s31  }
0x38: {  	s30 =	sadd.s32 $0x200, s30;
	[tilespmem:s29+$0x0] =	vst v1;
	v1 =	vshrl.u32 v7, $0xE;
	v7 =	vand.u32 $0x3FFF, v7;
	v6 =	vld [tilespmem:s29+$0x60]  }
0x39: {  	[tilespmem:s29+$0x10] =	vst v7  }
0x3a: {  	[tilespmem:s29+$0x2800] =	vst v0  }
0x3b: {  	v52 =	vand.u32 $0x3FFF, v5;
	[tilespmem:s29+$0x2810] =	vst v1  }
0x3c: {  	v58 =	vshrl.u32 v5, $0xE;
	[tilespmem:s29+$0x20] =	vst v52  }
0x3d: {  	v53 =	vand.u32 $0x3FFF, v4;
	[tilespmem:s29+$0x2820] =	vst v58  }
0x3e: {  	v59 =	vshrl.u32 v4, $0xE;
	[tilespmem:s29+$0x30] =	vst v53  }
0x3f: {  	v54 =	vand.u32 $0x3FFF, v2;
	[tilespmem:s29+$0x2830] =	vst v59  }
0x40: {  	v8 =	vld [tilespmem:s29+$0x70];
	v60 =	vshrl.u32 v2, $0xE;
	[tilespmem:s29+$0x40] =	vst v54  }
0x41: {  	v55 =	vand.u32 $0x3FFF, v3;
	[tilespmem:s29+$0x2840] =	vst v60  }
0x42: {  	v61 =	vshrl.u32 v3, $0xE;
	[tilespmem:s29+$0x50] =	vst v55  }
0x43: {  	v56 =	vand.u32 $0x3FFF, v6;
	[tilespmem:s29+$0x2850] =	vst v61  }
0x44: {  	v62 =	vshrl.u32 v6, $0xE;
	[tilespmem:s29+$0x60] =	vst v56  }
0x45: {  	v57 =	vand.u32 $0x3FFF, v8;
	[tilespmem:s29+$0x2860] =	vst v62  }
0x46: {  	v63 =	vshrl.u32 v8, $0xE;
	[tilespmem:s29+$0x70] =	vst v57  }
0x47: {  	[tilespmem:s29+$0x2870] =	vst v63  }
0x48: {  	s29 =	simm.s32 $0x0;
	[bflag:$0x0] =	sbarrier.arrive $0xFFFF  }
0x49: {  	[tilespmem:s19], [sflag:$0x1] =	stream.indirect.gather [spmem:s3], $0x40, s29, s18, $0xb8;
	[tilespmem:$0x1D000] =	vst v63  }
0x4a: {  	_ = 	snop  }
0x4b: {  	[tilespmem:s20], [sflag:$0x2] =	stream.indirect.gather [spmem:s3], $0x40, s18, s18, $0xb8;
	[tilespmem:$0x1D000] =	vst v63  }
0x4c: {  	_ =	swait.ge [sflag:s21], $0x2000  }
0x4d: {  	[sflag:s21] =	ssyncset.done $0x0  }
0x4e: {  	s29 =	simm.s32 $0x2800;
	[sflag:s21] =	ssyncadd.s32 $0xFFFFE000  }
0x4f: {  	[spmem:s2] =	stream.indirect.scatter.add.f32 [tilespmem:s19], [sflag:$0x3], $0x40, s29, s18, $0xb8;
	[tilespmem:$0x1D000] =	vst v63  }
0x50: {  	_ =	swait.ge [sflag:s22], $0x2000  }
0x51: {  	[sflag:s22] =	ssyncset.done $0x0  }
0x52: {  	s29 =	simm.s32 $0x2880;
	[sflag:s22] =	ssyncadd.s32 $0xFFFFE000  }
0x53: {  	[spmem:s2] =	stream.indirect.scatter.add.f32 [tilespmem:s20], [sflag:$0x4], $0x40, s29, s18, $0xb8;
	[tilespmem:$0x1D000] =	vst v63  }
0x54: {  	_ =	swait.ge [sflag:s23], $0x2000  }
0x55: {  	[sflag:s23] =	ssyncset.done $0x0  }
0x56: {  	s29 =	simm.s32 $0x100;
	[sflag:s23] =	ssyncadd.s32 $0xFFFFE000  }
0x57: {  	[tilespmem:s19], [sflag:$0x1] =	stream.indirect.gather [spmem:s3], $0x40, s29, s18, $0xb8;
	[tilespmem:$0x1D000] =	vst v63  }
0x58: {  	_ =	swait.ge [sflag:s24], $0x2000  }
0x59: {  	[sflag:s24] =	ssyncset.done $0x0  }
0x5a: {  	s30 =	simm.s32 $0x180;
	s29 =	simm.s32 $0x400;
	[sflag:s24] =	ssyncadd.s32 $0xFFFFE000  }
.LBB2_4:
0x5b: {  	[tilespmem:s20], [sflag:$0x2] =	stream.indirect.gather [spmem:s3], $0x40, s30, s18, $0xb8;
	[tilespmem:$0x1D000] =	vst v63  }
0x5c: {  	s30 =	smov.u32 s29  }
0x5d: {  	p1 =	sne.s32 s29, $0x9800;
	s29 =	sadd.s32 $0x400, s29;
	_ =	swait.ge [sflag:s21], $0x2000  }
0x5e: {  	s30 =	sshra.s32 s30, $0x2;
	[sflag:s21] =	ssyncset.done $0x0  }
0x5f: {  	s31 =	sadd.s32 $0x2800, s30;
	[sflag:s21] =	ssyncadd.s32 $0xFFFFE000  }
0x60: {  	[spmem:s2] =	stream.indirect.scatter.add.f32 [tilespmem:s19], [sflag:$0x3], $0x40, s31, s18, $0xb8;
	[tilespmem:$0x1D000] =	vst v63  }
0x61: {  	_ =	swait.ge [sflag:s22], $0x2000  }
0x62: {  	[sflag:s22] =	ssyncset.done $0x0  }
0x63: {  	s31 =	sadd.s32 $0x2880, s30;
	[sflag:s22] =	ssyncadd.s32 $0xFFFFE000  }
0x64: {  	[spmem:s2] =	stream.indirect.scatter.add.f32 [tilespmem:s20], [sflag:$0x4], $0x40, s31, s18, $0xb8;
	[tilespmem:$0x1D000] =	vst v63  }
0x65: {  	_ =	swait.ge [sflag:s23], $0x2000  }
0x66: {  	[sflag:s23] =	ssyncset.done $0x0  }
.Ltmp1:
0x67: {  	s31 =	sadd.s32 $0x100, s30;
	[sflag:s23] =	ssyncadd.s32 $0xFFFFE000;
	(pc) =	sbr.rel @p1 .LBB2_4-.Ltmp1, $4  }
0x68: {  	[tilespmem:s19], [sflag:$0x1] =	stream.indirect.gather [spmem:s3], $0x40, s31, s18, $0xb8;
	[tilespmem:$0x1D000] =	vst v63  }
0x69: {  	_ =	swait.ge [sflag:s24], $0x2000  }
0x6a: {  	[sflag:s24] =	ssyncset.done $0x0  }
0x6b: {  	s30 =	sadd.s32 $0x180, s30;
	[sflag:s24] =	ssyncadd.s32 $0xFFFFE000  }
0x6c: {  	[tilespmem:s20], [sflag:$0x2] =	stream.indirect.gather [spmem:s3], $0x40, s30, s18, $0xb8;
	[tilespmem:$0x1D000] =	vst v63  }
0x6d: {  	_ =	swait.ge [sflag:s21], $0x2000  }
0x6e: {  	[sflag:s21] =	ssyncset.done $0x0  }
0x6f: {  	[sflag:s21] =	ssyncadd.s32 $0xFFFFE000  }
0x70: {  	[spmem:s2] =	stream.indirect.scatter.add.f32 [tilespmem:s19], [sflag:$0x3], $0x40, s25, s18, $0xb8;
	[tilespmem:$0x1D000] =	vst v63  }
0x71: {  	_ =	swait.ge [sflag:s22], $0x2000  }
0x72: {  	[sflag:s22] =	ssyncset.done $0x0  }
0x73: {  	[sflag:s22] =	ssyncadd.s32 $0xFFFFE000  }
0x74: {  	[spmem:s2] =	stream.indirect.scatter.add.f32 [tilespmem:s20], [sflag:$0x4], $0x40, s26, s18, $0xb8;
	[tilespmem:$0x1D000] =	vst v63  }
0x75: {  	_ =	swait.ge [sflag:s23], $0x2000  }
0x76: {  	[sflag:s23] =	ssyncset.done $0x0  }
0x77: {  	[sflag:s23] =	ssyncadd.s32 $0xFFFFE000  }
0x78: {  	_ =	swait.ge [sflag:s24], $0x2000  }
0x79: {  	s28 =	sadd.s32 $0x1, s28;
	[sflag:s24] =	ssyncset.done $0x0  }
0x7a: {  	p1 =	sne.s32 s28, s10;
	[sflag:s24] =	ssyncadd.s32 $0xFFFFE000  }
.Ltmp2:
0x7b: {  	s29 =	sshrl.u32 s7, $0x3;
	[bflag:$0x0] =	sbarrier.arrive $0xFFFF;
	(pc) =	sbr.rel @p1 .LBB2_1-.Ltmp2, $4  }
0x7c: {  	[hbm:s9], [sflag:s16] =	dma.local [spmem:s29], $0x1400  }
0x7d: {  	_ =	swait.ge [sflag:s11], $0x1400  }
0x7e: {  	[sflag:s11] =	ssyncset.done $0x0  }
0x7f: {  	[sflag:s11] =	ssyncadd.s32 $0xFFFFEC00  }
0x80: {  	_ =	sfence.sel $0x180000  }
0x81: {  	[bflag:$0x0] =	sbarrier.arrive $0xFFFF  }
0x82: {  	p0 =	sne.s32 s0, $0x0;
	_ =	strace $0x9000004A  }
0x83: {  	s0 =	sadd.s32 @!p0 $0x100000, s1;
	[bflag:$0x2] =	sbarrier.arrive $0xFFFF  }
0x84: {  	[sflag:s0] =	ssyncadd.tile.s32 @!p0 $0x1;
	_ =	shalt  }
.Lfunc_end2:
_tile_overlayer_lowered:
.L_overlay_start_2:
0x85: {  	(tag) =	ssettag $0x2  }
0x86: {  	s0 =	rddreg [dreg:$0x0];
	s2 =	stileid.u32  }
0x87: {  	s1 =	rddreg [dreg:$0x1];
	p0 =	sne.s32 s2, $0x0  }
0x88: {  	s3 =	rddreg [dreg:$0x2];
	[bflag:$0x3] =	sbarrier.arrive $0xFFFF;
	s2 =	simm.s32 @!p0 $0x1C05  }
0x89: {  	[timem:s3], [sflag:s2] =	dma.local @!p0 [hbm:s0], s1  }
0x8a: {  	s0 =	simm.s32 @!p0 $0x5  }
0x8b: {  	_ =	swait.ge @!p0 [sflag:s0], s1  }
0x8c: {  	s1 =	ssub.s32 @!p0 $0x0, s1;
	[sflag:s0] =	ssyncset.done @!p0 $0x0  }
0x8d: {  	[sflag:s0] =	ssyncadd.s32 @!p0 s1  }
0x8e: {  	[bflag:$0x3] =	sbarrier.arrive $0xFFFF  }
0x8f: {  	_ =	shalt  }

// kernel: kernel.18.cloned.1.call-start
scs
__scs_entry_jumppad:
0x0: {  	(pc) =	sbr.rel $0x88, $3  }
0x1: {  	(tag) =	ssettag $0x0;
	lr =	simm.s32 $0x1  }
0x2: {  	[smem:$0x3F8F] =	sst lr;
	_ =	strace $0xD0000000  }
0x3: {  	_ = 	snop  }
0x4: {  	_ = 	snop  }
0x5: {  	_ = 	snop  }
0x6: {  	_ = 	snop  }
0x7: {  	_ = 	snop  }
__scs_overlays_trampoline_lowered:
0x8: {  	[smem:$0x3F9E] =	sst s0  }
0x9: {  	[smem:$0x3F9F] =	sst s1  }
0xa: {  	[smem:$0x3FA0] =	sst s2  }
0xb: {  	[smem:$0x3FA1] =	sst s3  }
0xc: {  	[smem:$0x3FA2] =	sst s4  }
0xd: {  	[smem:$0x3FA3] =	sst s5  }
0xe: {  	[smem:$0x3FA4] =	sst s6  }
0xf: {  	[smem:$0x3FA5] =	sst s7  }
0x10: {  	[smem:$0x3FA6] =	sst s8  }
0x11: {  	[smem:$0x3FA7] =	sst s9;
	s0 =	simm.s32 @!p0 $0x0  }
0x12: {  	s1 =	sld [smem:$0x3F8D];
	s0 =	simm.s32 @p0 $0x1  }
0x13: {  	[smem:$0x3FA8] =	sst s0;
	s0 =	simm.s32 @!p1 $0x0  }
0x14: {  	s2 =	sld [smem:$0x3F8C];
	s0 =	simm.s32 @p1 $0x1  }
0x15: {  	[smem:$0x3FA9] =	sst s0;
	s0 =	simm.s32 @!p2 $0x0  }
0x16: {  	s3 =	sld [smem:$0x3FDB];
	s0 =	simm.s32 @p2 $0x1  }
0x17: {  	s4 =	simm.s32 $0x1BF5;
	[smem:$0x3FAB] =	sst s0  }
0x18: {  	s0 =	sld [smem:$0x3F8E];
	_ =	swait.ge [sflag:s4], $0x0  }
0x19: {  	s7 =	sld [smem:$0x3F8F]  }
0x1a: {  	s8 =	sadd.s32 $0xFFFFE003, lr  }
0x1b: {  	s9 =	sadd.s32 $0xFFFFFEF7, lr;
	s5 =	simm.s32 $0xFFFFFFFF;
	p2 =	slt.u32 s8, $0xFFFFF086  }
0x1c: {  	p1 =	slt.u32 s9, $0xF7A;
	s5 =	simm.s32 @!p2 $0x0  }
0x1d: {  	s5 =	simm.s32 @p1 $0x1;
	p0 =	seq.s32 s7, s2  }
0x1e: {  	s7 =	smul.u32 @!p0 $0xF7A, s2;
	p2 =	seq.s32 @!p0 s5, $0x0  }
0x1f: {  	s9 =	smul.u32 $0xF7A, s1;
	s8 =	simm.s32 @!p0 $0x1BF5;
	p2 =	por !p2, p0  }
0x20: {  	[sflag:s8] =	ssyncset.s32 @!p0 $0xFFFFF086;
	s6 =	sadd.s32 @!p0 s3, s7;
	s7 =	simm.s32 @!p0 $0x108  }
0x21: {  	s3 =	sadd.s32 s3, s9;
	s6 =	sadd.s32 @!p0 $0x88, s6;
	s7 =	simm.s32 @p2 $0x1082  }
0x22: {  	[simem:s7], [sflag:s8] =	dma.local @!p0 [hbm:s6], $0xF7A  }
0x23: {  	s9 =	sor.u32 $0xD0000000, s2;
	s6 =	simm.s32 $0x108;
	_ =	swait.ge @!p0 [sflag:s8], $0x0  }
0x24: {  	s3 =	sadd.s32 $0x88, s3;
	s6 =	simm.s32 @!p1 $0x1082;
	[sflag:s4] =	ssyncset.s32 $0xFFFFF086  }
0x25: {  	[simem:s6], [sflag:s4] =	dma.local [hbm:s3], $0xF7A  }
0x26: {  	[smem:$0x3F8F] =	sst s1;
	(tag) =	ssettag s2;
	_ =	strace s9  }
0x27: {  	s1 =	sld [smem:$0x3F9F]  }
0x28: {  	s2 =	sld [smem:$0x3FA0]  }
0x29: {  	s4 =	sld [smem:$0x3FA2]  }
0x2a: {  	p0 =	seq.s32 s5, $0x0;
	s5 =	sld [smem:$0x3FA3]  }
0x2b: {  	s6 =	sld [smem:$0x3FA4]  }
0x2c: {  	s7 =	sld [smem:$0x3FA5]  }
0x2d: {  	s3 =	simm.s32 $0x108;
	s8 =	sld [smem:$0x3FA6]  }
0x2e: {  	s3 =	simm.s32 @!p0 $0x1082;
	s9 =	sld [smem:$0x3FA7]  }
0x2f: {  	lr =	sadd.s32 s0, s3;
	s0 =	sld [smem:$0x3F9E]  }
0x30: {  	s3 =	sld [smem:$0x3FA1]  }
0x31: {  	[smem:$0x3FAA] =	sst s10  }
0x32: {  	s10 =	sld [smem:$0x3FA8];
	_ =	sdelay $0x3  }
0x33: {  	p0 =	seq.s32 s10, $0x1;
	s10 =	sld [smem:$0x3FAA];
	_ =	sdelay $0x3  }
0x34: {  	[smem:$0x3FAA] =	sst s10  }
0x35: {  	s10 =	sld [smem:$0x3FA9];
	_ =	sdelay $0x3  }
0x36: {  	p1 =	seq.s32 s10, $0x1;
	s10 =	sld [smem:$0x3FAA];
	_ =	sdelay $0x3  }
0x37: {  	[smem:$0x3FAA] =	sst s10  }
0x38: {  	s10 =	sld [smem:$0x3FAB]  }
0x39: {  	_ = 	snop;
	(pc) =	sbr.ind lr, $3  }
0x3a: {  	_ = 	snop  }
0x3b: {  	_ = 	snop  }
0x3c: {  	p2 =	seq.s32 s10, $0x1;
	s10 =	sld [smem:$0x3FAA]  }
0x3d: {  	_ =	shalt  }
0x3e: {  	_ =	shalt  }
0x3f: {  	_ =	shalt  }
0x40: {  	_ =	shalt  }
0x41: {  	_ =	shalt  }
0x42: {  	_ =	shalt  }
0x43: {  	_ =	shalt  }
0x44: {  	_ =	shalt  }
0x45: {  	_ =	shalt  }
0x46: {  	_ =	shalt  }
0x47: {  	_ =	shalt  }
0x48: {  	_ =	shalt  }
0x49: {  	_ =	shalt  }
0x4a: {  	_ =	shalt  }
0x4b: {  	_ =	shalt  }
0x4c: {  	_ =	shalt  }
0x4d: {  	_ =	shalt  }
0x4e: {  	_ =	shalt  }
0x4f: {  	_ =	shalt  }
0x50: {  	_ =	shalt  }
0x51: {  	_ =	shalt  }
0x52: {  	_ =	shalt  }
0x53: {  	_ =	shalt  }
0x54: {  	_ =	shalt  }
0x55: {  	_ =	shalt  }
0x56: {  	_ =	shalt  }
0x57: {  	_ =	shalt  }
0x58: {  	_ =	shalt  }
0x59: {  	_ =	shalt  }
0x5a: {  	_ =	shalt  }
0x5b: {  	_ =	shalt  }
0x5c: {  	_ =	shalt  }
0x5d: {  	_ =	shalt  }
0x5e: {  	_ =	shalt  }
0x5f: {  	_ =	shalt  }
0x60: {  	_ =	shalt  }
0x61: {  	_ =	shalt  }
0x62: {  	_ =	shalt  }
0x63: {  	_ =	shalt  }
0x64: {  	_ =	shalt  }
0x65: {  	_ =	shalt  }
0x66: {  	_ =	shalt  }
0x67: {  	_ =	shalt  }
0x68: {  	_ =	shalt  }
0x69: {  	_ =	shalt  }
0x6a: {  	_ =	shalt  }
0x6b: {  	_ =	shalt  }
0x6c: {  	_ =	shalt  }
0x6d: {  	_ =	shalt  }
0x6e: {  	_ =	shalt  }
0x6f: {  	_ =	shalt  }
0x70: {  	_ =	shalt  }
0x71: {  	_ =	shalt  }
0x72: {  	_ =	shalt  }
0x73: {  	_ =	shalt  }
0x74: {  	_ =	shalt  }
0x75: {  	_ =	shalt  }
0x76: {  	_ =	shalt  }
0x77: {  	_ =	shalt  }
0x78: {  	_ =	shalt  }
0x79: {  	_ =	shalt  }
0x7a: {  	_ =	shalt  }
0x7b: {  	_ =	shalt  }
0x7c: {  	_ =	shalt  }
0x7d: {  	_ =	shalt  }
0x7e: {  	_ =	shalt  }
0x7f: {  	_ =	shalt  }
0x80: {  	_ =	shalt  }
0x81: {  	_ =	shalt  }
0x82: {  	_ =	shalt  }
0x83: {  	_ =	shalt  }
0x84: {  	_ =	shalt  }
0x85: {  	_ =	shalt  }
0x86: {  	_ =	shalt  }
0x87: {  	_ =	shalt  }
.Lfunc_end0:
.L_simem_size_0:
called_computation.2_lowered:
.L_overlay_start_0:
0x88: {  	s2 =	sld [smem:$0x3FD9]  }
0x89: {  	s3 =	sld [smem:$0x3FFE];
	_ =	sdelay $0x1  }
0x8a: {  	s1 =	srdreg.scid  }
0x8b: {  	s0 =	sand.u32 $0x1, s1  }
0x8c: {  	s17 =	sshll.u32 s0, $0xA;
	s2 =	sadd.s32 s3, s2  }
0x8d: {  	s2 =	sadd.s32 s2, s17  }
0x8e: {  	[smem:$0x3FB6] =	sst s2  }
0x8f: {  	_ = 	snop  }
0x90: {  	s2 =	sld [smem:$0x3FD0];
	(tm) =	ssettm $0x1  }
0x91: {  	s18 =	sld [smem:$0x3FFB];
	_ =	sdelay $0x3  }
0x92: {  	_ =	strace s18  }
0x93: {  	s3 =	sld [smem:$0x3FFC];
	_ =	sdelay $0x3  }
0x94: {  	_ =	strace s3  }
0x95: {  	s3 =	sld [smem:$0x3FFD];
	_ =	sdelay $0x3  }
0x96: {  	_ =	strace s3  }
0x97: {  	_ =	strace $0x8FFFFFFF  }
0x98: {  	s19 =	sld [smem:$0x3FDB];
	_ =	sdelay $0x1  }
0x99: {  	s4 =	simm.s32 $_scs_section_size  }
0x9a: {  	s5 =	simm.s32 $_size__tile_overlayer_lowered;
	s6 =	simm.s32 $_tile_overlayer_lowered  }
0x9b: {  	s22 =	simm.s32 $0x1BFF;
	s21 =	sshll.u32 s6, $0x1;
	s3 =	sadd.s32 s4, s19  }
0x9c: {  	s7 =	simm.s32 $0x0;
	s20 =	sshll.u32 s5, $0x1;
	s5 =	sadd.s32 s21, s3  }
0x9d: {  	[timem:s7], [sflag:s22] =	dma.local [hbm:s5], s20  }
0x9e: {  	_ =	swait.ge [sflag:s22], s20  }
0x9f: {  	s4 =	ssub.s32 $0x0, s20;
	[sflag:s22] =	ssyncset.done $0x0  }
0xa0: {  	[sflag:s22] =	ssyncadd.s32 s4;
	_ =	sdelay $0x1  }
0xa1: {  	s23 =	simm.s32 $0x1B8B  }
0xa2: {  	_ =	swait.ge [sflag:s23], $0x1  }
0xa3: {  	[sflag:s23] =	ssyncset.done $0x0  }
0xa4: {  	s25 =	simm.s32 $0x1B8E;
	s24 =	sld [smem:$0x3FFE];
	[sflag:s23] =	ssyncadd.s32 $0xFFFFFFFF  }
0xa5: {  	s26 =	simm.s32 $execute0_lowered;
	[smem:$0x3FD2] =	sst s25  }
0xa6: {  	s5 =	sshll.u32 s26, $0x1;
	_ =	strace $0x8000004C;
	[dreg:$0x1] =	wrdreg $0xFFFFFFFF  }
0xa7: {  	s28 =	simm.s32 $_size_execute0_lowered;
	s3 =	sadd.s32 s3, s5;
	[dreg:$0x0] =	wrdreg $0x0  }
0xa8: {  	s5 =	sshll.u32 s28, $0x1;
	[dreg:$0x2] =	wrdreg s3  }
0xa9: {  	[dreg:$0x3] =	wrdreg s5  }
0xaa: {  	[dreg:$0x4] =	wrdreg $0xC0  }
0xab: {  	_ =	task [dreg:s7], $0x5FFFF  }
0xac: {  	[dreg:$0x1] =	wrdreg $0xFFFFFFFF  }
0xad: {  	[dreg:$0x0] =	wrdreg $0x60  }
0xae: {  	[dreg:$0x2] =	wrdreg s2  }
0xaf: {  	[dreg:$0x3] =	wrdreg s24  }
0xb0: {  	[dreg:$0x4] =	wrdreg $0x90000  }
0xb1: {  	[dreg:$0x5] =	wrdreg $0x130000  }
0xb2: {  	[dreg:$0x6] =	wrdreg $0x9  }
0xb3: {  	_ =	task.clear_ibuf [dreg:s7], $0x7FFFF;
	_ =	strace $0x9000004C  }
0xb4: {  	s29 =	simm.s32 $0x9;
	_ =	strace $0x8000004E  }
0xb5: {  	_ =	swait.ge [sflag:s29], $0x1  }
0xb6: {  	[sflag:s29] =	ssyncadd.s32 $0xFFFFFFFF  }
0xb7: {  	_ =	strace $0x9000004E  }
0xb8: {  	_ =	sfence  }
0xb9: {  	s30 =	sld [smem:$0x0];
	_ =	sdelay $0x2  }
0xba: {  	s31 =	sshll.u32 s1, $0xD;
	s1 =	sshrl.u32 s1, $0x2  }
0xbb: {  	s3 =	sand.u32 $0x4000, s31;
	s1 =	sadd.s32 s1, s30  }
0xbc: {  	s0 =	sor.u32 s3, s0;
	s1 =	sshll.u32 s1, $0x11  }
0xbd: {  	s0 =	sor.u32 s1, s0  }
0xbe: {  	s0 =	sadd.s32 $0x8F2B, s0  }
0xbf: {  	[sflag:s0] =	ssyncadd.remote.s32 $0x1  }
0xc0: {  	_ =	sfence.sel $0xFFFF  }
0xc1: {  	[dreg:$0x0] =	wrdreg $0xFFFFFFFF;
	(pc) =	sbr.abs _section_cstart, $3  }
0xc2: {  	[dreg:$0x1] =	wrdreg $0xFFFFFFFF  }
0xc3: {  	_ =	task.clear_ibuf [dreg:s7], $0x2FFFF;
	_ =	strace $0x9FFFFFFF  }
0xc4: {  	(tm) =	ssettm $0x7FFFFFFF  }
0xc5: {  	_ =	shalt  }
tec
execute0_lowered:
.L_overlay_start_1:
0x0: {  	(tag) =	ssettag $0x1  }
0x1: {  	s8 =	rddreg [dreg:$0x0]  }
0x2: {  	s6 =	rddreg [dreg:$0x1]  }
0x3: {  	s1 =	srdreg.scid;
	s2 =	rddreg [dreg:$0x2]  }
0x4: {  	s0 =	stileid.u32;
	s3 =	rddreg [dreg:$0x3];
	s4 =	simm.s32 $0x0  }
0x5: {  	s18 =	simm.s32 $0x80;
	s19 =	simm.s32 $0x5000;
	s20 =	simm.s32 $0x7000  }
0x6: {  	s21 =	simm.s32 $0x1;
	s22 =	simm.s32 $0x2;
	s23 =	simm.s32 $0x3  }
0x7: {  	s24 =	simm.s32 $0x4;
	s25 =	simm.s32 $0x4F00;
	s28 =	simm.s32 $0x0  }
0x8: {  	s10 =	sand.u32 $0x1, s1;
	s1 =	rddreg [dreg:$0x4];
	s7 =	smul.u32 $0x1400, s0  }
0x9: {  	s26 =	sshll.u32 s0, $0x1;
	[smem:$0x7FF] =	sst s4;
	s13 =	smul.u32 $0x28000, s0  }
0xa: {  	s14 =	smul.u32 $0xA000, s0;
	s16 =	sshll.u32 s0, $0x6;
	s5 =	sor.u32 s10, s26  }
0xb: {  	_ =	strace $0x8000004D;
	s9 =	smul.u32 $0x14000, s10;
	s12 =	ssub.s32 $0x2, s10  }
0xc: {  	p0 =	sne.s32 s10, $0x0;
	s16 =	sor.u32 $0x1C05, s16;
	s26 =	simm.s32 $0x4F80  }
0xd: {  	s5 =	smul.u32 $0x500, s5;
	s29 =	sshrl.u32 s12, $0x1;
	s30 =	sshrl.u32 s13, $0x2  }
0xe: {  	s31 =	sshrl.u32 s14, $0x3;
	s17 =	sadd.s32 s14, s3;
	s7 =	sadd.s32 s7, s9  }
0xf: {  	s12 =	ssub.s32 s12, s29;
	s13 =	sadd.s32 s30, s2;
	s8 =	sadd.s32 s8, s31  }
0x10: {  	s17 =	sshrl.u32 s17, $0x3;
	s11 =	sadd.s32 s5, s6;
	s5 =	sadd.s32 $0x5E400, s6  }
0x11: {  	s15 =	sadd.s32 s7, s6;
	s7 =	sadd.s32 s14, s2;
	s10 =	smax.u32 s12, $0x1  }
0x12: {  	s12 =	sshll.u32 @p0 s0, $0x6;
	s13 =	sshrl.u32 @p0 s13, $0x3;
	s14 =	sshll.u32 @!p0 s0, $0x6  }
0x13: {  	s6 =	sadd.s32 $0x4400, s11;
	s9 =	sadd.s32 $0x5F800, s15;
	s11 =	simm.s32 $0x5  }
0x14: {  	s12 =	sor.u32 @p0 $0x1C05, s12;
	s14 =	sor.u32 @!p0 $0x1C05, s14;
	s15 =	sshrl.u32 @!p0 s7, $0x3  }
.LBB2_1:
0x15: {  	[tilespmem:s4], [sflag:$0x5] =	stream.linear.gather [hbm4b:s6+s4], $0x2800, $0x38;
	[tilespmem:$0x1D000] =	vst v63  }
0x16: {  	_ =	swait.ge [sflag:s11], $0x2800  }
0x17: {  	[sflag:s11] =	ssyncset.done $0x0  }
0x18: {  	[sflag:s11] =	ssyncadd.s32 $0xFFFFD800  }
0x19: {  	[spmem:s13], [sflag:s12] =	dma.local @p0 [hbm:s5], $0x1400  }
0x1a: {  	[spmem:s15], [sflag:s14] =	dma.local @!p0 [hbm:s8], $0x1400  }
0x1b: {  	_ =	swait.ge [sflag:s11], $0x1400  }
0x1c: {  	[sflag:s11] =	ssyncset.done $0x0  }
0x1d: {  	[sflag:s11] =	ssyncadd.s32 $0xFFFFEC00  }
0x1e: {  	[spmem:s17], [sflag:s16] =	dma.local [hbm:s8], $0x1400  }
0x1f: {  	_ =	swait.ge [sflag:s11], $0x1400  }
0x20: {  	[sflag:s11] =	ssyncset.done $0x0  }
0x21: {  	s29 =	simm.s32 $0x0;
	[sflag:s11] =	ssyncadd.s32 $0xFFFFEC00  }
0x22: {  	v0 =	vld [tilespmem:s29+$0x0]  }
0x23: {  	v6 =	vld [tilespmem:s29+$0x10]  }
0x24: {  	v5 =	vld [tilespmem:s29+$0x20]  }
0x25: {  	v4 =	vld [tilespmem:s29+$0x30]  }
0x26: {  	v2 =	vld [tilespmem:s29+$0x40]  }
0x27: {  	v3 =	vld [tilespmem:s29+$0x50];
	v1 =	vand.u32 $0x3FFF, v0  }
0x28: {  	s30 =	simm.s32 $0x200;
	v0 =	vshrl.u32 v0, $0xE;
	v7 =	vand.u32 $0x3FFF, v6;
	[tilespmem:s29+$0x0] =	vst v1;
	v1 =	vshrl.u32 v6, $0xE;
	v6 =	vld [tilespmem:s29+$0x60]  }
.LBB2_2:
0x29: {  	p1 =	sne.s32 s30, $0x9E00;
	[tilespmem:s29+$0x10] =	vst v7;
	v7 =	vshrl.u32 v5, $0xE;
	v5 =	vand.u32 $0x3FFF, v5;
	v8 =	vld [tilespmem:s29+$0x70]  }
0x2a: {  	[tilespmem:s29+$0x20] =	vst v5;
	v5 =	vshrl.u32 v4, $0xE;
	v4 =	vand.u32 $0x3FFF, v4  }
0x2b: {  	[tilespmem:s29+$0x30] =	vst v4;
	v4 =	vshrl.u32 v2, $0xE;
	v2 =	vand.u32 $0x3FFF, v2  }
0x2c: {  	[tilespmem:s29+$0x40] =	vst v2;
	v2 =	vshrl.u32 v3, $0xE;
	v3 =	vand.u32 $0x3FFF, v3  }
0x2d: {  	[tilespmem:s29+$0x50] =	vst v3;
	v3 =	vshrl.u32 v6, $0xE;
	v6 =	vand.u32 $0x3FFF, v6  }
0x2e: {  	[tilespmem:s29+$0x60] =	vst v6;
	v6 =	vshrl.u32 v8, $0xE;
	v8 =	vand.u32 $0x3FFF, v8  }
0x2f: {  	[tilespmem:s29+$0x70] =	vst v8  }
0x30: {  	[tilespmem:s29+$0x2800] =	vst v0  }
0x31: {  	s31 =	sshra.s32 s30, $0x2;
	[tilespmem:s29+$0x2810] =	vst v1  }
0x32: {  	v1 =	vld [tilespmem:s31+$0x0];
	[tilespmem:s29+$0x2820] =	vst v7  }
0x33: {  	v7 =	vld [tilespmem:s31+$0x10];
	[tilespmem:s29+$0x2830] =	vst v5  }
.Ltmp0:
0x34: {  	v5 =	vld [tilespmem:s31+$0x20];
	[tilespmem:s29+$0x2840] =	vst v4;
	(pc) =	sbr.rel @p1 .LBB2_2-.Ltmp0, $4  }
0x35: {  	v4 =	vld [tilespmem:s31+$0x30];
	[tilespmem:s29+$0x2850] =	vst v2  }
0x36: {  	v2 =	vld [tilespmem:s31+$0x40];
	[tilespmem:s29+$0x2860] =	vst v3  }
0x37: {  	v0 =	vshrl.u32 v1, $0xE;
	v1 =	vand.u32 $0x3FFF, v1;
	v3 =	vld [tilespmem:s31+$0x50];
	[tilespmem:s29+$0x2870] =	vst v6;
	s29 =	smov.u32 s31  }
0x38: {  	s30 =	sadd.s32 $0x200, s30;
	[tilespmem:s29+$0x0] =	vst v1;
	v1 =	vshrl.u32 v7, $0xE;
	v7 =	vand.u32 $0x3FFF, v7;
	v6 =	vld [tilespmem:s29+$0x60]  }
0x39: {  	[tilespmem:s29+$0x10] =	vst v7  }
0x3a: {  	[tilespmem:s29+$0x2800] =	vst v0  }
0x3b: {  	v52 =	vand.u32 $0x3FFF, v5;
	[tilespmem:s29+$0x2810] =	vst v1  }
0x3c: {  	v58 =	vshrl.u32 v5, $0xE;
	[tilespmem:s29+$0x20] =	vst v52  }
0x3d: {  	v53 =	vand.u32 $0x3FFF, v4;
	[tilespmem:s29+$0x2820] =	vst v58  }
0x3e: {  	v59 =	vshrl.u32 v4, $0xE;
	[tilespmem:s29+$0x30] =	vst v53  }
0x3f: {  	v54 =	vand.u32 $0x3FFF, v2;
	[tilespmem:s29+$0x2830] =	vst v59  }
0x40: {  	v8 =	vld [tilespmem:s29+$0x70];
	v60 =	vshrl.u32 v2, $0xE;
	[tilespmem:s29+$0x40] =	vst v54  }
0x41: {  	v55 =	vand.u32 $0x3FFF, v3;
	[tilespmem:s29+$0x2840] =	vst v60  }
0x42: {  	v61 =	vshrl.u32 v3, $0xE;
	[tilespmem:s29+$0x50] =	vst v55  }
0x43: {  	v56 =	vand.u32 $0x3FFF, v6;
	[tilespmem:s29+$0x2850] =	vst v61  }
0x44: {  	v62 =	vshrl.u32 v6, $0xE;
	[tilespmem:s29+$0x60] =	vst v56  }
0x45: {  	v57 =	vand.u32 $0x3FFF, v8;
	[tilespmem:s29+$0x2860] =	vst v62  }
0x46: {  	v63 =	vshrl.u32 v8, $0xE;
	[tilespmem:s29+$0x70] =	vst v57  }
0x47: {  	[tilespmem:s29+$0x2870] =	vst v63  }
0x48: {  	s29 =	simm.s32 $0x0;
	[bflag:$0x0] =	sbarrier.arrive $0xFFFF  }
0x49: {  	[tilespmem:s19], [sflag:$0x1] =	stream.indirect.gather [spmem:s3], $0x40, s29, s18, $0xb8;
	[tilespmem:$0x1D000] =	vst v63  }
0x4a: {  	_ = 	snop  }
0x4b: {  	[tilespmem:s20], [sflag:$0x2] =	stream.indirect.gather [spmem:s3], $0x40, s18, s18, $0xb8;
	[tilespmem:$0x1D000] =	vst v63  }
0x4c: {  	_ =	swait.ge [sflag:s21], $0x2000  }
0x4d: {  	[sflag:s21] =	ssyncset.done $0x0  }
0x4e: {  	s29 =	simm.s32 $0x2800;
	[sflag:s21] =	ssyncadd.s32 $0xFFFFE000  }
0x4f: {  	[spmem:s2] =	stream.indirect.scatter.add.f32 [tilespmem:s19], [sflag:$0x3], $0x40, s29, s18, $0xb8;
	[tilespmem:$0x1D000] =	vst v63  }
0x50: {  	_ =	swait.ge [sflag:s22], $0x2000  }
0x51: {  	[sflag:s22] =	ssyncset.done $0x0  }
0x52: {  	s29 =	simm.s32 $0x2880;
	[sflag:s22] =	ssyncadd.s32 $0xFFFFE000  }
0x53: {  	[spmem:s2] =	stream.indirect.scatter.add.f32 [tilespmem:s20], [sflag:$0x4], $0x40, s29, s18, $0xb8;
	[tilespmem:$0x1D000] =	vst v63  }
0x54: {  	_ =	swait.ge [sflag:s23], $0x2000  }
0x55: {  	[sflag:s23] =	ssyncset.done $0x0  }
0x56: {  	s29 =	simm.s32 $0x100;
	[sflag:s23] =	ssyncadd.s32 $0xFFFFE000  }
0x57: {  	[tilespmem:s19], [sflag:$0x1] =	stream.indirect.gather [spmem:s3], $0x40, s29, s18, $0xb8;
	[tilespmem:$0x1D000] =	vst v63  }
0x58: {  	_ =	swait.ge [sflag:s24], $0x2000  }
0x59: {  	[sflag:s24] =	ssyncset.done $0x0  }
0x5a: {  	s30 =	simm.s32 $0x180;
	s29 =	simm.s32 $0x400;
	[sflag:s24] =	ssyncadd.s32 $0xFFFFE000  }
.LBB2_4:
0x5b: {  	[tilespmem:s20], [sflag:$0x2] =	stream.indirect.gather [spmem:s3], $0x40, s30, s18, $0xb8;
	[tilespmem:$0x1D000] =	vst v63  }
0x5c: {  	s30 =	smov.u32 s29  }
0x5d: {  	p1 =	sne.s32 s29, $0x9800;
	s29 =	sadd.s32 $0x400, s29;
	_ =	swait.ge [sflag:s21], $0x2000  }
0x5e: {  	s30 =	sshra.s32 s30, $0x2;
	[sflag:s21] =	ssyncset.done $0x0  }
0x5f: {  	s31 =	sadd.s32 $0x2800, s30;
	[sflag:s21] =	ssyncadd.s32 $0xFFFFE000  }
0x60: {  	[spmem:s2] =	stream.indirect.scatter.add.f32 [tilespmem:s19], [sflag:$0x3], $0x40, s31, s18, $0xb8;
	[tilespmem:$0x1D000] =	vst v63  }
0x61: {  	_ =	swait.ge [sflag:s22], $0x2000  }
0x62: {  	[sflag:s22] =	ssyncset.done $0x0  }
0x63: {  	s31 =	sadd.s32 $0x2880, s30;
	[sflag:s22] =	ssyncadd.s32 $0xFFFFE000  }
0x64: {  	[spmem:s2] =	stream.indirect.scatter.add.f32 [tilespmem:s20], [sflag:$0x4], $0x40, s31, s18, $0xb8;
	[tilespmem:$0x1D000] =	vst v63  }
0x65: {  	_ =	swait.ge [sflag:s23], $0x2000  }
0x66: {  	[sflag:s23] =	ssyncset.done $0x0  }
.Ltmp1:
0x67: {  	s31 =	sadd.s32 $0x100, s30;
	[sflag:s23] =	ssyncadd.s32 $0xFFFFE000;
	(pc) =	sbr.rel @p1 .LBB2_4-.Ltmp1, $4  }
0x68: {  	[tilespmem:s19], [sflag:$0x1] =	stream.indirect.gather [spmem:s3], $0x40, s31, s18, $0xb8;
	[tilespmem:$0x1D000] =	vst v63  }
0x69: {  	_ =	swait.ge [sflag:s24], $0x2000  }
0x6a: {  	[sflag:s24] =	ssyncset.done $0x0  }
0x6b: {  	s30 =	sadd.s32 $0x180, s30;
	[sflag:s24] =	ssyncadd.s32 $0xFFFFE000  }
0x6c: {  	[tilespmem:s20], [sflag:$0x2] =	stream.indirect.gather [spmem:s3], $0x40, s30, s18, $0xb8;
	[tilespmem:$0x1D000] =	vst v63  }
0x6d: {  	_ =	swait.ge [sflag:s21], $0x2000  }
0x6e: {  	[sflag:s21] =	ssyncset.done $0x0  }
0x6f: {  	[sflag:s21] =	ssyncadd.s32 $0xFFFFE000  }
0x70: {  	[spmem:s2] =	stream.indirect.scatter.add.f32 [tilespmem:s19], [sflag:$0x3], $0x40, s25, s18, $0xb8;
	[tilespmem:$0x1D000] =	vst v63  }
0x71: {  	_ =	swait.ge [sflag:s22], $0x2000  }
0x72: {  	[sflag:s22] =	ssyncset.done $0x0  }
0x73: {  	[sflag:s22] =	ssyncadd.s32 $0xFFFFE000  }
0x74: {  	[spmem:s2] =	stream.indirect.scatter.add.f32 [tilespmem:s20], [sflag:$0x4], $0x40, s26, s18, $0xb8;
	[tilespmem:$0x1D000] =	vst v63  }
0x75: {  	_ =	swait.ge [sflag:s23], $0x2000  }
0x76: {  	[sflag:s23] =	ssyncset.done $0x0  }
0x77: {  	[sflag:s23] =	ssyncadd.s32 $0xFFFFE000  }
0x78: {  	_ =	swait.ge [sflag:s24], $0x2000  }
0x79: {  	s28 =	sadd.s32 $0x1, s28;
	[sflag:s24] =	ssyncset.done $0x0  }
0x7a: {  	p1 =	sne.s32 s28, s10;
	[sflag:s24] =	ssyncadd.s32 $0xFFFFE000  }
.Ltmp2:
0x7b: {  	s29 =	sshrl.u32 s7, $0x3;
	[bflag:$0x0] =	sbarrier.arrive $0xFFFF;
	(pc) =	sbr.rel @p1 .LBB2_1-.Ltmp2, $4  }
0x7c: {  	[hbm:s9], [sflag:s16] =	dma.local [spmem:s29], $0x1400  }
0x7d: {  	_ =	swait.ge [sflag:s11], $0x1400  }
0x7e: {  	[sflag:s11] =	ssyncset.done $0x0  }
0x7f: {  	[sflag:s11] =	ssyncadd.s32 $0xFFFFEC00  }
0x80: {  	_ =	sfence.sel $0x180000  }
0x81: {  	[bflag:$0x0] =	sbarrier.arrive $0xFFFF  }
0x82: {  	p0 =	sne.s32 s0, $0x0;
	_ =	strace $0x9000004D  }
0x83: {  	s0 =	sadd.s32 @!p0 $0x100000, s1;
	[bflag:$0x2] =	sbarrier.arrive $0xFFFF  }
0x84: {  	[sflag:s0] =	ssyncadd.tile.s32 @!p0 $0x1;
	_ =	shalt  }
.Lfunc_end2:
_tile_overlayer_lowered:
.L_overlay_start_2:
0x85: {  	(tag) =	ssettag $0x2  }
0x86: {  	s0 =	rddreg [dreg:$0x0];
	s2 =	stileid.u32  }
0x87: {  	s1 =	rddreg [dreg:$0x1];
	p0 =	sne.s32 s2, $0x0  }
0x88: {  	s3 =	rddreg [dreg:$0x2];
	[bflag:$0x3] =	sbarrier.arrive $0xFFFF;
	s2 =	simm.s32 @!p0 $0x1C05  }
0x89: {  	[timem:s3], [sflag:s2] =	dma.local @!p0 [hbm:s0], s1  }
0x8a: {  	s0 =	simm.s32 @!p0 $0x5  }
0x8b: {  	_ =	swait.ge @!p0 [sflag:s0], s1  }
0x8c: {  	s1 =	ssub.s32 @!p0 $0x0, s1;
	[sflag:s0] =	ssyncset.done @!p0 $0x0  }
0x8d: {  	[sflag:s0] =	ssyncadd.s32 @!p0 s1  }
0x8e: {  	[bflag:$0x3] =	sbarrier.arrive $0xFFFF  }
0x8f: {  	_ =	shalt  }

// kernel: kernel.21.cloned.1.call-start
scs
__scs_entry_jumppad:
0x0: {  	(pc) =	sbr.rel $0x88, $3  }
0x1: {  	(tag) =	ssettag $0x0;
	lr =	simm.s32 $0x1  }
0x2: {  	[smem:$0x3F8F] =	sst lr;
	_ =	strace $0xD0000000  }
0x3: {  	_ = 	snop  }
0x4: {  	_ = 	snop  }
0x5: {  	_ = 	snop  }
0x6: {  	_ = 	snop  }
0x7: {  	_ = 	snop  }
__scs_overlays_trampoline_lowered:
0x8: {  	[smem:$0x3F9E] =	sst s0  }
0x9: {  	[smem:$0x3F9F] =	sst s1  }
0xa: {  	[smem:$0x3FA0] =	sst s2  }
0xb: {  	[smem:$0x3FA1] =	sst s3  }
0xc: {  	[smem:$0x3FA2] =	sst s4  }
0xd: {  	[smem:$0x3FA3] =	sst s5  }
0xe: {  	[smem:$0x3FA4] =	sst s6  }
0xf: {  	[smem:$0x3FA5] =	sst s7  }
0x10: {  	[smem:$0x3FA6] =	sst s8  }
0x11: {  	[smem:$0x3FA7] =	sst s9;
	s0 =	simm.s32 @!p0 $0x0  }
0x12: {  	s1 =	sld [smem:$0x3F8D];
	s0 =	simm.s32 @p0 $0x1  }
0x13: {  	[smem:$0x3FA8] =	sst s0;
	s0 =	simm.s32 @!p1 $0x0  }
0x14: {  	s2 =	sld [smem:$0x3F8C];
	s0 =	simm.s32 @p1 $0x1  }
0x15: {  	[smem:$0x3FA9] =	sst s0;
	s0 =	simm.s32 @!p2 $0x0  }
0x16: {  	s3 =	sld [smem:$0x3FDB];
	s0 =	simm.s32 @p2 $0x1  }
0x17: {  	s4 =	simm.s32 $0x1BF5;
	[smem:$0x3FAB] =	sst s0  }
0x18: {  	s0 =	sld [smem:$0x3F8E];
	_ =	swait.ge [sflag:s4], $0x0  }
0x19: {  	s7 =	sld [smem:$0x3F8F]  }
0x1a: {  	s8 =	sadd.s32 $0xFFFFE003, lr  }
0x1b: {  	s9 =	sadd.s32 $0xFFFFFEF7, lr;
	s5 =	simm.s32 $0xFFFFFFFF;
	p2 =	slt.u32 s8, $0xFFFFF086  }
0x1c: {  	p1 =	slt.u32 s9, $0xF7A;
	s5 =	simm.s32 @!p2 $0x0  }
0x1d: {  	s5 =	simm.s32 @p1 $0x1;
	p0 =	seq.s32 s7, s2  }
0x1e: {  	s7 =	smul.u32 @!p0 $0xF7A, s2;
	p2 =	seq.s32 @!p0 s5, $0x0  }
0x1f: {  	s9 =	smul.u32 $0xF7A, s1;
	s8 =	simm.s32 @!p0 $0x1BF5;
	p2 =	por !p2, p0  }
0x20: {  	[sflag:s8] =	ssyncset.s32 @!p0 $0xFFFFF086;
	s6 =	sadd.s32 @!p0 s3, s7;
	s7 =	simm.s32 @!p0 $0x108  }
0x21: {  	s3 =	sadd.s32 s3, s9;
	s6 =	sadd.s32 @!p0 $0x88, s6;
	s7 =	simm.s32 @p2 $0x1082  }
0x22: {  	[simem:s7], [sflag:s8] =	dma.local @!p0 [hbm:s6], $0xF7A  }
0x23: {  	s9 =	sor.u32 $0xD0000000, s2;
	s6 =	simm.s32 $0x108;
	_ =	swait.ge @!p0 [sflag:s8], $0x0  }
0x24: {  	s3 =	sadd.s32 $0x88, s3;
	s6 =	simm.s32 @!p1 $0x1082;
	[sflag:s4] =	ssyncset.s32 $0xFFFFF086  }
0x25: {  	[simem:s6], [sflag:s4] =	dma.local [hbm:s3], $0xF7A  }
0x26: {  	[smem:$0x3F8F] =	sst s1;
	(tag) =	ssettag s2;
	_ =	strace s9  }
0x27: {  	s1 =	sld [smem:$0x3F9F]  }
0x28: {  	s2 =	sld [smem:$0x3FA0]  }
0x29: {  	s4 =	sld [smem:$0x3FA2]  }
0x2a: {  	p0 =	seq.s32 s5, $0x0;
	s5 =	sld [smem:$0x3FA3]  }
0x2b: {  	s6 =	sld [smem:$0x3FA4]  }
0x2c: {  	s7 =	sld [smem:$0x3FA5]  }
0x2d: {  	s3 =	simm.s32 $0x108;
	s8 =	sld [smem:$0x3FA6]  }
0x2e: {  	s3 =	simm.s32 @!p0 $0x1082;
	s9 =	sld [smem:$0x3FA7]  }
0x2f: {  	lr =	sadd.s32 s0, s3;
	s0 =	sld [smem:$0x3F9E]  }
0x30: {  	s3 =	sld [smem:$0x3FA1]  }
0x31: {  	[smem:$0x3FAA] =	sst s10  }
0x32: {  	s10 =	sld [smem:$0x3FA8];
	_ =	sdelay $0x3  }
0x33: {  	p0 =	seq.s32 s10, $0x1;
	s10 =	sld [smem:$0x3FAA];
	_ =	sdelay $0x3  }
0x34: {  	[smem:$0x3FAA] =	sst s10  }
0x35: {  	s10 =	sld [smem:$0x3FA9];
	_ =	sdelay $0x3  }
0x36: {  	p1 =	seq.s32 s10, $0x1;
	s10 =	sld [smem:$0x3FAA];
	_ =	sdelay $0x3  }
0x37: {  	[smem:$0x3FAA] =	sst s10  }
0x38: {  	s10 =	sld [smem:$0x3FAB]  }
0x39: {  	_ = 	snop;
	(pc) =	sbr.ind lr, $3  }
0x3a: {  	_ = 	snop  }
0x3b: {  	_ = 	snop  }
0x3c: {  	p2 =	seq.s32 s10, $0x1;
	s10 =	sld [smem:$0x3FAA]  }
0x3d: {  	_ =	shalt  }
0x3e: {  	_ =	shalt  }
0x3f: {  	_ =	shalt  }
0x40: {  	_ =	shalt  }
0x41: {  	_ =	shalt  }
0x42: {  	_ =	shalt  }
0x43: {  	_ =	shalt  }
0x44: {  	_ =	shalt  }
0x45: {  	_ =	shalt  }
0x46: {  	_ =	shalt  }
0x47: {  	_ =	shalt  }
0x48: {  	_ =	shalt  }
0x49: {  	_ =	shalt  }
0x4a: {  	_ =	shalt  }
0x4b: {  	_ =	shalt  }
0x4c: {  	_ =	shalt  }
0x4d: {  	_ =	shalt  }
0x4e: {  	_ =	shalt  }
0x4f: {  	_ =	shalt  }
0x50: {  	_ =	shalt  }
0x51: {  	_ =	shalt  }
0x52: {  	_ =	shalt  }
0x53: {  	_ =	shalt  }
0x54: {  	_ =	shalt  }
0x55: {  	_ =	shalt  }
0x56: {  	_ =	shalt  }
0x57: {  	_ =	shalt  }
0x58: {  	_ =	shalt  }
0x59: {  	_ =	shalt  }
0x5a: {  	_ =	shalt  }
0x5b: {  	_ =	shalt  }
0x5c: {  	_ =	shalt  }
0x5d: {  	_ =	shalt  }
0x5e: {  	_ =	shalt  }
0x5f: {  	_ =	shalt  }
0x60: {  	_ =	shalt  }
0x61: {  	_ =	shalt  }
0x62: {  	_ =	shalt  }
0x63: {  	_ =	shalt  }
0x64: {  	_ =	shalt  }
0x65: {  	_ =	shalt  }
0x66: {  	_ =	shalt  }
0x67: {  	_ =	shalt  }
0x68: {  	_ =	shalt  }
0x69: {  	_ =	shalt  }
0x6a: {  	_ =	shalt  }
0x6b: {  	_ =	shalt  }
0x6c: {  	_ =	shalt  }
0x6d: {  	_ =	shalt  }
0x6e: {  	_ =	shalt  }
0x6f: {  	_ =	shalt  }
0x70: {  	_ =	shalt  }
0x71: {  	_ =	shalt  }
0x72: {  	_ =	shalt  }
0x73: {  	_ =	shalt  }
0x74: {  	_ =	shalt  }
0x75: {  	_ =	shalt  }
0x76: {  	_ =	shalt  }
0x77: {  	_ =	shalt  }
0x78: {  	_ =	shalt  }
0x79: {  	_ =	shalt  }
0x7a: {  	_ =	shalt  }
0x7b: {  	_ =	shalt  }
0x7c: {  	_ =	shalt  }
0x7d: {  	_ =	shalt  }
0x7e: {  	_ =	shalt  }
0x7f: {  	_ =	shalt  }
0x80: {  	_ =	shalt  }
0x81: {  	_ =	shalt  }
0x82: {  	_ =	shalt  }
0x83: {  	_ =	shalt  }
0x84: {  	_ =	shalt  }
0x85: {  	_ =	shalt  }
0x86: {  	_ =	shalt  }
0x87: {  	_ =	shalt  }
.Lfunc_end0:
.L_simem_size_0:
called_computation.3_lowered:
.L_overlay_start_0:
0x88: {  	s2 =	sld [smem:$0x3FD9]  }
0x89: {  	s3 =	sld [smem:$0x3FFE];
	_ =	sdelay $0x1  }
0x8a: {  	s1 =	srdreg.scid  }
0x8b: {  	s0 =	sand.u32 $0x1, s1  }
0x8c: {  	s17 =	sshll.u32 s0, $0xA;
	s2 =	sadd.s32 s3, s2  }
0x8d: {  	s2 =	sadd.s32 s2, s17  }
0x8e: {  	[smem:$0x3FB6] =	sst s2  }
0x8f: {  	_ = 	snop  }
0x90: {  	s2 =	sld [smem:$0x3FD0];
	(tm) =	ssettm $0x1  }
0x91: {  	s18 =	sld [smem:$0x3FFB];
	_ =	sdelay $0x3  }
0x92: {  	_ =	strace s18  }
0x93: {  	s3 =	sld [smem:$0x3FFC];
	_ =	sdelay $0x3  }
0x94: {  	_ =	strace s3  }
0x95: {  	s3 =	sld [smem:$0x3FFD];
	_ =	sdelay $0x3  }
0x96: {  	_ =	strace s3  }
0x97: {  	_ =	strace $0x8FFFFFFF  }
0x98: {  	s19 =	sld [smem:$0x3FDB];
	_ =	sdelay $0x1  }
0x99: {  	s4 =	simm.s32 $_scs_section_size  }
0x9a: {  	s5 =	simm.s32 $_size__tile_overlayer_lowered;
	s6 =	simm.s32 $_tile_overlayer_lowered  }
0x9b: {  	s22 =	simm.s32 $0x1BFF;
	s21 =	sshll.u32 s6, $0x1;
	s3 =	sadd.s32 s4, s19  }
0x9c: {  	s7 =	simm.s32 $0x0;
	s20 =	sshll.u32 s5, $0x1;
	s5 =	sadd.s32 s21, s3  }
0x9d: {  	[timem:s7], [sflag:s22] =	dma.local [hbm:s5], s20  }
0x9e: {  	_ =	swait.ge [sflag:s22], s20  }
0x9f: {  	s4 =	ssub.s32 $0x0, s20;
	[sflag:s22] =	ssyncset.done $0x0  }
0xa0: {  	[sflag:s22] =	ssyncadd.s32 s4;
	_ =	sdelay $0x1  }
0xa1: {  	s23 =	simm.s32 $0x1B8B  }
0xa2: {  	_ =	swait.ge [sflag:s23], $0x1  }
0xa3: {  	[sflag:s23] =	ssyncset.done $0x0  }
0xa4: {  	s25 =	simm.s32 $0x1B8E;
	s24 =	sld [smem:$0x3FFE];
	[sflag:s23] =	ssyncadd.s32 $0xFFFFFFFF  }
0xa5: {  	s26 =	simm.s32 $execute0_lowered;
	[smem:$0x3FD2] =	sst s25  }
0xa6: {  	s5 =	sshll.u32 s26, $0x1;
	_ =	strace $0x8000004F;
	[dreg:$0x1] =	wrdreg $0xFFFFFFFF  }
0xa7: {  	s28 =	simm.s32 $_size_execute0_lowered;
	s3 =	sadd.s32 s3, s5;
	[dreg:$0x0] =	wrdreg $0x0  }
0xa8: {  	s5 =	sshll.u32 s28, $0x1;
	[dreg:$0x2] =	wrdreg s3  }
0xa9: {  	[dreg:$0x3] =	wrdreg s5  }
0xaa: {  	[dreg:$0x4] =	wrdreg $0xC0  }
0xab: {  	_ =	task [dreg:s7], $0x5FFFF  }
0xac: {  	[dreg:$0x1] =	wrdreg $0xFFFFFFFF  }
0xad: {  	[dreg:$0x0] =	wrdreg $0x60  }
0xae: {  	[dreg:$0x2] =	wrdreg s2  }
0xaf: {  	[dreg:$0x3] =	wrdreg s24  }
0xb0: {  	[dreg:$0x4] =	wrdreg $0x90000  }
0xb1: {  	[dreg:$0x5] =	wrdreg $0x130000  }
0xb2: {  	[dreg:$0x6] =	wrdreg $0x9  }
0xb3: {  	_ =	task.clear_ibuf [dreg:s7], $0x7FFFF;
	_ =	strace $0x9000004F  }
0xb4: {  	s29 =	simm.s32 $0x9;
	_ =	strace $0x80000051  }
0xb5: {  	_ =	swait.ge [sflag:s29], $0x1  }
0xb6: {  	[sflag:s29] =	ssyncadd.s32 $0xFFFFFFFF  }
0xb7: {  	_ =	strace $0x90000051  }
0xb8: {  	_ =	sfence  }
0xb9: {  	s30 =	sld [smem:$0x0];
	_ =	sdelay $0x2  }
0xba: {  	s31 =	sshll.u32 s1, $0xD;
	s1 =	sshrl.u32 s1, $0x2  }
0xbb: {  	s3 =	sand.u32 $0x4000, s31;
	s1 =	sadd.s32 s1, s30  }
0xbc: {  	s0 =	sor.u32 s3, s0;
	s1 =	sshll.u32 s1, $0x11  }
0xbd: {  	s0 =	sor.u32 s1, s0  }
0xbe: {  	s0 =	sadd.s32 $0x8F2B, s0  }
0xbf: {  	[sflag:s0] =	ssyncadd.remote.s32 $0x1  }
0xc0: {  	_ =	sfence.sel $0xFFFF  }
0xc1: {  	[dreg:$0x0] =	wrdreg $0xFFFFFFFF;
	(pc) =	sbr.abs _section_cstart, $3  }
0xc2: {  	[dreg:$0x1] =	wrdreg $0xFFFFFFFF  }
0xc3: {  	_ =	task.clear_ibuf [dreg:s7], $0x2FFFF;
	_ =	strace $0x9FFFFFFF  }
0xc4: {  	(tm) =	ssettm $0x7FFFFFFF  }
0xc5: {  	_ =	shalt  }
tec
execute0_lowered:
.L_overlay_start_1:
0x0: {  	(tag) =	ssettag $0x1  }
0x1: {  	s8 =	rddreg [dreg:$0x0]  }
0x2: {  	s6 =	rddreg [dreg:$0x1]  }
0x3: {  	s1 =	srdreg.scid;
	s2 =	rddreg [dreg:$0x2]  }
0x4: {  	s0 =	stileid.u32;
	s3 =	rddreg [dreg:$0x3];
	s4 =	simm.s32 $0x0  }
0x5: {  	s18 =	simm.s32 $0x80;
	s19 =	simm.s32 $0x5000;
	s20 =	simm.s32 $0x7000  }
0x6: {  	s21 =	simm.s32 $0x1;
	s22 =	simm.s32 $0x2;
	s23 =	simm.s32 $0x3  }
0x7: {  	s24 =	simm.s32 $0x4;
	s25 =	simm.s32 $0x4F00;
	s28 =	simm.s32 $0x0  }
0x8: {  	s10 =	sand.u32 $0x1, s1;
	s1 =	rddreg [dreg:$0x4];
	s7 =	smul.u32 $0x1400, s0  }
0x9: {  	s26 =	sshll.u32 s0, $0x1;
	[smem:$0x7FF] =	sst s4;
	s13 =	smul.u32 $0x28000, s0  }
0xa: {  	s14 =	smul.u32 $0xA000, s0;
	s16 =	sshll.u32 s0, $0x6;
	s5 =	sor.u32 s10, s26  }
0xb: {  	_ =	strace $0x80000050;
	s9 =	smul.u32 $0x14000, s10;
	s12 =	ssub.s32 $0x2, s10  }
0xc: {  	p0 =	sne.s32 s10, $0x0;
	s16 =	sor.u32 $0x1C05, s16;
	s26 =	simm.s32 $0x4F80  }
0xd: {  	s5 =	smul.u32 $0x500, s5;
	s29 =	sshrl.u32 s12, $0x1;
	s30 =	sshrl.u32 s13, $0x2  }
0xe: {  	s31 =	sshrl.u32 s14, $0x3;
	s17 =	sadd.s32 s14, s3;
	s7 =	sadd.s32 s7, s9  }
0xf: {  	s12 =	ssub.s32 s12, s29;
	s13 =	sadd.s32 s30, s2;
	s8 =	sadd.s32 s8, s31  }
0x10: {  	s17 =	sshrl.u32 s17, $0x3;
	s11 =	sadd.s32 s5, s6;
	s5 =	sadd.s32 $0x5E400, s6  }
0x11: {  	s15 =	sadd.s32 s7, s6;
	s7 =	sadd.s32 s14, s2;
	s10 =	smax.u32 s12, $0x1  }
0x12: {  	s12 =	sshll.u32 @p0 s0, $0x6;
	s13 =	sshrl.u32 @p0 s13, $0x3;
	s14 =	sshll.u32 @!p0 s0, $0x6  }
0x13: {  	s6 =	sadd.s32 $0x4400, s11;
	s9 =	sadd.s32 $0x5F800, s15;
	s11 =	simm.s32 $0x5  }
0x14: {  	s12 =	sor.u32 @p0 $0x1C05, s12;
	s14 =	sor.u32 @!p0 $0x1C05, s14;
	s15 =	sshrl.u32 @!p0 s7, $0x3  }
.LBB2_1:
0x15: {  	[tilespmem:s4], [sflag:$0x5] =	stream.linear.gather [hbm4b:s6+s4], $0x2800, $0x38;
	[tilespmem:$0x1D000] =	vst v63  }
0x16: {  	_ =	swait.ge [sflag:s11], $0x2800  }
0x17: {  	[sflag:s11] =	ssyncset.done $0x0  }
0x18: {  	[sflag:s11] =	ssyncadd.s32 $0xFFFFD800  }
0x19: {  	[spmem:s13], [sflag:s12] =	dma.local @p0 [hbm:s5], $0x1400  }
0x1a: {  	[spmem:s15], [sflag:s14] =	dma.local @!p0 [hbm:s8], $0x1400  }
0x1b: {  	_ =	swait.ge [sflag:s11], $0x1400  }
0x1c: {  	[sflag:s11] =	ssyncset.done $0x0  }
0x1d: {  	[sflag:s11] =	ssyncadd.s32 $0xFFFFEC00  }
0x1e: {  	[spmem:s17], [sflag:s16] =	dma.local [hbm:s8], $0x1400  }
0x1f: {  	_ =	swait.ge [sflag:s11], $0x1400  }
0x20: {  	[sflag:s11] =	ssyncset.done $0x0  }
0x21: {  	s29 =	simm.s32 $0x0;
	[sflag:s11] =	ssyncadd.s32 $0xFFFFEC00  }
0x22: {  	v0 =	vld [tilespmem:s29+$0x0]  }
0x23: {  	v6 =	vld [tilespmem:s29+$0x10]  }
0x24: {  	v5 =	vld [tilespmem:s29+$0x20]  }
0x25: {  	v4 =	vld [tilespmem:s29+$0x30]  }
0x26: {  	v2 =	vld [tilespmem:s29+$0x40]  }
0x27: {  	v3 =	vld [tilespmem:s29+$0x50];
	v1 =	vand.u32 $0x3FFF, v0  }
0x28: {  	s30 =	simm.s32 $0x200;
	v0 =	vshrl.u32 v0, $0xE;
	v7 =	vand.u32 $0x3FFF, v6;
	[tilespmem:s29+$0x0] =	vst v1;
	v1 =	vshrl.u32 v6, $0xE;
	v6 =	vld [tilespmem:s29+$0x60]  }
.LBB2_2:
0x29: {  	p1 =	sne.s32 s30, $0x9E00;
	[tilespmem:s29+$0x10] =	vst v7;
	v7 =	vshrl.u32 v5, $0xE;
	v5 =	vand.u32 $0x3FFF, v5;
	v8 =	vld [tilespmem:s29+$0x70]  }
0x2a: {  	[tilespmem:s29+$0x20] =	vst v5;
	v5 =	vshrl.u32 v4, $0xE;
	v4 =	vand.u32 $0x3FFF, v4  }
0x2b: {  	[tilespmem:s29+$0x30] =	vst v4;
	v4 =	vshrl.u32 v2, $0xE;
	v2 =	vand.u32 $0x3FFF, v2  }
0x2c: {  	[tilespmem:s29+$0x40] =	vst v2;
	v2 =	vshrl.u32 v3, $0xE;
	v3 =	vand.u32 $0x3FFF, v3  }
0x2d: {  	[tilespmem:s29+$0x50] =	vst v3;
	v3 =	vshrl.u32 v6, $0xE;
	v6 =	vand.u32 $0x3FFF, v6  }
0x2e: {  	[tilespmem:s29+$0x60] =	vst v6;
	v6 =	vshrl.u32 v8, $0xE;
	v8 =	vand.u32 $0x3FFF, v8  }
0x2f: {  	[tilespmem:s29+$0x70] =	vst v8  }
0x30: {  	[tilespmem:s29+$0x2800] =	vst v0  }
0x31: {  	s31 =	sshra.s32 s30, $0x2;
	[tilespmem:s29+$0x2810] =	vst v1  }
0x32: {  	v1 =	vld [tilespmem:s31+$0x0];
	[tilespmem:s29+$0x2820] =	vst v7  }
0x33: {  	v7 =	vld [tilespmem:s31+$0x10];
	[tilespmem:s29+$0x2830] =	vst v5  }
.Ltmp0:
0x34: {  	v5 =	vld [tilespmem:s31+$0x20];
	[tilespmem:s29+$0x2840] =	vst v4;
	(pc) =	sbr.rel @p1 .LBB2_2-.Ltmp0, $4  }
0x35: {  	v4 =	vld [tilespmem:s31+$0x30];
	[tilespmem:s29+$0x2850] =	vst v2  }
0x36: {  	v2 =	vld [tilespmem:s31+$0x40];
	[tilespmem:s29+$0x2860] =	vst v3  }
0x37: {  	v0 =	vshrl.u32 v1, $0xE;
	v1 =	vand.u32 $0x3FFF, v1;
	v3 =	vld [tilespmem:s31+$0x50];
	[tilespmem:s29+$0x2870] =	vst v6;
	s29 =	smov.u32 s31  }
0x38: {  	s30 =	sadd.s32 $0x200, s30;
	[tilespmem:s29+$0x0] =	vst v1;
	v1 =	vshrl.u32 v7, $0xE;
	v7 =	vand.u32 $0x3FFF, v7;
	v6 =	vld [tilespmem:s29+$0x60]  }
0x39: {  	[tilespmem:s29+$0x10] =	vst v7  }
0x3a: {  	[tilespmem:s29+$0x2800] =	vst v0  }
0x3b: {  	v52 =	vand.u32 $0x3FFF, v5;
	[tilespmem:s29+$0x2810] =	vst v1  }
0x3c: {  	v58 =	vshrl.u32 v5, $0xE;
	[tilespmem:s29+$0x20] =	vst v52  }
0x3d: {  	v53 =	vand.u32 $0x3FFF, v4;
	[tilespmem:s29+$0x2820] =	vst v58  }
0x3e: {  	v59 =	vshrl.u32 v4, $0xE;
	[tilespmem:s29+$0x30] =	vst v53  }
0x3f: {  	v54 =	vand.u32 $0x3FFF, v2;
	[tilespmem:s29+$0x2830] =	vst v59  }
0x40: {  	v8 =	vld [tilespmem:s29+$0x70];
	v60 =	vshrl.u32 v2, $0xE;
	[tilespmem:s29+$0x40] =	vst v54  }
0x41: {  	v55 =	vand.u32 $0x3FFF, v3;
	[tilespmem:s29+$0x2840] =	vst v60  }
0x42: {  	v61 =	vshrl.u32 v3, $0xE;
	[tilespmem:s29+$0x50] =	vst v55  }
0x43: {  	v56 =	vand.u32 $0x3FFF, v6;
	[tilespmem:s29+$0x2850] =	vst v61  }
0x44: {  	v62 =	vshrl.u32 v6, $0xE;
	[tilespmem:s29+$0x60] =	vst v56  }
0x45: {  	v57 =	vand.u32 $0x3FFF, v8;
	[tilespmem:s29+$0x2860] =	vst v62  }
0x46: {  	v63 =	vshrl.u32 v8, $0xE;
	[tilespmem:s29+$0x70] =	vst v57  }
0x47: {  	[tilespmem:s29+$0x2870] =	vst v63  }
0x48: {  	s29 =	simm.s32 $0x0;
	[bflag:$0x0] =	sbarrier.arrive $0xFFFF  }
0x49: {  	[tilespmem:s19], [sflag:$0x1] =	stream.indirect.gather [spmem:s3], $0x40, s29, s18, $0xb8;
	[tilespmem:$0x1D000] =	vst v63  }
0x4a: {  	_ = 	snop  }
0x4b: {  	[tilespmem:s20], [sflag:$0x2] =	stream.indirect.gather [spmem:s3], $0x40, s18, s18, $0xb8;
	[tilespmem:$0x1D000] =	vst v63  }
0x4c: {  	_ =	swait.ge [sflag:s21], $0x2000  }
0x4d: {  	[sflag:s21] =	ssyncset.done $0x0  }
0x4e: {  	s29 =	simm.s32 $0x2800;
	[sflag:s21] =	ssyncadd.s32 $0xFFFFE000  }
0x4f: {  	[spmem:s2] =	stream.indirect.scatter.add.f32 [tilespmem:s19], [sflag:$0x3], $0x40, s29, s18, $0xb8;
	[tilespmem:$0x1D000] =	vst v63  }
0x50: {  	_ =	swait.ge [sflag:s22], $0x2000  }
0x51: {  	[sflag:s22] =	ssyncset.done $0x0  }
0x52: {  	s29 =	simm.s32 $0x2880;
	[sflag:s22] =	ssyncadd.s32 $0xFFFFE000  }
0x53: {  	[spmem:s2] =	stream.indirect.scatter.add.f32 [tilespmem:s20], [sflag:$0x4], $0x40, s29, s18, $0xb8;
	[tilespmem:$0x1D000] =	vst v63  }
0x54: {  	_ =	swait.ge [sflag:s23], $0x2000  }
0x55: {  	[sflag:s23] =	ssyncset.done $0x0  }
0x56: {  	s29 =	simm.s32 $0x100;
	[sflag:s23] =	ssyncadd.s32 $0xFFFFE000  }
0x57: {  	[tilespmem:s19], [sflag:$0x1] =	stream.indirect.gather [spmem:s3], $0x40, s29, s18, $0xb8;
	[tilespmem:$0x1D000] =	vst v63  }
0x58: {  	_ =	swait.ge [sflag:s24], $0x2000  }
0x59: {  	[sflag:s24] =	ssyncset.done $0x0  }
0x5a: {  	s30 =	simm.s32 $0x180;
	s29 =	simm.s32 $0x400;
	[sflag:s24] =	ssyncadd.s32 $0xFFFFE000  }
.LBB2_4:
0x5b: {  	[tilespmem:s20], [sflag:$0x2] =	stream.indirect.gather [spmem:s3], $0x40, s30, s18, $0xb8;
	[tilespmem:$0x1D000] =	vst v63  }
0x5c: {  	s30 =	smov.u32 s29  }
0x5d: {  	p1 =	sne.s32 s29, $0x9800;
	s29 =	sadd.s32 $0x400, s29;
	_ =	swait.ge [sflag:s21], $0x2000  }
0x5e: {  	s30 =	sshra.s32 s30, $0x2;
	[sflag:s21] =	ssyncset.done $0x0  }
0x5f: {  	s31 =	sadd.s32 $0x2800, s30;
	[sflag:s21] =	ssyncadd.s32 $0xFFFFE000  }
0x60: {  	[spmem:s2] =	stream.indirect.scatter.add.f32 [tilespmem:s19], [sflag:$0x3], $0x40, s31, s18, $0xb8;
	[tilespmem:$0x1D000] =	vst v63  }
0x61: {  	_ =	swait.ge [sflag:s22], $0x2000  }
0x62: {  	[sflag:s22] =	ssyncset.done $0x0  }
0x63: {  	s31 =	sadd.s32 $0x2880, s30;
	[sflag:s22] =	ssyncadd.s32 $0xFFFFE000  }
0x64: {  	[spmem:s2] =	stream.indirect.scatter.add.f32 [tilespmem:s20], [sflag:$0x4], $0x40, s31, s18, $0xb8;
	[tilespmem:$0x1D000] =	vst v63  }
0x65: {  	_ =	swait.ge [sflag:s23], $0x2000  }
0x66: {  	[sflag:s23] =	ssyncset.done $0x0  }
.Ltmp1:
0x67: {  	s31 =	sadd.s32 $0x100, s30;
	[sflag:s23] =	ssyncadd.s32 $0xFFFFE000;
	(pc) =	sbr.rel @p1 .LBB2_4-.Ltmp1, $4  }
0x68: {  	[tilespmem:s19], [sflag:$0x1] =	stream.indirect.gather [spmem:s3], $0x40, s31, s18, $0xb8;
	[tilespmem:$0x1D000] =	vst v63  }
0x69: {  	_ =	swait.ge [sflag:s24], $0x2000  }
0x6a: {  	[sflag:s24] =	ssyncset.done $0x0  }
0x6b: {  	s30 =	sadd.s32 $0x180, s30;
	[sflag:s24] =	ssyncadd.s32 $0xFFFFE000  }
0x6c: {  	[tilespmem:s20], [sflag:$0x2] =	stream.indirect.gather [spmem:s3], $0x40, s30, s18, $0xb8;
	[tilespmem:$0x1D000] =	vst v63  }
0x6d: {  	_ =	swait.ge [sflag:s21], $0x2000  }
0x6e: {  	[sflag:s21] =	ssyncset.done $0x0  }
0x6f: {  	[sflag:s21] =	ssyncadd.s32 $0xFFFFE000  }
0x70: {  	[spmem:s2] =	stream.indirect.scatter.add.f32 [tilespmem:s19], [sflag:$0x3], $0x40, s25, s18, $0xb8;
	[tilespmem:$0x1D000] =	vst v63  }
0x71: {  	_ =	swait.ge [sflag:s22], $0x2000  }
0x72: {  	[sflag:s22] =	ssyncset.done $0x0  }
0x73: {  	[sflag:s22] =	ssyncadd.s32 $0xFFFFE000  }
0x74: {  	[spmem:s2] =	stream.indirect.scatter.add.f32 [tilespmem:s20], [sflag:$0x4], $0x40, s26, s18, $0xb8;
	[tilespmem:$0x1D000] =	vst v63  }
0x75: {  	_ =	swait.ge [sflag:s23], $0x2000  }
0x76: {  	[sflag:s23] =	ssyncset.done $0x0  }
0x77: {  	[sflag:s23] =	ssyncadd.s32 $0xFFFFE000  }
0x78: {  	_ =	swait.ge [sflag:s24], $0x2000  }
0x79: {  	s28 =	sadd.s32 $0x1, s28;
	[sflag:s24] =	ssyncset.done $0x0  }
0x7a: {  	p1 =	sne.s32 s28, s10;
	[sflag:s24] =	ssyncadd.s32 $0xFFFFE000  }
.Ltmp2:
0x7b: {  	s29 =	sshrl.u32 s7, $0x3;
	[bflag:$0x0] =	sbarrier.arrive $0xFFFF;
	(pc) =	sbr.rel @p1 .LBB2_1-.Ltmp2, $4  }
0x7c: {  	[hbm:s9], [sflag:s16] =	dma.local [spmem:s29], $0x1400  }
0x7d: {  	_ =	swait.ge [sflag:s11], $0x1400  }
0x7e: {  	[sflag:s11] =	ssyncset.done $0x0  }
0x7f: {  	[sflag:s11] =	ssyncadd.s32 $0xFFFFEC00  }
0x80: {  	_ =	sfence.sel $0x180000  }
0x81: {  	[bflag:$0x0] =	sbarrier.arrive $0xFFFF  }
0x82: {  	p0 =	sne.s32 s0, $0x0;
	_ =	strace $0x90000050  }
0x83: {  	s0 =	sadd.s32 @!p0 $0x100000, s1;
	[bflag:$0x2] =	sbarrier.arrive $0xFFFF  }
0x84: {  	[sflag:s0] =	ssyncadd.tile.s32 @!p0 $0x1;
	_ =	shalt  }
.Lfunc_end2:
_tile_overlayer_lowered:
.L_overlay_start_2:
0x85: {  	(tag) =	ssettag $0x2  }
0x86: {  	s0 =	rddreg [dreg:$0x0];
	s2 =	stileid.u32  }
0x87: {  	s1 =	rddreg [dreg:$0x1];
	p0 =	sne.s32 s2, $0x0  }
0x88: {  	s3 =	rddreg [dreg:$0x2];
	[bflag:$0x3] =	sbarrier.arrive $0xFFFF;
	s2 =	simm.s32 @!p0 $0x1C05  }
0x89: {  	[timem:s3], [sflag:s2] =	dma.local @!p0 [hbm:s0], s1  }
0x8a: {  	s0 =	simm.s32 @!p0 $0x5  }
0x8b: {  	_ =	swait.ge @!p0 [sflag:s0], s1  }
0x8c: {  	s1 =	ssub.s32 @!p0 $0x0, s1;
	[sflag:s0] =	ssyncset.done @!p0 $0x0  }
0x8d: {  	[sflag:s0] =	ssyncadd.s32 @!p0 s1  }
0x8e: {  	[bflag:$0x3] =	sbarrier.arrive $0xFFFF  }
0x8f: {  	_ =	shalt  }

// kernel: kernel.24.cloned.1.call-start
scs
__scs_entry_jumppad:
0x0: {  	(pc) =	sbr.rel $0x88, $3  }
0x1: {  	(tag) =	ssettag $0x0;
	lr =	simm.s32 $0x1  }
0x2: {  	[smem:$0x3F8F] =	sst lr;
	_ =	strace $0xD0000000  }
0x3: {  	_ = 	snop  }
0x4: {  	_ = 	snop  }
0x5: {  	_ = 	snop  }
0x6: {  	_ = 	snop  }
0x7: {  	_ = 	snop  }
__scs_overlays_trampoline_lowered:
0x8: {  	[smem:$0x3F9E] =	sst s0  }
0x9: {  	[smem:$0x3F9F] =	sst s1  }
0xa: {  	[smem:$0x3FA0] =	sst s2  }
0xb: {  	[smem:$0x3FA1] =	sst s3  }
0xc: {  	[smem:$0x3FA2] =	sst s4  }
0xd: {  	[smem:$0x3FA3] =	sst s5  }
0xe: {  	[smem:$0x3FA4] =	sst s6  }
0xf: {  	[smem:$0x3FA5] =	sst s7  }
0x10: {  	[smem:$0x3FA6] =	sst s8  }
0x11: {  	[smem:$0x3FA7] =	sst s9;
	s0 =	simm.s32 @!p0 $0x0  }
0x12: {  	s1 =	sld [smem:$0x3F8D];
	s0 =	simm.s32 @p0 $0x1  }
0x13: {  	[smem:$0x3FA8] =	sst s0;
	s0 =	simm.s32 @!p1 $0x0  }
0x14: {  	s2 =	sld [smem:$0x3F8C];
	s0 =	simm.s32 @p1 $0x1  }
0x15: {  	[smem:$0x3FA9] =	sst s0;
	s0 =	simm.s32 @!p2 $0x0  }
0x16: {  	s3 =	sld [smem:$0x3FDB];
	s0 =	simm.s32 @p2 $0x1  }
0x17: {  	s4 =	simm.s32 $0x1BF5;
	[smem:$0x3FAB] =	sst s0  }
0x18: {  	s0 =	sld [smem:$0x3F8E];
	_ =	swait.ge [sflag:s4], $0x0  }
0x19: {  	s7 =	sld [smem:$0x3F8F]  }
0x1a: {  	s8 =	sadd.s32 $0xFFFFE003, lr  }
0x1b: {  	s9 =	sadd.s32 $0xFFFFFEF7, lr;
	s5 =	simm.s32 $0xFFFFFFFF;
	p2 =	slt.u32 s8, $0xFFFFF086  }
0x1c: {  	p1 =	slt.u32 s9, $0xF7A;
	s5 =	simm.s32 @!p2 $0x0  }
0x1d: {  	s5 =	simm.s32 @p1 $0x1;
	p0 =	seq.s32 s7, s2  }
0x1e: {  	s7 =	smul.u32 @!p0 $0xF7A, s2;
	p2 =	seq.s32 @!p0 s5, $0x0  }
0x1f: {  	s9 =	smul.u32 $0xF7A, s1;
	s8 =	simm.s32 @!p0 $0x1BF5;
	p2 =	por !p2, p0  }
0x20: {  	[sflag:s8] =	ssyncset.s32 @!p0 $0xFFFFF086;
	s6 =	sadd.s32 @!p0 s3, s7;
	s7 =	simm.s32 @!p0 $0x108  }
0x21: {  	s3 =	sadd.s32 s3, s9;
	s6 =	sadd.s32 @!p0 $0x88, s6;
	s7 =	simm.s32 @p2 $0x1082  }
0x22: {  	[simem:s7], [sflag:s8] =	dma.local @!p0 [hbm:s6], $0xF7A  }
0x23: {  	s9 =	sor.u32 $0xD0000000, s2;
	s6 =	simm.s32 $0x108;
	_ =	swait.ge @!p0 [sflag:s8], $0x0  }
0x24: {  	s3 =	sadd.s32 $0x88, s3;
	s6 =	simm.s32 @!p1 $0x1082;
	[sflag:s4] =	ssyncset.s32 $0xFFFFF086  }
0x25: {  	[simem:s6], [sflag:s4] =	dma.local [hbm:s3], $0xF7A  }
0x26: {  	[smem:$0x3F8F] =	sst s1;
	(tag) =	ssettag s2;
	_ =	strace s9  }
0x27: {  	s1 =	sld [smem:$0x3F9F]  }
0x28: {  	s2 =	sld [smem:$0x3FA0]  }
0x29: {  	s4 =	sld [smem:$0x3FA2]  }
0x2a: {  	p0 =	seq.s32 s5, $0x0;
	s5 =	sld [smem:$0x3FA3]  }
0x2b: {  	s6 =	sld [smem:$0x3FA4]  }
0x2c: {  	s7 =	sld [smem:$0x3FA5]  }
0x2d: {  	s3 =	simm.s32 $0x108;
	s8 =	sld [smem:$0x3FA6]  }
0x2e: {  	s3 =	simm.s32 @!p0 $0x1082;
	s9 =	sld [smem:$0x3FA7]  }
0x2f: {  	lr =	sadd.s32 s0, s3;
	s0 =	sld [smem:$0x3F9E]  }
0x30: {  	s3 =	sld [smem:$0x3FA1]  }
0x31: {  	[smem:$0x3FAA] =	sst s10  }
0x32: {  	s10 =	sld [smem:$0x3FA8];
	_ =	sdelay $0x3  }
0x33: {  	p0 =	seq.s32 s10, $0x1;
	s10 =	sld [smem:$0x3FAA];
	_ =	sdelay $0x3  }
0x34: {  	[smem:$0x3FAA] =	sst s10  }
0x35: {  	s10 =	sld [smem:$0x3FA9];
	_ =	sdelay $0x3  }
0x36: {  	p1 =	seq.s32 s10, $0x1;
	s10 =	sld [smem:$0x3FAA];
	_ =	sdelay $0x3  }
0x37: {  	[smem:$0x3FAA] =	sst s10  }
0x38: {  	s10 =	sld [smem:$0x3FAB]  }
0x39: {  	_ = 	snop;
	(pc) =	sbr.ind lr, $3  }
0x3a: {  	_ = 	snop  }
0x3b: {  	_ = 	snop  }
0x3c: {  	p2 =	seq.s32 s10, $0x1;
	s10 =	sld [smem:$0x3FAA]  }
0x3d: {  	_ =	shalt  }
0x3e: {  	_ =	shalt  }
0x3f: {  	_ =	shalt  }
0x40: {  	_ =	shalt  }
0x41: {  	_ =	shalt  }
0x42: {  	_ =	shalt  }
0x43: {  	_ =	shalt  }
0x44: {  	_ =	shalt  }
0x45: {  	_ =	shalt  }
0x46: {  	_ =	shalt  }
0x47: {  	_ =	shalt  }
0x48: {  	_ =	shalt  }
0x49: {  	_ =	shalt  }
0x4a: {  	_ =	shalt  }
0x4b: {  	_ =	shalt  }
0x4c: {  	_ =	shalt  }
0x4d: {  	_ =	shalt  }
0x4e: {  	_ =	shalt  }
0x4f: {  	_ =	shalt  }
0x50: {  	_ =	shalt  }
0x51: {  	_ =	shalt  }
0x52: {  	_ =	shalt  }
0x53: {  	_ =	shalt  }
0x54: {  	_ =	shalt  }
0x55: {  	_ =	shalt  }
0x56: {  	_ =	shalt  }
0x57: {  	_ =	shalt  }
0x58: {  	_ =	shalt  }
0x59: {  	_ =	shalt  }
0x5a: {  	_ =	shalt  }
0x5b: {  	_ =	shalt  }
0x5c: {  	_ =	shalt  }
0x5d: {  	_ =	shalt  }
0x5e: {  	_ =	shalt  }
0x5f: {  	_ =	shalt  }
0x60: {  	_ =	shalt  }
0x61: {  	_ =	shalt  }
0x62: {  	_ =	shalt  }
0x63: {  	_ =	shalt  }
0x64: {  	_ =	shalt  }
0x65: {  	_ =	shalt  }
0x66: {  	_ =	shalt  }
0x67: {  	_ =	shalt  }
0x68: {  	_ =	shalt  }
0x69: {  	_ =	shalt  }
0x6a: {  	_ =	shalt  }
0x6b: {  	_ =	shalt  }
0x6c: {  	_ =	shalt  }
0x6d: {  	_ =	shalt  }
0x6e: {  	_ =	shalt  }
0x6f: {  	_ =	shalt  }
0x70: {  	_ =	shalt  }
0x71: {  	_ =	shalt  }
0x72: {  	_ =	shalt  }
0x73: {  	_ =	shalt  }
0x74: {  	_ =	shalt  }
0x75: {  	_ =	shalt  }
0x76: {  	_ =	shalt  }
0x77: {  	_ =	shalt  }
0x78: {  	_ =	shalt  }
0x79: {  	_ =	shalt  }
0x7a: {  	_ =	shalt  }
0x7b: {  	_ =	shalt  }
0x7c: {  	_ =	shalt  }
0x7d: {  	_ =	shalt  }
0x7e: {  	_ =	shalt  }
0x7f: {  	_ =	shalt  }
0x80: {  	_ =	shalt  }
0x81: {  	_ =	shalt  }
0x82: {  	_ =	shalt  }
0x83: {  	_ =	shalt  }
0x84: {  	_ =	shalt  }
0x85: {  	_ =	shalt  }
0x86: {  	_ =	shalt  }
0x87: {  	_ =	shalt  }
.Lfunc_end0:
.L_simem_size_0:
called_computation.4_lowered:
.L_overlay_start_0:
0x88: {  	s2 =	sld [smem:$0x3FD9]  }
0x89: {  	s3 =	sld [smem:$0x3FFE];
	_ =	sdelay $0x1  }
0x8a: {  	s1 =	srdreg.scid  }
0x8b: {  	s0 =	sand.u32 $0x1, s1  }
0x8c: {  	s17 =	sshll.u32 s0, $0xA;
	s2 =	sadd.s32 s3, s2  }
0x8d: {  	s2 =	sadd.s32 s2, s17  }
0x8e: {  	[smem:$0x3FB6] =	sst s2  }
0x8f: {  	_ = 	snop  }
0x90: {  	s2 =	sld [smem:$0x3FD0];
	(tm) =	ssettm $0x1  }
0x91: {  	s18 =	sld [smem:$0x3FFB];
	_ =	sdelay $0x3  }
0x92: {  	_ =	strace s18  }
0x93: {  	s3 =	sld [smem:$0x3FFC];
	_ =	sdelay $0x3  }
0x94: {  	_ =	strace s3  }
0x95: {  	s3 =	sld [smem:$0x3FFD];
	_ =	sdelay $0x3  }
0x96: {  	_ =	strace s3  }
0x97: {  	_ =	strace $0x8FFFFFFF  }
0x98: {  	s19 =	sld [smem:$0x3FDB];
	_ =	sdelay $0x1  }
0x99: {  	s4 =	simm.s32 $_scs_section_size  }
0x9a: {  	s5 =	simm.s32 $_size__tile_overlayer_lowered;
	s6 =	simm.s32 $_tile_overlayer_lowered  }
0x9b: {  	s22 =	simm.s32 $0x1BFF;
	s21 =	sshll.u32 s6, $0x1;
	s3 =	sadd.s32 s4, s19  }
0x9c: {  	s7 =	simm.s32 $0x0;
	s20 =	sshll.u32 s5, $0x1;
	s5 =	sadd.s32 s21, s3  }
0x9d: {  	[timem:s7], [sflag:s22] =	dma.local [hbm:s5], s20  }
0x9e: {  	_ =	swait.ge [sflag:s22], s20  }
0x9f: {  	s4 =	ssub.s32 $0x0, s20;
	[sflag:s22] =	ssyncset.done $0x0  }
0xa0: {  	[sflag:s22] =	ssyncadd.s32 s4;
	_ =	sdelay $0x1  }
0xa1: {  	s23 =	simm.s32 $0x1B8B  }
0xa2: {  	_ =	swait.ge [sflag:s23], $0x1  }
0xa3: {  	[sflag:s23] =	ssyncset.done $0x0  }
0xa4: {  	s25 =	simm.s32 $0x1B8E;
	s24 =	sld [smem:$0x3FFE];
	[sflag:s23] =	ssyncadd.s32 $0xFFFFFFFF  }
0xa5: {  	s26 =	simm.s32 $execute0_lowered;
	[smem:$0x3FD2] =	sst s25  }
0xa6: {  	s5 =	sshll.u32 s26, $0x1;
	_ =	strace $0x80000052;
	[dreg:$0x1] =	wrdreg $0xFFFFFFFF  }
0xa7: {  	s28 =	simm.s32 $_size_execute0_lowered;
	s3 =	sadd.s32 s3, s5;
	[dreg:$0x0] =	wrdreg $0x0  }
0xa8: {  	s5 =	sshll.u32 s28, $0x1;
	[dreg:$0x2] =	wrdreg s3  }
0xa9: {  	[dreg:$0x3] =	wrdreg s5  }
0xaa: {  	[dreg:$0x4] =	wrdreg $0xC0  }
0xab: {  	_ =	task [dreg:s7], $0x5FFFF  }
0xac: {  	[dreg:$0x1] =	wrdreg $0xFFFFFFFF  }
0xad: {  	[dreg:$0x0] =	wrdreg $0x60  }
0xae: {  	[dreg:$0x2] =	wrdreg s2  }
0xaf: {  	[dreg:$0x3] =	wrdreg s24  }
0xb0: {  	[dreg:$0x4] =	wrdreg $0x90000  }
0xb1: {  	[dreg:$0x5] =	wrdreg $0x130000  }
0xb2: {  	[dreg:$0x6] =	wrdreg $0x9  }
0xb3: {  	_ =	task.clear_ibuf [dreg:s7], $0x7FFFF;
	_ =	strace $0x90000052  }
0xb4: {  	s29 =	simm.s32 $0x9;
	_ =	strace $0x80000054  }
0xb5: {  	_ =	swait.ge [sflag:s29], $0x1  }
0xb6: {  	[sflag:s29] =	ssyncadd.s32 $0xFFFFFFFF  }
0xb7: {  	_ =	strace $0x90000054  }
0xb8: {  	_ =	sfence  }
0xb9: {  	s30 =	sld [smem:$0x0];
	_ =	sdelay $0x2  }
0xba: {  	s31 =	sshll.u32 s1, $0xD;
	s1 =	sshrl.u32 s1, $0x2  }
0xbb: {  	s3 =	sand.u32 $0x4000, s31;
	s1 =	sadd.s32 s1, s30  }
0xbc: {  	s0 =	sor.u32 s3, s0;
	s1 =	sshll.u32 s1, $0x11  }
0xbd: {  	s0 =	sor.u32 s1, s0  }
0xbe: {  	s0 =	sadd.s32 $0x8F2B, s0  }
0xbf: {  	[sflag:s0] =	ssyncadd.remote.s32 $0x1  }
0xc0: {  	_ =	sfence.sel $0xFFFF  }
0xc1: {  	[dreg:$0x0] =	wrdreg $0xFFFFFFFF;
	(pc) =	sbr.abs _section_cstart, $3  }
0xc2: {  	[dreg:$0x1] =	wrdreg $0xFFFFFFFF  }
0xc3: {  	_ =	task.clear_ibuf [dreg:s7], $0x2FFFF;
	_ =	strace $0x9FFFFFFF  }
0xc4: {  	(tm) =	ssettm $0x7FFFFFFF  }
0xc5: {  	_ =	shalt  }
tec
execute0_lowered:
.L_overlay_start_1:
0x0: {  	(tag) =	ssettag $0x1  }
0x1: {  	s8 =	rddreg [dreg:$0x0]  }
0x2: {  	s6 =	rddreg [dreg:$0x1]  }
0x3: {  	s1 =	srdreg.scid;
	s2 =	rddreg [dreg:$0x2]  }
0x4: {  	s0 =	stileid.u32;
	s3 =	rddreg [dreg:$0x3];
	s4 =	simm.s32 $0x0  }
0x5: {  	s18 =	simm.s32 $0x80;
	s19 =	simm.s32 $0x5000;
	s20 =	simm.s32 $0x7000  }
0x6: {  	s21 =	simm.s32 $0x1;
	s22 =	simm.s32 $0x2;
	s23 =	simm.s32 $0x3  }
0x7: {  	s24 =	simm.s32 $0x4;
	s25 =	simm.s32 $0x4F00;
	s28 =	simm.s32 $0x0  }
0x8: {  	s10 =	sand.u32 $0x1, s1;
	s1 =	rddreg [dreg:$0x4];
	s7 =	smul.u32 $0x1400, s0  }
0x9: {  	s26 =	sshll.u32 s0, $0x1;
	[smem:$0x7FF] =	sst s4;
	s13 =	smul.u32 $0x28000, s0  }
0xa: {  	s14 =	smul.u32 $0xA000, s0;
	s16 =	sshll.u32 s0, $0x6;
	s5 =	sor.u32 s10, s26  }
0xb: {  	_ =	strace $0x80000053;
	s9 =	smul.u32 $0x14000, s10;
	s12 =	ssub.s32 $0x2, s10  }
0xc: {  	p0 =	sne.s32 s10, $0x0;
	s16 =	sor.u32 $0x1C05, s16;
	s26 =	simm.s32 $0x4F80  }
0xd: {  	s5 =	smul.u32 $0x500, s5;
	s29 =	sshrl.u32 s12, $0x1;
	s30 =	sshrl.u32 s13, $0x2  }
0xe: {  	s31 =	sshrl.u32 s14, $0x3;
	s17 =	sadd.s32 s14, s3;
	s7 =	sadd.s32 s7, s9  }
0xf: {  	s12 =	ssub.s32 s12, s29;
	s13 =	sadd.s32 s30, s2;
	s8 =	sadd.s32 s8, s31  }
0x10: {  	s17 =	sshrl.u32 s17, $0x3;
	s11 =	sadd.s32 s5, s6;
	s5 =	sadd.s32 $0x5E400, s6  }
0x11: {  	s15 =	sadd.s32 s7, s6;
	s7 =	sadd.s32 s14, s2;
	s10 =	smax.u32 s12, $0x1  }
0x12: {  	s12 =	sshll.u32 @p0 s0, $0x6;
	s13 =	sshrl.u32 @p0 s13, $0x3;
	s14 =	sshll.u32 @!p0 s0, $0x6  }
0x13: {  	s6 =	sadd.s32 $0x4400, s11;
	s9 =	sadd.s32 $0x5F800, s15;
	s11 =	simm.s32 $0x5  }
0x14: {  	s12 =	sor.u32 @p0 $0x1C05, s12;
	s14 =	sor.u32 @!p0 $0x1C05, s14;
	s15 =	sshrl.u32 @!p0 s7, $0x3  }
.LBB2_1:
0x15: {  	[tilespmem:s4], [sflag:$0x5] =	stream.linear.gather [hbm4b:s6+s4], $0x2800, $0x38;
	[tilespmem:$0x1D000] =	vst v63  }
0x16: {  	_ =	swait.ge [sflag:s11], $0x2800  }
0x17: {  	[sflag:s11] =	ssyncset.done $0x0  }
0x18: {  	[sflag:s11] =	ssyncadd.s32 $0xFFFFD800  }
0x19: {  	[spmem:s13], [sflag:s12] =	dma.local @p0 [hbm:s5], $0x1400  }
0x1a: {  	[spmem:s15], [sflag:s14] =	dma.local @!p0 [hbm:s8], $0x1400  }
0x1b: {  	_ =	swait.ge [sflag:s11], $0x1400  }
0x1c: {  	[sflag:s11] =	ssyncset.done $0x0  }
0x1d: {  	[sflag:s11] =	ssyncadd.s32 $0xFFFFEC00  }
0x1e: {  	[spmem:s17], [sflag:s16] =	dma.local [hbm:s8], $0x1400  }
0x1f: {  	_ =	swait.ge [sflag:s11], $0x1400  }
0x20: {  	[sflag:s11] =	ssyncset.done $0x0  }
0x21: {  	s29 =	simm.s32 $0x0;
	[sflag:s11] =	ssyncadd.s32 $0xFFFFEC00  }
0x22: {  	v0 =	vld [tilespmem:s29+$0x0]  }
0x23: {  	v6 =	vld [tilespmem:s29+$0x10]  }
0x24: {  	v5 =	vld [tilespmem:s29+$0x20]  }
0x25: {  	v4 =	vld [tilespmem:s29+$0x30]  }
0x26: {  	v2 =	vld [tilespmem:s29+$0x40]  }
0x27: {  	v3 =	vld [tilespmem:s29+$0x50];
	v1 =	vand.u32 $0x3FFF, v0  }
0x28: {  	s30 =	simm.s32 $0x200;
	v0 =	vshrl.u32 v0, $0xE;
	v7 =	vand.u32 $0x3FFF, v6;
	[tilespmem:s29+$0x0] =	vst v1;
	v1 =	vshrl.u32 v6, $0xE;
	v6 =	vld [tilespmem:s29+$0x60]  }
.LBB2_2:
0x29: {  	p1 =	sne.s32 s30, $0x9E00;
	[tilespmem:s29+$0x10] =	vst v7;
	v7 =	vshrl.u32 v5, $0xE;
	v5 =	vand.u32 $0x3FFF, v5;
	v8 =	vld [tilespmem:s29+$0x70]  }
0x2a: {  	[tilespmem:s29+$0x20] =	vst v5;
	v5 =	vshrl.u32 v4, $0xE;
	v4 =	vand.u32 $0x3FFF, v4  }
0x2b: {  	[tilespmem:s29+$0x30] =	vst v4;
	v4 =	vshrl.u32 v2, $0xE;
	v2 =	vand.u32 $0x3FFF, v2  }
0x2c: {  	[tilespmem:s29+$0x40] =	vst v2;
	v2 =	vshrl.u32 v3, $0xE;
	v3 =	vand.u32 $0x3FFF, v3  }
0x2d: {  	[tilespmem:s29+$0x50] =	vst v3;
	v3 =	vshrl.u32 v6, $0xE;
	v6 =	vand.u32 $0x3FFF, v6  }
0x2e: {  	[tilespmem:s29+$0x60] =	vst v6;
	v6 =	vshrl.u32 v8, $0xE;
	v8 =	vand.u32 $0x3FFF, v8  }
0x2f: {  	[tilespmem:s29+$0x70] =	vst v8  }
0x30: {  	[tilespmem:s29+$0x2800] =	vst v0  }
0x31: {  	s31 =	sshra.s32 s30, $0x2;
	[tilespmem:s29+$0x2810] =	vst v1  }
0x32: {  	v1 =	vld [tilespmem:s31+$0x0];
	[tilespmem:s29+$0x2820] =	vst v7  }
0x33: {  	v7 =	vld [tilespmem:s31+$0x10];
	[tilespmem:s29+$0x2830] =	vst v5  }
.Ltmp0:
0x34: {  	v5 =	vld [tilespmem:s31+$0x20];
	[tilespmem:s29+$0x2840] =	vst v4;
	(pc) =	sbr.rel @p1 .LBB2_2-.Ltmp0, $4  }
0x35: {  	v4 =	vld [tilespmem:s31+$0x30];
	[tilespmem:s29+$0x2850] =	vst v2  }
0x36: {  	v2 =	vld [tilespmem:s31+$0x40];
	[tilespmem:s29+$0x2860] =	vst v3  }
0x37: {  	v0 =	vshrl.u32 v1, $0xE;
	v1 =	vand.u32 $0x3FFF, v1;
	v3 =	vld [tilespmem:s31+$0x50];
	[tilespmem:s29+$0x2870] =	vst v6;
	s29 =	smov.u32 s31  }
0x38: {  	s30 =	sadd.s32 $0x200, s30;
	[tilespmem:s29+$0x0] =	vst v1;
	v1 =	vshrl.u32 v7, $0xE;
	v7 =	vand.u32 $0x3FFF, v7;
	v6 =	vld [tilespmem:s29+$0x60]  }
0x39: {  	[tilespmem:s29+$0x10] =	vst v7  }
0x3a: {  	[tilespmem:s29+$0x2800] =	vst v0  }
0x3b: {  	v52 =	vand.u32 $0x3FFF, v5;
	[tilespmem:s29+$0x2810] =	vst v1  }
0x3c: {  	v58 =	vshrl.u32 v5, $0xE;
	[tilespmem:s29+$0x20] =	vst v52  }
0x3d: {  	v53 =	vand.u32 $0x3FFF, v4;
	[tilespmem:s29+$0x2820] =	vst v58  }
0x3e: {  	v59 =	vshrl.u32 v4, $0xE;
	[tilespmem:s29+$0x30] =	vst v53  }
0x3f: {  	v54 =	vand.u32 $0x3FFF, v2;
	[tilespmem:s29+$0x2830] =	vst v59  }
0x40: {  	v8 =	vld [tilespmem:s29+$0x70];
	v60 =	vshrl.u32 v2, $0xE;
	[tilespmem:s29+$0x40] =	vst v54  }
0x41: {  	v55 =	vand.u32 $0x3FFF, v3;
	[tilespmem:s29+$0x2840] =	vst v60  }
0x42: {  	v61 =	vshrl.u32 v3, $0xE;
	[tilespmem:s29+$0x50] =	vst v55  }
0x43: {  	v56 =	vand.u32 $0x3FFF, v6;
	[tilespmem:s29+$0x2850] =	vst v61  }
0x44: {  	v62 =	vshrl.u32 v6, $0xE;
	[tilespmem:s29+$0x60] =	vst v56  }
0x45: {  	v57 =	vand.u32 $0x3FFF, v8;
	[tilespmem:s29+$0x2860] =	vst v62  }
0x46: {  	v63 =	vshrl.u32 v8, $0xE;
	[tilespmem:s29+$0x70] =	vst v57  }
0x47: {  	[tilespmem:s29+$0x2870] =	vst v63  }
0x48: {  	s29 =	simm.s32 $0x0;
	[bflag:$0x0] =	sbarrier.arrive $0xFFFF  }
0x49: {  	[tilespmem:s19], [sflag:$0x1] =	stream.indirect.gather [spmem:s3], $0x40, s29, s18, $0xb8;
	[tilespmem:$0x1D000] =	vst v63  }
0x4a: {  	_ = 	snop  }
0x4b: {  	[tilespmem:s20], [sflag:$0x2] =	stream.indirect.gather [spmem:s3], $0x40, s18, s18, $0xb8;
	[tilespmem:$0x1D000] =	vst v63  }
0x4c: {  	_ =	swait.ge [sflag:s21], $0x2000  }
0x4d: {  	[sflag:s21] =	ssyncset.done $0x0  }
0x4e: {  	s29 =	simm.s32 $0x2800;
	[sflag:s21] =	ssyncadd.s32 $0xFFFFE000  }
0x4f: {  	[spmem:s2] =	stream.indirect.scatter.add.f32 [tilespmem:s19], [sflag:$0x3], $0x40, s29, s18, $0xb8;
	[tilespmem:$0x1D000] =	vst v63  }
0x50: {  	_ =	swait.ge [sflag:s22], $0x2000  }
0x51: {  	[sflag:s22] =	ssyncset.done $0x0  }
0x52: {  	s29 =	simm.s32 $0x2880;
	[sflag:s22] =	ssyncadd.s32 $0xFFFFE000  }
0x53: {  	[spmem:s2] =	stream.indirect.scatter.add.f32 [tilespmem:s20], [sflag:$0x4], $0x40, s29, s18, $0xb8;
	[tilespmem:$0x1D000] =	vst v63  }
0x54: {  	_ =	swait.ge [sflag:s23], $0x2000  }
0x55: {  	[sflag:s23] =	ssyncset.done $0x0  }
0x56: {  	s29 =	simm.s32 $0x100;
	[sflag:s23] =	ssyncadd.s32 $0xFFFFE000  }
0x57: {  	[tilespmem:s19], [sflag:$0x1] =	stream.indirect.gather [spmem:s3], $0x40, s29, s18, $0xb8;
	[tilespmem:$0x1D000] =	vst v63  }
0x58: {  	_ =	swait.ge [sflag:s24], $0x2000  }
0x59: {  	[sflag:s24] =	ssyncset.done $0x0  }
0x5a: {  	s30 =	simm.s32 $0x180;
	s29 =	simm.s32 $0x400;
	[sflag:s24] =	ssyncadd.s32 $0xFFFFE000  }
.LBB2_4:
0x5b: {  	[tilespmem:s20], [sflag:$0x2] =	stream.indirect.gather [spmem:s3], $0x40, s30, s18, $0xb8;
	[tilespmem:$0x1D000] =	vst v63  }
0x5c: {  	s30 =	smov.u32 s29  }
0x5d: {  	p1 =	sne.s32 s29, $0x9800;
	s29 =	sadd.s32 $0x400, s29;
	_ =	swait.ge [sflag:s21], $0x2000  }
0x5e: {  	s30 =	sshra.s32 s30, $0x2;
	[sflag:s21] =	ssyncset.done $0x0  }
0x5f: {  	s31 =	sadd.s32 $0x2800, s30;
	[sflag:s21] =	ssyncadd.s32 $0xFFFFE000  }
0x60: {  	[spmem:s2] =	stream.indirect.scatter.add.f32 [tilespmem:s19], [sflag:$0x3], $0x40, s31, s18, $0xb8;
	[tilespmem:$0x1D000] =	vst v63  }
0x61: {  	_ =	swait.ge [sflag:s22], $0x2000  }
0x62: {  	[sflag:s22] =	ssyncset.done $0x0  }
0x63: {  	s31 =	sadd.s32 $0x2880, s30;
	[sflag:s22] =	ssyncadd.s32 $0xFFFFE000  }
0x64: {  	[spmem:s2] =	stream.indirect.scatter.add.f32 [tilespmem:s20], [sflag:$0x4], $0x40, s31, s18, $0xb8;
	[tilespmem:$0x1D000] =	vst v63  }
0x65: {  	_ =	swait.ge [sflag:s23], $0x2000  }
0x66: {  	[sflag:s23] =	ssyncset.done $0x0  }
.Ltmp1:
0x67: {  	s31 =	sadd.s32 $0x100, s30;
	[sflag:s23] =	ssyncadd.s32 $0xFFFFE000;
	(pc) =	sbr.rel @p1 .LBB2_4-.Ltmp1, $4  }
0x68: {  	[tilespmem:s19], [sflag:$0x1] =	stream.indirect.gather [spmem:s3], $0x40, s31, s18, $0xb8;
	[tilespmem:$0x1D000] =	vst v63  }
0x69: {  	_ =	swait.ge [sflag:s24], $0x2000  }
0x6a: {  	[sflag:s24] =	ssyncset.done $0x0  }
0x6b: {  	s30 =	sadd.s32 $0x180, s30;
	[sflag:s24] =	ssyncadd.s32 $0xFFFFE000  }
0x6c: {  	[tilespmem:s20], [sflag:$0x2] =	stream.indirect.gather [spmem:s3], $0x40, s30, s18, $0xb8;
	[tilespmem:$0x1D000] =	vst v63  }
0x6d: {  	_ =	swait.ge [sflag:s21], $0x2000  }
0x6e: {  	[sflag:s21] =	ssyncset.done $0x0  }
0x6f: {  	[sflag:s21] =	ssyncadd.s32 $0xFFFFE000  }
0x70: {  	[spmem:s2] =	stream.indirect.scatter.add.f32 [tilespmem:s19], [sflag:$0x3], $0x40, s25, s18, $0xb8;
	[tilespmem:$0x1D000] =	vst v63  }
0x71: {  	_ =	swait.ge [sflag:s22], $0x2000  }
0x72: {  	[sflag:s22] =	ssyncset.done $0x0  }
0x73: {  	[sflag:s22] =	ssyncadd.s32 $0xFFFFE000  }
0x74: {  	[spmem:s2] =	stream.indirect.scatter.add.f32 [tilespmem:s20], [sflag:$0x4], $0x40, s26, s18, $0xb8;
	[tilespmem:$0x1D000] =	vst v63  }
0x75: {  	_ =	swait.ge [sflag:s23], $0x2000  }
0x76: {  	[sflag:s23] =	ssyncset.done $0x0  }
0x77: {  	[sflag:s23] =	ssyncadd.s32 $0xFFFFE000  }
0x78: {  	_ =	swait.ge [sflag:s24], $0x2000  }
0x79: {  	s28 =	sadd.s32 $0x1, s28;
	[sflag:s24] =	ssyncset.done $0x0  }
0x7a: {  	p1 =	sne.s32 s28, s10;
	[sflag:s24] =	ssyncadd.s32 $0xFFFFE000  }
.Ltmp2:
0x7b: {  	s29 =	sshrl.u32 s7, $0x3;
	[bflag:$0x0] =	sbarrier.arrive $0xFFFF;
	(pc) =	sbr.rel @p1 .LBB2_1-.Ltmp2, $4  }
0x7c: {  	[hbm:s9], [sflag:s16] =	dma.local [spmem:s29], $0x1400  }
0x7d: {  	_ =	swait.ge [sflag:s11], $0x1400  }
0x7e: {  	[sflag:s11] =	ssyncset.done $0x0  }
0x7f: {  	[sflag:s11] =	ssyncadd.s32 $0xFFFFEC00  }
0x80: {  	_ =	sfence.sel $0x180000  }
0x81: {  	[bflag:$0x0] =	sbarrier.arrive $0xFFFF  }
0x82: {  	p0 =	sne.s32 s0, $0x0;
	_ =	strace $0x90000053  }
0x83: {  	s0 =	sadd.s32 @!p0 $0x100000, s1;
	[bflag:$0x2] =	sbarrier.arrive $0xFFFF  }
0x84: {  	[sflag:s0] =	ssyncadd.tile.s32 @!p0 $0x1;
	_ =	shalt  }
.Lfunc_end2:
_tile_overlayer_lowered:
.L_overlay_start_2:
0x85: {  	(tag) =	ssettag $0x2  }
0x86: {  	s0 =	rddreg [dreg:$0x0];
	s2 =	stileid.u32  }
0x87: {  	s1 =	rddreg [dreg:$0x1];
	p0 =	sne.s32 s2, $0x0  }
0x88: {  	s3 =	rddreg [dreg:$0x2];
	[bflag:$0x3] =	sbarrier.arrive $0xFFFF;
	s2 =	simm.s32 @!p0 $0x1C05  }
0x89: {  	[timem:s3], [sflag:s2] =	dma.local @!p0 [hbm:s0], s1  }
0x8a: {  	s0 =	simm.s32 @!p0 $0x5  }
0x8b: {  	_ =	swait.ge @!p0 [sflag:s0], s1  }
0x8c: {  	s1 =	ssub.s32 @!p0 $0x0, s1;
	[sflag:s0] =	ssyncset.done @!p0 $0x0  }
0x8d: {  	[sflag:s0] =	ssyncadd.s32 @!p0 s1  }
0x8e: {  	[bflag:$0x3] =	sbarrier.arrive $0xFFFF  }
0x8f: {  	_ =	shalt  }

</sc_bundles>
